<compile_context>
chip_gen: v7x
topology: tpu7x:2x2x1
jax: 0.10.2.dev20260603
libtpu: 0.0.44.dev20260713+nightly
codegen_flags: <defaults>
</compile_context>

<pallas_src>
import functools

import numpy as np
import jax
import jax.numpy as jnp
from jax import lax
from jax.experimental import pallas as pl
from jax.experimental.pallas import tpu as pltpu
from jax.experimental.pallas import tpu_sc as plsc

N = 10000
D = 128
OUT = 64
E = 320000
NC = 2
NS = 16
NW = NC * NS
K = 128
CP = 80
E_PAD = NW * CP * K
N_ACC = 10112
ZPT = N_ACC // NS
OPT = N // NS
CBN = float(1.0 / np.sqrt(1.0 + 1e-5))
BM = 2000


def _worker_id():
  return lax.axis_index("s") * NC + lax.axis_index("c")



def _make_deg_kernel():
  mesh = plsc.VectorSubcoreMesh(core_axis_name="c", subcore_axis_name="s")

  def body(dst_hbm, zeros_hbm, out_hbm, dst_v, ones_v, zbuf, acc, _sem):
    cid = lax.axis_index("c")
    sid = lax.axis_index("s")
    wid = _worker_id()
    pltpu.sync_copy(dst_hbm.at[wid], dst_v)
    for i in range(K // 16):
      ones_v[pl.ds(i * 16, 16)] = jnp.full((16,), 1.0, jnp.float32)
    pltpu.sync_copy(zeros_hbm, zbuf)
    pltpu.sync_copy(zbuf, acc.at[pl.ds(sid * ZPT, ZPT)])
    plsc.subcore_barrier()

    def step(c, carry):
      pltpu.sync_copy(ones_v, acc.at[dst_v.at[c]], add=True)
      return carry

    lax.fori_loop(0, CP, step, 0)
    plsc.subcore_barrier()
    pltpu.sync_copy(acc.at[pl.ds(sid * ZPT, ZPT)], zbuf)
    pltpu.sync_copy(zbuf, out_hbm.at[pl.ds(cid * N_ACC + sid * ZPT, ZPT)])

  return pl.kernel(
      body,
      out_type=jax.ShapeDtypeStruct((NC * N_ACC,), jnp.float32),
      mesh=mesh,
      scratch_types=[
          pltpu.VMEM((CP, K), jnp.int32),
          pltpu.VMEM((K,), jnp.float32),
          pltpu.VMEM((ZPT,), jnp.float32),
          pltpu.VMEM_SHARED((N_ACC,), jnp.float32),
          pltpu.SemaphoreType.DMA,
      ],
  )


def _make_agg_kernel(d):
  mesh = plsc.VectorSubcoreMesh(core_axis_name="c", subcore_axis_name="s")

  def body(hw_hbm, src_hbm, dst_hbm, zeros_hbm, out_hbm,
           sbuf0, sbuf1, sbuf2, sbuf3, dbuf0, dbuf1, dbuf2, dbuf3,
           rows0, rows1, acc,
           isem0, isem1, isem2, isem3, gsem0, gsem1, ssem0, ssem1):
    cid = lax.axis_index("c")
    sid = lax.axis_index("s")
    wid = _worker_id()
    rows = (rows0, rows1)
    sbuf = (sbuf0, sbuf1, sbuf2, sbuf3)
    dbuf = (dbuf0, dbuf1, dbuf2, dbuf3)
    isem = (isem0, isem1, isem2, isem3)
    gsem = (gsem0, gsem1)
    ssem = (ssem0, ssem1)

    off = sid * ZPT
    pltpu.sync_copy(zeros_hbm, rows[0])
    for p in range(-(-ZPT // K)):
      o = p * K
      sz = min(K, ZPT - o)
      pltpu.sync_copy(rows[0].at[pl.ds(0, sz)], acc.at[pl.ds(off + o, sz)])
    plsc.subcore_barrier()

    def fetch_idx(c, s):
      pltpu.async_copy(src_hbm.at[wid, c], sbuf[s], isem[s])
      pltpu.async_copy(dst_hbm.at[wid, c], dbuf[s], isem[s])

    def wait_idx(c, s):
      pltpu.make_async_copy(src_hbm.at[wid, c], sbuf[s], isem[s]).wait()
      pltpu.make_async_copy(dst_hbm.at[wid, c], dbuf[s], isem[s]).wait()

    def fetch_rows(s, rb):
      pltpu.async_copy(hw_hbm.at[sbuf[s]], rows[rb], gsem[rb])

    for c in range(3):
      fetch_idx(c, c)
    wait_idx(0, 0)
    fetch_rows(0, 0)

    def step(c0, carry):
      for u in range(4):
        c = c0 * 4 + u
        rb = u % 2
        nrb = 1 - rb

        @pl.when(c + 1 < CP)
        def _launch_next():
          wait_idx(c + 1, (u + 1) % 4)

          @pl.when(c >= 1)
          def _drain_prev():
            pltpu.make_async_copy(rows[nrb], acc.at[dbuf[(u - 1) % 4]],
                                  ssem[nrb]).wait()
          fetch_rows((u + 1) % 4, nrb)

          @pl.when(c + 3 < CP)
          def _prefetch_idx():
            fetch_idx(c + 3, (u + 3) % 4)
        pltpu.make_async_copy(hw_hbm.at[sbuf[u]], rows[rb],
                              gsem[rb]).wait()
        pltpu.async_copy(rows[rb], acc.at[dbuf[u]], ssem[rb], add=True)
      return carry

    lax.fori_loop(0, CP // 4, step, 0)
    pltpu.make_async_copy(rows[0], acc.at[dbuf[0]], ssem[0]).wait()
    pltpu.make_async_copy(rows[1], acc.at[dbuf[1]], ssem[1]).wait()
    plsc.subcore_barrier()
    for p in range(-(-ZPT // K)):
      o = p * K
      sz = min(K, ZPT - o)
      pltpu.sync_copy(acc.at[pl.ds(sid * ZPT + o, sz)],
                      rows[p % 2].at[pl.ds(0, sz)])
      pltpu.sync_copy(rows[p % 2].at[pl.ds(0, sz)],
                      out_hbm.at[cid, pl.ds(sid * ZPT + o, sz)])

  return pl.kernel(
      body,
      out_type=jax.ShapeDtypeStruct((NC, N_ACC, d), jnp.float32),
      mesh=mesh,
      scratch_types=(
          [pltpu.VMEM((K,), jnp.int32)] * 8
          + [pltpu.VMEM((K, d), jnp.float32)] * 2
          + [pltpu.VMEM_SHARED((N_ACC, d), jnp.float32)]
          + [pltpu.SemaphoreType.DMA] * 8
      ),
  )


_deg_kernel = _make_deg_kernel()
_agg128 = _make_agg_kernel(D)



def _tc1_body(x_ref, ds_ref, w_ref, dinv_ref, hw_ref):
  dsum = ds_ref[...] + 1.0
  dinv = lax.rsqrt(jnp.maximum(dsum, 1e-12))
  dinv_ref[...] = dinv
  hw_ref[...] = dinv * jnp.dot(x_ref[...], w_ref[...],
                               preferred_element_type=jnp.float32)


def _tc1(x, dsum, w1):
  return pl.pallas_call(
      _tc1_body,
      grid=(N // BM,),
      in_specs=[
          pl.BlockSpec((BM, D), lambda i: (i, 0)),
          pl.BlockSpec((BM, 1), lambda i: (i, 0)),
          pl.BlockSpec((D, D), lambda i: (0, 0)),
      ],
      out_specs=[
          pl.BlockSpec((BM, 1), lambda i: (i, 0)),
          pl.BlockSpec((BM, D), lambda i: (i, 0)),
      ],
      out_shape=[
          jax.ShapeDtypeStruct((N, 1), jnp.float32),
          jax.ShapeDtypeStruct((N, D), jnp.float32),
      ],
  )(x, dsum, w1)


def _tc_mid_body(agg0_ref, agg1_ref, hwp_ref, res_ref, dinv_ref, w_ref, b_ref,
                 h_ref, hwn_ref):
  dinv = dinv_ref[...]
  g = dinv * (agg0_ref[0] + agg1_ref[0] + hwp_ref[...]) + b_ref[...]
  h = jnp.maximum(res_ref[...] + CBN * g, 0.0)
  h_ref[...] = h
  hwn_ref[...] = dinv * jnp.dot(h, w_ref[...],
                                preferred_element_type=jnp.float32)


def _tc_mid(agg, hwp, res, dinv, w, b, d_out):
  return pl.pallas_call(
      _tc_mid_body,
      grid=(N // BM,),
      in_specs=[
          pl.BlockSpec((1, BM, D), lambda i: (0, i, 0)),
          pl.BlockSpec((1, BM, D), lambda i: (1, i, 0)),
          pl.BlockSpec((BM, D), lambda i: (i, 0)),
          pl.BlockSpec((BM, D), lambda i: (i, 0)),
          pl.BlockSpec((BM, 1), lambda i: (i, 0)),
          pl.BlockSpec((D, d_out), lambda i: (0, 0)),
          pl.BlockSpec((1, D), lambda i: (0, 0)),
      ],
      out_specs=[
          pl.BlockSpec((BM, D), lambda i: (i, 0)),
          pl.BlockSpec((BM, d_out), lambda i: (i, 0)),
      ],
      out_shape=[
          jax.ShapeDtypeStruct((N, D), jnp.float32),
          jax.ShapeDtypeStruct((N, d_out), jnp.float32),
      ],
  )(agg, agg, hwp, res, dinv, w, b)


def _tc_head_body(agg0_ref, agg1_ref, hwp_ref, dinv_ref, b3_ref,
                  wc1_ref, bc1_ref, wc2_ref, bc2_ref, wc3_ref, bc3_ref,
                  wr1_ref, br1_ref, wr2_ref, br2_ref, wr3_ref, br3_ref,
                  logits_ref, reg_ref, psum, pmax):
  i = pl.program_id(0)

  @pl.when(i == 0)
  def _init():
    psum[...] = jnp.zeros((1, OUT), jnp.float32)
    pmax[...] = jnp.full((1, OUT), -jnp.inf, jnp.float32)

  dinv = dinv_ref[...]
  s = (agg0_ref[0] + agg1_ref[0] + hwp_ref[...])[:, :OUT]
  h3 = CBN * (dinv * s + b3_ref[...])
  psum[...] += jnp.sum(h3, axis=0, keepdims=True)
  pmax[...] = jnp.maximum(pmax[...], jnp.max(h3, axis=0, keepdims=True))

  @pl.when(i == N // BM - 1)
  def _heads():
    g = (psum[...] / N + pmax[...]) / 2.0
    gb = jnp.broadcast_to(g, (8, OUT))

    def dot(a, w):
      return jnp.dot(a, w[...], preferred_element_type=jnp.float32)

    z = jnp.maximum(CBN * (dot(gb, wc1_ref) + bc1_ref[...]), 0.0)
    z = jnp.maximum(CBN * (dot(z, wc2_ref) + bc2_ref[...]), 0.0)
    logits_ref[...] = (dot(z, wc3_ref) + bc3_ref[...])[0:1, :]
    r = jnp.maximum(CBN * (dot(gb, wr1_ref) + br1_ref[...]), 0.0)
    r = jnp.maximum(CBN * (dot(r, wr2_ref) + br2_ref[...]), 0.0)
    reg_ref[...] = jax.nn.sigmoid((dot(r, wr3_ref) + br3_ref[...])[0:1, :])


def _tc_head(agg, hwp, dinv, b3, wc1, bc1, wc2, bc2, wc3, bc3,
             wr1, br1, wr2, br2, wr3, br3):
  full = lambda s: pl.BlockSpec(s, lambda i: tuple(0 for _ in s))
  return pl.pallas_call(
      _tc_head_body,
      grid=(N // BM,),
      in_specs=[
          pl.BlockSpec((1, BM, D), lambda i: (0, i, 0)),
          pl.BlockSpec((1, BM, D), lambda i: (1, i, 0)),
          pl.BlockSpec((BM, D), lambda i: (i, 0)),
          pl.BlockSpec((BM, 1), lambda i: (i, 0)),
          full((1, OUT)),
          full((OUT, 32)), full((1, 32)),
          full((32, 16)), full((1, 16)),
          full((16, 10)), full((1, 10)),
          full((OUT, 32)), full((1, 32)),
          full((32, 16)), full((1, 16)),
          full((16, 1)), full((1, 1)),
      ],
      out_specs=[
          pl.BlockSpec((1, 10), lambda i: (0, 0)),
          pl.BlockSpec((1, 1), lambda i: (0, 0)),
      ],
      out_shape=[
          jax.ShapeDtypeStruct((1, 10), jnp.float32),
          jax.ShapeDtypeStruct((1, 1), jnp.float32),
      ],
      scratch_shapes=[
          pltpu.VMEM((1, OUT), jnp.float32),
          pltpu.VMEM((1, OUT), jnp.float32),
      ],
  )(agg, agg, hwp, dinv, b3, wc1, bc1, wc2, bc2, wc3, bc3,
    wr1, br1, wr2, br2, wr3, br3)



def kernel(x, edge_index, W1, b1, W2, b2, W3, b3, Wc1, bc1, Wc2, bc2, Wc3,
           bc3, Wr1, br1, Wr2, br2, Wr3, br3):
  src = edge_index[0]
  dst = edge_index[1]
  pad = E_PAD - E
  ar = jnp.arange(pad, dtype=jnp.int32)
  srcp = jnp.concatenate([src, ar % np.int32(N)]).reshape(NW, CP, K)
  dstp = jnp.concatenate(
      [dst, np.int32(N) + ar % np.int32(N_ACC - N)]).reshape(NW, CP, K)

  zeros1 = jnp.zeros((ZPT,), jnp.float32)
  zeros_d = jnp.zeros((K, D), jnp.float32)

  degp = _deg_kernel(dstp, zeros1)
  dsum = (degp[:N] + degp[N_ACC:N_ACC + N]).reshape(N, 1)
  dinv, hw1p = _tc1(x, dsum, W1)
  a1 = _agg128(hw1p, srcp, dstp, zeros_d)
  h1, hw2p = _tc_mid(a1, hw1p, x, dinv, W2, b1.reshape(1, D), D)
  a2 = _agg128(hw2p, srcp, dstp, zeros_d)
  w3p = jnp.pad(W3, ((0, 0), (0, D - OUT)))
  _, hw3p = _tc_mid(a2, hw2p, h1, dinv, w3p, b2.reshape(1, D), D)
  a3 = _agg128(hw3p, srcp, dstp, zeros_d)
  logits, reg = _tc_head(
      a3, hw3p, dinv, b3.reshape(1, OUT),
      Wc1, bc1.reshape(1, 32), Wc2, bc2.reshape(1, 16), Wc3, bc3.reshape(1, 10),
      Wr1, br1.reshape(1, 32), Wr2, br2.reshape(1, 16), Wr3, br3.reshape(1, 1))
  return (logits, reg)

# --- scband reference (transcript-rebuilt; emitter-appended) ---
"""Pipeline reference for scband-spatial-gnn-12463995093933 (READ-ONLY COPY).

The authoritative reference and input builder live on the scoring server;
editing this copy changes nothing except your own understanding.
"""

import jax, jax.numpy as jnp
import numpy as np

N = 10000
E = 320000
D = 128
H = 128
OUT = 64
NC = 10


def _lin(key, i, o):
    return jax.random.normal(key, (i, o), dtype=jnp.float32) * (1.0 / np.sqrt(i))


def setup_inputs(seed: int = 0) -> dict:
    key = jax.random.key(seed)
    ks = jax.random.split(key, 16)
    inp = {}
    inp["x"] = jax.random.normal(ks[0], (N, D), dtype=jnp.float32)
    inp["edge_index"] = jax.random.randint(ks[1], (2, E), 0, N, dtype=jnp.int32)
    # GCN conv layers: 128->128, 128->128, 128->64
    inp["W1"] = _lin(ks[2], D, H); inp["b1"] = jnp.zeros((H,), jnp.float32)
    inp["W2"] = _lin(ks[3], H, H); inp["b2"] = jnp.zeros((H,), jnp.float32)
    inp["W3"] = _lin(ks[4], H, OUT); inp["b3"] = jnp.zeros((OUT,), jnp.float32)
    # classifier head: 64->32->16->10
    inp["Wc1"] = _lin(ks[5], OUT, OUT // 2); inp["bc1"] = jnp.zeros((OUT // 2,), jnp.float32)
    inp["Wc2"] = _lin(ks[6], OUT // 2, OUT // 4); inp["bc2"] = jnp.zeros((OUT // 4,), jnp.float32)
    inp["Wc3"] = _lin(ks[7], OUT // 4, NC); inp["bc3"] = jnp.zeros((NC,), jnp.float32)
    # regressor head: 64->32->16->1 + sigmoid
    inp["Wr1"] = _lin(ks[8], OUT, OUT // 2); inp["br1"] = jnp.zeros((OUT // 2,), jnp.float32)
    inp["Wr2"] = _lin(ks[9], OUT // 2, OUT // 4); inp["br2"] = jnp.zeros((OUT // 4,), jnp.float32)
    inp["Wr3"] = _lin(ks[10], OUT // 4, 1); inp["br3"] = jnp.zeros((1,), jnp.float32)
    return inp


def reference(x, edge_index, W1, b1, W2, b2, W3, b3, Wc1, bc1, Wc2, bc2, Wc3, bc3, Wr1, br1, Wr2, br2, Wr3, br3):
    n = x.shape[0]
    loop = jnp.arange(n, dtype=edge_index.dtype)
    src = jnp.concatenate([edge_index[0], loop])
    dst = jnp.concatenate([edge_index[1], loop])
    deg = jnp.zeros((n,), x.dtype).at[dst].add(1.0)
    dinv = jax.lax.rsqrt(jnp.maximum(deg, 1e-12))
    norm = dinv[src] * dinv[dst]

    def gcn(h, W, b):
        hw = h @ W
        msg = hw[src] * norm[:, None]
        return jax.ops.segment_sum(msg, dst, num_segments=n) + b

    def bn(h):
        # eval-mode BatchNorm1d: running_mean=0, running_var=1, gamma=1, beta=0
        return h / jnp.sqrt(1.0 + 1e-5)

    h = x
    idn = h; h = gcn(h, W1, b1); h = bn(h); h = h + idn; h = jax.nn.relu(h)
    idn = h; h = gcn(h, W2, b2); h = bn(h); h = h + idn; h = jax.nn.relu(h)
    h = gcn(h, W3, b3); h = bn(h)  # 128 -> 64, no residual (dims differ)
    # global pooling (batch is None path)
    g = (jnp.mean(h, axis=0, keepdims=True) + jnp.max(h, axis=0, keepdims=True)) / 2.0
    # classifier
    z = jax.nn.relu(bn(g @ Wc1 + bc1))
    z = jax.nn.relu(bn(z @ Wc2 + bc2))
    logits = z @ Wc3 + bc3
    # regressor
    r = jax.nn.relu(bn(g @ Wr1 + br1))
    r = jax.nn.relu(bn(r @ Wr2 + br2))
    reg = jax.nn.sigmoid(r @ Wr3 + br3)
    return (logits, reg)

if __name__ == "__main__":
    import jax
    _d = setup_inputs()
    print(jax.jit(kernel)(*tuple(_d.values())))

</pallas_src>

<mosaic_0001>
#map = affine_map<(d0, d1) -> (0, 0)>
#map1 = affine_map<(d0, d1) -> (0, 0, 0)>
module attributes {stable_mosaic.version = 14 : i64} {
  func.func @body(%arg0: i32, %arg1: i32, %arg2: memref<10000x128xf32, #tpu.memory_space<hbm>>, %arg3: memref<32x80x128xi32, #tpu.memory_space<hbm>>, %arg4: memref<32x80x128xi32, #tpu.memory_space<hbm>>, %arg5: memref<128x128xf32, #tpu.memory_space<hbm>>, %arg6: memref<2x10112x128xf32, #tpu.memory_space<hbm>>, %arg7: memref<128xi32, #tpu.memory_space<vmem>>, %arg8: memref<128xi32, #tpu.memory_space<vmem>>, %arg9: memref<128xi32, #tpu.memory_space<vmem>>, %arg10: memref<128xi32, #tpu.memory_space<vmem>>, %arg11: memref<128xi32, #tpu.memory_space<vmem>>, %arg12: memref<128xi32, #tpu.memory_space<vmem>>, %arg13: memref<128xi32, #tpu.memory_space<vmem>>, %arg14: memref<128xi32, #tpu.memory_space<vmem>>, %arg15: memref<128x128xf32, #tpu.memory_space<vmem>>, %arg16: memref<128x128xf32, #tpu.memory_space<vmem>>, %arg17: memref<10112x128xf32, #tpu.memory_space<vmem_shared>>, %arg18: memref<!tpu.dma_semaphore, #tpu.memory_space<semaphore_mem>>, %arg19: memref<!tpu.dma_semaphore, #tpu.memory_space<semaphore_mem>>, %arg20: memref<!tpu.dma_semaphore, #tpu.memory_space<semaphore_mem>>, %arg21: memref<!tpu.dma_semaphore, #tpu.memory_space<semaphore_mem>>, %arg22: memref<!tpu.dma_semaphore, #tpu.memory_space<semaphore_mem>>, %arg23: memref<!tpu.dma_semaphore, #tpu.memory_space<semaphore_mem>>, %arg24: memref<!tpu.dma_semaphore, #tpu.memory_space<semaphore_mem>>, %arg25: memref<!tpu.dma_semaphore, #tpu.memory_space<semaphore_mem>>) attributes {dimension_semantics = [#tpu.dimension_semantics<core_parallel>, #tpu.dimension_semantics<subcore_parallel>], iteration_bounds = array<i64: 2, 16>, scalar_prefetch = 0 : i64, scratch_operands = 19 : i64, tpu.core_type = #tpu.core_type<sc_vector_subcore>, window_params = [{transform_indices = #map}, {transform_indices = #map1}, {transform_indices = #map1}, {transform_indices = #map}, {transform_indices = #map1}]} {
    %mul3A = arith.constant 10 : i32
    %mul3A_0 = arith.muli %arg1, %mul3A : i32
    %add3A = arith.addi %mul3A_0, %arg0 : i32
    %mul3A_1 = arith.constant 632 : i32
    %mul3A_2 = arith.muli %arg1, %mul3A_1 : i32
    "tpu.region"() ({
      %run_scoped3A = tpu.sem_alloc : memref<!tpu.dma_semaphore, #tpu.memory_space<semaphore_mem>>
      tpu.enqueue_dma source(%arg5 : memref<128x128xf32, #tpu.memory_space<hbm>>) target(%arg15 : memref<128x128xf32, #tpu.memory_space<vmem>>) target_semaphore(%run_scoped3A : memref<!tpu.dma_semaphore, #tpu.memory_space<semaphore_mem>>)
      tpu.wait_dma2 semaphore(%run_scoped3A : memref<!tpu.dma_semaphore, #tpu.memory_space<semaphore_mem>>) src(%arg5 : memref<128x128xf32, #tpu.memory_space<hbm>>) dst(%arg15 : memref<128x128xf32, #tpu.memory_space<vmem>>)
      tpu.yield
    }) : () -> ()
    %add3A_3 = arith.constant 0 : i32
    %add3A_4 = arith.addi %mul3A_2, %add3A_3 : i32
    "tpu.region"() ({
      %run_scoped3A = tpu.sem_alloc : memref<!tpu.dma_semaphore, #tpu.memory_space<semaphore_mem>>
      %dma_start3A_122 = arith.constant 0 : i32
      %dma_start3A_123 = arith.constant 0 : i32
      %dma_start3A_124 = tpu.memref_slice %arg15[%dma_start3A_122, %dma_start3A_123] : memref<128x128xf32, #tpu.memory_space<vmem>> -> memref<128x128xf32, #tpu.memory_space<vmem>>
      %dma_start3A_125 = arith.constant 0 : i32
      %dma_start3A_126 = tpu.memref_slice %arg17[%add3A_4, %dma_start3A_125] : memref<10112x128xf32, #tpu.memory_space<vmem_shared>> -> memref<128x128xf32, #tpu.memory_space<vmem_shared>>
      %dma_start3A_127 = arith.constant 0 : i32
      %dma_start3A_128 = tpu.memref_slice %arg17[%add3A_4, %dma_start3A_127] : memref<10112x128xf32, #tpu.memory_space<vmem_shared>> -> memref<128x128xf32, #tpu.memory_space<vmem_shared>>
      %dma_start3A_129 = arith.constant 0 : i32
      %dma_start3A_130 = arith.constant 0 : i32
      %dma_start3A_131 = tpu.memref_slice %arg15[%dma_start3A_129, %dma_start3A_130] : memref<128x128xf32, #tpu.memory_space<vmem>> -> memref<128x128xf32, #tpu.memory_space<vmem>>
      tpu.enqueue_dma source(%dma_start3A_131 : memref<128x128xf32, #tpu.memory_space<vmem>>) target(%dma_start3A_128 : memref<128x128xf32, #tpu.memory_space<vmem_shared>>) target_semaphore(%run_scoped3A : memref<!tpu.dma_semaphore, #tpu.memory_space<semaphore_mem>>)
      %dma_wait3A_132 = arith.constant 0 : i32
      %dma_wait3A_133 = arith.constant 0 : i32
      %dma_wait3A_134 = tpu.memref_slice %arg15[%dma_wait3A_132, %dma_wait3A_133] : memref<128x128xf32, #tpu.memory_space<vmem>> -> memref<128x128xf32, #tpu.memory_space<vmem>>
      %dma_wait3A_135 = arith.constant 0 : i32
      %dma_wait3A_136 = tpu.memref_slice %arg17[%add3A_4, %dma_wait3A_135] : memref<10112x128xf32, #tpu.memory_space<vmem_shared>> -> memref<128x128xf32, #tpu.memory_space<vmem_shared>>
      %dma_wait3A_137 = arith.constant 0 : i32
      %dma_wait3A_138 = tpu.memref_slice %arg17[%add3A_4, %dma_wait3A_137] : memref<10112x128xf32, #tpu.memory_space<vmem_shared>> -> memref<128x128xf32, #tpu.memory_space<vmem_shared>>
      %dma_wait3A_139 = arith.constant 0 : i32
      %dma_wait3A_140 = arith.constant 0 : i32
      %dma_wait3A_141 = tpu.memref_slice %arg15[%dma_wait3A_139, %dma_wait3A_140] : memref<128x128xf32, #tpu.memory_space<vmem>> -> memref<128x128xf32, #tpu.memory_space<vmem>>
      tpu.wait_dma2 semaphore(%run_scoped3A : memref<!tpu.dma_semaphore, #tpu.memory_space<semaphore_mem>>) src(%dma_wait3A_141 : memref<128x128xf32, #tpu.memory_space<vmem>>) dst(%dma_wait3A_138 : memref<128x128xf32, #tpu.memory_space<vmem_shared>>)
      tpu.yield
    }) : () -> ()
    %add3A_5 = arith.constant 128 : i32
    %add3A_6 = arith.addi %mul3A_2, %add3A_5 : i32
    "tpu.region"() ({
      %run_scoped3A = tpu.sem_alloc : memref<!tpu.dma_semaphore, #tpu.memory_space<semaphore_mem>>
      %dma_start3A_122 = arith.constant 0 : i32
      %dma_start3A_123 = arith.constant 0 : i32
      %dma_start3A_124 = tpu.memref_slice %arg15[%dma_start3A_122, %dma_start3A_123] : memref<128x128xf32, #tpu.memory_space<vmem>> -> memref<128x128xf32, #tpu.memory_space<vmem>>
      %dma_start3A_125 = arith.constant 0 : i32
      %dma_start3A_126 = tpu.memref_slice %arg17[%add3A_6, %dma_start3A_125] : memref<10112x128xf32, #tpu.memory_space<vmem_shared>> -> memref<128x128xf32, #tpu.memory_space<vmem_shared>>
      %dma_start3A_127 = arith.constant 0 : i32
      %dma_start3A_128 = tpu.memref_slice %arg17[%add3A_6, %dma_start3A_127] : memref<10112x128xf32, #tpu.memory_space<vmem_shared>> -> memref<128x128xf32, #tpu.memory_space<vmem_shared>>
      %dma_start3A_129 = arith.constant 0 : i32
      %dma_start3A_130 = arith.constant 0 : i32
      %dma_start3A_131 = tpu.memref_slice %arg15[%dma_start3A_129, %dma_start3A_130] : memref<128x128xf32, #tpu.memory_space<vmem>> -> memref<128x128xf32, #tpu.memory_space<vmem>>
      tpu.enqueue_dma source(%dma_start3A_131 : memref<128x128xf32, #tpu.memory_space<vmem>>) target(%dma_start3A_128 : memref<128x128xf32, #tpu.memory_space<vmem_shared>>) target_semaphore(%run_scoped3A : memref<!tpu.dma_semaphore, #tpu.memory_space<semaphore_mem>>)
      %dma_wait3A_132 = arith.constant 0 : i32
      %dma_wait3A_133 = arith.constant 0 : i32
      %dma_wait3A_134 = tpu.memref_slice %arg15[%dma_wait3A_132, %dma_wait3A_133] : memref<128x128xf32, #tpu.memory_space<vmem>> -> memref<128x128xf32, #tpu.memory_space<vmem>>
      %dma_wait3A_135 = arith.constant 0 : i32
      %dma_wait3A_136 = tpu.memref_slice %arg17[%add3A_6, %dma_wait3A_135] : memref<10112x128xf32, #tpu.memory_space<vmem_shared>> -> memref<128x128xf32, #tpu.memory_space<vmem_shared>>
      %dma_wait3A_137 = arith.constant 0 : i32
      %dma_wait3A_138 = tpu.memref_slice %arg17[%add3A_6, %dma_wait3A_137] : memref<10112x128xf32, #tpu.memory_space<vmem_shared>> -> memref<128x128xf32, #tpu.memory_space<vmem_shared>>
      %dma_wait3A_139 = arith.constant 0 : i32
      %dma_wait3A_140 = arith.constant 0 : i32
      %dma_wait3A_141 = tpu.memref_slice %arg15[%dma_wait3A_139, %dma_wait3A_140] : memref<128x128xf32, #tpu.memory_space<vmem>> -> memref<128x128xf32, #tpu.memory_space<vmem>>
      tpu.wait_dma2 semaphore(%run_scoped3A : memref<!tpu.dma_semaphore, #tpu.memory_space<semaphore_mem>>) src(%dma_wait3A_141 : memref<128x128xf32, #tpu.memory_space<vmem>>) dst(%dma_wait3A_138 : memref<128x128xf32, #tpu.memory_space<vmem_shared>>)
      tpu.yield
    }) : () -> ()
    %add3A_7 = arith.constant 256 : i32
    %add3A_8 = arith.addi %mul3A_2, %add3A_7 : i32
    "tpu.region"() ({
      %run_scoped3A = tpu.sem_alloc : memref<!tpu.dma_semaphore, #tpu.memory_space<semaphore_mem>>
      %dma_start3A_122 = arith.constant 0 : i32
      %dma_start3A_123 = arith.constant 0 : i32
      %dma_start3A_124 = tpu.memref_slice %arg15[%dma_start3A_122, %dma_start3A_123] : memref<128x128xf32, #tpu.memory_space<vmem>> -> memref<128x128xf32, #tpu.memory_space<vmem>>
      %dma_start3A_125 = arith.constant 0 : i32
      %dma_start3A_126 = tpu.memref_slice %arg17[%add3A_8, %dma_start3A_125] : memref<10112x128xf32, #tpu.memory_space<vmem_shared>> -> memref<128x128xf32, #tpu.memory_space<vmem_shared>>
      %dma_start3A_127 = arith.constant 0 : i32
      %dma_start3A_128 = tpu.memref_slice %arg17[%add3A_8, %dma_start3A_127] : memref<10112x128xf32, #tpu.memory_space<vmem_shared>> -> memref<128x128xf32, #tpu.memory_space<vmem_shared>>
      %dma_start3A_129 = arith.constant 0 : i32
      %dma_start3A_130 = arith.constant 0 : i32
      %dma_start3A_131 = tpu.memref_slice %arg15[%dma_start3A_129, %dma_start3A_130] : memref<128x128xf32, #tpu.memory_space<vmem>> -> memref<128x128xf32, #tpu.memory_space<vmem>>
      tpu.enqueue_dma source(%dma_start3A_131 : memref<128x128xf32, #tpu.memory_space<vmem>>) target(%dma_start3A_128 : memref<128x128xf32, #tpu.memory_space<vmem_shared>>) target_semaphore(%run_scoped3A : memref<!tpu.dma_semaphore, #tpu.memory_space<semaphore_mem>>)
      %dma_wait3A_132 = arith.constant 0 : i32
      %dma_wait3A_133 = arith.constant 0 : i32
      %dma_wait3A_134 = tpu.memref_slice %arg15[%dma_wait3A_132, %dma_wait3A_133] : memref<128x128xf32, #tpu.memory_space<vmem>> -> memref<128x128xf32, #tpu.memory_space<vmem>>
      %dma_wait3A_135 = arith.constant 0 : i32
      %dma_wait3A_136 = tpu.memref_slice %arg17[%add3A_8, %dma_wait3A_135] : memref<10112x128xf32, #tpu.memory_space<vmem_shared>> -> memref<128x128xf32, #tpu.memory_space<vmem_shared>>
      %dma_wait3A_137 = arith.constant 0 : i32
      %dma_wait3A_138 = tpu.memref_slice %arg17[%add3A_8, %dma_wait3A_137] : memref<10112x128xf32, #tpu.memory_space<vmem_shared>> -> memref<128x128xf32, #tpu.memory_space<vmem_shared>>
      %dma_wait3A_139 = arith.constant 0 : i32
      %dma_wait3A_140 = arith.constant 0 : i32
      %dma_wait3A_141 = tpu.memref_slice %arg15[%dma_wait3A_139, %dma_wait3A_140] : memref<128x128xf32, #tpu.memory_space<vmem>> -> memref<128x128xf32, #tpu.memory_space<vmem>>
      tpu.wait_dma2 semaphore(%run_scoped3A : memref<!tpu.dma_semaphore, #tpu.memory_space<semaphore_mem>>) src(%dma_wait3A_141 : memref<128x128xf32, #tpu.memory_space<vmem>>) dst(%dma_wait3A_138 : memref<128x128xf32, #tpu.memory_space<vmem_shared>>)
      tpu.yield
    }) : () -> ()
    %add3A_9 = arith.constant 384 : i32
    %add3A_10 = arith.addi %mul3A_2, %add3A_9 : i32
    "tpu.region"() ({
      %run_scoped3A = tpu.sem_alloc : memref<!tpu.dma_semaphore, #tpu.memory_space<semaphore_mem>>
      %dma_start3A_122 = arith.constant 0 : i32
      %dma_start3A_123 = arith.constant 0 : i32
      %dma_start3A_124 = tpu.memref_slice %arg15[%dma_start3A_122, %dma_start3A_123] : memref<128x128xf32, #tpu.memory_space<vmem>> -> memref<128x128xf32, #tpu.memory_space<vmem>>
      %dma_start3A_125 = arith.constant 0 : i32
      %dma_start3A_126 = tpu.memref_slice %arg17[%add3A_10, %dma_start3A_125] : memref<10112x128xf32, #tpu.memory_space<vmem_shared>> -> memref<128x128xf32, #tpu.memory_space<vmem_shared>>
      %dma_start3A_127 = arith.constant 0 : i32
      %dma_start3A_128 = tpu.memref_slice %arg17[%add3A_10, %dma_start3A_127] : memref<10112x128xf32, #tpu.memory_space<vmem_shared>> -> memref<128x128xf32, #tpu.memory_space<vmem_shared>>
      %dma_start3A_129 = arith.constant 0 : i32
      %dma_start3A_130 = arith.constant 0 : i32
      %dma_start3A_131 = tpu.memref_slice %arg15[%dma_start3A_129, %dma_start3A_130] : memref<128x128xf32, #tpu.memory_space<vmem>> -> memref<128x128xf32, #tpu.memory_space<vmem>>
      tpu.enqueue_dma source(%dma_start3A_131 : memref<128x128xf32, #tpu.memory_space<vmem>>) target(%dma_start3A_128 : memref<128x128xf32, #tpu.memory_space<vmem_shared>>) target_semaphore(%run_scoped3A : memref<!tpu.dma_semaphore, #tpu.memory_space<semaphore_mem>>)
      %dma_wait3A_132 = arith.constant 0 : i32
      %dma_wait3A_133 = arith.constant 0 : i32
      %dma_wait3A_134 = tpu.memref_slice %arg15[%dma_wait3A_132, %dma_wait3A_133] : memref<128x128xf32, #tpu.memory_space<vmem>> -> memref<128x128xf32, #tpu.memory_space<vmem>>
      %dma_wait3A_135 = arith.constant 0 : i32
      %dma_wait3A_136 = tpu.memref_slice %arg17[%add3A_10, %dma_wait3A_135] : memref<10112x128xf32, #tpu.memory_space<vmem_shared>> -> memref<128x128xf32, #tpu.memory_space<vmem_shared>>
      %dma_wait3A_137 = arith.constant 0 : i32
      %dma_wait3A_138 = tpu.memref_slice %arg17[%add3A_10, %dma_wait3A_137] : memref<10112x128xf32, #tpu.memory_space<vmem_shared>> -> memref<128x128xf32, #tpu.memory_space<vmem_shared>>
      %dma_wait3A_139 = arith.constant 0 : i32
      %dma_wait3A_140 = arith.constant 0 : i32
      %dma_wait3A_141 = tpu.memref_slice %arg15[%dma_wait3A_139, %dma_wait3A_140] : memref<128x128xf32, #tpu.memory_space<vmem>> -> memref<128x128xf32, #tpu.memory_space<vmem>>
      tpu.wait_dma2 semaphore(%run_scoped3A : memref<!tpu.dma_semaphore, #tpu.memory_space<semaphore_mem>>) src(%dma_wait3A_141 : memref<128x128xf32, #tpu.memory_space<vmem>>) dst(%dma_wait3A_138 : memref<128x128xf32, #tpu.memory_space<vmem_shared>>)
      tpu.yield
    }) : () -> ()
    %add3A_11 = arith.constant 512 : i32
    %add3A_12 = arith.addi %mul3A_2, %add3A_11 : i32
    "tpu.region"() ({
      %run_scoped3A = tpu.sem_alloc : memref<!tpu.dma_semaphore, #tpu.memory_space<semaphore_mem>>
      %dma_start3A_122 = arith.constant 0 : i32
      %dma_start3A_123 = arith.constant 0 : i32
      %dma_start3A_124 = tpu.memref_slice %arg15[%dma_start3A_122, %dma_start3A_123] : memref<128x128xf32, #tpu.memory_space<vmem>> -> memref<120x128xf32, #tpu.memory_space<vmem>>
      %dma_start3A_125 = arith.constant 0 : i32
      %dma_start3A_126 = tpu.memref_slice %arg17[%add3A_12, %dma_start3A_125] : memref<10112x128xf32, #tpu.memory_space<vmem_shared>> -> memref<120x128xf32, #tpu.memory_space<vmem_shared>>
      %dma_start3A_127 = arith.constant 0 : i32
      %dma_start3A_128 = tpu.memref_slice %arg17[%add3A_12, %dma_start3A_127] : memref<10112x128xf32, #tpu.memory_space<vmem_shared>> -> memref<120x128xf32, #tpu.memory_space<vmem_shared>>
      %dma_start3A_129 = arith.constant 0 : i32
      %dma_start3A_130 = arith.constant 0 : i32
      %dma_start3A_131 = tpu.memref_slice %arg15[%dma_start3A_129, %dma_start3A_130] : memref<128x128xf32, #tpu.memory_space<vmem>> -> memref<120x128xf32, #tpu.memory_space<vmem>>
      tpu.enqueue_dma source(%dma_start3A_131 : memref<120x128xf32, #tpu.memory_space<vmem>>) target(%dma_start3A_128 : memref<120x128xf32, #tpu.memory_space<vmem_shared>>) target_semaphore(%run_scoped3A : memref<!tpu.dma_semaphore, #tpu.memory_space<semaphore_mem>>)
      %dma_wait3A_132 = arith.constant 0 : i32
      %dma_wait3A_133 = arith.constant 0 : i32
      %dma_wait3A_134 = tpu.memref_slice %arg15[%dma_wait3A_132, %dma_wait3A_133] : memref<128x128xf32, #tpu.memory_space<vmem>> -> memref<120x128xf32, #tpu.memory_space<vmem>>
      %dma_wait3A_135 = arith.constant 0 : i32
      %dma_wait3A_136 = tpu.memref_slice %arg17[%add3A_12, %dma_wait3A_135] : memref<10112x128xf32, #tpu.memory_space<vmem_shared>> -> memref<120x128xf32, #tpu.memory_space<vmem_shared>>
      %dma_wait3A_137 = arith.constant 0 : i32
      %dma_wait3A_138 = tpu.memref_slice %arg17[%add3A_12, %dma_wait3A_137] : memref<10112x128xf32, #tpu.memory_space<vmem_shared>> -> memref<120x128xf32, #tpu.memory_space<vmem_shared>>
      %dma_wait3A_139 = arith.constant 0 : i32
      %dma_wait3A_140 = arith.constant 0 : i32
      %dma_wait3A_141 = tpu.memref_slice %arg15[%dma_wait3A_139, %dma_wait3A_140] : memref<128x128xf32, #tpu.memory_space<vmem>> -> memref<120x128xf32, #tpu.memory_space<vmem>>
      tpu.wait_dma2 semaphore(%run_scoped3A : memref<!tpu.dma_semaphore, #tpu.memory_space<semaphore_mem>>) src(%dma_wait3A_141 : memref<120x128xf32, #tpu.memory_space<vmem>>) dst(%dma_wait3A_138 : memref<120x128xf32, #tpu.memory_space<vmem_shared>>)
      tpu.yield
    }) : () -> ()
    %barrier3A = arith.constant 0 : index
    tpu.barrier barrier_id(%barrier3A)
    %dma_start3A = arith.constant 0 : i32
    %dma_start3A_13 = arith.constant 0 : i32
    %dma_start3A_14 = tpu.memref_slice %arg3[%add3A, %dma_start3A, %dma_start3A_13] : memref<32x80x128xi32, #tpu.memory_space<hbm>> -> memref<1x1x128xi32, #tpu.memory_space<hbm>>
    %dma_start3A_15 = tpu.memref_squeeze %dma_start3A_14 : memref<1x1x128xi32, #tpu.memory_space<hbm>> -> memref<128xi32, #tpu.memory_space<hbm>>
    %dma_start3A_16 = arith.constant 0 : i32
    %dma_start3A_17 = tpu.memref_slice %arg3[%add3A, %dma_start3A, %dma_start3A_16] : memref<32x80x128xi32, #tpu.memory_space<hbm>> -> memref<1x1x128xi32, #tpu.memory_space<hbm>>
    %dma_start3A_18 = tpu.memref_squeeze %dma_start3A_17 : memref<1x1x128xi32, #tpu.memory_space<hbm>> -> memref<128xi32, #tpu.memory_space<hbm>>
    tpu.enqueue_dma source(%dma_start3A_18 : memref<128xi32, #tpu.memory_space<hbm>>) target(%arg7 : memref<128xi32, #tpu.memory_space<vmem>>) target_semaphore(%arg18 : memref<!tpu.dma_semaphore, #tpu.memory_space<semaphore_mem>>)
    %dma_start3A_19 = arith.constant 0 : i32
    %dma_start3A_20 = arith.constant 0 : i32
    %dma_start3A_21 = tpu.memref_slice %arg4[%add3A, %dma_start3A_19, %dma_start3A_20] : memref<32x80x128xi32, #tpu.memory_space<hbm>> -> memref<1x1x128xi32, #tpu.memory_space<hbm>>
    %dma_start3A_22 = tpu.memref_squeeze %dma_start3A_21 : memref<1x1x128xi32, #tpu.memory_space<hbm>> -> memref<128xi32, #tpu.memory_space<hbm>>
    %dma_start3A_23 = arith.constant 0 : i32
    %dma_start3A_24 = tpu.memref_slice %arg4[%add3A, %dma_start3A_19, %dma_start3A_23] : memref<32x80x128xi32, #tpu.memory_space<hbm>> -> memref<1x1x128xi32, #tpu.memory_space<hbm>>
    %dma_start3A_25 = tpu.memref_squeeze %dma_start3A_24 : memref<1x1x128xi32, #tpu.memory_space<hbm>> -> memref<128xi32, #tpu.memory_space<hbm>>
    tpu.enqueue_dma source(%dma_start3A_25 : memref<128xi32, #tpu.memory_space<hbm>>) target(%arg11 : memref<128xi32, #tpu.memory_space<vmem>>) target_semaphore(%arg18 : memref<!tpu.dma_semaphore, #tpu.memory_space<semaphore_mem>>)
    %dma_start3A_26 = arith.constant 1 : i32
    %dma_start3A_27 = arith.constant 0 : i32
    %dma_start3A_28 = tpu.memref_slice %arg3[%add3A, %dma_start3A_26, %dma_start3A_27] : memref<32x80x128xi32, #tpu.memory_space<hbm>> -> memref<1x1x128xi32, #tpu.memory_space<hbm>>
    %dma_start3A_29 = tpu.memref_squeeze %dma_start3A_28 : memref<1x1x128xi32, #tpu.memory_space<hbm>> -> memref<128xi32, #tpu.memory_space<hbm>>
    %dma_start3A_30 = arith.constant 0 : i32
    %dma_start3A_31 = tpu.memref_slice %arg3[%add3A, %dma_start3A_26, %dma_start3A_30] : memref<32x80x128xi32, #tpu.memory_space<hbm>> -> memref<1x1x128xi32, #tpu.memory_space<hbm>>
    %dma_start3A_32 = tpu.memref_squeeze %dma_start3A_31 : memref<1x1x128xi32, #tpu.memory_space<hbm>> -> memref<128xi32, #tpu.memory_space<hbm>>
    tpu.enqueue_dma source(%dma_start3A_32 : memref<128xi32, #tpu.memory_space<hbm>>) target(%arg8 : memref<128xi32, #tpu.memory_space<vmem>>) target_semaphore(%arg19 : memref<!tpu.dma_semaphore, #tpu.memory_space<semaphore_mem>>)
    %dma_start3A_33 = arith.constant 1 : i32
    %dma_start3A_34 = arith.constant 0 : i32
    %dma_start3A_35 = tpu.memref_slice %arg4[%add3A, %dma_start3A_33, %dma_start3A_34] : memref<32x80x128xi32, #tpu.memory_space<hbm>> -> memref<1x1x128xi32, #tpu.memory_space<hbm>>
    %dma_start3A_36 = tpu.memref_squeeze %dma_start3A_35 : memref<1x1x128xi32, #tpu.memory_space<hbm>> -> memref<128xi32, #tpu.memory_space<hbm>>
    %dma_start3A_37 = arith.constant 0 : i32
    %dma_start3A_38 = tpu.memref_slice %arg4[%add3A, %dma_start3A_33, %dma_start3A_37] : memref<32x80x128xi32, #tpu.memory_space<hbm>> -> memref<1x1x128xi32, #tpu.memory_space<hbm>>
    %dma_start3A_39 = tpu.memref_squeeze %dma_start3A_38 : memref<1x1x128xi32, #tpu.memory_space<hbm>> -> memref<128xi32, #tpu.memory_space<hbm>>
    tpu.enqueue_dma source(%dma_start3A_39 : memref<128xi32, #tpu.memory_space<hbm>>) target(%arg12 : memref<128xi32, #tpu.memory_space<vmem>>) target_semaphore(%arg19 : memref<!tpu.dma_semaphore, #tpu.memory_space<semaphore_mem>>)
    %dma_start3A_40 = arith.constant 2 : i32
    %dma_start3A_41 = arith.constant 0 : i32
    %dma_start3A_42 = tpu.memref_slice %arg3[%add3A, %dma_start3A_40, %dma_start3A_41] : memref<32x80x128xi32, #tpu.memory_space<hbm>> -> memref<1x1x128xi32, #tpu.memory_space<hbm>>
    %dma_start3A_43 = tpu.memref_squeeze %dma_start3A_42 : memref<1x1x128xi32, #tpu.memory_space<hbm>> -> memref<128xi32, #tpu.memory_space<hbm>>
    %dma_start3A_44 = arith.constant 0 : i32
    %dma_start3A_45 = tpu.memref_slice %arg3[%add3A, %dma_start3A_40, %dma_start3A_44] : memref<32x80x128xi32, #tpu.memory_space<hbm>> -> memref<1x1x128xi32, #tpu.memory_space<hbm>>
    %dma_start3A_46 = tpu.memref_squeeze %dma_start3A_45 : memref<1x1x128xi32, #tpu.memory_space<hbm>> -> memref<128xi32, #tpu.memory_space<hbm>>
    tpu.enqueue_dma source(%dma_start3A_46 : memref<128xi32, #tpu.memory_space<hbm>>) target(%arg9 : memref<128xi32, #tpu.memory_space<vmem>>) target_semaphore(%arg20 : memref<!tpu.dma_semaphore, #tpu.memory_space<semaphore_mem>>)
    %dma_start3A_47 = arith.constant 2 : i32
    %dma_start3A_48 = arith.constant 0 : i32
    %dma_start3A_49 = tpu.memref_slice %arg4[%add3A, %dma_start3A_47, %dma_start3A_48] : memref<32x80x128xi32, #tpu.memory_space<hbm>> -> memref<1x1x128xi32, #tpu.memory_space<hbm>>
    %dma_start3A_50 = tpu.memref_squeeze %dma_start3A_49 : memref<1x1x128xi32, #tpu.memory_space<hbm>> -> memref<128xi32, #tpu.memory_space<hbm>>
    %dma_start3A_51 = arith.constant 0 : i32
    %dma_start3A_52 = tpu.memref_slice %arg4[%add3A, %dma_start3A_47, %dma_start3A_51] : memref<32x80x128xi32, #tpu.memory_space<hbm>> -> memref<1x1x128xi32, #tpu.memory_space<hbm>>
    %dma_start3A_53 = tpu.memref_squeeze %dma_start3A_52 : memref<1x1x128xi32, #tpu.memory_space<hbm>> -> memref<128xi32, #tpu.memory_space<hbm>>
    tpu.enqueue_dma source(%dma_start3A_53 : memref<128xi32, #tpu.memory_space<hbm>>) target(%arg13 : memref<128xi32, #tpu.memory_space<vmem>>) target_semaphore(%arg20 : memref<!tpu.dma_semaphore, #tpu.memory_space<semaphore_mem>>)
    %dma_wait3A = arith.constant 0 : i32
    %dma_wait3A_54 = arith.constant 0 : i32
    %dma_wait3A_55 = tpu.memref_slice %arg3[%add3A, %dma_wait3A, %dma_wait3A_54] : memref<32x80x128xi32, #tpu.memory_space<hbm>> -> memref<1x1x128xi32, #tpu.memory_space<hbm>>
    %dma_wait3A_56 = tpu.memref_squeeze %dma_wait3A_55 : memref<1x1x128xi32, #tpu.memory_space<hbm>> -> memref<128xi32, #tpu.memory_space<hbm>>
    %dma_wait3A_57 = arith.constant 0 : i32
    %dma_wait3A_58 = tpu.memref_slice %arg3[%add3A, %dma_wait3A, %dma_wait3A_57] : memref<32x80x128xi32, #tpu.memory_space<hbm>> -> memref<1x1x128xi32, #tpu.memory_space<hbm>>
    %dma_wait3A_59 = tpu.memref_squeeze %dma_wait3A_58 : memref<1x1x128xi32, #tpu.memory_space<hbm>> -> memref<128xi32, #tpu.memory_space<hbm>>
    tpu.wait_dma2 semaphore(%arg18 : memref<!tpu.dma_semaphore, #tpu.memory_space<semaphore_mem>>) src(%dma_wait3A_59 : memref<128xi32, #tpu.memory_space<hbm>>) dst(%arg7 : memref<128xi32, #tpu.memory_space<vmem>>)
    %dma_wait3A_60 = arith.constant 0 : i32
    %dma_wait3A_61 = arith.constant 0 : i32
    %dma_wait3A_62 = tpu.memref_slice %arg4[%add3A, %dma_wait3A_60, %dma_wait3A_61] : memref<32x80x128xi32, #tpu.memory_space<hbm>> -> memref<1x1x128xi32, #tpu.memory_space<hbm>>
    %dma_wait3A_63 = tpu.memref_squeeze %dma_wait3A_62 : memref<1x1x128xi32, #tpu.memory_space<hbm>> -> memref<128xi32, #tpu.memory_space<hbm>>
    %dma_wait3A_64 = arith.constant 0 : i32
    %dma_wait3A_65 = tpu.memref_slice %arg4[%add3A, %dma_wait3A_60, %dma_wait3A_64] : memref<32x80x128xi32, #tpu.memory_space<hbm>> -> memref<1x1x128xi32, #tpu.memory_space<hbm>>
    %dma_wait3A_66 = tpu.memref_squeeze %dma_wait3A_65 : memref<1x1x128xi32, #tpu.memory_space<hbm>> -> memref<128xi32, #tpu.memory_space<hbm>>
    tpu.wait_dma2 semaphore(%arg18 : memref<!tpu.dma_semaphore, #tpu.memory_space<semaphore_mem>>) src(%dma_wait3A_66 : memref<128xi32, #tpu.memory_space<hbm>>) dst(%arg11 : memref<128xi32, #tpu.memory_space<vmem>>)
    %dma_start3A_67 = arith.constant 0 : i32
    %dma_start3A_68 = arith.constant 0 : i32
    %dma_start3A_69 = tpu.memref_slice %arg2[%dma_start3A_67, %dma_start3A_68] : memref<10000x128xf32, #tpu.memory_space<hbm>> -> memref<10000x128xf32, #tpu.memory_space<hbm>>
    tpu.enqueue_indirect_dma source(%dma_start3A_69 : memref<10000x128xf32, #tpu.memory_space<hbm>>) target(%arg15 : memref<128x128xf32, #tpu.memory_space<vmem>>) offsets(%arg7 : memref<128xi32, #tpu.memory_space<vmem>>) semaphore(%arg22 : memref<!tpu.dma_semaphore, #tpu.memory_space<semaphore_mem>>)
    %scan3A = arith.constant 0 : i32
    %scan3A_70 = arith.constant 0 : i32
    %scan3A_71 = arith.constant 20 : i32
    %scan3A_72 = arith.addi %scan3A_70, %scan3A_71 : i32
    %scan3A_73 = arith.constant 1 : i32
    scf.for %scan3A_122 = %scan3A_70 to %scan3A_72 step %scan3A_73  : i32 {
      %mul3A_123 = arith.constant 4 : i32
      %mul3A_124 = arith.muli %scan3A_122, %mul3A_123 : i32
      %add3A_125 = arith.constant 0 : i32
      %add3A_126 = arith.addi %mul3A_124, %add3A_125 : i32
      %add3A_127 = arith.constant 1 : i32
      %add3A_128 = arith.addi %add3A_126, %add3A_127 : i32
      %lt3A = arith.constant 80 : i32
      %lt3A_129 = arith.cmpi slt, %add3A_128, %lt3A : i32
      %convert_element_type3A = arith.extui %lt3A_129 : i1 to i32
      %cond3A = arith.constant 0 : i32
      %cond3A_130 = arith.cmpi ne, %convert_element_type3A, %cond3A : i32
      scf.if %cond3A_130 {
        %add3A_188 = arith.constant 1 : i32
        %add3A_189 = arith.addi %add3A_126, %add3A_188 : i32
        %dma_wait3A_190 = arith.constant 0 : i32
        %dma_wait3A_191 = tpu.memref_slice %arg3[%add3A, %add3A_189, %dma_wait3A_190] : memref<32x80x128xi32, #tpu.memory_space<hbm>> -> memref<1x1x128xi32, #tpu.memory_space<hbm>>
        %dma_wait3A_192 = tpu.memref_squeeze %dma_wait3A_191 : memref<1x1x128xi32, #tpu.memory_space<hbm>> -> memref<128xi32, #tpu.memory_space<hbm>>
        %dma_wait3A_193 = arith.constant 0 : i32
        %dma_wait3A_194 = tpu.memref_slice %arg3[%add3A, %add3A_189, %dma_wait3A_193] : memref<32x80x128xi32, #tpu.memory_space<hbm>> -> memref<1x1x128xi32, #tpu.memory_space<hbm>>
        %dma_wait3A_195 = tpu.memref_squeeze %dma_wait3A_194 : memref<1x1x128xi32, #tpu.memory_space<hbm>> -> memref<128xi32, #tpu.memory_space<hbm>>
        tpu.wait_dma2 semaphore(%arg19 : memref<!tpu.dma_semaphore, #tpu.memory_space<semaphore_mem>>) src(%dma_wait3A_195 : memref<128xi32, #tpu.memory_space<hbm>>) dst(%arg8 : memref<128xi32, #tpu.memory_space<vmem>>)
        %dma_wait3A_196 = arith.constant 0 : i32
        %dma_wait3A_197 = tpu.memref_slice %arg4[%add3A, %add3A_189, %dma_wait3A_196] : memref<32x80x128xi32, #tpu.memory_space<hbm>> -> memref<1x1x128xi32, #tpu.memory_space<hbm>>
        %dma_wait3A_198 = tpu.memref_squeeze %dma_wait3A_197 : memref<1x1x128xi32, #tpu.memory_space<hbm>> -> memref<128xi32, #tpu.memory_space<hbm>>
        %dma_wait3A_199 = arith.constant 0 : i32
        %dma_wait3A_200 = tpu.memref_slice %arg4[%add3A, %add3A_189, %dma_wait3A_199] : memref<32x80x128xi32, #tpu.memory_space<hbm>> -> memref<1x1x128xi32, #tpu.memory_space<hbm>>
        %dma_wait3A_201 = tpu.memref_squeeze %dma_wait3A_200 : memref<1x1x128xi32, #tpu.memory_space<hbm>> -> memref<128xi32, #tpu.memory_space<hbm>>
        tpu.wait_dma2 semaphore(%arg19 : memref<!tpu.dma_semaphore, #tpu.memory_space<semaphore_mem>>) src(%dma_wait3A_201 : memref<128xi32, #tpu.memory_space<hbm>>) dst(%arg12 : memref<128xi32, #tpu.memory_space<vmem>>)
        %ge3A = arith.constant 1 : i32
        %ge3A_202 = arith.cmpi sge, %add3A_126, %ge3A : i32
        %convert_element_type3A_203 = arith.extui %ge3A_202 : i1 to i32
        %cond3A_204 = arith.constant 0 : i32
        %cond3A_205 = arith.cmpi ne, %convert_element_type3A_203, %cond3A_204 : i32
        scf.if %cond3A_205 {
          %dma_wait3A_216 = arith.constant 0 : i32
          %dma_wait3A_217 = arith.constant 0 : i32
          %dma_wait3A_218 = tpu.memref_slice %arg17[%dma_wait3A_216, %dma_wait3A_217] : memref<10112x128xf32, #tpu.memory_space<vmem_shared>> -> memref<10112x128xf32, #tpu.memory_space<vmem_shared>>
          tpu.wait_indirect_dma semaphore(%arg25 : memref<!tpu.dma_semaphore, #tpu.memory_space<semaphore_mem>>) src(%arg16 : memref<128x128xf32, #tpu.memory_space<vmem>>) dst(%dma_wait3A_218 : memref<10112x128xf32, #tpu.memory_space<vmem_shared>>)
        } else {
        }
        %dma_start3A_206 = arith.constant 0 : i32
        %dma_start3A_207 = arith.constant 0 : i32
        %dma_start3A_208 = tpu.memref_slice %arg2[%dma_start3A_206, %dma_start3A_207] : memref<10000x128xf32, #tpu.memory_space<hbm>> -> memref<10000x128xf32, #tpu.memory_space<hbm>>
        tpu.enqueue_indirect_dma source(%dma_start3A_208 : memref<10000x128xf32, #tpu.memory_space<hbm>>) target(%arg16 : memref<128x128xf32, #tpu.memory_space<vmem>>) offsets(%arg8 : memref<128xi32, #tpu.memory_space<vmem>>) semaphore(%arg23 : memref<!tpu.dma_semaphore, #tpu.memory_space<semaphore_mem>>)
        %add3A_209 = arith.constant 3 : i32
        %add3A_210 = arith.addi %add3A_126, %add3A_209 : i32
        %lt3A_211 = arith.constant 80 : i32
        %lt3A_212 = arith.cmpi slt, %add3A_210, %lt3A_211 : i32
        %convert_element_type3A_213 = arith.extui %lt3A_212 : i1 to i32
        %cond3A_214 = arith.constant 0 : i32
        %cond3A_215 = arith.cmpi ne, %convert_element_type3A_213, %cond3A_214 : i32
        scf.if %cond3A_215 {
          %add3A_216 = arith.constant 3 : i32
          %add3A_217 = arith.addi %add3A_126, %add3A_216 : i32
          %dma_start3A_218 = arith.constant 0 : i32
          %dma_start3A_219 = tpu.memref_slice %arg3[%add3A, %add3A_217, %dma_start3A_218] : memref<32x80x128xi32, #tpu.memory_space<hbm>> -> memref<1x1x128xi32, #tpu.memory_space<hbm>>
          %dma_start3A_220 = tpu.memref_squeeze %dma_start3A_219 : memref<1x1x128xi32, #tpu.memory_space<hbm>> -> memref<128xi32, #tpu.memory_space<hbm>>
          %dma_start3A_221 = arith.constant 0 : i32
          %dma_start3A_222 = tpu.memref_slice %arg3[%add3A, %add3A_217, %dma_start3A_221] : memref<32x80x128xi32, #tpu.memory_space<hbm>> -> memref<1x1x128xi32, #tpu.memory_space<hbm>>
          %dma_start3A_223 = tpu.memref_squeeze %dma_start3A_222 : memref<1x1x128xi32, #tpu.memory_space<hbm>> -> memref<128xi32, #tpu.memory_space<hbm>>
          tpu.enqueue_dma source(%dma_start3A_223 : memref<128xi32, #tpu.memory_space<hbm>>) target(%arg10 : memref<128xi32, #tpu.memory_space<vmem>>) target_semaphore(%arg21 : memref<!tpu.dma_semaphore, #tpu.memory_space<semaphore_mem>>)
          %dma_start3A_224 = arith.constant 0 : i32
          %dma_start3A_225 = tpu.memref_slice %arg4[%add3A, %add3A_217, %dma_start3A_224] : memref<32x80x128xi32, #tpu.memory_space<hbm>> -> memref<1x1x128xi32, #tpu.memory_space<hbm>>
          %dma_start3A_226 = tpu.memref_squeeze %dma_start3A_225 : memref<1x1x128xi32, #tpu.memory_space<hbm>> -> memref<128xi32, #tpu.memory_space<hbm>>
          %dma_start3A_227 = arith.constant 0 : i32
          %dma_start3A_228 = tpu.memref_slice %arg4[%add3A, %add3A_217, %dma_start3A_227] : memref<32x80x128xi32, #tpu.memory_space<hbm>> -> memref<1x1x128xi32, #tpu.memory_space<hbm>>
          %dma_start3A_229 = tpu.memref_squeeze %dma_start3A_228 : memref<1x1x128xi32, #tpu.memory_space<hbm>> -> memref<128xi32, #tpu.memory_space<hbm>>
          tpu.enqueue_dma source(%dma_start3A_229 : memref<128xi32, #tpu.memory_space<hbm>>) target(%arg14 : memref<128xi32, #tpu.memory_space<vmem>>) target_semaphore(%arg21 : memref<!tpu.dma_semaphore, #tpu.memory_space<semaphore_mem>>)
        } else {
        }
      } else {
      }
      %dma_wait3A_131 = arith.constant 0 : i32
      %dma_wait3A_132 = arith.constant 0 : i32
      %dma_wait3A_133 = tpu.memref_slice %arg2[%dma_wait3A_131, %dma_wait3A_132] : memref<10000x128xf32, #tpu.memory_space<hbm>> -> memref<10000x128xf32, #tpu.memory_space<hbm>>
      tpu.wait_indirect_dma semaphore(%arg22 : memref<!tpu.dma_semaphore, #tpu.memory_space<semaphore_mem>>) src(%dma_wait3A_133 : memref<10000x128xf32, #tpu.memory_space<hbm>>) dst(%arg15 : memref<128x128xf32, #tpu.memory_space<vmem>>)
      %dma_start3A_134 = arith.constant 0 : i32
      %dma_start3A_135 = arith.constant 0 : i32
      %dma_start3A_136 = tpu.memref_slice %arg17[%dma_start3A_134, %dma_start3A_135] : memref<10112x128xf32, #tpu.memory_space<vmem_shared>> -> memref<10112x128xf32, #tpu.memory_space<vmem_shared>>
      tpu.enqueue_indirect_dma source(%arg15 : memref<128x128xf32, #tpu.memory_space<vmem>>) target(%dma_start3A_136 : memref<10112x128xf32, #tpu.memory_space<vmem_shared>>) offsets(%arg11 : memref<128xi32, #tpu.memory_space<vmem>>) semaphore(%arg24 : memref<!tpu.dma_semaphore, #tpu.memory_space<semaphore_mem>>) {add = true}
      %mul3A_137 = arith.constant 4 : i32
      %mul3A_138 = arith.muli %scan3A_122, %mul3A_137 : i32
      %add3A_139 = arith.constant 1 : i32
      %add3A_140 = arith.addi %mul3A_138, %add3A_139 : i32
      %add3A_141 = arith.constant 1 : i32
      %add3A_142 = arith.addi %add3A_140, %add3A_141 : i32
      %lt3A_143 = arith.constant 80 : i32
      %lt3A_144 = arith.cmpi slt, %add3A_142, %lt3A_143 : i32
      %convert_element_type3A_145 = arith.extui %lt3A_144 : i1 to i32
      %cond3A_146 = arith.constant 0 : i32
      %cond3A_147 = arith.cmpi ne, %convert_element_type3A_145, %cond3A_146 : i32
      scf.if %cond3A_147 {
        %add3A_188 = arith.constant 1 : i32
        %add3A_189 = arith.addi %add3A_140, %add3A_188 : i32
        %dma_wait3A_190 = arith.constant 0 : i32
        %dma_wait3A_191 = tpu.memref_slice %arg3[%add3A, %add3A_189, %dma_wait3A_190] : memref<32x80x128xi32, #tpu.memory_space<hbm>> -> memref<1x1x128xi32, #tpu.memory_space<hbm>>
        %dma_wait3A_192 = tpu.memref_squeeze %dma_wait3A_191 : memref<1x1x128xi32, #tpu.memory_space<hbm>> -> memref<128xi32, #tpu.memory_space<hbm>>
        %dma_wait3A_193 = arith.constant 0 : i32
        %dma_wait3A_194 = tpu.memref_slice %arg3[%add3A, %add3A_189, %dma_wait3A_193] : memref<32x80x128xi32, #tpu.memory_space<hbm>> -> memref<1x1x128xi32, #tpu.memory_space<hbm>>
        %dma_wait3A_195 = tpu.memref_squeeze %dma_wait3A_194 : memref<1x1x128xi32, #tpu.memory_space<hbm>> -> memref<128xi32, #tpu.memory_space<hbm>>
        tpu.wait_dma2 semaphore(%arg20 : memref<!tpu.dma_semaphore, #tpu.memory_space<semaphore_mem>>) src(%dma_wait3A_195 : memref<128xi32, #tpu.memory_space<hbm>>) dst(%arg9 : memref<128xi32, #tpu.memory_space<vmem>>)
        %dma_wait3A_196 = arith.constant 0 : i32
        %dma_wait3A_197 = tpu.memref_slice %arg4[%add3A, %add3A_189, %dma_wait3A_196] : memref<32x80x128xi32, #tpu.memory_space<hbm>> -> memref<1x1x128xi32, #tpu.memory_space<hbm>>
        %dma_wait3A_198 = tpu.memref_squeeze %dma_wait3A_197 : memref<1x1x128xi32, #tpu.memory_space<hbm>> -> memref<128xi32, #tpu.memory_space<hbm>>
        %dma_wait3A_199 = arith.constant 0 : i32
        %dma_wait3A_200 = tpu.memref_slice %arg4[%add3A, %add3A_189, %dma_wait3A_199] : memref<32x80x128xi32, #tpu.memory_space<hbm>> -> memref<1x1x128xi32, #tpu.memory_space<hbm>>
        %dma_wait3A_201 = tpu.memref_squeeze %dma_wait3A_200 : memref<1x1x128xi32, #tpu.memory_space<hbm>> -> memref<128xi32, #tpu.memory_space<hbm>>
        tpu.wait_dma2 semaphore(%arg20 : memref<!tpu.dma_semaphore, #tpu.memory_space<semaphore_mem>>) src(%dma_wait3A_201 : memref<128xi32, #tpu.memory_space<hbm>>) dst(%arg13 : memref<128xi32, #tpu.memory_space<vmem>>)
        %ge3A = arith.constant 1 : i32
        %ge3A_202 = arith.cmpi sge, %add3A_140, %ge3A : i32
        %convert_element_type3A_203 = arith.extui %ge3A_202 : i1 to i32
        %cond3A_204 = arith.constant 0 : i32
        %cond3A_205 = arith.cmpi ne, %convert_element_type3A_203, %cond3A_204 : i32
        scf.if %cond3A_205 {
          %dma_wait3A_216 = arith.constant 0 : i32
          %dma_wait3A_217 = arith.constant 0 : i32
          %dma_wait3A_218 = tpu.memref_slice %arg17[%dma_wait3A_216, %dma_wait3A_217] : memref<10112x128xf32, #tpu.memory_space<vmem_shared>> -> memref<10112x128xf32, #tpu.memory_space<vmem_shared>>
          tpu.wait_indirect_dma semaphore(%arg24 : memref<!tpu.dma_semaphore, #tpu.memory_space<semaphore_mem>>) src(%arg15 : memref<128x128xf32, #tpu.memory_space<vmem>>) dst(%dma_wait3A_218 : memref<10112x128xf32, #tpu.memory_space<vmem_shared>>)
        } else {
        }
        %dma_start3A_206 = arith.constant 0 : i32
        %dma_start3A_207 = arith.constant 0 : i32
        %dma_start3A_208 = tpu.memref_slice %arg2[%dma_start3A_206, %dma_start3A_207] : memref<10000x128xf32, #tpu.memory_space<hbm>> -> memref<10000x128xf32, #tpu.memory_space<hbm>>
        tpu.enqueue_indirect_dma source(%dma_start3A_208 : memref<10000x128xf32, #tpu.memory_space<hbm>>) target(%arg15 : memref<128x128xf32, #tpu.memory_space<vmem>>) offsets(%arg9 : memref<128xi32, #tpu.memory_space<vmem>>) semaphore(%arg22 : memref<!tpu.dma_semaphore, #tpu.memory_space<semaphore_mem>>)
        %add3A_209 = arith.constant 3 : i32
        %add3A_210 = arith.addi %add3A_140, %add3A_209 : i32
        %lt3A_211 = arith.constant 80 : i32
        %lt3A_212 = arith.cmpi slt, %add3A_210, %lt3A_211 : i32
        %convert_element_type3A_213 = arith.extui %lt3A_212 : i1 to i32
        %cond3A_214 = arith.constant 0 : i32
        %cond3A_215 = arith.cmpi ne, %convert_element_type3A_213, %cond3A_214 : i32
        scf.if %cond3A_215 {
          %add3A_216 = arith.constant 3 : i32
          %add3A_217 = arith.addi %add3A_140, %add3A_216 : i32
          %dma_start3A_218 = arith.constant 0 : i32
          %dma_start3A_219 = tpu.memref_slice %arg3[%add3A, %add3A_217, %dma_start3A_218] : memref<32x80x128xi32, #tpu.memory_space<hbm>> -> memref<1x1x128xi32, #tpu.memory_space<hbm>>
          %dma_start3A_220 = tpu.memref_squeeze %dma_start3A_219 : memref<1x1x128xi32, #tpu.memory_space<hbm>> -> memref<128xi32, #tpu.memory_space<hbm>>
          %dma_start3A_221 = arith.constant 0 : i32
          %dma_start3A_222 = tpu.memref_slice %arg3[%add3A, %add3A_217, %dma_start3A_221] : memref<32x80x128xi32, #tpu.memory_space<hbm>> -> memref<1x1x128xi32, #tpu.memory_space<hbm>>
          %dma_start3A_223 = tpu.memref_squeeze %dma_start3A_222 : memref<1x1x128xi32, #tpu.memory_space<hbm>> -> memref<128xi32, #tpu.memory_space<hbm>>
          tpu.enqueue_dma source(%dma_start3A_223 : memref<128xi32, #tpu.memory_space<hbm>>) target(%arg7 : memref<128xi32, #tpu.memory_space<vmem>>) target_semaphore(%arg18 : memref<!tpu.dma_semaphore, #tpu.memory_space<semaphore_mem>>)
          %dma_start3A_224 = arith.constant 0 : i32
          %dma_start3A_225 = tpu.memref_slice %arg4[%add3A, %add3A_217, %dma_start3A_224] : memref<32x80x128xi32, #tpu.memory_space<hbm>> -> memref<1x1x128xi32, #tpu.memory_space<hbm>>
          %dma_start3A_226 = tpu.memref_squeeze %dma_start3A_225 : memref<1x1x128xi32, #tpu.memory_space<hbm>> -> memref<128xi32, #tpu.memory_space<hbm>>
          %dma_start3A_227 = arith.constant 0 : i32
          %dma_start3A_228 = tpu.memref_slice %arg4[%add3A, %add3A_217, %dma_start3A_227] : memref<32x80x128xi32, #tpu.memory_space<hbm>> -> memref<1x1x128xi32, #tpu.memory_space<hbm>>
          %dma_start3A_229 = tpu.memref_squeeze %dma_start3A_228 : memref<1x1x128xi32, #tpu.memory_space<hbm>> -> memref<128xi32, #tpu.memory_space<hbm>>
          tpu.enqueue_dma source(%dma_start3A_229 : memref<128xi32, #tpu.memory_space<hbm>>) target(%arg11 : memref<128xi32, #tpu.memory_space<vmem>>) target_semaphore(%arg18 : memref<!tpu.dma_semaphore, #tpu.memory_space<semaphore_mem>>)
        } else {
        }
      } else {
      }
      %dma_wait3A_148 = arith.constant 0 : i32
      %dma_wait3A_149 = arith.constant 0 : i32
      %dma_wait3A_150 = tpu.memref_slice %arg2[%dma_wait3A_148, %dma_wait3A_149] : memref<10000x128xf32, #tpu.memory_space<hbm>> -> memref<10000x128xf32, #tpu.memory_space<hbm>>
      tpu.wait_indirect_dma semaphore(%arg23 : memref<!tpu.dma_semaphore, #tpu.memory_space<semaphore_mem>>) src(%dma_wait3A_150 : memref<10000x128xf32, #tpu.memory_space<hbm>>) dst(%arg16 : memref<128x128xf32, #tpu.memory_space<vmem>>)
      %dma_start3A_151 = arith.constant 0 : i32
      %dma_start3A_152 = arith.constant 0 : i32
      %dma_start3A_153 = tpu.memref_slice %arg17[%dma_start3A_151, %dma_start3A_152] : memref<10112x128xf32, #tpu.memory_space<vmem_shared>> -> memref<10112x128xf32, #tpu.memory_space<vmem_shared>>
      tpu.enqueue_indirect_dma source(%arg16 : memref<128x128xf32, #tpu.memory_space<vmem>>) target(%dma_start3A_153 : memref<10112x128xf32, #tpu.memory_space<vmem_shared>>) offsets(%arg12 : memref<128xi32, #tpu.memory_space<vmem>>) semaphore(%arg25 : memref<!tpu.dma_semaphore, #tpu.memory_space<semaphore_mem>>) {add = true}
      %mul3A_154 = arith.constant 4 : i32
      %mul3A_155 = arith.muli %scan3A_122, %mul3A_154 : i32
      %add3A_156 = arith.constant 2 : i32
      %add3A_157 = arith.addi %mul3A_155, %add3A_156 : i32
      %add3A_158 = arith.constant 1 : i32
      %add3A_159 = arith.addi %add3A_157, %add3A_158 : i32
      %lt3A_160 = arith.constant 80 : i32
      %lt3A_161 = arith.cmpi slt, %add3A_159, %lt3A_160 : i32
      %convert_element_type3A_162 = arith.extui %lt3A_161 : i1 to i32
      %cond3A_163 = arith.constant 0 : i32
      %cond3A_164 = arith.cmpi ne, %convert_element_type3A_162, %cond3A_163 : i32
      scf.if %cond3A_164 {
        %add3A_188 = arith.constant 1 : i32
        %add3A_189 = arith.addi %add3A_157, %add3A_188 : i32
        %dma_wait3A_190 = arith.constant 0 : i32
        %dma_wait3A_191 = tpu.memref_slice %arg3[%add3A, %add3A_189, %dma_wait3A_190] : memref<32x80x128xi32, #tpu.memory_space<hbm>> -> memref<1x1x128xi32, #tpu.memory_space<hbm>>
        %dma_wait3A_192 = tpu.memref_squeeze %dma_wait3A_191 : memref<1x1x128xi32, #tpu.memory_space<hbm>> -> memref<128xi32, #tpu.memory_space<hbm>>
        %dma_wait3A_193 = arith.constant 0 : i32
        %dma_wait3A_194 = tpu.memref_slice %arg3[%add3A, %add3A_189, %dma_wait3A_193] : memref<32x80x128xi32, #tpu.memory_space<hbm>> -> memref<1x1x128xi32, #tpu.memory_space<hbm>>
        %dma_wait3A_195 = tpu.memref_squeeze %dma_wait3A_194 : memref<1x1x128xi32, #tpu.memory_space<hbm>> -> memref<128xi32, #tpu.memory_space<hbm>>
        tpu.wait_dma2 semaphore(%arg21 : memref<!tpu.dma_semaphore, #tpu.memory_space<semaphore_mem>>) src(%dma_wait3A_195 : memref<128xi32, #tpu.memory_space<hbm>>) dst(%arg10 : memref<128xi32, #tpu.memory_space<vmem>>)
        %dma_wait3A_196 = arith.constant 0 : i32
        %dma_wait3A_197 = tpu.memref_slice %arg4[%add3A, %add3A_189, %dma_wait3A_196] : memref<32x80x128xi32, #tpu.memory_space<hbm>> -> memref<1x1x128xi32, #tpu.memory_space<hbm>>
        %dma_wait3A_198 = tpu.memref_squeeze %dma_wait3A_197 : memref<1x1x128xi32, #tpu.memory_space<hbm>> -> memref<128xi32, #tpu.memory_space<hbm>>
        %dma_wait3A_199 = arith.constant 0 : i32
        %dma_wait3A_200 = tpu.memref_slice %arg4[%add3A, %add3A_189, %dma_wait3A_199] : memref<32x80x128xi32, #tpu.memory_space<hbm>> -> memref<1x1x128xi32, #tpu.memory_space<hbm>>
        %dma_wait3A_201 = tpu.memref_squeeze %dma_wait3A_200 : memref<1x1x128xi32, #tpu.memory_space<hbm>> -> memref<128xi32, #tpu.memory_space<hbm>>
        tpu.wait_dma2 semaphore(%arg21 : memref<!tpu.dma_semaphore, #tpu.memory_space<semaphore_mem>>) src(%dma_wait3A_201 : memref<128xi32, #tpu.memory_space<hbm>>) dst(%arg14 : memref<128xi32, #tpu.memory_space<vmem>>)
        %ge3A = arith.constant 1 : i32
        %ge3A_202 = arith.cmpi sge, %add3A_157, %ge3A : i32
        %convert_element_type3A_203 = arith.extui %ge3A_202 : i1 to i32
        %cond3A_204 = arith.constant 0 : i32
        %cond3A_205 = arith.cmpi ne, %convert_element_type3A_203, %cond3A_204 : i32
        scf.if %cond3A_205 {
          %dma_wait3A_216 = arith.constant 0 : i32
          %dma_wait3A_217 = arith.constant 0 : i32
          %dma_wait3A_218 = tpu.memref_slice %arg17[%dma_wait3A_216, %dma_wait3A_217] : memref<10112x128xf32, #tpu.memory_space<vmem_shared>> -> memref<10112x128xf32, #tpu.memory_space<vmem_shared>>
          tpu.wait_indirect_dma semaphore(%arg25 : memref<!tpu.dma_semaphore, #tpu.memory_space<semaphore_mem>>) src(%arg16 : memref<128x128xf32, #tpu.memory_space<vmem>>) dst(%dma_wait3A_218 : memref<10112x128xf32, #tpu.memory_space<vmem_shared>>)
        } else {
        }
        %dma_start3A_206 = arith.constant 0 : i32
        %dma_start3A_207 = arith.constant 0 : i32
        %dma_start3A_208 = tpu.memref_slice %arg2[%dma_start3A_206, %dma_start3A_207] : memref<10000x128xf32, #tpu.memory_space<hbm>> -> memref<10000x128xf32, #tpu.memory_space<hbm>>
        tpu.enqueue_indirect_dma source(%dma_start3A_208 : memref<10000x128xf32, #tpu.memory_space<hbm>>) target(%arg16 : memref<128x128xf32, #tpu.memory_space<vmem>>) offsets(%arg10 : memref<128xi32, #tpu.memory_space<vmem>>) semaphore(%arg23 : memref<!tpu.dma_semaphore, #tpu.memory_space<semaphore_mem>>)
        %add3A_209 = arith.constant 3 : i32
        %add3A_210 = arith.addi %add3A_157, %add3A_209 : i32
        %lt3A_211 = arith.constant 80 : i32
        %lt3A_212 = arith.cmpi slt, %add3A_210, %lt3A_211 : i32
        %convert_element_type3A_213 = arith.extui %lt3A_212 : i1 to i32
        %cond3A_214 = arith.constant 0 : i32
        %cond3A_215 = arith.cmpi ne, %convert_element_type3A_213, %cond3A_214 : i32
        scf.if %cond3A_215 {
          %add3A_216 = arith.constant 3 : i32
          %add3A_217 = arith.addi %add3A_157, %add3A_216 : i32
          %dma_start3A_218 = arith.constant 0 : i32
          %dma_start3A_219 = tpu.memref_slice %arg3[%add3A, %add3A_217, %dma_start3A_218] : memref<32x80x128xi32, #tpu.memory_space<hbm>> -> memref<1x1x128xi32, #tpu.memory_space<hbm>>
          %dma_start3A_220 = tpu.memref_squeeze %dma_start3A_219 : memref<1x1x128xi32, #tpu.memory_space<hbm>> -> memref<128xi32, #tpu.memory_space<hbm>>
          %dma_start3A_221 = arith.constant 0 : i32
          %dma_start3A_222 = tpu.memref_slice %arg3[%add3A, %add3A_217, %dma_start3A_221] : memref<32x80x128xi32, #tpu.memory_space<hbm>> -> memref<1x1x128xi32, #tpu.memory_space<hbm>>
          %dma_start3A_223 = tpu.memref_squeeze %dma_start3A_222 : memref<1x1x128xi32, #tpu.memory_space<hbm>> -> memref<128xi32, #tpu.memory_space<hbm>>
          tpu.enqueue_dma source(%dma_start3A_223 : memref<128xi32, #tpu.memory_space<hbm>>) target(%arg8 : memref<128xi32, #tpu.memory_space<vmem>>) target_semaphore(%arg19 : memref<!tpu.dma_semaphore, #tpu.memory_space<semaphore_mem>>)
          %dma_start3A_224 = arith.constant 0 : i32
          %dma_start3A_225 = tpu.memref_slice %arg4[%add3A, %add3A_217, %dma_start3A_224] : memref<32x80x128xi32, #tpu.memory_space<hbm>> -> memref<1x1x128xi32, #tpu.memory_space<hbm>>
          %dma_start3A_226 = tpu.memref_squeeze %dma_start3A_225 : memref<1x1x128xi32, #tpu.memory_space<hbm>> -> memref<128xi32, #tpu.memory_space<hbm>>
          %dma_start3A_227 = arith.constant 0 : i32
          %dma_start3A_228 = tpu.memref_slice %arg4[%add3A, %add3A_217, %dma_start3A_227] : memref<32x80x128xi32, #tpu.memory_space<hbm>> -> memref<1x1x128xi32, #tpu.memory_space<hbm>>
          %dma_start3A_229 = tpu.memref_squeeze %dma_start3A_228 : memref<1x1x128xi32, #tpu.memory_space<hbm>> -> memref<128xi32, #tpu.memory_space<hbm>>
          tpu.enqueue_dma source(%dma_start3A_229 : memref<128xi32, #tpu.memory_space<hbm>>) target(%arg12 : memref<128xi32, #tpu.memory_space<vmem>>) target_semaphore(%arg19 : memref<!tpu.dma_semaphore, #tpu.memory_space<semaphore_mem>>)
        } else {
        }
      } else {
      }
      %dma_wait3A_165 = arith.constant 0 : i32
      %dma_wait3A_166 = arith.constant 0 : i32
      %dma_wait3A_167 = tpu.memref_slice %arg2[%dma_wait3A_165, %dma_wait3A_166] : memref<10000x128xf32, #tpu.memory_space<hbm>> -> memref<10000x128xf32, #tpu.memory_space<hbm>>
      tpu.wait_indirect_dma semaphore(%arg22 : memref<!tpu.dma_semaphore, #tpu.memory_space<semaphore_mem>>) src(%dma_wait3A_167 : memref<10000x128xf32, #tpu.memory_space<hbm>>) dst(%arg15 : memref<128x128xf32, #tpu.memory_space<vmem>>)
      %dma_start3A_168 = arith.constant 0 : i32
      %dma_start3A_169 = arith.constant 0 : i32
      %dma_start3A_170 = tpu.memref_slice %arg17[%dma_start3A_168, %dma_start3A_169] : memref<10112x128xf32, #tpu.memory_space<vmem_shared>> -> memref<10112x128xf32, #tpu.memory_space<vmem_shared>>
      tpu.enqueue_indirect_dma source(%arg15 : memref<128x128xf32, #tpu.memory_space<vmem>>) target(%dma_start3A_170 : memref<10112x128xf32, #tpu.memory_space<vmem_shared>>) offsets(%arg13 : memref<128xi32, #tpu.memory_space<vmem>>) semaphore(%arg24 : memref<!tpu.dma_semaphore, #tpu.memory_space<semaphore_mem>>) {add = true}
      %mul3A_171 = arith.constant 4 : i32
      %mul3A_172 = arith.muli %scan3A_122, %mul3A_171 : i32
      %add3A_173 = arith.constant 3 : i32
      %add3A_174 = arith.addi %mul3A_172, %add3A_173 : i32
      %add3A_175 = arith.constant 1 : i32
      %add3A_176 = arith.addi %add3A_174, %add3A_175 : i32
      %lt3A_177 = arith.constant 80 : i32
      %lt3A_178 = arith.cmpi slt, %add3A_176, %lt3A_177 : i32
      %convert_element_type3A_179 = arith.extui %lt3A_178 : i1 to i32
      %cond3A_180 = arith.constant 0 : i32
      %cond3A_181 = arith.cmpi ne, %convert_element_type3A_179, %cond3A_180 : i32
      scf.if %cond3A_181 {
        %add3A_188 = arith.constant 1 : i32
        %add3A_189 = arith.addi %add3A_174, %add3A_188 : i32
        %dma_wait3A_190 = arith.constant 0 : i32
        %dma_wait3A_191 = tpu.memref_slice %arg3[%add3A, %add3A_189, %dma_wait3A_190] : memref<32x80x128xi32, #tpu.memory_space<hbm>> -> memref<1x1x128xi32, #tpu.memory_space<hbm>>
        %dma_wait3A_192 = tpu.memref_squeeze %dma_wait3A_191 : memref<1x1x128xi32, #tpu.memory_space<hbm>> -> memref<128xi32, #tpu.memory_space<hbm>>
        %dma_wait3A_193 = arith.constant 0 : i32
        %dma_wait3A_194 = tpu.memref_slice %arg3[%add3A, %add3A_189, %dma_wait3A_193] : memref<32x80x128xi32, #tpu.memory_space<hbm>> -> memref<1x1x128xi32, #tpu.memory_space<hbm>>
        %dma_wait3A_195 = tpu.memref_squeeze %dma_wait3A_194 : memref<1x1x128xi32, #tpu.memory_space<hbm>> -> memref<128xi32, #tpu.memory_space<hbm>>
        tpu.wait_dma2 semaphore(%arg18 : memref<!tpu.dma_semaphore, #tpu.memory_space<semaphore_mem>>) src(%dma_wait3A_195 : memref<128xi32, #tpu.memory_space<hbm>>) dst(%arg7 : memref<128xi32, #tpu.memory_space<vmem>>)
        %dma_wait3A_196 = arith.constant 0 : i32
        %dma_wait3A_197 = tpu.memref_slice %arg4[%add3A, %add3A_189, %dma_wait3A_196] : memref<32x80x128xi32, #tpu.memory_space<hbm>> -> memref<1x1x128xi32, #tpu.memory_space<hbm>>
        %dma_wait3A_198 = tpu.memref_squeeze %dma_wait3A_197 : memref<1x1x128xi32, #tpu.memory_space<hbm>> -> memref<128xi32, #tpu.memory_space<hbm>>
        %dma_wait3A_199 = arith.constant 0 : i32
        %dma_wait3A_200 = tpu.memref_slice %arg4[%add3A, %add3A_189, %dma_wait3A_199] : memref<32x80x128xi32, #tpu.memory_space<hbm>> -> memref<1x1x128xi32, #tpu.memory_space<hbm>>
        %dma_wait3A_201 = tpu.memref_squeeze %dma_wait3A_200 : memref<1x1x128xi32, #tpu.memory_space<hbm>> -> memref<128xi32, #tpu.memory_space<hbm>>
        tpu.wait_dma2 semaphore(%arg18 : memref<!tpu.dma_semaphore, #tpu.memory_space<semaphore_mem>>) src(%dma_wait3A_201 : memref<128xi32, #tpu.memory_space<hbm>>) dst(%arg11 : memref<128xi32, #tpu.memory_space<vmem>>)
        %ge3A = arith.constant 1 : i32
        %ge3A_202 = arith.cmpi sge, %add3A_174, %ge3A : i32
        %convert_element_type3A_203 = arith.extui %ge3A_202 : i1 to i32
        %cond3A_204 = arith.constant 0 : i32
        %cond3A_205 = arith.cmpi ne, %convert_element_type3A_203, %cond3A_204 : i32
        scf.if %cond3A_205 {
          %dma_wait3A_216 = arith.constant 0 : i32
          %dma_wait3A_217 = arith.constant 0 : i32
          %dma_wait3A_218 = tpu.memref_slice %arg17[%dma_wait3A_216, %dma_wait3A_217] : memref<10112x128xf32, #tpu.memory_space<vmem_shared>> -> memref<10112x128xf32, #tpu.memory_space<vmem_shared>>
          tpu.wait_indirect_dma semaphore(%arg24 : memref<!tpu.dma_semaphore, #tpu.memory_space<semaphore_mem>>) src(%arg15 : memref<128x128xf32, #tpu.memory_space<vmem>>) dst(%dma_wait3A_218 : memref<10112x128xf32, #tpu.memory_space<vmem_shared>>)
        } else {
        }
        %dma_start3A_206 = arith.constant 0 : i32
        %dma_start3A_207 = arith.constant 0 : i32
        %dma_start3A_208 = tpu.memref_slice %arg2[%dma_start3A_206, %dma_start3A_207] : memref<10000x128xf32, #tpu.memory_space<hbm>> -> memref<10000x128xf32, #tpu.memory_space<hbm>>
        tpu.enqueue_indirect_dma source(%dma_start3A_208 : memref<10000x128xf32, #tpu.memory_space<hbm>>) target(%arg15 : memref<128x128xf32, #tpu.memory_space<vmem>>) offsets(%arg7 : memref<128xi32, #tpu.memory_space<vmem>>) semaphore(%arg22 : memref<!tpu.dma_semaphore, #tpu.memory_space<semaphore_mem>>)
        %add3A_209 = arith.constant 3 : i32
        %add3A_210 = arith.addi %add3A_174, %add3A_209 : i32
        %lt3A_211 = arith.constant 80 : i32
        %lt3A_212 = arith.cmpi slt, %add3A_210, %lt3A_211 : i32
        %convert_element_type3A_213 = arith.extui %lt3A_212 : i1 to i32
        %cond3A_214 = arith.constant 0 : i32
        %cond3A_215 = arith.cmpi ne, %convert_element_type3A_213, %cond3A_214 : i32
        scf.if %cond3A_215 {
          %add3A_216 = arith.constant 3 : i32
          %add3A_217 = arith.addi %add3A_174, %add3A_216 : i32
          %dma_start3A_218 = arith.constant 0 : i32
          %dma_start3A_219 = tpu.memref_slice %arg3[%add3A, %add3A_217, %dma_start3A_218] : memref<32x80x128xi32, #tpu.memory_space<hbm>> -> memref<1x1x128xi32, #tpu.memory_space<hbm>>
          %dma_start3A_220 = tpu.memref_squeeze %dma_start3A_219 : memref<1x1x128xi32, #tpu.memory_space<hbm>> -> memref<128xi32, #tpu.memory_space<hbm>>
          %dma_start3A_221 = arith.constant 0 : i32
          %dma_start3A_222 = tpu.memref_slice %arg3[%add3A, %add3A_217, %dma_start3A_221] : memref<32x80x128xi32, #tpu.memory_space<hbm>> -> memref<1x1x128xi32, #tpu.memory_space<hbm>>
          %dma_start3A_223 = tpu.memref_squeeze %dma_start3A_222 : memref<1x1x128xi32, #tpu.memory_space<hbm>> -> memref<128xi32, #tpu.memory_space<hbm>>
          tpu.enqueue_dma source(%dma_start3A_223 : memref<128xi32, #tpu.memory_space<hbm>>) target(%arg9 : memref<128xi32, #tpu.memory_space<vmem>>) target_semaphore(%arg20 : memref<!tpu.dma_semaphore, #tpu.memory_space<semaphore_mem>>)
          %dma_start3A_224 = arith.constant 0 : i32
          %dma_start3A_225 = tpu.memref_slice %arg4[%add3A, %add3A_217, %dma_start3A_224] : memref<32x80x128xi32, #tpu.memory_space<hbm>> -> memref<1x1x128xi32, #tpu.memory_space<hbm>>
          %dma_start3A_226 = tpu.memref_squeeze %dma_start3A_225 : memref<1x1x128xi32, #tpu.memory_space<hbm>> -> memref<128xi32, #tpu.memory_space<hbm>>
          %dma_start3A_227 = arith.constant 0 : i32
          %dma_start3A_228 = tpu.memref_slice %arg4[%add3A, %add3A_217, %dma_start3A_227] : memref<32x80x128xi32, #tpu.memory_space<hbm>> -> memref<1x1x128xi32, #tpu.memory_space<hbm>>
          %dma_start3A_229 = tpu.memref_squeeze %dma_start3A_228 : memref<1x1x128xi32, #tpu.memory_space<hbm>> -> memref<128xi32, #tpu.memory_space<hbm>>
          tpu.enqueue_dma source(%dma_start3A_229 : memref<128xi32, #tpu.memory_space<hbm>>) target(%arg13 : memref<128xi32, #tpu.memory_space<vmem>>) target_semaphore(%arg20 : memref<!tpu.dma_semaphore, #tpu.memory_space<semaphore_mem>>)
        } else {
        }
      } else {
      }
      %dma_wait3A_182 = arith.constant 0 : i32
      %dma_wait3A_183 = arith.constant 0 : i32
      %dma_wait3A_184 = tpu.memref_slice %arg2[%dma_wait3A_182, %dma_wait3A_183] : memref<10000x128xf32, #tpu.memory_space<hbm>> -> memref<10000x128xf32, #tpu.memory_space<hbm>>
      tpu.wait_indirect_dma semaphore(%arg23 : memref<!tpu.dma_semaphore, #tpu.memory_space<semaphore_mem>>) src(%dma_wait3A_184 : memref<10000x128xf32, #tpu.memory_space<hbm>>) dst(%arg16 : memref<128x128xf32, #tpu.memory_space<vmem>>)
      %dma_start3A_185 = arith.constant 0 : i32
      %dma_start3A_186 = arith.constant 0 : i32
      %dma_start3A_187 = tpu.memref_slice %arg17[%dma_start3A_185, %dma_start3A_186] : memref<10112x128xf32, #tpu.memory_space<vmem_shared>> -> memref<10112x128xf32, #tpu.memory_space<vmem_shared>>
      tpu.enqueue_indirect_dma source(%arg16 : memref<128x128xf32, #tpu.memory_space<vmem>>) target(%dma_start3A_187 : memref<10112x128xf32, #tpu.memory_space<vmem_shared>>) offsets(%arg14 : memref<128xi32, #tpu.memory_space<vmem>>) semaphore(%arg25 : memref<!tpu.dma_semaphore, #tpu.memory_space<semaphore_mem>>) {add = true}
    }
    %scan3A_74 = arith.constant 20 : i32
    %dma_wait3A_75 = arith.constant 0 : i32
    %dma_wait3A_76 = arith.constant 0 : i32
    %dma_wait3A_77 = tpu.memref_slice %arg17[%dma_wait3A_75, %dma_wait3A_76] : memref<10112x128xf32, #tpu.memory_space<vmem_shared>> -> memref<10112x128xf32, #tpu.memory_space<vmem_shared>>
    tpu.wait_indirect_dma semaphore(%arg24 : memref<!tpu.dma_semaphore, #tpu.memory_space<semaphore_mem>>) src(%arg15 : memref<128x128xf32, #tpu.memory_space<vmem>>) dst(%dma_wait3A_77 : memref<10112x128xf32, #tpu.memory_space<vmem_shared>>)
    %dma_wait3A_78 = arith.constant 0 : i32
    %dma_wait3A_79 = arith.constant 0 : i32
    %dma_wait3A_80 = tpu.memref_slice %arg17[%dma_wait3A_78, %dma_wait3A_79] : memref<10112x128xf32, #tpu.memory_space<vmem_shared>> -> memref<10112x128xf32, #tpu.memory_space<vmem_shared>>
    tpu.wait_indirect_dma semaphore(%arg25 : memref<!tpu.dma_semaphore, #tpu.memory_space<semaphore_mem>>) src(%arg16 : memref<128x128xf32, #tpu.memory_space<vmem>>) dst(%dma_wait3A_80 : memref<10112x128xf32, #tpu.memory_space<vmem_shared>>)
    %barrier3A_81 = arith.constant 0 : index
    tpu.barrier barrier_id(%barrier3A_81)
    %mul3A_82 = arith.constant 632 : i32
    %mul3A_83 = arith.muli %arg1, %mul3A_82 : i32
    %add3A_84 = arith.constant 0 : i32
    %add3A_85 = arith.addi %mul3A_83, %add3A_84 : i32
    "tpu.region"() ({
      %run_scoped3A = tpu.sem_alloc : memref<!tpu.dma_semaphore, #tpu.memory_space<semaphore_mem>>
      %dma_start3A_122 = arith.constant 0 : i32
      %dma_start3A_123 = arith.constant 0 : i32
      %dma_start3A_124 = tpu.memref_slice %arg15[%dma_start3A_122, %dma_start3A_123] : memref<128x128xf32, #tpu.memory_space<vmem>> -> memref<128x128xf32, #tpu.memory_space<vmem>>
      %dma_start3A_125 = arith.constant 0 : i32
      %dma_start3A_126 = tpu.memref_slice %arg17[%add3A_85, %dma_start3A_125] : memref<10112x128xf32, #tpu.memory_space<vmem_shared>> -> memref<128x128xf32, #tpu.memory_space<vmem_shared>>
      %dma_start3A_127 = arith.constant 0 : i32
      %dma_start3A_128 = arith.constant 0 : i32
      %dma_start3A_129 = tpu.memref_slice %arg15[%dma_start3A_127, %dma_start3A_128] : memref<128x128xf32, #tpu.memory_space<vmem>> -> memref<128x128xf32, #tpu.memory_space<vmem>>
      %dma_start3A_130 = arith.constant 0 : i32
      %dma_start3A_131 = tpu.memref_slice %arg17[%add3A_85, %dma_start3A_130] : memref<10112x128xf32, #tpu.memory_space<vmem_shared>> -> memref<128x128xf32, #tpu.memory_space<vmem_shared>>
      tpu.enqueue_dma source(%dma_start3A_131 : memref<128x128xf32, #tpu.memory_space<vmem_shared>>) target(%dma_start3A_129 : memref<128x128xf32, #tpu.memory_space<vmem>>) target_semaphore(%run_scoped3A : memref<!tpu.dma_semaphore, #tpu.memory_space<semaphore_mem>>)
      %dma_wait3A_132 = arith.constant 0 : i32
      %dma_wait3A_133 = arith.constant 0 : i32
      %dma_wait3A_134 = tpu.memref_slice %arg15[%dma_wait3A_132, %dma_wait3A_133] : memref<128x128xf32, #tpu.memory_space<vmem>> -> memref<128x128xf32, #tpu.memory_space<vmem>>
      %dma_wait3A_135 = arith.constant 0 : i32
      %dma_wait3A_136 = tpu.memref_slice %arg17[%add3A_85, %dma_wait3A_135] : memref<10112x128xf32, #tpu.memory_space<vmem_shared>> -> memref<128x128xf32, #tpu.memory_space<vmem_shared>>
      %dma_wait3A_137 = arith.constant 0 : i32
      %dma_wait3A_138 = arith.constant 0 : i32
      %dma_wait3A_139 = tpu.memref_slice %arg15[%dma_wait3A_137, %dma_wait3A_138] : memref<128x128xf32, #tpu.memory_space<vmem>> -> memref<128x128xf32, #tpu.memory_space<vmem>>
      %dma_wait3A_140 = arith.constant 0 : i32
      %dma_wait3A_141 = tpu.memref_slice %arg17[%add3A_85, %dma_wait3A_140] : memref<10112x128xf32, #tpu.memory_space<vmem_shared>> -> memref<128x128xf32, #tpu.memory_space<vmem_shared>>
      tpu.wait_dma2 semaphore(%run_scoped3A : memref<!tpu.dma_semaphore, #tpu.memory_space<semaphore_mem>>) src(%dma_wait3A_141 : memref<128x128xf32, #tpu.memory_space<vmem_shared>>) dst(%dma_wait3A_139 : memref<128x128xf32, #tpu.memory_space<vmem>>)
      tpu.yield
    }) : () -> ()
    %mul3A_86 = arith.constant 632 : i32
    %mul3A_87 = arith.muli %arg1, %mul3A_86 : i32
    %add3A_88 = arith.constant 0 : i32
    %add3A_89 = arith.addi %mul3A_87, %add3A_88 : i32
    "tpu.region"() ({
      %run_scoped3A = tpu.sem_alloc : memref<!tpu.dma_semaphore, #tpu.memory_space<semaphore_mem>>
      %dma_start3A_122 = arith.constant 0 : i32
      %dma_start3A_123 = arith.constant 0 : i32
      %dma_start3A_124 = tpu.memref_slice %arg15[%dma_start3A_122, %dma_start3A_123] : memref<128x128xf32, #tpu.memory_space<vmem>> -> memref<128x128xf32, #tpu.memory_space<vmem>>
      %dma_start3A_125 = arith.constant 0 : i32
      %dma_start3A_126 = tpu.memref_slice %arg6[%arg0, %add3A_89, %dma_start3A_125] : memref<2x10112x128xf32, #tpu.memory_space<hbm>> -> memref<1x128x128xf32, #tpu.memory_space<hbm>>
      %dma_start3A_127 = tpu.memref_squeeze %dma_start3A_126 : memref<1x128x128xf32, #tpu.memory_space<hbm>> -> memref<128x128xf32, #tpu.memory_space<hbm>>
      %dma_start3A_128 = arith.constant 0 : i32
      %dma_start3A_129 = tpu.memref_slice %arg6[%arg0, %add3A_89, %dma_start3A_128] : memref<2x10112x128xf32, #tpu.memory_space<hbm>> -> memref<1x128x128xf32, #tpu.memory_space<hbm>>
      %dma_start3A_130 = tpu.memref_squeeze %dma_start3A_129 : memref<1x128x128xf32, #tpu.memory_space<hbm>> -> memref<128x128xf32, #tpu.memory_space<hbm>>
      %dma_start3A_131 = arith.constant 0 : i32
      %dma_start3A_132 = arith.constant 0 : i32
      %dma_start3A_133 = tpu.memref_slice %arg15[%dma_start3A_131, %dma_start3A_132] : memref<128x128xf32, #tpu.memory_space<vmem>> -> memref<128x128xf32, #tpu.memory_space<vmem>>
      tpu.enqueue_dma source(%dma_start3A_133 : memref<128x128xf32, #tpu.memory_space<vmem>>) target(%dma_start3A_130 : memref<128x128xf32, #tpu.memory_space<hbm>>) target_semaphore(%run_scoped3A : memref<!tpu.dma_semaphore, #tpu.memory_space<semaphore_mem>>)
      %dma_wait3A_134 = arith.constant 0 : i32
      %dma_wait3A_135 = arith.constant 0 : i32
      %dma_wait3A_136 = tpu.memref_slice %arg15[%dma_wait3A_134, %dma_wait3A_135] : memref<128x128xf32, #tpu.memory_space<vmem>> -> memref<128x128xf32, #tpu.memory_space<vmem>>
      %dma_wait3A_137 = arith.constant 0 : i32
      %dma_wait3A_138 = tpu.memref_slice %arg6[%arg0, %add3A_89, %dma_wait3A_137] : memref<2x10112x128xf32, #tpu.memory_space<hbm>> -> memref<1x128x128xf32, #tpu.memory_space<hbm>>
      %dma_wait3A_139 = tpu.memref_squeeze %dma_wait3A_138 : memref<1x128x128xf32, #tpu.memory_space<hbm>> -> memref<128x128xf32, #tpu.memory_space<hbm>>
      %dma_wait3A_140 = arith.constant 0 : i32
      %dma_wait3A_141 = tpu.memref_slice %arg6[%arg0, %add3A_89, %dma_wait3A_140] : memref<2x10112x128xf32, #tpu.memory_space<hbm>> -> memref<1x128x128xf32, #tpu.memory_space<hbm>>
      %dma_wait3A_142 = tpu.memref_squeeze %dma_wait3A_141 : memref<1x128x128xf32, #tpu.memory_space<hbm>> -> memref<128x128xf32, #tpu.memory_space<hbm>>
      %dma_wait3A_143 = arith.constant 0 : i32
      %dma_wait3A_144 = arith.constant 0 : i32
      %dma_wait3A_145 = tpu.memref_slice %arg15[%dma_wait3A_143, %dma_wait3A_144] : memref<128x128xf32, #tpu.memory_space<vmem>> -> memref<128x128xf32, #tpu.memory_space<vmem>>
      tpu.wait_dma2 semaphore(%run_scoped3A : memref<!tpu.dma_semaphore, #tpu.memory_space<semaphore_mem>>) src(%dma_wait3A_145 : memref<128x128xf32, #tpu.memory_space<vmem>>) dst(%dma_wait3A_142 : memref<128x128xf32, #tpu.memory_space<hbm>>)
      tpu.yield
    }) : () -> ()
    %mul3A_90 = arith.constant 632 : i32
    %mul3A_91 = arith.muli %arg1, %mul3A_90 : i32
    %add3A_92 = arith.constant 128 : i32
    %add3A_93 = arith.addi %mul3A_91, %add3A_92 : i32
    "tpu.region"() ({
      %run_scoped3A = tpu.sem_alloc : memref<!tpu.dma_semaphore, #tpu.memory_space<semaphore_mem>>
      %dma_start3A_122 = arith.constant 0 : i32
      %dma_start3A_123 = arith.constant 0 : i32
      %dma_start3A_124 = tpu.memref_slice %arg16[%dma_start3A_122, %dma_start3A_123] : memref<128x128xf32, #tpu.memory_space<vmem>> -> memref<128x128xf32, #tpu.memory_space<vmem>>
      %dma_start3A_125 = arith.constant 0 : i32
      %dma_start3A_126 = tpu.memref_slice %arg17[%add3A_93, %dma_start3A_125] : memref<10112x128xf32, #tpu.memory_space<vmem_shared>> -> memref<128x128xf32, #tpu.memory_space<vmem_shared>>
      %dma_start3A_127 = arith.constant 0 : i32
      %dma_start3A_128 = arith.constant 0 : i32
      %dma_start3A_129 = tpu.memref_slice %arg16[%dma_start3A_127, %dma_start3A_128] : memref<128x128xf32, #tpu.memory_space<vmem>> -> memref<128x128xf32, #tpu.memory_space<vmem>>
      %dma_start3A_130 = arith.constant 0 : i32
      %dma_start3A_131 = tpu.memref_slice %arg17[%add3A_93, %dma_start3A_130] : memref<10112x128xf32, #tpu.memory_space<vmem_shared>> -> memref<128x128xf32, #tpu.memory_space<vmem_shared>>
      tpu.enqueue_dma source(%dma_start3A_131 : memref<128x128xf32, #tpu.memory_space<vmem_shared>>) target(%dma_start3A_129 : memref<128x128xf32, #tpu.memory_space<vmem>>) target_semaphore(%run_scoped3A : memref<!tpu.dma_semaphore, #tpu.memory_space<semaphore_mem>>)
      %dma_wait3A_132 = arith.constant 0 : i32
      %dma_wait3A_133 = arith.constant 0 : i32
      %dma_wait3A_134 = tpu.memref_slice %arg16[%dma_wait3A_132, %dma_wait3A_133] : memref<128x128xf32, #tpu.memory_space<vmem>> -> memref<128x128xf32, #tpu.memory_space<vmem>>
      %dma_wait3A_135 = arith.constant 0 : i32
      %dma_wait3A_136 = tpu.memref_slice %arg17[%add3A_93, %dma_wait3A_135] : memref<10112x128xf32, #tpu.memory_space<vmem_shared>> -> memref<128x128xf32, #tpu.memory_space<vmem_shared>>
      %dma_wait3A_137 = arith.constant 0 : i32
      %dma_wait3A_138 = arith.constant 0 : i32
      %dma_wait3A_139 = tpu.memref_slice %arg16[%dma_wait3A_137, %dma_wait3A_138] : memref<128x128xf32, #tpu.memory_space<vmem>> -> memref<128x128xf32, #tpu.memory_space<vmem>>
      %dma_wait3A_140 = arith.constant 0 : i32
      %dma_wait3A_141 = tpu.memref_slice %arg17[%add3A_93, %dma_wait3A_140] : memref<10112x128xf32, #tpu.memory_space<vmem_shared>> -> memref<128x128xf32, #tpu.memory_space<vmem_shared>>
      tpu.wait_dma2 semaphore(%run_scoped3A : memref<!tpu.dma_semaphore, #tpu.memory_space<semaphore_mem>>) src(%dma_wait3A_141 : memref<128x128xf32, #tpu.memory_space<vmem_shared>>) dst(%dma_wait3A_139 : memref<128x128xf32, #tpu.memory_space<vmem>>)
      tpu.yield
    }) : () -> ()
    %mul3A_94 = arith.constant 632 : i32
    %mul3A_95 = arith.muli %arg1, %mul3A_94 : i32
    %add3A_96 = arith.constant 128 : i32
    %add3A_97 = arith.addi %mul3A_95, %add3A_96 : i32
    "tpu.region"() ({
      %run_scoped3A = tpu.sem_alloc : memref<!tpu.dma_semaphore, #tpu.memory_space<semaphore_mem>>
      %dma_start3A_122 = arith.constant 0 : i32
      %dma_start3A_123 = arith.constant 0 : i32
      %dma_start3A_124 = tpu.memref_slice %arg16[%dma_start3A_122, %dma_start3A_123] : memref<128x128xf32, #tpu.memory_space<vmem>> -> memref<128x128xf32, #tpu.memory_space<vmem>>
      %dma_start3A_125 = arith.constant 0 : i32
      %dma_start3A_126 = tpu.memref_slice %arg6[%arg0, %add3A_97, %dma_start3A_125] : memref<2x10112x128xf32, #tpu.memory_space<hbm>> -> memref<1x128x128xf32, #tpu.memory_space<hbm>>
      %dma_start3A_127 = tpu.memref_squeeze %dma_start3A_126 : memref<1x128x128xf32, #tpu.memory_space<hbm>> -> memref<128x128xf32, #tpu.memory_space<hbm>>
      %dma_start3A_128 = arith.constant 0 : i32
      %dma_start3A_129 = tpu.memref_slice %arg6[%arg0, %add3A_97, %dma_start3A_128] : memref<2x10112x128xf32, #tpu.memory_space<hbm>> -> memref<1x128x128xf32, #tpu.memory_space<hbm>>
      %dma_start3A_130 = tpu.memref_squeeze %dma_start3A_129 : memref<1x128x128xf32, #tpu.memory_space<hbm>> -> memref<128x128xf32, #tpu.memory_space<hbm>>
      %dma_start3A_131 = arith.constant 0 : i32
      %dma_start3A_132 = arith.constant 0 : i32
      %dma_start3A_133 = tpu.memref_slice %arg16[%dma_start3A_131, %dma_start3A_132] : memref<128x128xf32, #tpu.memory_space<vmem>> -> memref<128x128xf32, #tpu.memory_space<vmem>>
      tpu.enqueue_dma source(%dma_start3A_133 : memref<128x128xf32, #tpu.memory_space<vmem>>) target(%dma_start3A_130 : memref<128x128xf32, #tpu.memory_space<hbm>>) target_semaphore(%run_scoped3A : memref<!tpu.dma_semaphore, #tpu.memory_space<semaphore_mem>>)
      %dma_wait3A_134 = arith.constant 0 : i32
      %dma_wait3A_135 = arith.constant 0 : i32
      %dma_wait3A_136 = tpu.memref_slice %arg16[%dma_wait3A_134, %dma_wait3A_135] : memref<128x128xf32, #tpu.memory_space<vmem>> -> memref<128x128xf32, #tpu.memory_space<vmem>>
      %dma_wait3A_137 = arith.constant 0 : i32
      %dma_wait3A_138 = tpu.memref_slice %arg6[%arg0, %add3A_97, %dma_wait3A_137] : memref<2x10112x128xf32, #tpu.memory_space<hbm>> -> memref<1x128x128xf32, #tpu.memory_space<hbm>>
      %dma_wait3A_139 = tpu.memref_squeeze %dma_wait3A_138 : memref<1x128x128xf32, #tpu.memory_space<hbm>> -> memref<128x128xf32, #tpu.memory_space<hbm>>
      %dma_wait3A_140 = arith.constant 0 : i32
      %dma_wait3A_141 = tpu.memref_slice %arg6[%arg0, %add3A_97, %dma_wait3A_140] : memref<2x10112x128xf32, #tpu.memory_space<hbm>> -> memref<1x128x128xf32, #tpu.memory_space<hbm>>
      %dma_wait3A_142 = tpu.memref_squeeze %dma_wait3A_141 : memref<1x128x128xf32, #tpu.memory_space<hbm>> -> memref<128x128xf32, #tpu.memory_space<hbm>>
      %dma_wait3A_143 = arith.constant 0 : i32
      %dma_wait3A_144 = arith.constant 0 : i32
      %dma_wait3A_145 = tpu.memref_slice %arg16[%dma_wait3A_143, %dma_wait3A_144] : memref<128x128xf32, #tpu.memory_space<vmem>> -> memref<128x128xf32, #tpu.memory_space<vmem>>
      tpu.wait_dma2 semaphore(%run_scoped3A : memref<!tpu.dma_semaphore, #tpu.memory_space<semaphore_mem>>) src(%dma_wait3A_145 : memref<128x128xf32, #tpu.memory_space<vmem>>) dst(%dma_wait3A_142 : memref<128x128xf32, #tpu.memory_space<hbm>>)
      tpu.yield
    }) : () -> ()
    %mul3A_98 = arith.constant 632 : i32
    %mul3A_99 = arith.muli %arg1, %mul3A_98 : i32
    %add3A_100 = arith.constant 256 : i32
    %add3A_101 = arith.addi %mul3A_99, %add3A_100 : i32
    "tpu.region"() ({
      %run_scoped3A = tpu.sem_alloc : memref<!tpu.dma_semaphore, #tpu.memory_space<semaphore_mem>>
      %dma_start3A_122 = arith.constant 0 : i32
      %dma_start3A_123 = arith.constant 0 : i32
      %dma_start3A_124 = tpu.memref_slice %arg15[%dma_start3A_122, %dma_start3A_123] : memref<128x128xf32, #tpu.memory_space<vmem>> -> memref<128x128xf32, #tpu.memory_space<vmem>>
      %dma_start3A_125 = arith.constant 0 : i32
      %dma_start3A_126 = tpu.memref_slice %arg17[%add3A_101, %dma_start3A_125] : memref<10112x128xf32, #tpu.memory_space<vmem_shared>> -> memref<128x128xf32, #tpu.memory_space<vmem_shared>>
      %dma_start3A_127 = arith.constant 0 : i32
      %dma_start3A_128 = arith.constant 0 : i32
      %dma_start3A_129 = tpu.memref_slice %arg15[%dma_start3A_127, %dma_start3A_128] : memref<128x128xf32, #tpu.memory_space<vmem>> -> memref<128x128xf32, #tpu.memory_space<vmem>>
      %dma_start3A_130 = arith.constant 0 : i32
      %dma_start3A_131 = tpu.memref_slice %arg17[%add3A_101, %dma_start3A_130] : memref<10112x128xf32, #tpu.memory_space<vmem_shared>> -> memref<128x128xf32, #tpu.memory_space<vmem_shared>>
      tpu.enqueue_dma source(%dma_start3A_131 : memref<128x128xf32, #tpu.memory_space<vmem_shared>>) target(%dma_start3A_129 : memref<128x128xf32, #tpu.memory_space<vmem>>) target_semaphore(%run_scoped3A : memref<!tpu.dma_semaphore, #tpu.memory_space<semaphore_mem>>)
      %dma_wait3A_132 = arith.constant 0 : i32
      %dma_wait3A_133 = arith.constant 0 : i32
      %dma_wait3A_134 = tpu.memref_slice %arg15[%dma_wait3A_132, %dma_wait3A_133] : memref<128x128xf32, #tpu.memory_space<vmem>> -> memref<128x128xf32, #tpu.memory_space<vmem>>
      %dma_wait3A_135 = arith.constant 0 : i32
      %dma_wait3A_136 = tpu.memref_slice %arg17[%add3A_101, %dma_wait3A_135] : memref<10112x128xf32, #tpu.memory_space<vmem_shared>> -> memref<128x128xf32, #tpu.memory_space<vmem_shared>>
      %dma_wait3A_137 = arith.constant 0 : i32
      %dma_wait3A_138 = arith.constant 0 : i32
      %dma_wait3A_139 = tpu.memref_slice %arg15[%dma_wait3A_137, %dma_wait3A_138] : memref<128x128xf32, #tpu.memory_space<vmem>> -> memref<128x128xf32, #tpu.memory_space<vmem>>
      %dma_wait3A_140 = arith.constant 0 : i32
      %dma_wait3A_141 = tpu.memref_slice %arg17[%add3A_101, %dma_wait3A_140] : memref<10112x128xf32, #tpu.memory_space<vmem_shared>> -> memref<128x128xf32, #tpu.memory_space<vmem_shared>>
      tpu.wait_dma2 semaphore(%run_scoped3A : memref<!tpu.dma_semaphore, #tpu.memory_space<semaphore_mem>>) src(%dma_wait3A_141 : memref<128x128xf32, #tpu.memory_space<vmem_shared>>) dst(%dma_wait3A_139 : memref<128x128xf32, #tpu.memory_space<vmem>>)
      tpu.yield
    }) : () -> ()
    %mul3A_102 = arith.constant 632 : i32
    %mul3A_103 = arith.muli %arg1, %mul3A_102 : i32
    %add3A_104 = arith.constant 256 : i32
    %add3A_105 = arith.addi %mul3A_103, %add3A_104 : i32
    "tpu.region"() ({
      %run_scoped3A = tpu.sem_alloc : memref<!tpu.dma_semaphore, #tpu.memory_space<semaphore_mem>>
      %dma_start3A_122 = arith.constant 0 : i32
      %dma_start3A_123 = arith.constant 0 : i32
      %dma_start3A_124 = tpu.memref_slice %arg15[%dma_start3A_122, %dma_start3A_123] : memref<128x128xf32, #tpu.memory_space<vmem>> -> memref<128x128xf32, #tpu.memory_space<vmem>>
      %dma_start3A_125 = arith.constant 0 : i32
      %dma_start3A_126 = tpu.memref_slice %arg6[%arg0, %add3A_105, %dma_start3A_125] : memref<2x10112x128xf32, #tpu.memory_space<hbm>> -> memref<1x128x128xf32, #tpu.memory_space<hbm>>
      %dma_start3A_127 = tpu.memref_squeeze %dma_start3A_126 : memref<1x128x128xf32, #tpu.memory_space<hbm>> -> memref<128x128xf32, #tpu.memory_space<hbm>>
      %dma_start3A_128 = arith.constant 0 : i32
      %dma_start3A_129 = tpu.memref_slice %arg6[%arg0, %add3A_105, %dma_start3A_128] : memref<2x10112x128xf32, #tpu.memory_space<hbm>> -> memref<1x128x128xf32, #tpu.memory_space<hbm>>
      %dma_start3A_130 = tpu.memref_squeeze %dma_start3A_129 : memref<1x128x128xf32, #tpu.memory_space<hbm>> -> memref<128x128xf32, #tpu.memory_space<hbm>>
      %dma_start3A_131 = arith.constant 0 : i32
      %dma_start3A_132 = arith.constant 0 : i32
      %dma_start3A_133 = tpu.memref_slice %arg15[%dma_start3A_131, %dma_start3A_132] : memref<128x128xf32, #tpu.memory_space<vmem>> -> memref<128x128xf32, #tpu.memory_space<vmem>>
      tpu.enqueue_dma source(%dma_start3A_133 : memref<128x128xf32, #tpu.memory_space<vmem>>) target(%dma_start3A_130 : memref<128x128xf32, #tpu.memory_space<hbm>>) target_semaphore(%run_scoped3A : memref<!tpu.dma_semaphore, #tpu.memory_space<semaphore_mem>>)
      %dma_wait3A_134 = arith.constant 0 : i32
      %dma_wait3A_135 = arith.constant 0 : i32
      %dma_wait3A_136 = tpu.memref_slice %arg15[%dma_wait3A_134, %dma_wait3A_135] : memref<128x128xf32, #tpu.memory_space<vmem>> -> memref<128x128xf32, #tpu.memory_space<vmem>>
      %dma_wait3A_137 = arith.constant 0 : i32
      %dma_wait3A_138 = tpu.memref_slice %arg6[%arg0, %add3A_105, %dma_wait3A_137] : memref<2x10112x128xf32, #tpu.memory_space<hbm>> -> memref<1x128x128xf32, #tpu.memory_space<hbm>>
      %dma_wait3A_139 = tpu.memref_squeeze %dma_wait3A_138 : memref<1x128x128xf32, #tpu.memory_space<hbm>> -> memref<128x128xf32, #tpu.memory_space<hbm>>
      %dma_wait3A_140 = arith.constant 0 : i32
      %dma_wait3A_141 = tpu.memref_slice %arg6[%arg0, %add3A_105, %dma_wait3A_140] : memref<2x10112x128xf32, #tpu.memory_space<hbm>> -> memref<1x128x128xf32, #tpu.memory_space<hbm>>
      %dma_wait3A_142 = tpu.memref_squeeze %dma_wait3A_141 : memref<1x128x128xf32, #tpu.memory_space<hbm>> -> memref<128x128xf32, #tpu.memory_space<hbm>>
      %dma_wait3A_143 = arith.constant 0 : i32
      %dma_wait3A_144 = arith.constant 0 : i32
      %dma_wait3A_145 = tpu.memref_slice %arg15[%dma_wait3A_143, %dma_wait3A_144] : memref<128x128xf32, #tpu.memory_space<vmem>> -> memref<128x128xf32, #tpu.memory_space<vmem>>
      tpu.wait_dma2 semaphore(%run_scoped3A : memref<!tpu.dma_semaphore, #tpu.memory_space<semaphore_mem>>) src(%dma_wait3A_145 : memref<128x128xf32, #tpu.memory_space<vmem>>) dst(%dma_wait3A_142 : memref<128x128xf32, #tpu.memory_space<hbm>>)
      tpu.yield
    }) : () -> ()
    %mul3A_106 = arith.constant 632 : i32
    %mul3A_107 = arith.muli %arg1, %mul3A_106 : i32
    %add3A_108 = arith.constant 384 : i32
    %add3A_109 = arith.addi %mul3A_107, %add3A_108 : i32
    "tpu.region"() ({
      %run_scoped3A = tpu.sem_alloc : memref<!tpu.dma_semaphore, #tpu.memory_space<semaphore_mem>>
      %dma_start3A_122 = arith.constant 0 : i32
      %dma_start3A_123 = arith.constant 0 : i32
      %dma_start3A_124 = tpu.memref_slice %arg16[%dma_start3A_122, %dma_start3A_123] : memref<128x128xf32, #tpu.memory_space<vmem>> -> memref<128x128xf32, #tpu.memory_space<vmem>>
      %dma_start3A_125 = arith.constant 0 : i32
      %dma_start3A_126 = tpu.memref_slice %arg17[%add3A_109, %dma_start3A_125] : memref<10112x128xf32, #tpu.memory_space<vmem_shared>> -> memref<128x128xf32, #tpu.memory_space<vmem_shared>>
      %dma_start3A_127 = arith.constant 0 : i32
      %dma_start3A_128 = arith.constant 0 : i32
      %dma_start3A_129 = tpu.memref_slice %arg16[%dma_start3A_127, %dma_start3A_128] : memref<128x128xf32, #tpu.memory_space<vmem>> -> memref<128x128xf32, #tpu.memory_space<vmem>>
      %dma_start3A_130 = arith.constant 0 : i32
      %dma_start3A_131 = tpu.memref_slice %arg17[%add3A_109, %dma_start3A_130] : memref<10112x128xf32, #tpu.memory_space<vmem_shared>> -> memref<128x128xf32, #tpu.memory_space<vmem_shared>>
      tpu.enqueue_dma source(%dma_start3A_131 : memref<128x128xf32, #tpu.memory_space<vmem_shared>>) target(%dma_start3A_129 : memref<128x128xf32, #tpu.memory_space<vmem>>) target_semaphore(%run_scoped3A : memref<!tpu.dma_semaphore, #tpu.memory_space<semaphore_mem>>)
      %dma_wait3A_132 = arith.constant 0 : i32
      %dma_wait3A_133 = arith.constant 0 : i32
      %dma_wait3A_134 = tpu.memref_slice %arg16[%dma_wait3A_132, %dma_wait3A_133] : memref<128x128xf32, #tpu.memory_space<vmem>> -> memref<128x128xf32, #tpu.memory_space<vmem>>
      %dma_wait3A_135 = arith.constant 0 : i32
      %dma_wait3A_136 = tpu.memref_slice %arg17[%add3A_109, %dma_wait3A_135] : memref<10112x128xf32, #tpu.memory_space<vmem_shared>> -> memref<128x128xf32, #tpu.memory_space<vmem_shared>>
      %dma_wait3A_137 = arith.constant 0 : i32
      %dma_wait3A_138 = arith.constant 0 : i32
      %dma_wait3A_139 = tpu.memref_slice %arg16[%dma_wait3A_137, %dma_wait3A_138] : memref<128x128xf32, #tpu.memory_space<vmem>> -> memref<128x128xf32, #tpu.memory_space<vmem>>
      %dma_wait3A_140 = arith.constant 0 : i32
      %dma_wait3A_141 = tpu.memref_slice %arg17[%add3A_109, %dma_wait3A_140] : memref<10112x128xf32, #tpu.memory_space<vmem_shared>> -> memref<128x128xf32, #tpu.memory_space<vmem_shared>>
      tpu.wait_dma2 semaphore(%run_scoped3A : memref<!tpu.dma_semaphore, #tpu.memory_space<semaphore_mem>>) src(%dma_wait3A_141 : memref<128x128xf32, #tpu.memory_space<vmem_shared>>) dst(%dma_wait3A_139 : memref<128x128xf32, #tpu.memory_space<vmem>>)
      tpu.yield
    }) : () -> ()
    %mul3A_110 = arith.constant 632 : i32
    %mul3A_111 = arith.muli %arg1, %mul3A_110 : i32
    %add3A_112 = arith.constant 384 : i32
    %add3A_113 = arith.addi %mul3A_111, %add3A_112 : i32
    "tpu.region"() ({
      %run_scoped3A = tpu.sem_alloc : memref<!tpu.dma_semaphore, #tpu.memory_space<semaphore_mem>>
      %dma_start3A_122 = arith.constant 0 : i32
      %dma_start3A_123 = arith.constant 0 : i32
      %dma_start3A_124 = tpu.memref_slice %arg16[%dma_start3A_122, %dma_start3A_123] : memref<128x128xf32, #tpu.memory_space<vmem>> -> memref<128x128xf32, #tpu.memory_space<vmem>>
      %dma_start3A_125 = arith.constant 0 : i32
      %dma_start3A_126 = tpu.memref_slice %arg6[%arg0, %add3A_113, %dma_start3A_125] : memref<2x10112x128xf32, #tpu.memory_space<hbm>> -> memref<1x128x128xf32, #tpu.memory_space<hbm>>
      %dma_start3A_127 = tpu.memref_squeeze %dma_start3A_126 : memref<1x128x128xf32, #tpu.memory_space<hbm>> -> memref<128x128xf32, #tpu.memory_space<hbm>>
      %dma_start3A_128 = arith.constant 0 : i32
      %dma_start3A_129 = tpu.memref_slice %arg6[%arg0, %add3A_113, %dma_start3A_128] : memref<2x10112x128xf32, #tpu.memory_space<hbm>> -> memref<1x128x128xf32, #tpu.memory_space<hbm>>
      %dma_start3A_130 = tpu.memref_squeeze %dma_start3A_129 : memref<1x128x128xf32, #tpu.memory_space<hbm>> -> memref<128x128xf32, #tpu.memory_space<hbm>>
      %dma_start3A_131 = arith.constant 0 : i32
      %dma_start3A_132 = arith.constant 0 : i32
      %dma_start3A_133 = tpu.memref_slice %arg16[%dma_start3A_131, %dma_start3A_132] : memref<128x128xf32, #tpu.memory_space<vmem>> -> memref<128x128xf32, #tpu.memory_space<vmem>>
      tpu.enqueue_dma source(%dma_start3A_133 : memref<128x128xf32, #tpu.memory_space<vmem>>) target(%dma_start3A_130 : memref<128x128xf32, #tpu.memory_space<hbm>>) target_semaphore(%run_scoped3A : memref<!tpu.dma_semaphore, #tpu.memory_space<semaphore_mem>>)
      %dma_wait3A_134 = arith.constant 0 : i32
      %dma_wait3A_135 = arith.constant 0 : i32
      %dma_wait3A_136 = tpu.memref_slice %arg16[%dma_wait3A_134, %dma_wait3A_135] : memref<128x128xf32, #tpu.memory_space<vmem>> -> memref<128x128xf32, #tpu.memory_space<vmem>>
      %dma_wait3A_137 = arith.constant 0 : i32
      %dma_wait3A_138 = tpu.memref_slice %arg6[%arg0, %add3A_113, %dma_wait3A_137] : memref<2x10112x128xf32, #tpu.memory_space<hbm>> -> memref<1x128x128xf32, #tpu.memory_space<hbm>>
      %dma_wait3A_139 = tpu.memref_squeeze %dma_wait3A_138 : memref<1x128x128xf32, #tpu.memory_space<hbm>> -> memref<128x128xf32, #tpu.memory_space<hbm>>
      %dma_wait3A_140 = arith.constant 0 : i32
      %dma_wait3A_141 = tpu.memref_slice %arg6[%arg0, %add3A_113, %dma_wait3A_140] : memref<2x10112x128xf32, #tpu.memory_space<hbm>> -> memref<1x128x128xf32, #tpu.memory_space<hbm>>
      %dma_wait3A_142 = tpu.memref_squeeze %dma_wait3A_141 : memref<1x128x128xf32, #tpu.memory_space<hbm>> -> memref<128x128xf32, #tpu.memory_space<hbm>>
      %dma_wait3A_143 = arith.constant 0 : i32
      %dma_wait3A_144 = arith.constant 0 : i32
      %dma_wait3A_145 = tpu.memref_slice %arg16[%dma_wait3A_143, %dma_wait3A_144] : memref<128x128xf32, #tpu.memory_space<vmem>> -> memref<128x128xf32, #tpu.memory_space<vmem>>
      tpu.wait_dma2 semaphore(%run_scoped3A : memref<!tpu.dma_semaphore, #tpu.memory_space<semaphore_mem>>) src(%dma_wait3A_145 : memref<128x128xf32, #tpu.memory_space<vmem>>) dst(%dma_wait3A_142 : memref<128x128xf32, #tpu.memory_space<hbm>>)
      tpu.yield
    }) : () -> ()
    %mul3A_114 = arith.constant 632 : i32
    %mul3A_115 = arith.muli %arg1, %mul3A_114 : i32
    %add3A_116 = arith.constant 512 : i32
    %add3A_117 = arith.addi %mul3A_115, %add3A_116 : i32
    "tpu.region"() ({
      %run_scoped3A = tpu.sem_alloc : memref<!tpu.dma_semaphore, #tpu.memory_space<semaphore_mem>>
      %dma_start3A_122 = arith.constant 0 : i32
      %dma_start3A_123 = arith.constant 0 : i32
      %dma_start3A_124 = tpu.memref_slice %arg15[%dma_start3A_122, %dma_start3A_123] : memref<128x128xf32, #tpu.memory_space<vmem>> -> memref<120x128xf32, #tpu.memory_space<vmem>>
      %dma_start3A_125 = arith.constant 0 : i32
      %dma_start3A_126 = tpu.memref_slice %arg17[%add3A_117, %dma_start3A_125] : memref<10112x128xf32, #tpu.memory_space<vmem_shared>> -> memref<120x128xf32, #tpu.memory_space<vmem_shared>>
      %dma_start3A_127 = arith.constant 0 : i32
      %dma_start3A_128 = arith.constant 0 : i32
      %dma_start3A_129 = tpu.memref_slice %arg15[%dma_start3A_127, %dma_start3A_128] : memref<128x128xf32, #tpu.memory_space<vmem>> -> memref<120x128xf32, #tpu.memory_space<vmem>>
      %dma_start3A_130 = arith.constant 0 : i32
      %dma_start3A_131 = tpu.memref_slice %arg17[%add3A_117, %dma_start3A_130] : memref<10112x128xf32, #tpu.memory_space<vmem_shared>> -> memref<120x128xf32, #tpu.memory_space<vmem_shared>>
      tpu.enqueue_dma source(%dma_start3A_131 : memref<120x128xf32, #tpu.memory_space<vmem_shared>>) target(%dma_start3A_129 : memref<120x128xf32, #tpu.memory_space<vmem>>) target_semaphore(%run_scoped3A : memref<!tpu.dma_semaphore, #tpu.memory_space<semaphore_mem>>)
      %dma_wait3A_132 = arith.constant 0 : i32
      %dma_wait3A_133 = arith.constant 0 : i32
      %dma_wait3A_134 = tpu.memref_slice %arg15[%dma_wait3A_132, %dma_wait3A_133] : memref<128x128xf32, #tpu.memory_space<vmem>> -> memref<120x128xf32, #tpu.memory_space<vmem>>
      %dma_wait3A_135 = arith.constant 0 : i32
      %dma_wait3A_136 = tpu.memref_slice %arg17[%add3A_117, %dma_wait3A_135] : memref<10112x128xf32, #tpu.memory_space<vmem_shared>> -> memref<120x128xf32, #tpu.memory_space<vmem_shared>>
      %dma_wait3A_137 = arith.constant 0 : i32
      %dma_wait3A_138 = arith.constant 0 : i32
      %dma_wait3A_139 = tpu.memref_slice %arg15[%dma_wait3A_137, %dma_wait3A_138] : memref<128x128xf32, #tpu.memory_space<vmem>> -> memref<120x128xf32, #tpu.memory_space<vmem>>
      %dma_wait3A_140 = arith.constant 0 : i32
      %dma_wait3A_141 = tpu.memref_slice %arg17[%add3A_117, %dma_wait3A_140] : memref<10112x128xf32, #tpu.memory_space<vmem_shared>> -> memref<120x128xf32, #tpu.memory_space<vmem_shared>>
      tpu.wait_dma2 semaphore(%run_scoped3A : memref<!tpu.dma_semaphore, #tpu.memory_space<semaphore_mem>>) src(%dma_wait3A_141 : memref<120x128xf32, #tpu.memory_space<vmem_shared>>) dst(%dma_wait3A_139 : memref<120x128xf32, #tpu.memory_space<vmem>>)
      tpu.yield
    }) : () -> ()
    %mul3A_118 = arith.constant 632 : i32
    %mul3A_119 = arith.muli %arg1, %mul3A_118 : i32
    %add3A_120 = arith.constant 512 : i32
    %add3A_121 = arith.addi %mul3A_119, %add3A_120 : i32
    "tpu.region"() ({
      %run_scoped3A = tpu.sem_alloc : memref<!tpu.dma_semaphore, #tpu.memory_space<semaphore_mem>>
      %dma_start3A_122 = arith.constant 0 : i32
      %dma_start3A_123 = arith.constant 0 : i32
      %dma_start3A_124 = tpu.memref_slice %arg15[%dma_start3A_122, %dma_start3A_123] : memref<128x128xf32, #tpu.memory_space<vmem>> -> memref<120x128xf32, #tpu.memory_space<vmem>>
      %dma_start3A_125 = arith.constant 0 : i32
      %dma_start3A_126 = tpu.memref_slice %arg6[%arg0, %add3A_121, %dma_start3A_125] : memref<2x10112x128xf32, #tpu.memory_space<hbm>> -> memref<1x120x128xf32, #tpu.memory_space<hbm>>
      %dma_start3A_127 = tpu.memref_squeeze %dma_start3A_126 : memref<1x120x128xf32, #tpu.memory_space<hbm>> -> memref<120x128xf32, #tpu.memory_space<hbm>>
      %dma_start3A_128 = arith.constant 0 : i32
      %dma_start3A_129 = tpu.memref_slice %arg6[%arg0, %add3A_121, %dma_start3A_128] : memref<2x10112x128xf32, #tpu.memory_space<hbm>> -> memref<1x120x128xf32, #tpu.memory_space<hbm>>
      %dma_start3A_130 = tpu.memref_squeeze %dma_start3A_129 : memref<1x120x128xf32, #tpu.memory_space<hbm>> -> memref<120x128xf32, #tpu.memory_space<hbm>>
      %dma_start3A_131 = arith.constant 0 : i32
      %dma_start3A_132 = arith.constant 0 : i32
      %dma_start3A_133 = tpu.memref_slice %arg15[%dma_start3A_131, %dma_start3A_132] : memref<128x128xf32, #tpu.memory_space<vmem>> -> memref<120x128xf32, #tpu.memory_space<vmem>>
      tpu.enqueue_dma source(%dma_start3A_133 : memref<120x128xf32, #tpu.memory_space<vmem>>) target(%dma_start3A_130 : memref<120x128xf32, #tpu.memory_space<hbm>>) target_semaphore(%run_scoped3A : memref<!tpu.dma_semaphore, #tpu.memory_space<semaphore_mem>>)
      %dma_wait3A_134 = arith.constant 0 : i32
      %dma_wait3A_135 = arith.constant 0 : i32
      %dma_wait3A_136 = tpu.memref_slice %arg15[%dma_wait3A_134, %dma_wait3A_135] : memref<128x128xf32, #tpu.memory_space<vmem>> -> memref<120x128xf32, #tpu.memory_space<vmem>>
      %dma_wait3A_137 = arith.constant 0 : i32
      %dma_wait3A_138 = tpu.memref_slice %arg6[%arg0, %add3A_121, %dma_wait3A_137] : memref<2x10112x128xf32, #tpu.memory_space<hbm>> -> memref<1x120x128xf32, #tpu.memory_space<hbm>>
      %dma_wait3A_139 = tpu.memref_squeeze %dma_wait3A_138 : memref<1x120x128xf32, #tpu.memory_space<hbm>> -> memref<120x128xf32, #tpu.memory_space<hbm>>
      %dma_wait3A_140 = arith.constant 0 : i32
      %dma_wait3A_141 = tpu.memref_slice %arg6[%arg0, %add3A_121, %dma_wait3A_140] : memref<2x10112x128xf32, #tpu.memory_space<hbm>> -> memref<1x120x128xf32, #tpu.memory_space<hbm>>
      %dma_wait3A_142 = tpu.memref_squeeze %dma_wait3A_141 : memref<1x120x128xf32, #tpu.memory_space<hbm>> -> memref<120x128xf32, #tpu.memory_space<hbm>>
      %dma_wait3A_143 = arith.constant 0 : i32
      %dma_wait3A_144 = arith.constant 0 : i32
      %dma_wait3A_145 = tpu.memref_slice %arg15[%dma_wait3A_143, %dma_wait3A_144] : memref<128x128xf32, #tpu.memory_space<vmem>> -> memref<120x128xf32, #tpu.memory_space<vmem>>
      tpu.wait_dma2 semaphore(%run_scoped3A : memref<!tpu.dma_semaphore, #tpu.memory_space<semaphore_mem>>) src(%dma_wait3A_145 : memref<120x128xf32, #tpu.memory_space<vmem>>) dst(%dma_wait3A_142 : memref<120x128xf32, #tpu.memory_space<hbm>>)
      tpu.yield
    }) : () -> ()
    return
  }
}

#map = affine_map<(d0, d1) -> (0, 0, 0)>
#map1 = affine_map<(d0, d1) -> (0)>
module attributes {stable_mosaic.version = 14 : i64} {
  func.func @body(%arg0: i32, %arg1: i32, %arg2: memref<32x80x128xi32, #tpu.memory_space<hbm>>, %arg3: memref<632xf32, #tpu.memory_space<hbm>>, %arg4: memref<20224xf32, #tpu.memory_space<hbm>>, %arg5: memref<80x128xi32, #tpu.memory_space<vmem>>, %arg6: memref<128xf32, #tpu.memory_space<vmem>>, %arg7: memref<632xf32, #tpu.memory_space<vmem>>, %arg8: memref<10112xf32, #tpu.memory_space<vmem_shared>>, %arg9: memref<!tpu.dma_semaphore, #tpu.memory_space<semaphore_mem>>) attributes {dimension_semantics = [#tpu.dimension_semantics<core_parallel>, #tpu.dimension_semantics<subcore_parallel>], iteration_bounds = array<i64: 2, 16>, scalar_prefetch = 0 : i64, scratch_operands = 5 : i64, tpu.core_type = #tpu.core_type<sc_vector_subcore>, window_params = [{transform_indices = #map}, {transform_indices = #map1}, {transform_indices = #map1}]} {
    %mul3A = arith.constant 10 : i32
    %mul3A_0 = arith.muli %arg1, %mul3A : i32
    %add3A = arith.addi %mul3A_0, %arg0 : i32
    "tpu.region"() ({
      %run_scoped3A = tpu.sem_alloc : memref<!tpu.dma_semaphore, #tpu.memory_space<semaphore_mem>>
      %dma_start3A = arith.constant 0 : i32
      %dma_start3A_62 = arith.constant 0 : i32
      %dma_start3A_63 = tpu.memref_slice %arg2[%add3A, %dma_start3A, %dma_start3A_62] : memref<32x80x128xi32, #tpu.memory_space<hbm>> -> memref<1x80x128xi32, #tpu.memory_space<hbm>>
      %dma_start3A_64 = tpu.memref_squeeze %dma_start3A_63 : memref<1x80x128xi32, #tpu.memory_space<hbm>> -> memref<80x128xi32, #tpu.memory_space<hbm>>
      %dma_start3A_65 = arith.constant 0 : i32
      %dma_start3A_66 = arith.constant 0 : i32
      %dma_start3A_67 = tpu.memref_slice %arg2[%add3A, %dma_start3A_65, %dma_start3A_66] : memref<32x80x128xi32, #tpu.memory_space<hbm>> -> memref<1x80x128xi32, #tpu.memory_space<hbm>>
      %dma_start3A_68 = tpu.memref_squeeze %dma_start3A_67 : memref<1x80x128xi32, #tpu.memory_space<hbm>> -> memref<80x128xi32, #tpu.memory_space<hbm>>
      tpu.enqueue_dma source(%dma_start3A_68 : memref<80x128xi32, #tpu.memory_space<hbm>>) target(%arg5 : memref<80x128xi32, #tpu.memory_space<vmem>>) target_semaphore(%run_scoped3A : memref<!tpu.dma_semaphore, #tpu.memory_space<semaphore_mem>>)
      %dma_wait3A = arith.constant 0 : i32
      %dma_wait3A_69 = arith.constant 0 : i32
      %dma_wait3A_70 = tpu.memref_slice %arg2[%add3A, %dma_wait3A, %dma_wait3A_69] : memref<32x80x128xi32, #tpu.memory_space<hbm>> -> memref<1x80x128xi32, #tpu.memory_space<hbm>>
      %dma_wait3A_71 = tpu.memref_squeeze %dma_wait3A_70 : memref<1x80x128xi32, #tpu.memory_space<hbm>> -> memref<80x128xi32, #tpu.memory_space<hbm>>
      %dma_wait3A_72 = arith.constant 0 : i32
      %dma_wait3A_73 = arith.constant 0 : i32
      %dma_wait3A_74 = tpu.memref_slice %arg2[%add3A, %dma_wait3A_72, %dma_wait3A_73] : memref<32x80x128xi32, #tpu.memory_space<hbm>> -> memref<1x80x128xi32, #tpu.memory_space<hbm>>
      %dma_wait3A_75 = tpu.memref_squeeze %dma_wait3A_74 : memref<1x80x128xi32, #tpu.memory_space<hbm>> -> memref<80x128xi32, #tpu.memory_space<hbm>>
      tpu.wait_dma2 semaphore(%run_scoped3A : memref<!tpu.dma_semaphore, #tpu.memory_space<semaphore_mem>>) src(%dma_wait3A_75 : memref<80x128xi32, #tpu.memory_space<hbm>>) dst(%arg5 : memref<80x128xi32, #tpu.memory_space<vmem>>)
      tpu.yield
    }) : () -> ()
    %broadcast_in_dim3A = arith.constant 1.000000e+00 : f32
    %broadcast_in_dim3A_1 = vector.broadcast %broadcast_in_dim3A : f32 to vector<16xf32>
    %swap3A = arith.constant 0 : index
    %swap3A_2 = tpu.vector_load %arg6[%swap3A] {strides = array<i32>} : memref<128xf32, #tpu.memory_space<vmem>>, vector<16xf32>,
    %swap3A_3 = vector.shape_cast %swap3A_2 : vector<16xf32> to vector<16xf32>
    %swap3A_4 = vector.shape_cast %broadcast_in_dim3A_1 : vector<16xf32> to vector<16xf32>
    tpu.vector_store %arg6[%swap3A], %swap3A_4 {strides = array<i32>} : memref<128xf32, #tpu.memory_space<vmem>>, vector<16xf32>,
    %broadcast_in_dim3A_5 = arith.constant 1.000000e+00 : f32
    %broadcast_in_dim3A_6 = vector.broadcast %broadcast_in_dim3A_5 : f32 to vector<16xf32>
    %swap3A_7 = arith.constant 16 : index
    %swap3A_8 = tpu.vector_load %arg6[%swap3A_7] {strides = array<i32>} : memref<128xf32, #tpu.memory_space<vmem>>, vector<16xf32>,
    %swap3A_9 = vector.shape_cast %swap3A_8 : vector<16xf32> to vector<16xf32>
    %swap3A_10 = vector.shape_cast %broadcast_in_dim3A_6 : vector<16xf32> to vector<16xf32>
    tpu.vector_store %arg6[%swap3A_7], %swap3A_10 {strides = array<i32>} : memref<128xf32, #tpu.memory_space<vmem>>, vector<16xf32>,
    %broadcast_in_dim3A_11 = arith.constant 1.000000e+00 : f32
    %broadcast_in_dim3A_12 = vector.broadcast %broadcast_in_dim3A_11 : f32 to vector<16xf32>
    %swap3A_13 = arith.constant 32 : index
    %swap3A_14 = tpu.vector_load %arg6[%swap3A_13] {strides = array<i32>} : memref<128xf32, #tpu.memory_space<vmem>>, vector<16xf32>,
    %swap3A_15 = vector.shape_cast %swap3A_14 : vector<16xf32> to vector<16xf32>
    %swap3A_16 = vector.shape_cast %broadcast_in_dim3A_12 : vector<16xf32> to vector<16xf32>
    tpu.vector_store %arg6[%swap3A_13], %swap3A_16 {strides = array<i32>} : memref<128xf32, #tpu.memory_space<vmem>>, vector<16xf32>,
    %broadcast_in_dim3A_17 = arith.constant 1.000000e+00 : f32
    %broadcast_in_dim3A_18 = vector.broadcast %broadcast_in_dim3A_17 : f32 to vector<16xf32>
    %swap3A_19 = arith.constant 48 : index
    %swap3A_20 = tpu.vector_load %arg6[%swap3A_19] {strides = array<i32>} : memref<128xf32, #tpu.memory_space<vmem>>, vector<16xf32>,
    %swap3A_21 = vector.shape_cast %swap3A_20 : vector<16xf32> to vector<16xf32>
    %swap3A_22 = vector.shape_cast %broadcast_in_dim3A_18 : vector<16xf32> to vector<16xf32>
    tpu.vector_store %arg6[%swap3A_19], %swap3A_22 {strides = array<i32>} : memref<128xf32, #tpu.memory_space<vmem>>, vector<16xf32>,
    %broadcast_in_dim3A_23 = arith.constant 1.000000e+00 : f32
    %broadcast_in_dim3A_24 = vector.broadcast %broadcast_in_dim3A_23 : f32 to vector<16xf32>
    %swap3A_25 = arith.constant 64 : index
    %swap3A_26 = tpu.vector_load %arg6[%swap3A_25] {strides = array<i32>} : memref<128xf32, #tpu.memory_space<vmem>>, vector<16xf32>,
    %swap3A_27 = vector.shape_cast %swap3A_26 : vector<16xf32> to vector<16xf32>
    %swap3A_28 = vector.shape_cast %broadcast_in_dim3A_24 : vector<16xf32> to vector<16xf32>
    tpu.vector_store %arg6[%swap3A_25], %swap3A_28 {strides = array<i32>} : memref<128xf32, #tpu.memory_space<vmem>>, vector<16xf32>,
    %broadcast_in_dim3A_29 = arith.constant 1.000000e+00 : f32
    %broadcast_in_dim3A_30 = vector.broadcast %broadcast_in_dim3A_29 : f32 to vector<16xf32>
    %swap3A_31 = arith.constant 80 : index
    %swap3A_32 = tpu.vector_load %arg6[%swap3A_31] {strides = array<i32>} : memref<128xf32, #tpu.memory_space<vmem>>, vector<16xf32>,
    %swap3A_33 = vector.shape_cast %swap3A_32 : vector<16xf32> to vector<16xf32>
    %swap3A_34 = vector.shape_cast %broadcast_in_dim3A_30 : vector<16xf32> to vector<16xf32>
    tpu.vector_store %arg6[%swap3A_31], %swap3A_34 {strides = array<i32>} : memref<128xf32, #tpu.memory_space<vmem>>, vector<16xf32>,
    %broadcast_in_dim3A_35 = arith.constant 1.000000e+00 : f32
    %broadcast_in_dim3A_36 = vector.broadcast %broadcast_in_dim3A_35 : f32 to vector<16xf32>
    %swap3A_37 = arith.constant 96 : index
    %swap3A_38 = tpu.vector_load %arg6[%swap3A_37] {strides = array<i32>} : memref<128xf32, #tpu.memory_space<vmem>>, vector<16xf32>,
    %swap3A_39 = vector.shape_cast %swap3A_38 : vector<16xf32> to vector<16xf32>
    %swap3A_40 = vector.shape_cast %broadcast_in_dim3A_36 : vector<16xf32> to vector<16xf32>
    tpu.vector_store %arg6[%swap3A_37], %swap3A_40 {strides = array<i32>} : memref<128xf32, #tpu.memory_space<vmem>>, vector<16xf32>,
    %broadcast_in_dim3A_41 = arith.constant 1.000000e+00 : f32
    %broadcast_in_dim3A_42 = vector.broadcast %broadcast_in_dim3A_41 : f32 to vector<16xf32>
    %swap3A_43 = arith.constant 112 : index
    %swap3A_44 = tpu.vector_load %arg6[%swap3A_43] {strides = array<i32>} : memref<128xf32, #tpu.memory_space<vmem>>, vector<16xf32>,
    %swap3A_45 = vector.shape_cast %swap3A_44 : vector<16xf32> to vector<16xf32>
    %swap3A_46 = vector.shape_cast %broadcast_in_dim3A_42 : vector<16xf32> to vector<16xf32>
    tpu.vector_store %arg6[%swap3A_43], %swap3A_46 {strides = array<i32>} : memref<128xf32, #tpu.memory_space<vmem>>, vector<16xf32>,
    "tpu.region"() ({
      %run_scoped3A = tpu.sem_alloc : memref<!tpu.dma_semaphore, #tpu.memory_space<semaphore_mem>>
      tpu.enqueue_dma source(%arg3 : memref<632xf32, #tpu.memory_space<hbm>>) target(%arg7 : memref<632xf32, #tpu.memory_space<vmem>>) target_semaphore(%run_scoped3A : memref<!tpu.dma_semaphore, #tpu.memory_space<semaphore_mem>>)
      tpu.wait_dma2 semaphore(%run_scoped3A : memref<!tpu.dma_semaphore, #tpu.memory_space<semaphore_mem>>) src(%arg3 : memref<632xf32, #tpu.memory_space<hbm>>) dst(%arg7 : memref<632xf32, #tpu.memory_space<vmem>>)
      tpu.yield
    }) : () -> ()
    %mul3A_47 = arith.constant 632 : i32
    %mul3A_48 = arith.muli %arg1, %mul3A_47 : i32
    "tpu.region"() ({
      %run_scoped3A = tpu.sem_alloc : memref<!tpu.dma_semaphore, #tpu.memory_space<semaphore_mem>>
      %dma_start3A = tpu.memref_slice %arg8[%mul3A_48] : memref<10112xf32, #tpu.memory_space<vmem_shared>> -> memref<632xf32, #tpu.memory_space<vmem_shared>>
      %dma_start3A_62 = tpu.memref_slice %arg8[%mul3A_48] : memref<10112xf32, #tpu.memory_space<vmem_shared>> -> memref<632xf32, #tpu.memory_space<vmem_shared>>
      tpu.enqueue_dma source(%arg7 : memref<632xf32, #tpu.memory_space<vmem>>) target(%dma_start3A_62 : memref<632xf32, #tpu.memory_space<vmem_shared>>) target_semaphore(%run_scoped3A : memref<!tpu.dma_semaphore, #tpu.memory_space<semaphore_mem>>)
      %dma_wait3A = tpu.memref_slice %arg8[%mul3A_48] : memref<10112xf32, #tpu.memory_space<vmem_shared>> -> memref<632xf32, #tpu.memory_space<vmem_shared>>
      %dma_wait3A_63 = tpu.memref_slice %arg8[%mul3A_48] : memref<10112xf32, #tpu.memory_space<vmem_shared>> -> memref<632xf32, #tpu.memory_space<vmem_shared>>
      tpu.wait_dma2 semaphore(%run_scoped3A : memref<!tpu.dma_semaphore, #tpu.memory_space<semaphore_mem>>) src(%arg7 : memref<632xf32, #tpu.memory_space<vmem>>) dst(%dma_wait3A_63 : memref<632xf32, #tpu.memory_space<vmem_shared>>)
      tpu.yield
    }) : () -> ()
    %barrier3A = arith.constant 0 : index
    tpu.barrier barrier_id(%barrier3A)
    %scan3A = arith.constant 0 : i32
    %scan3A_49 = arith.constant 0 : i32
    %scan3A_50 = arith.constant 80 : i32
    %scan3A_51 = arith.addi %scan3A_49, %scan3A_50 : i32
    %scan3A_52 = arith.constant 1 : i32
    scf.for %scan3A_62 = %scan3A_49 to %scan3A_51 step %scan3A_52  : i32 {
      "tpu.region"() ({
        %run_scoped3A = tpu.sem_alloc : memref<!tpu.dma_semaphore, #tpu.memory_space<semaphore_mem>>
        %dma_start3A = arith.constant 0 : i32
        %dma_start3A_63 = tpu.memref_slice %arg5[%scan3A_62, %dma_start3A] : memref<80x128xi32, #tpu.memory_space<vmem>> -> memref<1x128xi32, #tpu.memory_space<vmem>>
        %dma_start3A_64 = tpu.memref_squeeze %dma_start3A_63 : memref<1x128xi32, #tpu.memory_space<vmem>> -> memref<128xi32, #tpu.memory_space<vmem>>
        %dma_start3A_65 = arith.constant 0 : i32
        %dma_start3A_66 = tpu.memref_slice %arg8[%dma_start3A_65] : memref<10112xf32, #tpu.memory_space<vmem_shared>> -> memref<10112xf32, #tpu.memory_space<vmem_shared>>
        tpu.enqueue_indirect_dma source(%arg6 : memref<128xf32, #tpu.memory_space<vmem>>) target(%dma_start3A_66 : memref<10112xf32, #tpu.memory_space<vmem_shared>>) offsets(%dma_start3A_64 : memref<128xi32, #tpu.memory_space<vmem>>) semaphore(%run_scoped3A : memref<!tpu.dma_semaphore, #tpu.memory_space<semaphore_mem>>) {add = true}
        %dma_wait3A = arith.constant 0 : i32
        %dma_wait3A_67 = tpu.memref_slice %arg5[%scan3A_62, %dma_wait3A] : memref<80x128xi32, #tpu.memory_space<vmem>> -> memref<1x128xi32, #tpu.memory_space<vmem>>
        %dma_wait3A_68 = tpu.memref_squeeze %dma_wait3A_67 : memref<1x128xi32, #tpu.memory_space<vmem>> -> memref<128xi32, #tpu.memory_space<vmem>>
        %dma_wait3A_69 = arith.constant 0 : i32
        %dma_wait3A_70 = tpu.memref_slice %arg8[%dma_wait3A_69] : memref<10112xf32, #tpu.memory_space<vmem_shared>> -> memref<10112xf32, #tpu.memory_space<vmem_shared>>
        tpu.wait_indirect_dma semaphore(%run_scoped3A : memref<!tpu.dma_semaphore, #tpu.memory_space<semaphore_mem>>) src(%arg6 : memref<128xf32, #tpu.memory_space<vmem>>) dst(%dma_wait3A_70 : memref<10112xf32, #tpu.memory_space<vmem_shared>>)
        tpu.yield
      }) : () -> ()
    }
    %scan3A_53 = arith.constant 80 : i32
    %barrier3A_54 = arith.constant 0 : index
    tpu.barrier barrier_id(%barrier3A_54)
    %mul3A_55 = arith.constant 632 : i32
    %mul3A_56 = arith.muli %arg1, %mul3A_55 : i32
    "tpu.region"() ({
      %run_scoped3A = tpu.sem_alloc : memref<!tpu.dma_semaphore, #tpu.memory_space<semaphore_mem>>
      %dma_start3A = tpu.memref_slice %arg8[%mul3A_56] : memref<10112xf32, #tpu.memory_space<vmem_shared>> -> memref<632xf32, #tpu.memory_space<vmem_shared>>
      %dma_start3A_62 = tpu.memref_slice %arg8[%mul3A_56] : memref<10112xf32, #tpu.memory_space<vmem_shared>> -> memref<632xf32, #tpu.memory_space<vmem_shared>>
      tpu.enqueue_dma source(%dma_start3A_62 : memref<632xf32, #tpu.memory_space<vmem_shared>>) target(%arg7 : memref<632xf32, #tpu.memory_space<vmem>>) target_semaphore(%run_scoped3A : memref<!tpu.dma_semaphore, #tpu.memory_space<semaphore_mem>>)
      %dma_wait3A = tpu.memref_slice %arg8[%mul3A_56] : memref<10112xf32, #tpu.memory_space<vmem_shared>> -> memref<632xf32, #tpu.memory_space<vmem_shared>>
      %dma_wait3A_63 = tpu.memref_slice %arg8[%mul3A_56] : memref<10112xf32, #tpu.memory_space<vmem_shared>> -> memref<632xf32, #tpu.memory_space<vmem_shared>>
      tpu.wait_dma2 semaphore(%run_scoped3A : memref<!tpu.dma_semaphore, #tpu.memory_space<semaphore_mem>>) src(%dma_wait3A_63 : memref<632xf32, #tpu.memory_space<vmem_shared>>) dst(%arg7 : memref<632xf32, #tpu.memory_space<vmem>>)
      tpu.yield
    }) : () -> ()
    %mul3A_57 = arith.constant 10112 : i32
    %mul3A_58 = arith.muli %arg0, %mul3A_57 : i32
    %mul3A_59 = arith.constant 632 : i32
    %mul3A_60 = arith.muli %arg1, %mul3A_59 : i32
    %add3A_61 = arith.addi %mul3A_58, %mul3A_60 : i32
    "tpu.region"() ({
      %run_scoped3A = tpu.sem_alloc : memref<!tpu.dma_semaphore, #tpu.memory_space<semaphore_mem>>
      %dma_start3A = tpu.memref_slice %arg4[%add3A_61] : memref<20224xf32, #tpu.memory_space<hbm>> -> memref<632xf32, #tpu.memory_space<hbm>>
      %dma_start3A_62 = tpu.memref_slice %arg4[%add3A_61] : memref<20224xf32, #tpu.memory_space<hbm>> -> memref<632xf32, #tpu.memory_space<hbm>>
      tpu.enqueue_dma source(%arg7 : memref<632xf32, #tpu.memory_space<vmem>>) target(%dma_start3A_62 : memref<632xf32, #tpu.memory_space<hbm>>) target_semaphore(%run_scoped3A : memref<!tpu.dma_semaphore, #tpu.memory_space<semaphore_mem>>)
      %dma_wait3A = tpu.memref_slice %arg4[%add3A_61] : memref<20224xf32, #tpu.memory_space<hbm>> -> memref<632xf32, #tpu.memory_space<hbm>>
      %dma_wait3A_63 = tpu.memref_slice %arg4[%add3A_61] : memref<20224xf32, #tpu.memory_space<hbm>> -> memref<632xf32, #tpu.memory_space<hbm>>
      tpu.wait_dma2 semaphore(%run_scoped3A : memref<!tpu.dma_semaphore, #tpu.memory_space<semaphore_mem>>) src(%arg7 : memref<632xf32, #tpu.memory_space<vmem>>) dst(%dma_wait3A_63 : memref<632xf32, #tpu.memory_space<hbm>>)
      tpu.yield
    }) : () -> ()
    return
  }
}

#map = affine_map<(d0, d1) -> (0, 0)>
#map1 = affine_map<(d0, d1) -> (0, 0, 0)>
module attributes {stable_mosaic.version = 14 : i64} {
  func.func @body(%arg0: i32, %arg1: i32, %arg2: memref<10000x128xf32, #tpu.memory_space<hbm>>, %arg3: memref<32x80x128xi32, #tpu.memory_space<hbm>>, %arg4: memref<32x80x128xi32, #tpu.memory_space<hbm>>, %arg5: memref<128x128xf32, #tpu.memory_space<hbm>>, %arg6: memref<2x10112x128xf32, #tpu.memory_space<hbm>>, %arg7: memref<128xi32, #tpu.memory_space<vmem>>, %arg8: memref<128xi32, #tpu.memory_space<vmem>>, %arg9: memref<128xi32, #tpu.memory_space<vmem>>, %arg10: memref<128xi32, #tpu.memory_space<vmem>>, %arg11: memref<128xi32, #tpu.memory_space<vmem>>, %arg12: memref<128xi32, #tpu.memory_space<vmem>>, %arg13: memref<128xi32, #tpu.memory_space<vmem>>, %arg14: memref<128xi32, #tpu.memory_space<vmem>>, %arg15: memref<128x128xf32, #tpu.memory_space<vmem>>, %arg16: memref<128x128xf32, #tpu.memory_space<vmem>>, %arg17: memref<10112x128xf32, #tpu.memory_space<vmem_shared>>, %arg18: memref<!tpu.dma_semaphore, #tpu.memory_space<semaphore_mem>>, %arg19: memref<!tpu.dma_semaphore, #tpu.memory_space<semaphore_mem>>, %arg20: memref<!tpu.dma_semaphore, #tpu.memory_space<semaphore_mem>>, %arg21: memref<!tpu.dma_semaphore, #tpu.memory_space<semaphore_mem>>, %arg22: memref<!tpu.dma_semaphore, #tpu.memory_space<semaphore_mem>>, %arg23: memref<!tpu.dma_semaphore, #tpu.memory_space<semaphore_mem>>, %arg24: memref<!tpu.dma_semaphore, #tpu.memory_space<semaphore_mem>>, %arg25: memref<!tpu.dma_semaphore, #tpu.memory_space<semaphore_mem>>) attributes {dimension_semantics = [#tpu.dimension_semantics<core_parallel>, #tpu.dimension_semantics<subcore_parallel>], iteration_bounds = array<i64: 2, 16>, scalar_prefetch = 0 : i64, scratch_operands = 19 : i64, tpu.core_type = #tpu.core_type<sc_vector_subcore>, window_params = [{transform_indices = #map}, {transform_indices = #map1}, {transform_indices = #map1}, {transform_indices = #map}, {transform_indices = #map1}]} {
    %mul3A = arith.constant 10 : i32
    %mul3A_0 = arith.muli %arg1, %mul3A : i32
    %add3A = arith.addi %mul3A_0, %arg0 : i32
    %mul3A_1 = arith.constant 632 : i32
    %mul3A_2 = arith.muli %arg1, %mul3A_1 : i32
    "tpu.region"() ({
      %run_scoped3A = tpu.sem_alloc : memref<!tpu.dma_semaphore, #tpu.memory_space<semaphore_mem>>
      tpu.enqueue_dma source(%arg5 : memref<128x128xf32, #tpu.memory_space<hbm>>) target(%arg15 : memref<128x128xf32, #tpu.memory_space<vmem>>) target_semaphore(%run_scoped3A : memref<!tpu.dma_semaphore, #tpu.memory_space<semaphore_mem>>)
      tpu.wait_dma2 semaphore(%run_scoped3A : memref<!tpu.dma_semaphore, #tpu.memory_space<semaphore_mem>>) src(%arg5 : memref<128x128xf32, #tpu.memory_space<hbm>>) dst(%arg15 : memref<128x128xf32, #tpu.memory_space<vmem>>)
      tpu.yield
    }) : () -> ()
    %add3A_3 = arith.constant 0 : i32
    %add3A_4 = arith.addi %mul3A_2, %add3A_3 : i32
    "tpu.region"() ({
      %run_scoped3A = tpu.sem_alloc : memref<!tpu.dma_semaphore, #tpu.memory_space<semaphore_mem>>
      %dma_start3A_122 = arith.constant 0 : i32
      %dma_start3A_123 = arith.constant 0 : i32
      %dma_start3A_124 = tpu.memref_slice %arg15[%dma_start3A_122, %dma_start3A_123] : memref<128x128xf32, #tpu.memory_space<vmem>> -> memref<128x128xf32, #tpu.memory_space<vmem>>
      %dma_start3A_125 = arith.constant 0 : i32
      %dma_start3A_126 = tpu.memref_slice %arg17[%add3A_4, %dma_start3A_125] : memref<10112x128xf32, #tpu.memory_space<vmem_shared>> -> memref<128x128xf32, #tpu.memory_space<vmem_shared>>
      %dma_start3A_127 = arith.constant 0 : i32
      %dma_start3A_128 = tpu.memref_slice %arg17[%add3A_4, %dma_start3A_127] : memref<10112x128xf32, #tpu.memory_space<vmem_shared>> -> memref<128x128xf32, #tpu.memory_space<vmem_shared>>
      %dma_start3A_129 = arith.constant 0 : i32
      %dma_start3A_130 = arith.constant 0 : i32
      %dma_start3A_131 = tpu.memref_slice %arg15[%dma_start3A_129, %dma_start3A_130] : memref<128x128xf32, #tpu.memory_space<vmem>> -> memref<128x128xf32, #tpu.memory_space<vmem>>
      tpu.enqueue_dma source(%dma_start3A_131 : memref<128x128xf32, #tpu.memory_space<vmem>>) target(%dma_start3A_128 : memref<128x128xf32, #tpu.memory_space<vmem_shared>>) target_semaphore(%run_scoped3A : memref<!tpu.dma_semaphore, #tpu.memory_space<semaphore_mem>>)
      %dma_wait3A_132 = arith.constant 0 : i32
      %dma_wait3A_133 = arith.constant 0 : i32
      %dma_wait3A_134 = tpu.memref_slice %arg15[%dma_wait3A_132, %dma_wait3A_133] : memref<128x128xf32, #tpu.memory_space<vmem>> -> memref<128x128xf32, #tpu.memory_space<vmem>>
      %dma_wait3A_135 = arith.constant 0 : i32
      %dma_wait3A_136 = tpu.memref_slice %arg17[%add3A_4, %dma_wait3A_135] : memref<10112x128xf32, #tpu.memory_space<vmem_shared>> -> memref<128x128xf32, #tpu.memory_space<vmem_shared>>
      %dma_wait3A_137 = arith.constant 0 : i32
      %dma_wait3A_138 = tpu.memref_slice %arg17[%add3A_4, %dma_wait3A_137] : memref<10112x128xf32, #tpu.memory_space<vmem_shared>> -> memref<128x128xf32, #tpu.memory_space<vmem_shared>>
      %dma_wait3A_139 = arith.constant 0 : i32
      %dma_wait3A_140 = arith.constant 0 : i32
      %dma_wait3A_141 = tpu.memref_slice %arg15[%dma_wait3A_139, %dma_wait3A_140] : memref<128x128xf32, #tpu.memory_space<vmem>> -> memref<128x128xf32, #tpu.memory_space<vmem>>
      tpu.wait_dma2 semaphore(%run_scoped3A : memref<!tpu.dma_semaphore, #tpu.memory_space<semaphore_mem>>) src(%dma_wait3A_141 : memref<128x128xf32, #tpu.memory_space<vmem>>) dst(%dma_wait3A_138 : memref<128x128xf32, #tpu.memory_space<vmem_shared>>)
      tpu.yield
    }) : () -> ()
    %add3A_5 = arith.constant 128 : i32
    %add3A_6 = arith.addi %mul3A_2, %add3A_5 : i32
    "tpu.region"() ({
      %run_scoped3A = tpu.sem_alloc : memref<!tpu.dma_semaphore, #tpu.memory_space<semaphore_mem>>
      %dma_start3A_122 = arith.constant 0 : i32
      %dma_start3A_123 = arith.constant 0 : i32
      %dma_start3A_124 = tpu.memref_slice %arg15[%dma_start3A_122, %dma_start3A_123] : memref<128x128xf32, #tpu.memory_space<vmem>> -> memref<128x128xf32, #tpu.memory_space<vmem>>
      %dma_start3A_125 = arith.constant 0 : i32
      %dma_start3A_126 = tpu.memref_slice %arg17[%add3A_6, %dma_start3A_125] : memref<10112x128xf32, #tpu.memory_space<vmem_shared>> -> memref<128x128xf32, #tpu.memory_space<vmem_shared>>
      %dma_start3A_127 = arith.constant 0 : i32
      %dma_start3A_128 = tpu.memref_slice %arg17[%add3A_6, %dma_start3A_127] : memref<10112x128xf32, #tpu.memory_space<vmem_shared>> -> memref<128x128xf32, #tpu.memory_space<vmem_shared>>
      %dma_start3A_129 = arith.constant 0 : i32
      %dma_start3A_130 = arith.constant 0 : i32
      %dma_start3A_131 = tpu.memref_slice %arg15[%dma_start3A_129, %dma_start3A_130] : memref<128x128xf32, #tpu.memory_space<vmem>> -> memref<128x128xf32, #tpu.memory_space<vmem>>
      tpu.enqueue_dma source(%dma_start3A_131 : memref<128x128xf32, #tpu.memory_space<vmem>>) target(%dma_start3A_128 : memref<128x128xf32, #tpu.memory_space<vmem_shared>>) target_semaphore(%run_scoped3A : memref<!tpu.dma_semaphore, #tpu.memory_space<semaphore_mem>>)
      %dma_wait3A_132 = arith.constant 0 : i32
      %dma_wait3A_133 = arith.constant 0 : i32
      %dma_wait3A_134 = tpu.memref_slice %arg15[%dma_wait3A_132, %dma_wait3A_133] : memref<128x128xf32, #tpu.memory_space<vmem>> -> memref<128x128xf32, #tpu.memory_space<vmem>>
      %dma_wait3A_135 = arith.constant 0 : i32
      %dma_wait3A_136 = tpu.memref_slice %arg17[%add3A_6, %dma_wait3A_135] : memref<10112x128xf32, #tpu.memory_space<vmem_shared>> -> memref<128x128xf32, #tpu.memory_space<vmem_shared>>
      %dma_wait3A_137 = arith.constant 0 : i32
      %dma_wait3A_138 = tpu.memref_slice %arg17[%add3A_6, %dma_wait3A_137] : memref<10112x128xf32, #tpu.memory_space<vmem_shared>> -> memref<128x128xf32, #tpu.memory_space<vmem_shared>>
      %dma_wait3A_139 = arith.constant 0 : i32
      %dma_wait3A_140 = arith.constant 0 : i32
      %dma_wait3A_141 = tpu.memref_slice %arg15[%dma_wait3A_139, %dma_wait3A_140] : memref<128x128xf32, #tpu.memory_space<vmem>> -> memref<128x128xf32, #tpu.memory_space<vmem>>
      tpu.wait_dma2 semaphore(%run_scoped3A : memref<!tpu.dma_semaphore, #tpu.memory_space<semaphore_mem>>) src(%dma_wait3A_141 : memref<128x128xf32, #tpu.memory_space<vmem>>) dst(%dma_wait3A_138 : memref<128x128xf32, #tpu.memory_space<vmem_shared>>)
      tpu.yield
    }) : () -> ()
    %add3A_7 = arith.constant 256 : i32
    %add3A_8 = arith.addi %mul3A_2, %add3A_7 : i32
    "tpu.region"() ({
      %run_scoped3A = tpu.sem_alloc : memref<!tpu.dma_semaphore, #tpu.memory_space<semaphore_mem>>
      %dma_start3A_122 = arith.constant 0 : i32
      %dma_start3A_123 = arith.constant 0 : i32
      %dma_start3A_124 = tpu.memref_slice %arg15[%dma_start3A_122, %dma_start3A_123] : memref<128x128xf32, #tpu.memory_space<vmem>> -> memref<128x128xf32, #tpu.memory_space<vmem>>
      %dma_start3A_125 = arith.constant 0 : i32
      %dma_start3A_126 = tpu.memref_slice %arg17[%add3A_8, %dma_start3A_125] : memref<10112x128xf32, #tpu.memory_space<vmem_shared>> -> memref<128x128xf32, #tpu.memory_space<vmem_shared>>
      %dma_start3A_127 = arith.constant 0 : i32
      %dma_start3A_128 = tpu.memref_slice %arg17[%add3A_8, %dma_start3A_127] : memref<10112x128xf32, #tpu.memory_space<vmem_shared>> -> memref<128x128xf32, #tpu.memory_space<vmem_shared>>
      %dma_start3A_129 = arith.constant 0 : i32
      %dma_start3A_130 = arith.constant 0 : i32
      %dma_start3A_131 = tpu.memref_slice %arg15[%dma_start3A_129, %dma_start3A_130] : memref<128x128xf32, #tpu.memory_space<vmem>> -> memref<128x128xf32, #tpu.memory_space<vmem>>
      tpu.enqueue_dma source(%dma_start3A_131 : memref<128x128xf32, #tpu.memory_space<vmem>>) target(%dma_start3A_128 : memref<128x128xf32, #tpu.memory_space<vmem_shared>>) target_semaphore(%run_scoped3A : memref<!tpu.dma_semaphore, #tpu.memory_space<semaphore_mem>>)
      %dma_wait3A_132 = arith.constant 0 : i32
      %dma_wait3A_133 = arith.constant 0 : i32
      %dma_wait3A_134 = tpu.memref_slice %arg15[%dma_wait3A_132, %dma_wait3A_133] : memref<128x128xf32, #tpu.memory_space<vmem>> -> memref<128x128xf32, #tpu.memory_space<vmem>>
      %dma_wait3A_135 = arith.constant 0 : i32
      %dma_wait3A_136 = tpu.memref_slice %arg17[%add3A_8, %dma_wait3A_135] : memref<10112x128xf32, #tpu.memory_space<vmem_shared>> -> memref<128x128xf32, #tpu.memory_space<vmem_shared>>
      %dma_wait3A_137 = arith.constant 0 : i32
      %dma_wait3A_138 = tpu.memref_slice %arg17[%add3A_8, %dma_wait3A_137] : memref<10112x128xf32, #tpu.memory_space<vmem_shared>> -> memref<128x128xf32, #tpu.memory_space<vmem_shared>>
      %dma_wait3A_139 = arith.constant 0 : i32
      %dma_wait3A_140 = arith.constant 0 : i32
      %dma_wait3A_141 = tpu.memref_slice %arg15[%dma_wait3A_139, %dma_wait3A_140] : memref<128x128xf32, #tpu.memory_space<vmem>> -> memref<128x128xf32, #tpu.memory_space<vmem>>
      tpu.wait_dma2 semaphore(%run_scoped3A : memref<!tpu.dma_semaphore, #tpu.memory_space<semaphore_mem>>) src(%dma_wait3A_141 : memref<128x128xf32, #tpu.memory_space<vmem>>) dst(%dma_wait3A_138 : memref<128x128xf32, #tpu.memory_space<vmem_shared>>)
      tpu.yield
    }) : () -> ()
    %add3A_9 = arith.constant 384 : i32
    %add3A_10 = arith.addi %mul3A_2, %add3A_9 : i32
    "tpu.region"() ({
      %run_scoped3A = tpu.sem_alloc : memref<!tpu.dma_semaphore, #tpu.memory_space<semaphore_mem>>
      %dma_start3A_122 = arith.constant 0 : i32
      %dma_start3A_123 = arith.constant 0 : i32
      %dma_start3A_124 = tpu.memref_slice %arg15[%dma_start3A_122, %dma_start3A_123] : memref<128x128xf32, #tpu.memory_space<vmem>> -> memref<128x128xf32, #tpu.memory_space<vmem>>
      %dma_start3A_125 = arith.constant 0 : i32
      %dma_start3A_126 = tpu.memref_slice %arg17[%add3A_10, %dma_start3A_125] : memref<10112x128xf32, #tpu.memory_space<vmem_shared>> -> memref<128x128xf32, #tpu.memory_space<vmem_shared>>
      %dma_start3A_127 = arith.constant 0 : i32
      %dma_start3A_128 = tpu.memref_slice %arg17[%add3A_10, %dma_start3A_127] : memref<10112x128xf32, #tpu.memory_space<vmem_shared>> -> memref<128x128xf32, #tpu.memory_space<vmem_shared>>
      %dma_start3A_129 = arith.constant 0 : i32
      %dma_start3A_130 = arith.constant 0 : i32
      %dma_start3A_131 = tpu.memref_slice %arg15[%dma_start3A_129, %dma_start3A_130] : memref<128x128xf32, #tpu.memory_space<vmem>> -> memref<128x128xf32, #tpu.memory_space<vmem>>
      tpu.enqueue_dma source(%dma_start3A_131 : memref<128x128xf32, #tpu.memory_space<vmem>>) target(%dma_start3A_128 : memref<128x128xf32, #tpu.memory_space<vmem_shared>>) target_semaphore(%run_scoped3A : memref<!tpu.dma_semaphore, #tpu.memory_space<semaphore_mem>>)
      %dma_wait3A_132 = arith.constant 0 : i32
      %dma_wait3A_133 = arith.constant 0 : i32
      %dma_wait3A_134 = tpu.memref_slice %arg15[%dma_wait3A_132, %dma_wait3A_133] : memref<128x128xf32, #tpu.memory_space<vmem>> -> memref<128x128xf32, #tpu.memory_space<vmem>>
      %dma_wait3A_135 = arith.constant 0 : i32
      %dma_wait3A_136 = tpu.memref_slice %arg17[%add3A_10, %dma_wait3A_135] : memref<10112x128xf32, #tpu.memory_space<vmem_shared>> -> memref<128x128xf32, #tpu.memory_space<vmem_shared>>
      %dma_wait3A_137 = arith.constant 0 : i32
      %dma_wait3A_138 = tpu.memref_slice %arg17[%add3A_10, %dma_wait3A_137] : memref<10112x128xf32, #tpu.memory_space<vmem_shared>> -> memref<128x128xf32, #tpu.memory_space<vmem_shared>>
      %dma_wait3A_139 = arith.constant 0 : i32
      %dma_wait3A_140 = arith.constant 0 : i32
      %dma_wait3A_141 = tpu.memref_slice %arg15[%dma_wait3A_139, %dma_wait3A_140] : memref<128x128xf32, #tpu.memory_space<vmem>> -> memref<128x128xf32, #tpu.memory_space<vmem>>
      tpu.wait_dma2 semaphore(%run_scoped3A : memref<!tpu.dma_semaphore, #tpu.memory_space<semaphore_mem>>) src(%dma_wait3A_141 : memref<128x128xf32, #tpu.memory_space<vmem>>) dst(%dma_wait3A_138 : memref<128x128xf32, #tpu.memory_space<vmem_shared>>)
      tpu.yield
    }) : () -> ()
    %add3A_11 = arith.constant 512 : i32
    %add3A_12 = arith.addi %mul3A_2, %add3A_11 : i32
    "tpu.region"() ({
      %run_scoped3A = tpu.sem_alloc : memref<!tpu.dma_semaphore, #tpu.memory_space<semaphore_mem>>
      %dma_start3A_122 = arith.constant 0 : i32
      %dma_start3A_123 = arith.constant 0 : i32
      %dma_start3A_124 = tpu.memref_slice %arg15[%dma_start3A_122, %dma_start3A_123] : memref<128x128xf32, #tpu.memory_space<vmem>> -> memref<120x128xf32, #tpu.memory_space<vmem>>
      %dma_start3A_125 = arith.constant 0 : i32
      %dma_start3A_126 = tpu.memref_slice %arg17[%add3A_12, %dma_start3A_125] : memref<10112x128xf32, #tpu.memory_space<vmem_shared>> -> memref<120x128xf32, #tpu.memory_space<vmem_shared>>
      %dma_start3A_127 = arith.constant 0 : i32
      %dma_start3A_128 = tpu.memref_slice %arg17[%add3A_12, %dma_start3A_127] : memref<10112x128xf32, #tpu.memory_space<vmem_shared>> -> memref<120x128xf32, #tpu.memory_space<vmem_shared>>
      %dma_start3A_129 = arith.constant 0 : i32
      %dma_start3A_130 = arith.constant 0 : i32
      %dma_start3A_131 = tpu.memref_slice %arg15[%dma_start3A_129, %dma_start3A_130] : memref<128x128xf32, #tpu.memory_space<vmem>> -> memref<120x128xf32, #tpu.memory_space<vmem>>
      tpu.enqueue_dma source(%dma_start3A_131 : memref<120x128xf32, #tpu.memory_space<vmem>>) target(%dma_start3A_128 : memref<120x128xf32, #tpu.memory_space<vmem_shared>>) target_semaphore(%run_scoped3A : memref<!tpu.dma_semaphore, #tpu.memory_space<semaphore_mem>>)
      %dma_wait3A_132 = arith.constant 0 : i32
      %dma_wait3A_133 = arith.constant 0 : i32
      %dma_wait3A_134 = tpu.memref_slice %arg15[%dma_wait3A_132, %dma_wait3A_133] : memref<128x128xf32, #tpu.memory_space<vmem>> -> memref<120x128xf32, #tpu.memory_space<vmem>>
      %dma_wait3A_135 = arith.constant 0 : i32
      %dma_wait3A_136 = tpu.memref_slice %arg17[%add3A_12, %dma_wait3A_135] : memref<10112x128xf32, #tpu.memory_space<vmem_shared>> -> memref<120x128xf32, #tpu.memory_space<vmem_shared>>
      %dma_wait3A_137 = arith.constant 0 : i32
      %dma_wait3A_138 = tpu.memref_slice %arg17[%add3A_12, %dma_wait3A_137] : memref<10112x128xf32, #tpu.memory_space<vmem_shared>> -> memref<120x128xf32, #tpu.memory_space<vmem_shared>>
      %dma_wait3A_139 = arith.constant 0 : i32
      %dma_wait3A_140 = arith.constant 0 : i32
      %dma_wait3A_141 = tpu.memref_slice %arg15[%dma_wait3A_139, %dma_wait3A_140] : memref<128x128xf32, #tpu.memory_space<vmem>> -> memref<120x128xf32, #tpu.memory_space<vmem>>
      tpu.wait_dma2 semaphore(%run_scoped3A : memref<!tpu.dma_semaphore, #tpu.memory_space<semaphore_mem>>) src(%dma_wait3A_141 : memref<120x128xf32, #tpu.memory_space<vmem>>) dst(%dma_wait3A_138 : memref<120x128xf32, #tpu.memory_space<vmem_shared>>)
      tpu.yield
    }) : () -> ()
    %barrier3A = arith.constant 0 : index
    tpu.barrier barrier_id(%barrier3A)
    %dma_start3A = arith.constant 0 : i32
    %dma_start3A_13 = arith.constant 0 : i32
    %dma_start3A_14 = tpu.memref_slice %arg3[%add3A, %dma_start3A, %dma_start3A_13] : memref<32x80x128xi32, #tpu.memory_space<hbm>> -> memref<1x1x128xi32, #tpu.memory_space<hbm>>
    %dma_start3A_15 = tpu.memref_squeeze %dma_start3A_14 : memref<1x1x128xi32, #tpu.memory_space<hbm>> -> memref<128xi32, #tpu.memory_space<hbm>>
    %dma_start3A_16 = arith.constant 0 : i32
    %dma_start3A_17 = tpu.memref_slice %arg3[%add3A, %dma_start3A, %dma_start3A_16] : memref<32x80x128xi32, #tpu.memory_space<hbm>> -> memref<1x1x128xi32, #tpu.memory_space<hbm>>
    %dma_start3A_18 = tpu.memref_squeeze %dma_start3A_17 : memref<1x1x128xi32, #tpu.memory_space<hbm>> -> memref<128xi32, #tpu.memory_space<hbm>>
    tpu.enqueue_dma source(%dma_start3A_18 : memref<128xi32, #tpu.memory_space<hbm>>) target(%arg7 : memref<128xi32, #tpu.memory_space<vmem>>) target_semaphore(%arg18 : memref<!tpu.dma_semaphore, #tpu.memory_space<semaphore_mem>>)
    %dma_start3A_19 = arith.constant 0 : i32
    %dma_start3A_20 = arith.constant 0 : i32
    %dma_start3A_21 = tpu.memref_slice %arg4[%add3A, %dma_start3A_19, %dma_start3A_20] : memref<32x80x128xi32, #tpu.memory_space<hbm>> -> memref<1x1x128xi32, #tpu.memory_space<hbm>>
    %dma_start3A_22 = tpu.memref_squeeze %dma_start3A_21 : memref<1x1x128xi32, #tpu.memory_space<hbm>> -> memref<128xi32, #tpu.memory_space<hbm>>
    %dma_start3A_23 = arith.constant 0 : i32
    %dma_start3A_24 = tpu.memref_slice %arg4[%add3A, %dma_start3A_19, %dma_start3A_23] : memref<32x80x128xi32, #tpu.memory_space<hbm>> -> memref<1x1x128xi32, #tpu.memory_space<hbm>>
    %dma_start3A_25 = tpu.memref_squeeze %dma_start3A_24 : memref<1x1x128xi32, #tpu.memory_space<hbm>> -> memref<128xi32, #tpu.memory_space<hbm>>
    tpu.enqueue_dma source(%dma_start3A_25 : memref<128xi32, #tpu.memory_space<hbm>>) target(%arg11 : memref<128xi32, #tpu.memory_space<vmem>>) target_semaphore(%arg18 : memref<!tpu.dma_semaphore, #tpu.memory_space<semaphore_mem>>)
    %dma_start3A_26 = arith.constant 1 : i32
    %dma_start3A_27 = arith.constant 0 : i32
    %dma_start3A_28 = tpu.memref_slice %arg3[%add3A, %dma_start3A_26, %dma_start3A_27] : memref<32x80x128xi32, #tpu.memory_space<hbm>> -> memref<1x1x128xi32, #tpu.memory_space<hbm>>
    %dma_start3A_29 = tpu.memref_squeeze %dma_start3A_28 : memref<1x1x128xi32, #tpu.memory_space<hbm>> -> memref<128xi32, #tpu.memory_space<hbm>>
    %dma_start3A_30 = arith.constant 0 : i32
    %dma_start3A_31 = tpu.memref_slice %arg3[%add3A, %dma_start3A_26, %dma_start3A_30] : memref<32x80x128xi32, #tpu.memory_space<hbm>> -> memref<1x1x128xi32, #tpu.memory_space<hbm>>
    %dma_start3A_32 = tpu.memref_squeeze %dma_start3A_31 : memref<1x1x128xi32, #tpu.memory_space<hbm>> -> memref<128xi32, #tpu.memory_space<hbm>>
    tpu.enqueue_dma source(%dma_start3A_32 : memref<128xi32, #tpu.memory_space<hbm>>) target(%arg8 : memref<128xi32, #tpu.memory_space<vmem>>) target_semaphore(%arg19 : memref<!tpu.dma_semaphore, #tpu.memory_space<semaphore_mem>>)
    %dma_start3A_33 = arith.constant 1 : i32
    %dma_start3A_34 = arith.constant 0 : i32
    %dma_start3A_35 = tpu.memref_slice %arg4[%add3A, %dma_start3A_33, %dma_start3A_34] : memref<32x80x128xi32, #tpu.memory_space<hbm>> -> memref<1x1x128xi32, #tpu.memory_space<hbm>>
    %dma_start3A_36 = tpu.memref_squeeze %dma_start3A_35 : memref<1x1x128xi32, #tpu.memory_space<hbm>> -> memref<128xi32, #tpu.memory_space<hbm>>
    %dma_start3A_37 = arith.constant 0 : i32
    %dma_start3A_38 = tpu.memref_slice %arg4[%add3A, %dma_start3A_33, %dma_start3A_37] : memref<32x80x128xi32, #tpu.memory_space<hbm>> -> memref<1x1x128xi32, #tpu.memory_space<hbm>>
    %dma_start3A_39 = tpu.memref_squeeze %dma_start3A_38 : memref<1x1x128xi32, #tpu.memory_space<hbm>> -> memref<128xi32, #tpu.memory_space<hbm>>
    tpu.enqueue_dma source(%dma_start3A_39 : memref<128xi32, #tpu.memory_space<hbm>>) target(%arg12 : memref<128xi32, #tpu.memory_space<vmem>>) target_semaphore(%arg19 : memref<!tpu.dma_semaphore, #tpu.memory_space<semaphore_mem>>)
    %dma_start3A_40 = arith.constant 2 : i32
    %dma_start3A_41 = arith.constant 0 : i32
    %dma_start3A_42 = tpu.memref_slice %arg3[%add3A, %dma_start3A_40, %dma_start3A_41] : memref<32x80x128xi32, #tpu.memory_space<hbm>> -> memref<1x1x128xi32, #tpu.memory_space<hbm>>
    %dma_start3A_43 = tpu.memref_squeeze %dma_start3A_42 : memref<1x1x128xi32, #tpu.memory_space<hbm>> -> memref<128xi32, #tpu.memory_space<hbm>>
    %dma_start3A_44 = arith.constant 0 : i32
    %dma_start3A_45 = tpu.memref_slice %arg3[%add3A, %dma_start3A_40, %dma_start3A_44] : memref<32x80x128xi32, #tpu.memory_space<hbm>> -> memref<1x1x128xi32, #tpu.memory_space<hbm>>
    %dma_start3A_46 = tpu.memref_squeeze %dma_start3A_45 : memref<1x1x128xi32, #tpu.memory_space<hbm>> -> memref<128xi32, #tpu.memory_space<hbm>>
    tpu.enqueue_dma source(%dma_start3A_46 : memref<128xi32, #tpu.memory_space<hbm>>) target(%arg9 : memref<128xi32, #tpu.memory_space<vmem>>) target_semaphore(%arg20 : memref<!tpu.dma_semaphore, #tpu.memory_space<semaphore_mem>>)
    %dma_start3A_47 = arith.constant 2 : i32
    %dma_start3A_48 = arith.constant 0 : i32
    %dma_start3A_49 = tpu.memref_slice %arg4[%add3A, %dma_start3A_47, %dma_start3A_48] : memref<32x80x128xi32, #tpu.memory_space<hbm>> -> memref<1x1x128xi32, #tpu.memory_space<hbm>>
    %dma_start3A_50 = tpu.memref_squeeze %dma_start3A_49 : memref<1x1x128xi32, #tpu.memory_space<hbm>> -> memref<128xi32, #tpu.memory_space<hbm>>
    %dma_start3A_51 = arith.constant 0 : i32
    %dma_start3A_52 = tpu.memref_slice %arg4[%add3A, %dma_start3A_47, %dma_start3A_51] : memref<32x80x128xi32, #tpu.memory_space<hbm>> -> memref<1x1x128xi32, #tpu.memory_space<hbm>>
    %dma_start3A_53 = tpu.memref_squeeze %dma_start3A_52 : memref<1x1x128xi32, #tpu.memory_space<hbm>> -> memref<128xi32, #tpu.memory_space<hbm>>
    tpu.enqueue_dma source(%dma_start3A_53 : memref<128xi32, #tpu.memory_space<hbm>>) target(%arg13 : memref<128xi32, #tpu.memory_space<vmem>>) target_semaphore(%arg20 : memref<!tpu.dma_semaphore, #tpu.memory_space<semaphore_mem>>)
    %dma_wait3A = arith.constant 0 : i32
    %dma_wait3A_54 = arith.constant 0 : i32
    %dma_wait3A_55 = tpu.memref_slice %arg3[%add3A, %dma_wait3A, %dma_wait3A_54] : memref<32x80x128xi32, #tpu.memory_space<hbm>> -> memref<1x1x128xi32, #tpu.memory_space<hbm>>
    %dma_wait3A_56 = tpu.memref_squeeze %dma_wait3A_55 : memref<1x1x128xi32, #tpu.memory_space<hbm>> -> memref<128xi32, #tpu.memory_space<hbm>>
    %dma_wait3A_57 = arith.constant 0 : i32
    %dma_wait3A_58 = tpu.memref_slice %arg3[%add3A, %dma_wait3A, %dma_wait3A_57] : memref<32x80x128xi32, #tpu.memory_space<hbm>> -> memref<1x1x128xi32, #tpu.memory_space<hbm>>
    %dma_wait3A_59 = tpu.memref_squeeze %dma_wait3A_58 : memref<1x1x128xi32, #tpu.memory_space<hbm>> -> memref<128xi32, #tpu.memory_space<hbm>>
    tpu.wait_dma2 semaphore(%arg18 : memref<!tpu.dma_semaphore, #tpu.memory_space<semaphore_mem>>) src(%dma_wait3A_59 : memref<128xi32, #tpu.memory_space<hbm>>) dst(%arg7 : memref<128xi32, #tpu.memory_space<vmem>>)
    %dma_wait3A_60 = arith.constant 0 : i32
    %dma_wait3A_61 = arith.constant 0 : i32
    %dma_wait3A_62 = tpu.memref_slice %arg4[%add3A, %dma_wait3A_60, %dma_wait3A_61] : memref<32x80x128xi32, #tpu.memory_space<hbm>> -> memref<1x1x128xi32, #tpu.memory_space<hbm>>
    %dma_wait3A_63 = tpu.memref_squeeze %dma_wait3A_62 : memref<1x1x128xi32, #tpu.memory_space<hbm>> -> memref<128xi32, #tpu.memory_space<hbm>>
    %dma_wait3A_64 = arith.constant 0 : i32
    %dma_wait3A_65 = tpu.memref_slice %arg4[%add3A, %dma_wait3A_60, %dma_wait3A_64] : memref<32x80x128xi32, #tpu.memory_space<hbm>> -> memref<1x1x128xi32, #tpu.memory_space<hbm>>
    %dma_wait3A_66 = tpu.memref_squeeze %dma_wait3A_65 : memref<1x1x128xi32, #tpu.memory_space<hbm>> -> memref<128xi32, #tpu.memory_space<hbm>>
    tpu.wait_dma2 semaphore(%arg18 : memref<!tpu.dma_semaphore, #tpu.memory_space<semaphore_mem>>) src(%dma_wait3A_66 : memref<128xi32, #tpu.memory_space<hbm>>) dst(%arg11 : memref<128xi32, #tpu.memory_space<vmem>>)
    %dma_start3A_67 = arith.constant 0 : i32
    %dma_start3A_68 = arith.constant 0 : i32
    %dma_start3A_69 = tpu.memref_slice %arg2[%dma_start3A_67, %dma_start3A_68] : memref<10000x128xf32, #tpu.memory_space<hbm>> -> memref<10000x128xf32, #tpu.memory_space<hbm>>
    tpu.enqueue_indirect_dma source(%dma_start3A_69 : memref<10000x128xf32, #tpu.memory_space<hbm>>) target(%arg15 : memref<128x128xf32, #tpu.memory_space<vmem>>) offsets(%arg7 : memref<128xi32, #tpu.memory_space<vmem>>) semaphore(%arg22 : memref<!tpu.dma_semaphore, #tpu.memory_space<semaphore_mem>>)
    %scan3A = arith.constant 0 : i32
    %scan3A_70 = arith.constant 0 : i32
    %scan3A_71 = arith.constant 20 : i32
    %scan3A_72 = arith.addi %scan3A_70, %scan3A_71 : i32
    %scan3A_73 = arith.constant 1 : i32
    scf.for %scan3A_122 = %scan3A_70 to %scan3A_72 step %scan3A_73  : i32 {
      %mul3A_123 = arith.constant 4 : i32
      %mul3A_124 = arith.muli %scan3A_122, %mul3A_123 : i32
      %add3A_125 = arith.constant 0 : i32
      %add3A_126 = arith.addi %mul3A_124, %add3A_125 : i32
      %add3A_127 = arith.constant 1 : i32
      %add3A_128 = arith.addi %add3A_126, %add3A_127 : i32
      %lt3A = arith.constant 80 : i32
      %lt3A_129 = arith.cmpi slt, %add3A_128, %lt3A : i32
      %convert_element_type3A = arith.extui %lt3A_129 : i1 to i32
      %cond3A = arith.constant 0 : i32
      %cond3A_130 = arith.cmpi ne, %convert_element_type3A, %cond3A : i32
      scf.if %cond3A_130 {
        %add3A_188 = arith.constant 1 : i32
        %add3A_189 = arith.addi %add3A_126, %add3A_188 : i32
        %dma_wait3A_190 = arith.constant 0 : i32
        %dma_wait3A_191 = tpu.memref_slice %arg3[%add3A, %add3A_189, %dma_wait3A_190] : memref<32x80x128xi32, #tpu.memory_space<hbm>> -> memref<1x1x128xi32, #tpu.memory_space<hbm>>
        %dma_wait3A_192 = tpu.memref_squeeze %dma_wait3A_191 : memref<1x1x128xi32, #tpu.memory_space<hbm>> -> memref<128xi32, #tpu.memory_space<hbm>>
        %dma_wait3A_193 = arith.constant 0 : i32
        %dma_wait3A_194 = tpu.memref_slice %arg3[%add3A, %add3A_189, %dma_wait3A_193] : memref<32x80x128xi32, #tpu.memory_space<hbm>> -> memref<1x1x128xi32, #tpu.memory_space<hbm>>
        %dma_wait3A_195 = tpu.memref_squeeze %dma_wait3A_194 : memref<1x1x128xi32, #tpu.memory_space<hbm>> -> memref<128xi32, #tpu.memory_space<hbm>>
        tpu.wait_dma2 semaphore(%arg19 : memref<!tpu.dma_semaphore, #tpu.memory_space<semaphore_mem>>) src(%dma_wait3A_195 : memref<128xi32, #tpu.memory_space<hbm>>) dst(%arg8 : memref<128xi32, #tpu.memory_space<vmem>>)
        %dma_wait3A_196 = arith.constant 0 : i32
        %dma_wait3A_197 = tpu.memref_slice %arg4[%add3A, %add3A_189, %dma_wait3A_196] : memref<32x80x128xi32, #tpu.memory_space<hbm>> -> memref<1x1x128xi32, #tpu.memory_space<hbm>>
        %dma_wait3A_198 = tpu.memref_squeeze %dma_wait3A_197 : memref<1x1x128xi32, #tpu.memory_space<hbm>> -> memref<128xi32, #tpu.memory_space<hbm>>
        %dma_wait3A_199 = arith.constant 0 : i32
        %dma_wait3A_200 = tpu.memref_slice %arg4[%add3A, %add3A_189, %dma_wait3A_199] : memref<32x80x128xi32, #tpu.memory_space<hbm>> -> memref<1x1x128xi32, #tpu.memory_space<hbm>>
        %dma_wait3A_201 = tpu.memref_squeeze %dma_wait3A_200 : memref<1x1x128xi32, #tpu.memory_space<hbm>> -> memref<128xi32, #tpu.memory_space<hbm>>
        tpu.wait_dma2 semaphore(%arg19 : memref<!tpu.dma_semaphore, #tpu.memory_space<semaphore_mem>>) src(%dma_wait3A_201 : memref<128xi32, #tpu.memory_space<hbm>>) dst(%arg12 : memref<128xi32, #tpu.memory_space<vmem>>)
        %ge3A = arith.constant 1 : i32
        %ge3A_202 = arith.cmpi sge, %add3A_126, %ge3A : i32
        %convert_element_type3A_203 = arith.extui %ge3A_202 : i1 to i32
        %cond3A_204 = arith.constant 0 : i32
        %cond3A_205 = arith.cmpi ne, %convert_element_type3A_203, %cond3A_204 : i32
        scf.if %cond3A_205 {
          %dma_wait3A_216 = arith.constant 0 : i32
          %dma_wait3A_217 = arith.constant 0 : i32
          %dma_wait3A_218 = tpu.memref_slice %arg17[%dma_wait3A_216, %dma_wait3A_217] : memref<10112x128xf32, #tpu.memory_space<vmem_shared>> -> memref<10112x128xf32, #tpu.memory_space<vmem_shared>>
          tpu.wait_indirect_dma semaphore(%arg25 : memref<!tpu.dma_semaphore, #tpu.memory_space<semaphore_mem>>) src(%arg16 : memref<128x128xf32, #tpu.memory_space<vmem>>) dst(%dma_wait3A_218 : memref<10112x128xf32, #tpu.memory_space<vmem_shared>>)
        } else {
        }
        %dma_start3A_206 = arith.constant 0 : i32
        %dma_start3A_207 = arith.constant 0 : i32
        %dma_start3A_208 = tpu.memref_slice %arg2[%dma_start3A_206, %dma_start3A_207] : memref<10000x128xf32, #tpu.memory_space<hbm>> -> memref<10000x128xf32, #tpu.memory_space<hbm>>
        tpu.enqueue_indirect_dma source(%dma_start3A_208 : memref<10000x128xf32, #tpu.memory_space<hbm>>) target(%arg16 : memref<128x128xf32, #tpu.memory_space<vmem>>) offsets(%arg8 : memref<128xi32, #tpu.memory_space<vmem>>) semaphore(%arg23 : memref<!tpu.dma_semaphore, #tpu.memory_space<semaphore_mem>>)
        %add3A_209 = arith.constant 3 : i32
        %add3A_210 = arith.addi %add3A_126, %add3A_209 : i32
        %lt3A_211 = arith.constant 80 : i32
        %lt3A_212 = arith.cmpi slt, %add3A_210, %lt3A_211 : i32
        %convert_element_type3A_213 = arith.extui %lt3A_212 : i1 to i32
        %cond3A_214 = arith.constant 0 : i32
        %cond3A_215 = arith.cmpi ne, %convert_element_type3A_213, %cond3A_214 : i32
        scf.if %cond3A_215 {
          %add3A_216 = arith.constant 3 : i32
          %add3A_217 = arith.addi %add3A_126, %add3A_216 : i32
          %dma_start3A_218 = arith.constant 0 : i32
          %dma_start3A_219 = tpu.memref_slice %arg3[%add3A, %add3A_217, %dma_start3A_218] : memref<32x80x128xi32, #tpu.memory_space<hbm>> -> memref<1x1x128xi32, #tpu.memory_space<hbm>>
          %dma_start3A_220 = tpu.memref_squeeze %dma_start3A_219 : memref<1x1x128xi32, #tpu.memory_space<hbm>> -> memref<128xi32, #tpu.memory_space<hbm>>
          %dma_start3A_221 = arith.constant 0 : i32
          %dma_start3A_222 = tpu.memref_slice %arg3[%add3A, %add3A_217, %dma_start3A_221] : memref<32x80x128xi32, #tpu.memory_space<hbm>> -> memref<1x1x128xi32, #tpu.memory_space<hbm>>
          %dma_start3A_223 = tpu.memref_squeeze %dma_start3A_222 : memref<1x1x128xi32, #tpu.memory_space<hbm>> -> memref<128xi32, #tpu.memory_space<hbm>>
          tpu.enqueue_dma source(%dma_start3A_223 : memref<128xi32, #tpu.memory_space<hbm>>) target(%arg10 : memref<128xi32, #tpu.memory_space<vmem>>) target_semaphore(%arg21 : memref<!tpu.dma_semaphore, #tpu.memory_space<semaphore_mem>>)
          %dma_start3A_224 = arith.constant 0 : i32
          %dma_start3A_225 = tpu.memref_slice %arg4[%add3A, %add3A_217, %dma_start3A_224] : memref<32x80x128xi32, #tpu.memory_space<hbm>> -> memref<1x1x128xi32, #tpu.memory_space<hbm>>
          %dma_start3A_226 = tpu.memref_squeeze %dma_start3A_225 : memref<1x1x128xi32, #tpu.memory_space<hbm>> -> memref<128xi32, #tpu.memory_space<hbm>>
          %dma_start3A_227 = arith.constant 0 : i32
          %dma_start3A_228 = tpu.memref_slice %arg4[%add3A, %add3A_217, %dma_start3A_227] : memref<32x80x128xi32, #tpu.memory_space<hbm>> -> memref<1x1x128xi32, #tpu.memory_space<hbm>>
          %dma_start3A_229 = tpu.memref_squeeze %dma_start3A_228 : memref<1x1x128xi32, #tpu.memory_space<hbm>> -> memref<128xi32, #tpu.memory_space<hbm>>
          tpu.enqueue_dma source(%dma_start3A_229 : memref<128xi32, #tpu.memory_space<hbm>>) target(%arg14 : memref<128xi32, #tpu.memory_space<vmem>>) target_semaphore(%arg21 : memref<!tpu.dma_semaphore, #tpu.memory_space<semaphore_mem>>)
        } else {
        }
      } else {
      }
      %dma_wait3A_131 = arith.constant 0 : i32
      %dma_wait3A_132 = arith.constant 0 : i32
      %dma_wait3A_133 = tpu.memref_slice %arg2[%dma_wait3A_131, %dma_wait3A_132] : memref<10000x128xf32, #tpu.memory_space<hbm>> -> memref<10000x128xf32, #tpu.memory_space<hbm>>
      tpu.wait_indirect_dma semaphore(%arg22 : memref<!tpu.dma_semaphore, #tpu.memory_space<semaphore_mem>>) src(%dma_wait3A_133 : memref<10000x128xf32, #tpu.memory_space<hbm>>) dst(%arg15 : memref<128x128xf32, #tpu.memory_space<vmem>>)
      %dma_start3A_134 = arith.constant 0 : i32
      %dma_start3A_135 = arith.constant 0 : i32
      %dma_start3A_136 = tpu.memref_slice %arg17[%dma_start3A_134, %dma_start3A_135] : memref<10112x128xf32, #tpu.memory_space<vmem_shared>> -> memref<10112x128xf32, #tpu.memory_space<vmem_shared>>
      tpu.enqueue_indirect_dma source(%arg15 : memref<128x128xf32, #tpu.memory_space<vmem>>) target(%dma_start3A_136 : memref<10112x128xf32, #tpu.memory_space<vmem_shared>>) offsets(%arg11 : memref<128xi32, #tpu.memory_space<vmem>>) semaphore(%arg24 : memref<!tpu.dma_semaphore, #tpu.memory_space<semaphore_mem>>) {add = true}
      %mul3A_137 = arith.constant 4 : i32
      %mul3A_138 = arith.muli %scan3A_122, %mul3A_137 : i32
      %add3A_139 = arith.constant 1 : i32
      %add3A_140 = arith.addi %mul3A_138, %add3A_139 : i32
      %add3A_141 = arith.constant 1 : i32
      %add3A_142 = arith.addi %add3A_140, %add3A_141 : i32
      %lt3A_143 = arith.constant 80 : i32
      %lt3A_144 = arith.cmpi slt, %add3A_142, %lt3A_143 : i32
      %convert_element_type3A_145 = arith.extui %lt3A_144 : i1 to i32
      %cond3A_146 = arith.constant 0 : i32
      %cond3A_147 = arith.cmpi ne, %convert_element_type3A_145, %cond3A_146 : i32
      scf.if %cond3A_147 {
        %add3A_188 = arith.constant 1 : i32
        %add3A_189 = arith.addi %add3A_140, %add3A_188 : i32
        %dma_wait3A_190 = arith.constant 0 : i32
        %dma_wait3A_191 = tpu.memref_slice %arg3[%add3A, %add3A_189, %dma_wait3A_190] : memref<32x80x128xi32, #tpu.memory_space<hbm>> -> memref<1x1x128xi32, #tpu.memory_space<hbm>>
        %dma_wait3A_192 = tpu.memref_squeeze %dma_wait3A_191 : memref<1x1x128xi32, #tpu.memory_space<hbm>> -> memref<128xi32, #tpu.memory_space<hbm>>
        %dma_wait3A_193 = arith.constant 0 : i32
        %dma_wait3A_194 = tpu.memref_slice %arg3[%add3A, %add3A_189, %dma_wait3A_193] : memref<32x80x128xi32, #tpu.memory_space<hbm>> -> memref<1x1x128xi32, #tpu.memory_space<hbm>>
        %dma_wait3A_195 = tpu.memref_squeeze %dma_wait3A_194 : memref<1x1x128xi32, #tpu.memory_space<hbm>> -> memref<128xi32, #tpu.memory_space<hbm>>
        tpu.wait_dma2 semaphore(%arg20 : memref<!tpu.dma_semaphore, #tpu.memory_space<semaphore_mem>>) src(%dma_wait3A_195 : memref<128xi32, #tpu.memory_space<hbm>>) dst(%arg9 : memref<128xi32, #tpu.memory_space<vmem>>)
        %dma_wait3A_196 = arith.constant 0 : i32
        %dma_wait3A_197 = tpu.memref_slice %arg4[%add3A, %add3A_189, %dma_wait3A_196] : memref<32x80x128xi32, #tpu.memory_space<hbm>> -> memref<1x1x128xi32, #tpu.memory_space<hbm>>
        %dma_wait3A_198 = tpu.memref_squeeze %dma_wait3A_197 : memref<1x1x128xi32, #tpu.memory_space<hbm>> -> memref<128xi32, #tpu.memory_space<hbm>>
        %dma_wait3A_199 = arith.constant 0 : i32
        %dma_wait3A_200 = tpu.memref_slice %arg4[%add3A, %add3A_189, %dma_wait3A_199] : memref<32x80x128xi32, #tpu.memory_space<hbm>> -> memref<1x1x128xi32, #tpu.memory_space<hbm>>
        %dma_wait3A_201 = tpu.memref_squeeze %dma_wait3A_200 : memref<1x1x128xi32, #tpu.memory_space<hbm>> -> memref<128xi32, #tpu.memory_space<hbm>>
        tpu.wait_dma2 semaphore(%arg20 : memref<!tpu.dma_semaphore, #tpu.memory_space<semaphore_mem>>) src(%dma_wait3A_201 : memref<128xi32, #tpu.memory_space<hbm>>) dst(%arg13 : memref<128xi32, #tpu.memory_space<vmem>>)
        %ge3A = arith.constant 1 : i32
        %ge3A_202 = arith.cmpi sge, %add3A_140, %ge3A : i32
        %convert_element_type3A_203 = arith.extui %ge3A_202 : i1 to i32
        %cond3A_204 = arith.constant 0 : i32
        %cond3A_205 = arith.cmpi ne, %convert_element_type3A_203, %cond3A_204 : i32
        scf.if %cond3A_205 {
          %dma_wait3A_216 = arith.constant 0 : i32
          %dma_wait3A_217 = arith.constant 0 : i32
          %dma_wait3A_218 = tpu.memref_slice %arg17[%dma_wait3A_216, %dma_wait3A_217] : memref<10112x128xf32, #tpu.memory_space<vmem_shared>> -> memref<10112x128xf32, #tpu.memory_space<vmem_shared>>
          tpu.wait_indirect_dma semaphore(%arg24 : memref<!tpu.dma_semaphore, #tpu.memory_space<semaphore_mem>>) src(%arg15 : memref<128x128xf32, #tpu.memory_space<vmem>>) dst(%dma_wait3A_218 : memref<10112x128xf32, #tpu.memory_space<vmem_shared>>)
        } else {
        }
        %dma_start3A_206 = arith.constant 0 : i32
        %dma_start3A_207 = arith.constant 0 : i32
        %dma_start3A_208 = tpu.memref_slice %arg2[%dma_start3A_206, %dma_start3A_207] : memref<10000x128xf32, #tpu.memory_space<hbm>> -> memref<10000x128xf32, #tpu.memory_space<hbm>>
        tpu.enqueue_indirect_dma source(%dma_start3A_208 : memref<10000x128xf32, #tpu.memory_space<hbm>>) target(%arg15 : memref<128x128xf32, #tpu.memory_space<vmem>>) offsets(%arg9 : memref<128xi32, #tpu.memory_space<vmem>>) semaphore(%arg22 : memref<!tpu.dma_semaphore, #tpu.memory_space<semaphore_mem>>)
        %add3A_209 = arith.constant 3 : i32
        %add3A_210 = arith.addi %add3A_140, %add3A_209 : i32
        %lt3A_211 = arith.constant 80 : i32
        %lt3A_212 = arith.cmpi slt, %add3A_210, %lt3A_211 : i32
        %convert_element_type3A_213 = arith.extui %lt3A_212 : i1 to i32
        %cond3A_214 = arith.constant 0 : i32
        %cond3A_215 = arith.cmpi ne, %convert_element_type3A_213, %cond3A_214 : i32
        scf.if %cond3A_215 {
          %add3A_216 = arith.constant 3 : i32
          %add3A_217 = arith.addi %add3A_140, %add3A_216 : i32
          %dma_start3A_218 = arith.constant 0 : i32
          %dma_start3A_219 = tpu.memref_slice %arg3[%add3A, %add3A_217, %dma_start3A_218] : memref<32x80x128xi32, #tpu.memory_space<hbm>> -> memref<1x1x128xi32, #tpu.memory_space<hbm>>
          %dma_start3A_220 = tpu.memref_squeeze %dma_start3A_219 : memref<1x1x128xi32, #tpu.memory_space<hbm>> -> memref<128xi32, #tpu.memory_space<hbm>>
          %dma_start3A_221 = arith.constant 0 : i32
          %dma_start3A_222 = tpu.memref_slice %arg3[%add3A, %add3A_217, %dma_start3A_221] : memref<32x80x128xi32, #tpu.memory_space<hbm>> -> memref<1x1x128xi32, #tpu.memory_space<hbm>>
          %dma_start3A_223 = tpu.memref_squeeze %dma_start3A_222 : memref<1x1x128xi32, #tpu.memory_space<hbm>> -> memref<128xi32, #tpu.memory_space<hbm>>
          tpu.enqueue_dma source(%dma_start3A_223 : memref<128xi32, #tpu.memory_space<hbm>>) target(%arg7 : memref<128xi32, #tpu.memory_space<vmem>>) target_semaphore(%arg18 : memref<!tpu.dma_semaphore, #tpu.memory_space<semaphore_mem>>)
          %dma_start3A_224 = arith.constant 0 : i32
          %dma_start3A_225 = tpu.memref_slice %arg4[%add3A, %add3A_217, %dma_start3A_224] : memref<32x80x128xi32, #tpu.memory_space<hbm>> -> memref<1x1x128xi32, #tpu.memory_space<hbm>>
          %dma_start3A_226 = tpu.memref_squeeze %dma_start3A_225 : memref<1x1x128xi32, #tpu.memory_space<hbm>> -> memref<128xi32, #tpu.memory_space<hbm>>
          %dma_start3A_227 = arith.constant 0 : i32
          %dma_start3A_228 = tpu.memref_slice %arg4[%add3A, %add3A_217, %dma_start3A_227] : memref<32x80x128xi32, #tpu.memory_space<hbm>> -> memref<1x1x128xi32, #tpu.memory_space<hbm>>
          %dma_start3A_229 = tpu.memref_squeeze %dma_start3A_228 : memref<1x1x128xi32, #tpu.memory_space<hbm>> -> memref<128xi32, #tpu.memory_space<hbm>>
          tpu.enqueue_dma source(%dma_start3A_229 : memref<128xi32, #tpu.memory_space<hbm>>) target(%arg11 : memref<128xi32, #tpu.memory_space<vmem>>) target_semaphore(%arg18 : memref<!tpu.dma_semaphore, #tpu.memory_space<semaphore_mem>>)
        } else {
        }
      } else {
      }
      %dma_wait3A_148 = arith.constant 0 : i32
      %dma_wait3A_149 = arith.constant 0 : i32
      %dma_wait3A_150 = tpu.memref_slice %arg2[%dma_wait3A_148, %dma_wait3A_149] : memref<10000x128xf32, #tpu.memory_space<hbm>> -> memref<10000x128xf32, #tpu.memory_space<hbm>>
      tpu.wait_indirect_dma semaphore(%arg23 : memref<!tpu.dma_semaphore, #tpu.memory_space<semaphore_mem>>) src(%dma_wait3A_150 : memref<10000x128xf32, #tpu.memory_space<hbm>>) dst(%arg16 : memref<128x128xf32, #tpu.memory_space<vmem>>)
      %dma_start3A_151 = arith.constant 0 : i32
      %dma_start3A_152 = arith.constant 0 : i32
      %dma_start3A_153 = tpu.memref_slice %arg17[%dma_start3A_151, %dma_start3A_152] : memref<10112x128xf32, #tpu.memory_space<vmem_shared>> -> memref<10112x128xf32, #tpu.memory_space<vmem_shared>>
      tpu.enqueue_indirect_dma source(%arg16 : memref<128x128xf32, #tpu.memory_space<vmem>>) target(%dma_start3A_153 : memref<10112x128xf32, #tpu.memory_space<vmem_shared>>) offsets(%arg12 : memref<128xi32, #tpu.memory_space<vmem>>) semaphore(%arg25 : memref<!tpu.dma_semaphore, #tpu.memory_space<semaphore_mem>>) {add = true}
      %mul3A_154 = arith.constant 4 : i32
      %mul3A_155 = arith.muli %scan3A_122, %mul3A_154 : i32
      %add3A_156 = arith.constant 2 : i32
      %add3A_157 = arith.addi %mul3A_155, %add3A_156 : i32
      %add3A_158 = arith.constant 1 : i32
      %add3A_159 = arith.addi %add3A_157, %add3A_158 : i32
      %lt3A_160 = arith.constant 80 : i32
      %lt3A_161 = arith.cmpi slt, %add3A_159, %lt3A_160 : i32
      %convert_element_type3A_162 = arith.extui %lt3A_161 : i1 to i32
      %cond3A_163 = arith.constant 0 : i32
      %cond3A_164 = arith.cmpi ne, %convert_element_type3A_162, %cond3A_163 : i32
      scf.if %cond3A_164 {
        %add3A_188 = arith.constant 1 : i32
        %add3A_189 = arith.addi %add3A_157, %add3A_188 : i32
        %dma_wait3A_190 = arith.constant 0 : i32
        %dma_wait3A_191 = tpu.memref_slice %arg3[%add3A, %add3A_189, %dma_wait3A_190] : memref<32x80x128xi32, #tpu.memory_space<hbm>> -> memref<1x1x128xi32, #tpu.memory_space<hbm>>
        %dma_wait3A_192 = tpu.memref_squeeze %dma_wait3A_191 : memref<1x1x128xi32, #tpu.memory_space<hbm>> -> memref<128xi32, #tpu.memory_space<hbm>>
        %dma_wait3A_193 = arith.constant 0 : i32
        %dma_wait3A_194 = tpu.memref_slice %arg3[%add3A, %add3A_189, %dma_wait3A_193] : memref<32x80x128xi32, #tpu.memory_space<hbm>> -> memref<1x1x128xi32, #tpu.memory_space<hbm>>
        %dma_wait3A_195 = tpu.memref_squeeze %dma_wait3A_194 : memref<1x1x128xi32, #tpu.memory_space<hbm>> -> memref<128xi32, #tpu.memory_space<hbm>>
        tpu.wait_dma2 semaphore(%arg21 : memref<!tpu.dma_semaphore, #tpu.memory_space<semaphore_mem>>) src(%dma_wait3A_195 : memref<128xi32, #tpu.memory_space<hbm>>) dst(%arg10 : memref<128xi32, #tpu.memory_space<vmem>>)
        %dma_wait3A_196 = arith.constant 0 : i32
        %dma_wait3A_197 = tpu.memref_slice %arg4[%add3A, %add3A_189, %dma_wait3A_196] : memref<32x80x128xi32, #tpu.memory_space<hbm>> -> memref<1x1x128xi32, #tpu.memory_space<hbm>>
        %dma_wait3A_198 = tpu.memref_squeeze %dma_wait3A_197 : memref<1x1x128xi32, #tpu.memory_space<hbm>> -> memref<128xi32, #tpu.memory_space<hbm>>
        %dma_wait3A_199 = arith.constant 0 : i32
        %dma_wait3A_200 = tpu.memref_slice %arg4[%add3A, %add3A_189, %dma_wait3A_199] : memref<32x80x128xi32, #tpu.memory_space<hbm>> -> memref<1x1x128xi32, #tpu.memory_space<hbm>>
        %dma_wait3A_201 = tpu.memref_squeeze %dma_wait3A_200 : memref<1x1x128xi32, #tpu.memory_space<hbm>> -> memref<128xi32, #tpu.memory_space<hbm>>
        tpu.wait_dma2 semaphore(%arg21 : memref<!tpu.dma_semaphore, #tpu.memory_space<semaphore_mem>>) src(%dma_wait3A_201 : memref<128xi32, #tpu.memory_space<hbm>>) dst(%arg14 : memref<128xi32, #tpu.memory_space<vmem>>)
        %ge3A = arith.constant 1 : i32
        %ge3A_202 = arith.cmpi sge, %add3A_157, %ge3A : i32
        %convert_element_type3A_203 = arith.extui %ge3A_202 : i1 to i32
        %cond3A_204 = arith.constant 0 : i32
        %cond3A_205 = arith.cmpi ne, %convert_element_type3A_203, %cond3A_204 : i32
        scf.if %cond3A_205 {
          %dma_wait3A_216 = arith.constant 0 : i32
          %dma_wait3A_217 = arith.constant 0 : i32
          %dma_wait3A_218 = tpu.memref_slice %arg17[%dma_wait3A_216, %dma_wait3A_217] : memref<10112x128xf32, #tpu.memory_space<vmem_shared>> -> memref<10112x128xf32, #tpu.memory_space<vmem_shared>>
          tpu.wait_indirect_dma semaphore(%arg25 : memref<!tpu.dma_semaphore, #tpu.memory_space<semaphore_mem>>) src(%arg16 : memref<128x128xf32, #tpu.memory_space<vmem>>) dst(%dma_wait3A_218 : memref<10112x128xf32, #tpu.memory_space<vmem_shared>>)
        } else {
        }
        %dma_start3A_206 = arith.constant 0 : i32
        %dma_start3A_207 = arith.constant 0 : i32
        %dma_start3A_208 = tpu.memref_slice %arg2[%dma_start3A_206, %dma_start3A_207] : memref<10000x128xf32, #tpu.memory_space<hbm>> -> memref<10000x128xf32, #tpu.memory_space<hbm>>
        tpu.enqueue_indirect_dma source(%dma_start3A_208 : memref<10000x128xf32, #tpu.memory_space<hbm>>) target(%arg16 : memref<128x128xf32, #tpu.memory_space<vmem>>) offsets(%arg10 : memref<128xi32, #tpu.memory_space<vmem>>) semaphore(%arg23 : memref<!tpu.dma_semaphore, #tpu.memory_space<semaphore_mem>>)
        %add3A_209 = arith.constant 3 : i32
        %add3A_210 = arith.addi %add3A_157, %add3A_209 : i32
        %lt3A_211 = arith.constant 80 : i32
        %lt3A_212 = arith.cmpi slt, %add3A_210, %lt3A_211 : i32
        %convert_element_type3A_213 = arith.extui %lt3A_212 : i1 to i32
        %cond3A_214 = arith.constant 0 : i32
        %cond3A_215 = arith.cmpi ne, %convert_element_type3A_213, %cond3A_214 : i32
        scf.if %cond3A_215 {
          %add3A_216 = arith.constant 3 : i32
          %add3A_217 = arith.addi %add3A_157, %add3A_216 : i32
          %dma_start3A_218 = arith.constant 0 : i32
          %dma_start3A_219 = tpu.memref_slice %arg3[%add3A, %add3A_217, %dma_start3A_218] : memref<32x80x128xi32, #tpu.memory_space<hbm>> -> memref<1x1x128xi32, #tpu.memory_space<hbm>>
          %dma_start3A_220 = tpu.memref_squeeze %dma_start3A_219 : memref<1x1x128xi32, #tpu.memory_space<hbm>> -> memref<128xi32, #tpu.memory_space<hbm>>
          %dma_start3A_221 = arith.constant 0 : i32
          %dma_start3A_222 = tpu.memref_slice %arg3[%add3A, %add3A_217, %dma_start3A_221] : memref<32x80x128xi32, #tpu.memory_space<hbm>> -> memref<1x1x128xi32, #tpu.memory_space<hbm>>
          %dma_start3A_223 = tpu.memref_squeeze %dma_start3A_222 : memref<1x1x128xi32, #tpu.memory_space<hbm>> -> memref<128xi32, #tpu.memory_space<hbm>>
          tpu.enqueue_dma source(%dma_start3A_223 : memref<128xi32, #tpu.memory_space<hbm>>) target(%arg8 : memref<128xi32, #tpu.memory_space<vmem>>) target_semaphore(%arg19 : memref<!tpu.dma_semaphore, #tpu.memory_space<semaphore_mem>>)
          %dma_start3A_224 = arith.constant 0 : i32
          %dma_start3A_225 = tpu.memref_slice %arg4[%add3A, %add3A_217, %dma_start3A_224] : memref<32x80x128xi32, #tpu.memory_space<hbm>> -> memref<1x1x128xi32, #tpu.memory_space<hbm>>
          %dma_start3A_226 = tpu.memref_squeeze %dma_start3A_225 : memref<1x1x128xi32, #tpu.memory_space<hbm>> -> memref<128xi32, #tpu.memory_space<hbm>>
          %dma_start3A_227 = arith.constant 0 : i32
          %dma_start3A_228 = tpu.memref_slice %arg4[%add3A, %add3A_217, %dma_start3A_227] : memref<32x80x128xi32, #tpu.memory_space<hbm>> -> memref<1x1x128xi32, #tpu.memory_space<hbm>>
          %dma_start3A_229 = tpu.memref_squeeze %dma_start3A_228 : memref<1x1x128xi32, #tpu.memory_space<hbm>> -> memref<128xi32, #tpu.memory_space<hbm>>
          tpu.enqueue_dma source(%dma_start3A_229 : memref<128xi32, #tpu.memory_space<hbm>>) target(%arg12 : memref<128xi32, #tpu.memory_space<vmem>>) target_semaphore(%arg19 : memref<!tpu.dma_semaphore, #tpu.memory_space<semaphore_mem>>)
        } else {
        }
      } else {
      }
      %dma_wait3A_165 = arith.constant 0 : i32
      %dma_wait3A_166 = arith.constant 0 : i32
      %dma_wait3A_167 = tpu.memref_slice %arg2[%dma_wait3A_165, %dma_wait3A_166] : memref<10000x128xf32, #tpu.memory_space<hbm>> -> memref<10000x128xf32, #tpu.memory_space<hbm>>
      tpu.wait_indirect_dma semaphore(%arg22 : memref<!tpu.dma_semaphore, #tpu.memory_space<semaphore_mem>>) src(%dma_wait3A_167 : memref<10000x128xf32, #tpu.memory_space<hbm>>) dst(%arg15 : memref<128x128xf32, #tpu.memory_space<vmem>>)
      %dma_start3A_168 = arith.constant 0 : i32
      %dma_start3A_169 = arith.constant 0 : i32
      %dma_start3A_170 = tpu.memref_slice %arg17[%dma_start3A_168, %dma_start3A_169] : memref<10112x128xf32, #tpu.memory_space<vmem_shared>> -> memref<10112x128xf32, #tpu.memory_space<vmem_shared>>
      tpu.enqueue_indirect_dma source(%arg15 : memref<128x128xf32, #tpu.memory_space<vmem>>) target(%dma_start3A_170 : memref<10112x128xf32, #tpu.memory_space<vmem_shared>>) offsets(%arg13 : memref<128xi32, #tpu.memory_space<vmem>>) semaphore(%arg24 : memref<!tpu.dma_semaphore, #tpu.memory_space<semaphore_mem>>) {add = true}
      %mul3A_171 = arith.constant 4 : i32
      %mul3A_172 = arith.muli %scan3A_122, %mul3A_171 : i32
      %add3A_173 = arith.constant 3 : i32
      %add3A_174 = arith.addi %mul3A_172, %add3A_173 : i32
      %add3A_175 = arith.constant 1 : i32
      %add3A_176 = arith.addi %add3A_174, %add3A_175 : i32
      %lt3A_177 = arith.constant 80 : i32
      %lt3A_178 = arith.cmpi slt, %add3A_176, %lt3A_177 : i32
      %convert_element_type3A_179 = arith.extui %lt3A_178 : i1 to i32
      %cond3A_180 = arith.constant 0 : i32
      %cond3A_181 = arith.cmpi ne, %convert_element_type3A_179, %cond3A_180 : i32
      scf.if %cond3A_181 {
        %add3A_188 = arith.constant 1 : i32
        %add3A_189 = arith.addi %add3A_174, %add3A_188 : i32
        %dma_wait3A_190 = arith.constant 0 : i32
        %dma_wait3A_191 = tpu.memref_slice %arg3[%add3A, %add3A_189, %dma_wait3A_190] : memref<32x80x128xi32, #tpu.memory_space<hbm>> -> memref<1x1x128xi32, #tpu.memory_space<hbm>>
        %dma_wait3A_192 = tpu.memref_squeeze %dma_wait3A_191 : memref<1x1x128xi32, #tpu.memory_space<hbm>> -> memref<128xi32, #tpu.memory_space<hbm>>
        %dma_wait3A_193 = arith.constant 0 : i32
        %dma_wait3A_194 = tpu.memref_slice %arg3[%add3A, %add3A_189, %dma_wait3A_193] : memref<32x80x128xi32, #tpu.memory_space<hbm>> -> memref<1x1x128xi32, #tpu.memory_space<hbm>>
        %dma_wait3A_195 = tpu.memref_squeeze %dma_wait3A_194 : memref<1x1x128xi32, #tpu.memory_space<hbm>> -> memref<128xi32, #tpu.memory_space<hbm>>
        tpu.wait_dma2 semaphore(%arg18 : memref<!tpu.dma_semaphore, #tpu.memory_space<semaphore_mem>>) src(%dma_wait3A_195 : memref<128xi32, #tpu.memory_space<hbm>>) dst(%arg7 : memref<128xi32, #tpu.memory_space<vmem>>)
        %dma_wait3A_196 = arith.constant 0 : i32
        %dma_wait3A_197 = tpu.memref_slice %arg4[%add3A, %add3A_189, %dma_wait3A_196] : memref<32x80x128xi32, #tpu.memory_space<hbm>> -> memref<1x1x128xi32, #tpu.memory_space<hbm>>
        %dma_wait3A_198 = tpu.memref_squeeze %dma_wait3A_197 : memref<1x1x128xi32, #tpu.memory_space<hbm>> -> memref<128xi32, #tpu.memory_space<hbm>>
        %dma_wait3A_199 = arith.constant 0 : i32
        %dma_wait3A_200 = tpu.memref_slice %arg4[%add3A, %add3A_189, %dma_wait3A_199] : memref<32x80x128xi32, #tpu.memory_space<hbm>> -> memref<1x1x128xi32, #tpu.memory_space<hbm>>
        %dma_wait3A_201 = tpu.memref_squeeze %dma_wait3A_200 : memref<1x1x128xi32, #tpu.memory_space<hbm>> -> memref<128xi32, #tpu.memory_space<hbm>>
        tpu.wait_dma2 semaphore(%arg18 : memref<!tpu.dma_semaphore, #tpu.memory_space<semaphore_mem>>) src(%dma_wait3A_201 : memref<128xi32, #tpu.memory_space<hbm>>) dst(%arg11 : memref<128xi32, #tpu.memory_space<vmem>>)
        %ge3A = arith.constant 1 : i32
        %ge3A_202 = arith.cmpi sge, %add3A_174, %ge3A : i32
        %convert_element_type3A_203 = arith.extui %ge3A_202 : i1 to i32
        %cond3A_204 = arith.constant 0 : i32
        %cond3A_205 = arith.cmpi ne, %convert_element_type3A_203, %cond3A_204 : i32
        scf.if %cond3A_205 {
          %dma_wait3A_216 = arith.constant 0 : i32
          %dma_wait3A_217 = arith.constant 0 : i32
          %dma_wait3A_218 = tpu.memref_slice %arg17[%dma_wait3A_216, %dma_wait3A_217] : memref<10112x128xf32, #tpu.memory_space<vmem_shared>> -> memref<10112x128xf32, #tpu.memory_space<vmem_shared>>
          tpu.wait_indirect_dma semaphore(%arg24 : memref<!tpu.dma_semaphore, #tpu.memory_space<semaphore_mem>>) src(%arg15 : memref<128x128xf32, #tpu.memory_space<vmem>>) dst(%dma_wait3A_218 : memref<10112x128xf32, #tpu.memory_space<vmem_shared>>)
        } else {
        }
        %dma_start3A_206 = arith.constant 0 : i32
        %dma_start3A_207 = arith.constant 0 : i32
        %dma_start3A_208 = tpu.memref_slice %arg2[%dma_start3A_206, %dma_start3A_207] : memref<10000x128xf32, #tpu.memory_space<hbm>> -> memref<10000x128xf32, #tpu.memory_space<hbm>>
        tpu.enqueue_indirect_dma source(%dma_start3A_208 : memref<10000x128xf32, #tpu.memory_space<hbm>>) target(%arg15 : memref<128x128xf32, #tpu.memory_space<vmem>>) offsets(%arg7 : memref<128xi32, #tpu.memory_space<vmem>>) semaphore(%arg22 : memref<!tpu.dma_semaphore, #tpu.memory_space<semaphore_mem>>)
        %add3A_209 = arith.constant 3 : i32
        %add3A_210 = arith.addi %add3A_174, %add3A_209 : i32
        %lt3A_211 = arith.constant 80 : i32
        %lt3A_212 = arith.cmpi slt, %add3A_210, %lt3A_211 : i32
        %convert_element_type3A_213 = arith.extui %lt3A_212 : i1 to i32
        %cond3A_214 = arith.constant 0 : i32
        %cond3A_215 = arith.cmpi ne, %convert_element_type3A_213, %cond3A_214 : i32
        scf.if %cond3A_215 {
          %add3A_216 = arith.constant 3 : i32
          %add3A_217 = arith.addi %add3A_174, %add3A_216 : i32
          %dma_start3A_218 = arith.constant 0 : i32
          %dma_start3A_219 = tpu.memref_slice %arg3[%add3A, %add3A_217, %dma_start3A_218] : memref<32x80x128xi32, #tpu.memory_space<hbm>> -> memref<1x1x128xi32, #tpu.memory_space<hbm>>
          %dma_start3A_220 = tpu.memref_squeeze %dma_start3A_219 : memref<1x1x128xi32, #tpu.memory_space<hbm>> -> memref<128xi32, #tpu.memory_space<hbm>>
          %dma_start3A_221 = arith.constant 0 : i32
          %dma_start3A_222 = tpu.memref_slice %arg3[%add3A, %add3A_217, %dma_start3A_221] : memref<32x80x128xi32, #tpu.memory_space<hbm>> -> memref<1x1x128xi32, #tpu.memory_space<hbm>>
          %dma_start3A_223 = tpu.memref_squeeze %dma_start3A_222 : memref<1x1x128xi32, #tpu.memory_space<hbm>> -> memref<128xi32, #tpu.memory_space<hbm>>
          tpu.enqueue_dma source(%dma_start3A_223 : memref<128xi32, #tpu.memory_space<hbm>>) target(%arg9 : memref<128xi32, #tpu.memory_space<vmem>>) target_semaphore(%arg20 : memref<!tpu.dma_semaphore, #tpu.memory_space<semaphore_mem>>)
          %dma_start3A_224 = arith.constant 0 : i32
          %dma_start3A_225 = tpu.memref_slice %arg4[%add3A, %add3A_217, %dma_start3A_224] : memref<32x80x128xi32, #tpu.memory_space<hbm>> -> memref<1x1x128xi32, #tpu.memory_space<hbm>>
          %dma_start3A_226 = tpu.memref_squeeze %dma_start3A_225 : memref<1x1x128xi32, #tpu.memory_space<hbm>> -> memref<128xi32, #tpu.memory_space<hbm>>
          %dma_start3A_227 = arith.constant 0 : i32
          %dma_start3A_228 = tpu.memref_slice %arg4[%add3A, %add3A_217, %dma_start3A_227] : memref<32x80x128xi32, #tpu.memory_space<hbm>> -> memref<1x1x128xi32, #tpu.memory_space<hbm>>
          %dma_start3A_229 = tpu.memref_squeeze %dma_start3A_228 : memref<1x1x128xi32, #tpu.memory_space<hbm>> -> memref<128xi32, #tpu.memory_space<hbm>>
          tpu.enqueue_dma source(%dma_start3A_229 : memref<128xi32, #tpu.memory_space<hbm>>) target(%arg13 : memref<128xi32, #tpu.memory_space<vmem>>) target_semaphore(%arg20 : memref<!tpu.dma_semaphore, #tpu.memory_space<semaphore_mem>>)
        } else {
        }
      } else {
      }
      %dma_wait3A_182 = arith.constant 0 : i32
      %dma_wait3A_183 = arith.constant 0 : i32
      %dma_wait3A_184 = tpu.memref_slice %arg2[%dma_wait3A_182, %dma_wait3A_183] : memref<10000x128xf32, #tpu.memory_space<hbm>> -> memref<10000x128xf32, #tpu.memory_space<hbm>>
      tpu.wait_indirect_dma semaphore(%arg23 : memref<!tpu.dma_semaphore, #tpu.memory_space<semaphore_mem>>) src(%dma_wait3A_184 : memref<10000x128xf32, #tpu.memory_space<hbm>>) dst(%arg16 : memref<128x128xf32, #tpu.memory_space<vmem>>)
      %dma_start3A_185 = arith.constant 0 : i32
      %dma_start3A_186 = arith.constant 0 : i32
      %dma_start3A_187 = tpu.memref_slice %arg17[%dma_start3A_185, %dma_start3A_186] : memref<10112x128xf32, #tpu.memory_space<vmem_shared>> -> memref<10112x128xf32, #tpu.memory_space<vmem_shared>>
      tpu.enqueue_indirect_dma source(%arg16 : memref<128x128xf32, #tpu.memory_space<vmem>>) target(%dma_start3A_187 : memref<10112x128xf32, #tpu.memory_space<vmem_shared>>) offsets(%arg14 : memref<128xi32, #tpu.memory_space<vmem>>) semaphore(%arg25 : memref<!tpu.dma_semaphore, #tpu.memory_space<semaphore_mem>>) {add = true}
    }
    %scan3A_74 = arith.constant 20 : i32
    %dma_wait3A_75 = arith.constant 0 : i32
    %dma_wait3A_76 = arith.constant 0 : i32
    %dma_wait3A_77 = tpu.memref_slice %arg17[%dma_wait3A_75, %dma_wait3A_76] : memref<10112x128xf32, #tpu.memory_space<vmem_shared>> -> memref<10112x128xf32, #tpu.memory_space<vmem_shared>>
    tpu.wait_indirect_dma semaphore(%arg24 : memref<!tpu.dma_semaphore, #tpu.memory_space<semaphore_mem>>) src(%arg15 : memref<128x128xf32, #tpu.memory_space<vmem>>) dst(%dma_wait3A_77 : memref<10112x128xf32, #tpu.memory_space<vmem_shared>>)
    %dma_wait3A_78 = arith.constant 0 : i32
    %dma_wait3A_79 = arith.constant 0 : i32
    %dma_wait3A_80 = tpu.memref_slice %arg17[%dma_wait3A_78, %dma_wait3A_79] : memref<10112x128xf32, #tpu.memory_space<vmem_shared>> -> memref<10112x128xf32, #tpu.memory_space<vmem_shared>>
    tpu.wait_indirect_dma semaphore(%arg25 : memref<!tpu.dma_semaphore, #tpu.memory_space<semaphore_mem>>) src(%arg16 : memref<128x128xf32, #tpu.memory_space<vmem>>) dst(%dma_wait3A_80 : memref<10112x128xf32, #tpu.memory_space<vmem_shared>>)
    %barrier3A_81 = arith.constant 0 : index
    tpu.barrier barrier_id(%barrier3A_81)
    %mul3A_82 = arith.constant 632 : i32
    %mul3A_83 = arith.muli %arg1, %mul3A_82 : i32
    %add3A_84 = arith.constant 0 : i32
    %add3A_85 = arith.addi %mul3A_83, %add3A_84 : i32
    "tpu.region"() ({
      %run_scoped3A = tpu.sem_alloc : memref<!tpu.dma_semaphore, #tpu.memory_space<semaphore_mem>>
      %dma_start3A_122 = arith.constant 0 : i32
      %dma_start3A_123 = arith.constant 0 : i32
      %dma_start3A_124 = tpu.memref_slice %arg15[%dma_start3A_122, %dma_start3A_123] : memref<128x128xf32, #tpu.memory_space<vmem>> -> memref<128x128xf32, #tpu.memory_space<vmem>>
      %dma_start3A_125 = arith.constant 0 : i32
      %dma_start3A_126 = tpu.memref_slice %arg17[%add3A_85, %dma_start3A_125] : memref<10112x128xf32, #tpu.memory_space<vmem_shared>> -> memref<128x128xf32, #tpu.memory_space<vmem_shared>>
      %dma_start3A_127 = arith.constant 0 : i32
      %dma_start3A_128 = arith.constant 0 : i32
      %dma_start3A_129 = tpu.memref_slice %arg15[%dma_start3A_127, %dma_start3A_128] : memref<128x128xf32, #tpu.memory_space<vmem>> -> memref<128x128xf32, #tpu.memory_space<vmem>>
      %dma_start3A_130 = arith.constant 0 : i32
      %dma_start3A_131 = tpu.memref_slice %arg17[%add3A_85, %dma_start3A_130] : memref<10112x128xf32, #tpu.memory_space<vmem_shared>> -> memref<128x128xf32, #tpu.memory_space<vmem_shared>>
      tpu.enqueue_dma source(%dma_start3A_131 : memref<128x128xf32, #tpu.memory_space<vmem_shared>>) target(%dma_start3A_129 : memref<128x128xf32, #tpu.memory_space<vmem>>) target_semaphore(%run_scoped3A : memref<!tpu.dma_semaphore, #tpu.memory_space<semaphore_mem>>)
      %dma_wait3A_132 = arith.constant 0 : i32
      %dma_wait3A_133 = arith.constant 0 : i32
      %dma_wait3A_134 = tpu.memref_slice %arg15[%dma_wait3A_132, %dma_wait3A_133] : memref<128x128xf32, #tpu.memory_space<vmem>> -> memref<128x128xf32, #tpu.memory_space<vmem>>
      %dma_wait3A_135 = arith.constant 0 : i32
      %dma_wait3A_136 = tpu.memref_slice %arg17[%add3A_85, %dma_wait3A_135] : memref<10112x128xf32, #tpu.memory_space<vmem_shared>> -> memref<128x128xf32, #tpu.memory_space<vmem_shared>>
      %dma_wait3A_137 = arith.constant 0 : i32
      %dma_wait3A_138 = arith.constant 0 : i32
      %dma_wait3A_139 = tpu.memref_slice %arg15[%dma_wait3A_137, %dma_wait3A_138] : memref<128x128xf32, #tpu.memory_space<vmem>> -> memref<128x128xf32, #tpu.memory_space<vmem>>
      %dma_wait3A_140 = arith.constant 0 : i32
      %dma_wait3A_141 = tpu.memref_slice %arg17[%add3A_85, %dma_wait3A_140] : memref<10112x128xf32, #tpu.memory_space<vmem_shared>> -> memref<128x128xf32, #tpu.memory_space<vmem_shared>>
      tpu.wait_dma2 semaphore(%run_scoped3A : memref<!tpu.dma_semaphore, #tpu.memory_space<semaphore_mem>>) src(%dma_wait3A_141 : memref<128x128xf32, #tpu.memory_space<vmem_shared>>) dst(%dma_wait3A_139 : memref<128x128xf32, #tpu.memory_space<vmem>>)
      tpu.yield
    }) : () -> ()
    %mul3A_86 = arith.constant 632 : i32
    %mul3A_87 = arith.muli %arg1, %mul3A_86 : i32
    %add3A_88 = arith.constant 0 : i32
    %add3A_89 = arith.addi %mul3A_87, %add3A_88 : i32
    "tpu.region"() ({
      %run_scoped3A = tpu.sem_alloc : memref<!tpu.dma_semaphore, #tpu.memory_space<semaphore_mem>>
      %dma_start3A_122 = arith.constant 0 : i32
      %dma_start3A_123 = arith.constant 0 : i32
      %dma_start3A_124 = tpu.memref_slice %arg15[%dma_start3A_122, %dma_start3A_123] : memref<128x128xf32, #tpu.memory_space<vmem>> -> memref<128x128xf32, #tpu.memory_space<vmem>>
      %dma_start3A_125 = arith.constant 0 : i32
      %dma_start3A_126 = tpu.memref_slice %arg6[%arg0, %add3A_89, %dma_start3A_125] : memref<2x10112x128xf32, #tpu.memory_space<hbm>> -> memref<1x128x128xf32, #tpu.memory_space<hbm>>
      %dma_start3A_127 = tpu.memref_squeeze %dma_start3A_126 : memref<1x128x128xf32, #tpu.memory_space<hbm>> -> memref<128x128xf32, #tpu.memory_space<hbm>>
      %dma_start3A_128 = arith.constant 0 : i32
      %dma_start3A_129 = tpu.memref_slice %arg6[%arg0, %add3A_89, %dma_start3A_128] : memref<2x10112x128xf32, #tpu.memory_space<hbm>> -> memref<1x128x128xf32, #tpu.memory_space<hbm>>
      %dma_start3A_130 = tpu.memref_squeeze %dma_start3A_129 : memref<1x128x128xf32, #tpu.memory_space<hbm>> -> memref<128x128xf32, #tpu.memory_space<hbm>>
      %dma_start3A_131 = arith.constant 0 : i32
      %dma_start3A_132 = arith.constant 0 : i32
      %dma_start3A_133 = tpu.memref_slice %arg15[%dma_start3A_131, %dma_start3A_132] : memref<128x128xf32, #tpu.memory_space<vmem>> -> memref<128x128xf32, #tpu.memory_space<vmem>>
      tpu.enqueue_dma source(%dma_start3A_133 : memref<128x128xf32, #tpu.memory_space<vmem>>) target(%dma_start3A_130 : memref<128x128xf32, #tpu.memory_space<hbm>>) target_semaphore(%run_scoped3A : memref<!tpu.dma_semaphore, #tpu.memory_space<semaphore_mem>>)
      %dma_wait3A_134 = arith.constant 0 : i32
      %dma_wait3A_135 = arith.constant 0 : i32
      %dma_wait3A_136 = tpu.memref_slice %arg15[%dma_wait3A_134, %dma_wait3A_135] : memref<128x128xf32, #tpu.memory_space<vmem>> -> memref<128x128xf32, #tpu.memory_space<vmem>>
      %dma_wait3A_137 = arith.constant 0 : i32
      %dma_wait3A_138 = tpu.memref_slice %arg6[%arg0, %add3A_89, %dma_wait3A_137] : memref<2x10112x128xf32, #tpu.memory_space<hbm>> -> memref<1x128x128xf32, #tpu.memory_space<hbm>>
      %dma_wait3A_139 = tpu.memref_squeeze %dma_wait3A_138 : memref<1x128x128xf32, #tpu.memory_space<hbm>> -> memref<128x128xf32, #tpu.memory_space<hbm>>
      %dma_wait3A_140 = arith.constant 0 : i32
      %dma_wait3A_141 = tpu.memref_slice %arg6[%arg0, %add3A_89, %dma_wait3A_140] : memref<2x10112x128xf32, #tpu.memory_space<hbm>> -> memref<1x128x128xf32, #tpu.memory_space<hbm>>
      %dma_wait3A_142 = tpu.memref_squeeze %dma_wait3A_141 : memref<1x128x128xf32, #tpu.memory_space<hbm>> -> memref<128x128xf32, #tpu.memory_space<hbm>>
      %dma_wait3A_143 = arith.constant 0 : i32
      %dma_wait3A_144 = arith.constant 0 : i32
      %dma_wait3A_145 = tpu.memref_slice %arg15[%dma_wait3A_143, %dma_wait3A_144] : memref<128x128xf32, #tpu.memory_space<vmem>> -> memref<128x128xf32, #tpu.memory_space<vmem>>
      tpu.wait_dma2 semaphore(%run_scoped3A : memref<!tpu.dma_semaphore, #tpu.memory_space<semaphore_mem>>) src(%dma_wait3A_145 : memref<128x128xf32, #tpu.memory_space<vmem>>) dst(%dma_wait3A_142 : memref<128x128xf32, #tpu.memory_space<hbm>>)
      tpu.yield
    }) : () -> ()
    %mul3A_90 = arith.constant 632 : i32
    %mul3A_91 = arith.muli %arg1, %mul3A_90 : i32
    %add3A_92 = arith.constant 128 : i32
    %add3A_93 = arith.addi %mul3A_91, %add3A_92 : i32
    "tpu.region"() ({
      %run_scoped3A = tpu.sem_alloc : memref<!tpu.dma_semaphore, #tpu.memory_space<semaphore_mem>>
      %dma_start3A_122 = arith.constant 0 : i32
      %dma_start3A_123 = arith.constant 0 : i32
      %dma_start3A_124 = tpu.memref_slice %arg16[%dma_start3A_122, %dma_start3A_123] : memref<128x128xf32, #tpu.memory_space<vmem>> -> memref<128x128xf32, #tpu.memory_space<vmem>>
      %dma_start3A_125 = arith.constant 0 : i32
      %dma_start3A_126 = tpu.memref_slice %arg17[%add3A_93, %dma_start3A_125] : memref<10112x128xf32, #tpu.memory_space<vmem_shared>> -> memref<128x128xf32, #tpu.memory_space<vmem_shared>>
      %dma_start3A_127 = arith.constant 0 : i32
      %dma_start3A_128 = arith.constant 0 : i32
      %dma_start3A_129 = tpu.memref_slice %arg16[%dma_start3A_127, %dma_start3A_128] : memref<128x128xf32, #tpu.memory_space<vmem>> -> memref<128x128xf32, #tpu.memory_space<vmem>>
      %dma_start3A_130 = arith.constant 0 : i32
      %dma_start3A_131 = tpu.memref_slice %arg17[%add3A_93, %dma_start3A_130] : memref<10112x128xf32, #tpu.memory_space<vmem_shared>> -> memref<128x128xf32, #tpu.memory_space<vmem_shared>>
      tpu.enqueue_dma source(%dma_start3A_131 : memref<128x128xf32, #tpu.memory_space<vmem_shared>>) target(%dma_start3A_129 : memref<128x128xf32, #tpu.memory_space<vmem>>) target_semaphore(%run_scoped3A : memref<!tpu.dma_semaphore, #tpu.memory_space<semaphore_mem>>)
      %dma_wait3A_132 = arith.constant 0 : i32
      %dma_wait3A_133 = arith.constant 0 : i32
      %dma_wait3A_134 = tpu.memref_slice %arg16[%dma_wait3A_132, %dma_wait3A_133] : memref<128x128xf32, #tpu.memory_space<vmem>> -> memref<128x128xf32, #tpu.memory_space<vmem>>
      %dma_wait3A_135 = arith.constant 0 : i32
      %dma_wait3A_136 = tpu.memref_slice %arg17[%add3A_93, %dma_wait3A_135] : memref<10112x128xf32, #tpu.memory_space<vmem_shared>> -> memref<128x128xf32, #tpu.memory_space<vmem_shared>>
      %dma_wait3A_137 = arith.constant 0 : i32
      %dma_wait3A_138 = arith.constant 0 : i32
      %dma_wait3A_139 = tpu.memref_slice %arg16[%dma_wait3A_137, %dma_wait3A_138] : memref<128x128xf32, #tpu.memory_space<vmem>> -> memref<128x128xf32, #tpu.memory_space<vmem>>
      %dma_wait3A_140 = arith.constant 0 : i32
      %dma_wait3A_141 = tpu.memref_slice %arg17[%add3A_93, %dma_wait3A_140] : memref<10112x128xf32, #tpu.memory_space<vmem_shared>> -> memref<128x128xf32, #tpu.memory_space<vmem_shared>>
      tpu.wait_dma2 semaphore(%run_scoped3A : memref<!tpu.dma_semaphore, #tpu.memory_space<semaphore_mem>>) src(%dma_wait3A_141 : memref<128x128xf32, #tpu.memory_space<vmem_shared>>) dst(%dma_wait3A_139 : memref<128x128xf32, #tpu.memory_space<vmem>>)
      tpu.yield
    }) : () -> ()
    %mul3A_94 = arith.constant 632 : i32
    %mul3A_95 = arith.muli %arg1, %mul3A_94 : i32
    %add3A_96 = arith.constant 128 : i32
    %add3A_97 = arith.addi %mul3A_95, %add3A_96 : i32
    "tpu.region"() ({
      %run_scoped3A = tpu.sem_alloc : memref<!tpu.dma_semaphore, #tpu.memory_space<semaphore_mem>>
      %dma_start3A_122 = arith.constant 0 : i32
      %dma_start3A_123 = arith.constant 0 : i32
      %dma_start3A_124 = tpu.memref_slice %arg16[%dma_start3A_122, %dma_start3A_123] : memref<128x128xf32, #tpu.memory_space<vmem>> -> memref<128x128xf32, #tpu.memory_space<vmem>>
      %dma_start3A_125 = arith.constant 0 : i32
      %dma_start3A_126 = tpu.memref_slice %arg6[%arg0, %add3A_97, %dma_start3A_125] : memref<2x10112x128xf32, #tpu.memory_space<hbm>> -> memref<1x128x128xf32, #tpu.memory_space<hbm>>
      %dma_start3A_127 = tpu.memref_squeeze %dma_start3A_126 : memref<1x128x128xf32, #tpu.memory_space<hbm>> -> memref<128x128xf32, #tpu.memory_space<hbm>>
      %dma_start3A_128 = arith.constant 0 : i32
      %dma_start3A_129 = tpu.memref_slice %arg6[%arg0, %add3A_97, %dma_start3A_128] : memref<2x10112x128xf32, #tpu.memory_space<hbm>> -> memref<1x128x128xf32, #tpu.memory_space<hbm>>
      %dma_start3A_130 = tpu.memref_squeeze %dma_start3A_129 : memref<1x128x128xf32, #tpu.memory_space<hbm>> -> memref<128x128xf32, #tpu.memory_space<hbm>>
      %dma_start3A_131 = arith.constant 0 : i32
      %dma_start3A_132 = arith.constant 0 : i32
      %dma_start3A_133 = tpu.memref_slice %arg16[%dma_start3A_131, %dma_start3A_132] : memref<128x128xf32, #tpu.memory_space<vmem>> -> memref<128x128xf32, #tpu.memory_space<vmem>>
      tpu.enqueue_dma source(%dma_start3A_133 : memref<128x128xf32, #tpu.memory_space<vmem>>) target(%dma_start3A_130 : memref<128x128xf32, #tpu.memory_space<hbm>>) target_semaphore(%run_scoped3A : memref<!tpu.dma_semaphore, #tpu.memory_space<semaphore_mem>>)
      %dma_wait3A_134 = arith.constant 0 : i32
      %dma_wait3A_135 = arith.constant 0 : i32
      %dma_wait3A_136 = tpu.memref_slice %arg16[%dma_wait3A_134, %dma_wait3A_135] : memref<128x128xf32, #tpu.memory_space<vmem>> -> memref<128x128xf32, #tpu.memory_space<vmem>>
      %dma_wait3A_137 = arith.constant 0 : i32
      %dma_wait3A_138 = tpu.memref_slice %arg6[%arg0, %add3A_97, %dma_wait3A_137] : memref<2x10112x128xf32, #tpu.memory_space<hbm>> -> memref<1x128x128xf32, #tpu.memory_space<hbm>>
      %dma_wait3A_139 = tpu.memref_squeeze %dma_wait3A_138 : memref<1x128x128xf32, #tpu.memory_space<hbm>> -> memref<128x128xf32, #tpu.memory_space<hbm>>
      %dma_wait3A_140 = arith.constant 0 : i32
      %dma_wait3A_141 = tpu.memref_slice %arg6[%arg0, %add3A_97, %dma_wait3A_140] : memref<2x10112x128xf32, #tpu.memory_space<hbm>> -> memref<1x128x128xf32, #tpu.memory_space<hbm>>
      %dma_wait3A_142 = tpu.memref_squeeze %dma_wait3A_141 : memref<1x128x128xf32, #tpu.memory_space<hbm>> -> memref<128x128xf32, #tpu.memory_space<hbm>>
      %dma_wait3A_143 = arith.constant 0 : i32
      %dma_wait3A_144 = arith.constant 0 : i32
      %dma_wait3A_145 = tpu.memref_slice %arg16[%dma_wait3A_143, %dma_wait3A_144] : memref<128x128xf32, #tpu.memory_space<vmem>> -> memref<128x128xf32, #tpu.memory_space<vmem>>
      tpu.wait_dma2 semaphore(%run_scoped3A : memref<!tpu.dma_semaphore, #tpu.memory_space<semaphore_mem>>) src(%dma_wait3A_145 : memref<128x128xf32, #tpu.memory_space<vmem>>) dst(%dma_wait3A_142 : memref<128x128xf32, #tpu.memory_space<hbm>>)
      tpu.yield
    }) : () -> ()
    %mul3A_98 = arith.constant 632 : i32
    %mul3A_99 = arith.muli %arg1, %mul3A_98 : i32
    %add3A_100 = arith.constant 256 : i32
    %add3A_101 = arith.addi %mul3A_99, %add3A_100 : i32
    "tpu.region"() ({
      %run_scoped3A = tpu.sem_alloc : memref<!tpu.dma_semaphore, #tpu.memory_space<semaphore_mem>>
      %dma_start3A_122 = arith.constant 0 : i32
      %dma_start3A_123 = arith.constant 0 : i32
      %dma_start3A_124 = tpu.memref_slice %arg15[%dma_start3A_122, %dma_start3A_123] : memref<128x128xf32, #tpu.memory_space<vmem>> -> memref<128x128xf32, #tpu.memory_space<vmem>>
      %dma_start3A_125 = arith.constant 0 : i32
      %dma_start3A_126 = tpu.memref_slice %arg17[%add3A_101, %dma_start3A_125] : memref<10112x128xf32, #tpu.memory_space<vmem_shared>> -> memref<128x128xf32, #tpu.memory_space<vmem_shared>>
      %dma_start3A_127 = arith.constant 0 : i32
      %dma_start3A_128 = arith.constant 0 : i32
      %dma_start3A_129 = tpu.memref_slice %arg15[%dma_start3A_127, %dma_start3A_128] : memref<128x128xf32, #tpu.memory_space<vmem>> -> memref<128x128xf32, #tpu.memory_space<vmem>>
      %dma_start3A_130 = arith.constant 0 : i32
      %dma_start3A_131 = tpu.memref_slice %arg17[%add3A_101, %dma_start3A_130] : memref<10112x128xf32, #tpu.memory_space<vmem_shared>> -> memref<128x128xf32, #tpu.memory_space<vmem_shared>>
      tpu.enqueue_dma source(%dma_start3A_131 : memref<128x128xf32, #tpu.memory_space<vmem_shared>>) target(%dma_start3A_129 : memref<128x128xf32, #tpu.memory_space<vmem>>) target_semaphore(%run_scoped3A : memref<!tpu.dma_semaphore, #tpu.memory_space<semaphore_mem>>)
      %dma_wait3A_132 = arith.constant 0 : i32
      %dma_wait3A_133 = arith.constant 0 : i32
      %dma_wait3A_134 = tpu.memref_slice %arg15[%dma_wait3A_132, %dma_wait3A_133] : memref<128x128xf32, #tpu.memory_space<vmem>> -> memref<128x128xf32, #tpu.memory_space<vmem>>
      %dma_wait3A_135 = arith.constant 0 : i32
      %dma_wait3A_136 = tpu.memref_slice %arg17[%add3A_101, %dma_wait3A_135] : memref<10112x128xf32, #tpu.memory_space<vmem_shared>> -> memref<128x128xf32, #tpu.memory_space<vmem_shared>>
      %dma_wait3A_137 = arith.constant 0 : i32
      %dma_wait3A_138 = arith.constant 0 : i32
      %dma_wait3A_139 = tpu.memref_slice %arg15[%dma_wait3A_137, %dma_wait3A_138] : memref<128x128xf32, #tpu.memory_space<vmem>> -> memref<128x128xf32, #tpu.memory_space<vmem>>
      %dma_wait3A_140 = arith.constant 0 : i32
      %dma_wait3A_141 = tpu.memref_slice %arg17[%add3A_101, %dma_wait3A_140] : memref<10112x128xf32, #tpu.memory_space<vmem_shared>> -> memref<128x128xf32, #tpu.memory_space<vmem_shared>>
      tpu.wait_dma2 semaphore(%run_scoped3A : memref<!tpu.dma_semaphore, #tpu.memory_space<semaphore_mem>>) src(%dma_wait3A_141 : memref<128x128xf32, #tpu.memory_space<vmem_shared>>) dst(%dma_wait3A_139 : memref<128x128xf32, #tpu.memory_space<vmem>>)
      tpu.yield
    }) : () -> ()
    %mul3A_102 = arith.constant 632 : i32
    %mul3A_103 = arith.muli %arg1, %mul3A_102 : i32
    %add3A_104 = arith.constant 256 : i32
    %add3A_105 = arith.addi %mul3A_103, %add3A_104 : i32
    "tpu.region"() ({
      %run_scoped3A = tpu.sem_alloc : memref<!tpu.dma_semaphore, #tpu.memory_space<semaphore_mem>>
      %dma_start3A_122 = arith.constant 0 : i32
      %dma_start3A_123 = arith.constant 0 : i32
      %dma_start3A_124 = tpu.memref_slice %arg15[%dma_start3A_122, %dma_start3A_123] : memref<128x128xf32, #tpu.memory_space<vmem>> -> memref<128x128xf32, #tpu.memory_space<vmem>>
      %dma_start3A_125 = arith.constant 0 : i32
      %dma_start3A_126 = tpu.memref_slice %arg6[%arg0, %add3A_105, %dma_start3A_125] : memref<2x10112x128xf32, #tpu.memory_space<hbm>> -> memref<1x128x128xf32, #tpu.memory_space<hbm>>
      %dma_start3A_127 = tpu.memref_squeeze %dma_start3A_126 : memref<1x128x128xf32, #tpu.memory_space<hbm>> -> memref<128x128xf32, #tpu.memory_space<hbm>>
      %dma_start3A_128 = arith.constant 0 : i32
      %dma_start3A_129 = tpu.memref_slice %arg6[%arg0, %add3A_105, %dma_start3A_128] : memref<2x10112x128xf32, #tpu.memory_space<hbm>> -> memref<1x128x128xf32, #tpu.memory_space<hbm>>
      %dma_start3A_130 = tpu.memref_squeeze %dma_start3A_129 : memref<1x128x128xf32, #tpu.memory_space<hbm>> -> memref<128x128xf32, #tpu.memory_space<hbm>>
      %dma_start3A_131 = arith.constant 0 : i32
      %dma_start3A_132 = arith.constant 0 : i32
      %dma_start3A_133 = tpu.memref_slice %arg15[%dma_start3A_131, %dma_start3A_132] : memref<128x128xf32, #tpu.memory_space<vmem>> -> memref<128x128xf32, #tpu.memory_space<vmem>>
      tpu.enqueue_dma source(%dma_start3A_133 : memref<128x128xf32, #tpu.memory_space<vmem>>) target(%dma_start3A_130 : memref<128x128xf32, #tpu.memory_space<hbm>>) target_semaphore(%run_scoped3A : memref<!tpu.dma_semaphore, #tpu.memory_space<semaphore_mem>>)
      %dma_wait3A_134 = arith.constant 0 : i32
      %dma_wait3A_135 = arith.constant 0 : i32
      %dma_wait3A_136 = tpu.memref_slice %arg15[%dma_wait3A_134, %dma_wait3A_135] : memref<128x128xf32, #tpu.memory_space<vmem>> -> memref<128x128xf32, #tpu.memory_space<vmem>>
      %dma_wait3A_137 = arith.constant 0 : i32
      %dma_wait3A_138 = tpu.memref_slice %arg6[%arg0, %add3A_105, %dma_wait3A_137] : memref<2x10112x128xf32, #tpu.memory_space<hbm>> -> memref<1x128x128xf32, #tpu.memory_space<hbm>>
      %dma_wait3A_139 = tpu.memref_squeeze %dma_wait3A_138 : memref<1x128x128xf32, #tpu.memory_space<hbm>> -> memref<128x128xf32, #tpu.memory_space<hbm>>
      %dma_wait3A_140 = arith.constant 0 : i32
      %dma_wait3A_141 = tpu.memref_slice %arg6[%arg0, %add3A_105, %dma_wait3A_140] : memref<2x10112x128xf32, #tpu.memory_space<hbm>> -> memref<1x128x128xf32, #tpu.memory_space<hbm>>
      %dma_wait3A_142 = tpu.memref_squeeze %dma_wait3A_141 : memref<1x128x128xf32, #tpu.memory_space<hbm>> -> memref<128x128xf32, #tpu.memory_space<hbm>>
      %dma_wait3A_143 = arith.constant 0 : i32
      %dma_wait3A_144 = arith.constant 0 : i32
      %dma_wait3A_145 = tpu.memref_slice %arg15[%dma_wait3A_143, %dma_wait3A_144] : memref<128x128xf32, #tpu.memory_space<vmem>> -> memref<128x128xf32, #tpu.memory_space<vmem>>
      tpu.wait_dma2 semaphore(%run_scoped3A : memref<!tpu.dma_semaphore, #tpu.memory_space<semaphore_mem>>) src(%dma_wait3A_145 : memref<128x128xf32, #tpu.memory_space<vmem>>) dst(%dma_wait3A_142 : memref<128x128xf32, #tpu.memory_space<hbm>>)
      tpu.yield
    }) : () -> ()
    %mul3A_106 = arith.constant 632 : i32
    %mul3A_107 = arith.muli %arg1, %mul3A_106 : i32
    %add3A_108 = arith.constant 384 : i32
    %add3A_109 = arith.addi %mul3A_107, %add3A_108 : i32
    "tpu.region"() ({
      %run_scoped3A = tpu.sem_alloc : memref<!tpu.dma_semaphore, #tpu.memory_space<semaphore_mem>>
      %dma_start3A_122 = arith.constant 0 : i32
      %dma_start3A_123 = arith.constant 0 : i32
      %dma_start3A_124 = tpu.memref_slice %arg16[%dma_start3A_122, %dma_start3A_123] : memref<128x128xf32, #tpu.memory_space<vmem>> -> memref<128x128xf32, #tpu.memory_space<vmem>>
      %dma_start3A_125 = arith.constant 0 : i32
      %dma_start3A_126 = tpu.memref_slice %arg17[%add3A_109, %dma_start3A_125] : memref<10112x128xf32, #tpu.memory_space<vmem_shared>> -> memref<128x128xf32, #tpu.memory_space<vmem_shared>>
      %dma_start3A_127 = arith.constant 0 : i32
      %dma_start3A_128 = arith.constant 0 : i32
      %dma_start3A_129 = tpu.memref_slice %arg16[%dma_start3A_127, %dma_start3A_128] : memref<128x128xf32, #tpu.memory_space<vmem>> -> memref<128x128xf32, #tpu.memory_space<vmem>>
      %dma_start3A_130 = arith.constant 0 : i32
      %dma_start3A_131 = tpu.memref_slice %arg17[%add3A_109, %dma_start3A_130] : memref<10112x128xf32, #tpu.memory_space<vmem_shared>> -> memref<128x128xf32, #tpu.memory_space<vmem_shared>>
      tpu.enqueue_dma source(%dma_start3A_131 : memref<128x128xf32, #tpu.memory_space<vmem_shared>>) target(%dma_start3A_129 : memref<128x128xf32, #tpu.memory_space<vmem>>) target_semaphore(%run_scoped3A : memref<!tpu.dma_semaphore, #tpu.memory_space<semaphore_mem>>)
      %dma_wait3A_132 = arith.constant 0 : i32
      %dma_wait3A_133 = arith.constant 0 : i32
      %dma_wait3A_134 = tpu.memref_slice %arg16[%dma_wait3A_132, %dma_wait3A_133] : memref<128x128xf32, #tpu.memory_space<vmem>> -> memref<128x128xf32, #tpu.memory_space<vmem>>
      %dma_wait3A_135 = arith.constant 0 : i32
      %dma_wait3A_136 = tpu.memref_slice %arg17[%add3A_109, %dma_wait3A_135] : memref<10112x128xf32, #tpu.memory_space<vmem_shared>> -> memref<128x128xf32, #tpu.memory_space<vmem_shared>>
      %dma_wait3A_137 = arith.constant 0 : i32
      %dma_wait3A_138 = arith.constant 0 : i32
      %dma_wait3A_139 = tpu.memref_slice %arg16[%dma_wait3A_137, %dma_wait3A_138] : memref<128x128xf32, #tpu.memory_space<vmem>> -> memref<128x128xf32, #tpu.memory_space<vmem>>
      %dma_wait3A_140 = arith.constant 0 : i32
      %dma_wait3A_141 = tpu.memref_slice %arg17[%add3A_109, %dma_wait3A_140] : memref<10112x128xf32, #tpu.memory_space<vmem_shared>> -> memref<128x128xf32, #tpu.memory_space<vmem_shared>>
      tpu.wait_dma2 semaphore(%run_scoped3A : memref<!tpu.dma_semaphore, #tpu.memory_space<semaphore_mem>>) src(%dma_wait3A_141 : memref<128x128xf32, #tpu.memory_space<vmem_shared>>) dst(%dma_wait3A_139 : memref<128x128xf32, #tpu.memory_space<vmem>>)
      tpu.yield
    }) : () -> ()
    %mul3A_110 = arith.constant 632 : i32
    %mul3A_111 = arith.muli %arg1, %mul3A_110 : i32
    %add3A_112 = arith.constant 384 : i32
    %add3A_113 = arith.addi %mul3A_111, %add3A_112 : i32
    "tpu.region"() ({
      %run_scoped3A = tpu.sem_alloc : memref<!tpu.dma_semaphore, #tpu.memory_space<semaphore_mem>>
      %dma_start3A_122 = arith.constant 0 : i32
      %dma_start3A_123 = arith.constant 0 : i32
      %dma_start3A_124 = tpu.memref_slice %arg16[%dma_start3A_122, %dma_start3A_123] : memref<128x128xf32, #tpu.memory_space<vmem>> -> memref<128x128xf32, #tpu.memory_space<vmem>>
      %dma_start3A_125 = arith.constant 0 : i32
      %dma_start3A_126 = tpu.memref_slice %arg6[%arg0, %add3A_113, %dma_start3A_125] : memref<2x10112x128xf32, #tpu.memory_space<hbm>> -> memref<1x128x128xf32, #tpu.memory_space<hbm>>
      %dma_start3A_127 = tpu.memref_squeeze %dma_start3A_126 : memref<1x128x128xf32, #tpu.memory_space<hbm>> -> memref<128x128xf32, #tpu.memory_space<hbm>>
      %dma_start3A_128 = arith.constant 0 : i32
      %dma_start3A_129 = tpu.memref_slice %arg6[%arg0, %add3A_113, %dma_start3A_128] : memref<2x10112x128xf32, #tpu.memory_space<hbm>> -> memref<1x128x128xf32, #tpu.memory_space<hbm>>
      %dma_start3A_130 = tpu.memref_squeeze %dma_start3A_129 : memref<1x128x128xf32, #tpu.memory_space<hbm>> -> memref<128x128xf32, #tpu.memory_space<hbm>>
      %dma_start3A_131 = arith.constant 0 : i32
      %dma_start3A_132 = arith.constant 0 : i32
      %dma_start3A_133 = tpu.memref_slice %arg16[%dma_start3A_131, %dma_start3A_132] : memref<128x128xf32, #tpu.memory_space<vmem>> -> memref<128x128xf32, #tpu.memory_space<vmem>>
      tpu.enqueue_dma source(%dma_start3A_133 : memref<128x128xf32, #tpu.memory_space<vmem>>) target(%dma_start3A_130 : memref<128x128xf32, #tpu.memory_space<hbm>>) target_semaphore(%run_scoped3A : memref<!tpu.dma_semaphore, #tpu.memory_space<semaphore_mem>>)
      %dma_wait3A_134 = arith.constant 0 : i32
      %dma_wait3A_135 = arith.constant 0 : i32
      %dma_wait3A_136 = tpu.memref_slice %arg16[%dma_wait3A_134, %dma_wait3A_135] : memref<128x128xf32, #tpu.memory_space<vmem>> -> memref<128x128xf32, #tpu.memory_space<vmem>>
      %dma_wait3A_137 = arith.constant 0 : i32
      %dma_wait3A_138 = tpu.memref_slice %arg6[%arg0, %add3A_113, %dma_wait3A_137] : memref<2x10112x128xf32, #tpu.memory_space<hbm>> -> memref<1x128x128xf32, #tpu.memory_space<hbm>>
      %dma_wait3A_139 = tpu.memref_squeeze %dma_wait3A_138 : memref<1x128x128xf32, #tpu.memory_space<hbm>> -> memref<128x128xf32, #tpu.memory_space<hbm>>
      %dma_wait3A_140 = arith.constant 0 : i32
      %dma_wait3A_141 = tpu.memref_slice %arg6[%arg0, %add3A_113, %dma_wait3A_140] : memref<2x10112x128xf32, #tpu.memory_space<hbm>> -> memref<1x128x128xf32, #tpu.memory_space<hbm>>
      %dma_wait3A_142 = tpu.memref_squeeze %dma_wait3A_141 : memref<1x128x128xf32, #tpu.memory_space<hbm>> -> memref<128x128xf32, #tpu.memory_space<hbm>>
      %dma_wait3A_143 = arith.constant 0 : i32
      %dma_wait3A_144 = arith.constant 0 : i32
      %dma_wait3A_145 = tpu.memref_slice %arg16[%dma_wait3A_143, %dma_wait3A_144] : memref<128x128xf32, #tpu.memory_space<vmem>> -> memref<128x128xf32, #tpu.memory_space<vmem>>
      tpu.wait_dma2 semaphore(%run_scoped3A : memref<!tpu.dma_semaphore, #tpu.memory_space<semaphore_mem>>) src(%dma_wait3A_145 : memref<128x128xf32, #tpu.memory_space<vmem>>) dst(%dma_wait3A_142 : memref<128x128xf32, #tpu.memory_space<hbm>>)
      tpu.yield
    }) : () -> ()
    %mul3A_114 = arith.constant 632 : i32
    %mul3A_115 = arith.muli %arg1, %mul3A_114 : i32
    %add3A_116 = arith.constant 512 : i32
    %add3A_117 = arith.addi %mul3A_115, %add3A_116 : i32
    "tpu.region"() ({
      %run_scoped3A = tpu.sem_alloc : memref<!tpu.dma_semaphore, #tpu.memory_space<semaphore_mem>>
      %dma_start3A_122 = arith.constant 0 : i32
      %dma_start3A_123 = arith.constant 0 : i32
      %dma_start3A_124 = tpu.memref_slice %arg15[%dma_start3A_122, %dma_start3A_123] : memref<128x128xf32, #tpu.memory_space<vmem>> -> memref<120x128xf32, #tpu.memory_space<vmem>>
      %dma_start3A_125 = arith.constant 0 : i32
      %dma_start3A_126 = tpu.memref_slice %arg17[%add3A_117, %dma_start3A_125] : memref<10112x128xf32, #tpu.memory_space<vmem_shared>> -> memref<120x128xf32, #tpu.memory_space<vmem_shared>>
      %dma_start3A_127 = arith.constant 0 : i32
      %dma_start3A_128 = arith.constant 0 : i32
      %dma_start3A_129 = tpu.memref_slice %arg15[%dma_start3A_127, %dma_start3A_128] : memref<128x128xf32, #tpu.memory_space<vmem>> -> memref<120x128xf32, #tpu.memory_space<vmem>>
      %dma_start3A_130 = arith.constant 0 : i32
      %dma_start3A_131 = tpu.memref_slice %arg17[%add3A_117, %dma_start3A_130] : memref<10112x128xf32, #tpu.memory_space<vmem_shared>> -> memref<120x128xf32, #tpu.memory_space<vmem_shared>>
      tpu.enqueue_dma source(%dma_start3A_131 : memref<120x128xf32, #tpu.memory_space<vmem_shared>>) target(%dma_start3A_129 : memref<120x128xf32, #tpu.memory_space<vmem>>) target_semaphore(%run_scoped3A : memref<!tpu.dma_semaphore, #tpu.memory_space<semaphore_mem>>)
      %dma_wait3A_132 = arith.constant 0 : i32
      %dma_wait3A_133 = arith.constant 0 : i32
      %dma_wait3A_134 = tpu.memref_slice %arg15[%dma_wait3A_132, %dma_wait3A_133] : memref<128x128xf32, #tpu.memory_space<vmem>> -> memref<120x128xf32, #tpu.memory_space<vmem>>
      %dma_wait3A_135 = arith.constant 0 : i32
      %dma_wait3A_136 = tpu.memref_slice %arg17[%add3A_117, %dma_wait3A_135] : memref<10112x128xf32, #tpu.memory_space<vmem_shared>> -> memref<120x128xf32, #tpu.memory_space<vmem_shared>>
      %dma_wait3A_137 = arith.constant 0 : i32
      %dma_wait3A_138 = arith.constant 0 : i32
      %dma_wait3A_139 = tpu.memref_slice %arg15[%dma_wait3A_137, %dma_wait3A_138] : memref<128x128xf32, #tpu.memory_space<vmem>> -> memref<120x128xf32, #tpu.memory_space<vmem>>
      %dma_wait3A_140 = arith.constant 0 : i32
      %dma_wait3A_141 = tpu.memref_slice %arg17[%add3A_117, %dma_wait3A_140] : memref<10112x128xf32, #tpu.memory_space<vmem_shared>> -> memref<120x128xf32, #tpu.memory_space<vmem_shared>>
      tpu.wait_dma2 semaphore(%run_scoped3A : memref<!tpu.dma_semaphore, #tpu.memory_space<semaphore_mem>>) src(%dma_wait3A_141 : memref<120x128xf32, #tpu.memory_space<vmem_shared>>) dst(%dma_wait3A_139 : memref<120x128xf32, #tpu.memory_space<vmem>>)
      tpu.yield
    }) : () -> ()
    %mul3A_118 = arith.constant 632 : i32
    %mul3A_119 = arith.muli %arg1, %mul3A_118 : i32
    %add3A_120 = arith.constant 512 : i32
    %add3A_121 = arith.addi %mul3A_119, %add3A_120 : i32
    "tpu.region"() ({
      %run_scoped3A = tpu.sem_alloc : memref<!tpu.dma_semaphore, #tpu.memory_space<semaphore_mem>>
      %dma_start3A_122 = arith.constant 0 : i32
      %dma_start3A_123 = arith.constant 0 : i32
      %dma_start3A_124 = tpu.memref_slice %arg15[%dma_start3A_122, %dma_start3A_123] : memref<128x128xf32, #tpu.memory_space<vmem>> -> memref<120x128xf32, #tpu.memory_space<vmem>>
      %dma_start3A_125 = arith.constant 0 : i32
      %dma_start3A_126 = tpu.memref_slice %arg6[%arg0, %add3A_121, %dma_start3A_125] : memref<2x10112x128xf32, #tpu.memory_space<hbm>> -> memref<1x120x128xf32, #tpu.memory_space<hbm>>
      %dma_start3A_127 = tpu.memref_squeeze %dma_start3A_126 : memref<1x120x128xf32, #tpu.memory_space<hbm>> -> memref<120x128xf32, #tpu.memory_space<hbm>>
      %dma_start3A_128 = arith.constant 0 : i32
      %dma_start3A_129 = tpu.memref_slice %arg6[%arg0, %add3A_121, %dma_start3A_128] : memref<2x10112x128xf32, #tpu.memory_space<hbm>> -> memref<1x120x128xf32, #tpu.memory_space<hbm>>
      %dma_start3A_130 = tpu.memref_squeeze %dma_start3A_129 : memref<1x120x128xf32, #tpu.memory_space<hbm>> -> memref<120x128xf32, #tpu.memory_space<hbm>>
      %dma_start3A_131 = arith.constant 0 : i32
      %dma_start3A_132 = arith.constant 0 : i32
      %dma_start3A_133 = tpu.memref_slice %arg15[%dma_start3A_131, %dma_start3A_132] : memref<128x128xf32, #tpu.memory_space<vmem>> -> memref<120x128xf32, #tpu.memory_space<vmem>>
      tpu.enqueue_dma source(%dma_start3A_133 : memref<120x128xf32, #tpu.memory_space<vmem>>) target(%dma_start3A_130 : memref<120x128xf32, #tpu.memory_space<hbm>>) target_semaphore(%run_scoped3A : memref<!tpu.dma_semaphore, #tpu.memory_space<semaphore_mem>>)
      %dma_wait3A_134 = arith.constant 0 : i32
      %dma_wait3A_135 = arith.constant 0 : i32
      %dma_wait3A_136 = tpu.memref_slice %arg15[%dma_wait3A_134, %dma_wait3A_135] : memref<128x128xf32, #tpu.memory_space<vmem>> -> memref<120x128xf32, #tpu.memory_space<vmem>>
      %dma_wait3A_137 = arith.constant 0 : i32
      %dma_wait3A_138 = tpu.memref_slice %arg6[%arg0, %add3A_121, %dma_wait3A_137] : memref<2x10112x128xf32, #tpu.memory_space<hbm>> -> memref<1x120x128xf32, #tpu.memory_space<hbm>>
      %dma_wait3A_139 = tpu.memref_squeeze %dma_wait3A_138 : memref<1x120x128xf32, #tpu.memory_space<hbm>> -> memref<120x128xf32, #tpu.memory_space<hbm>>
      %dma_wait3A_140 = arith.constant 0 : i32
      %dma_wait3A_141 = tpu.memref_slice %arg6[%arg0, %add3A_121, %dma_wait3A_140] : memref<2x10112x128xf32, #tpu.memory_space<hbm>> -> memref<1x120x128xf32, #tpu.memory_space<hbm>>
      %dma_wait3A_142 = tpu.memref_squeeze %dma_wait3A_141 : memref<1x120x128xf32, #tpu.memory_space<hbm>> -> memref<120x128xf32, #tpu.memory_space<hbm>>
      %dma_wait3A_143 = arith.constant 0 : i32
      %dma_wait3A_144 = arith.constant 0 : i32
      %dma_wait3A_145 = tpu.memref_slice %arg15[%dma_wait3A_143, %dma_wait3A_144] : memref<128x128xf32, #tpu.memory_space<vmem>> -> memref<120x128xf32, #tpu.memory_space<vmem>>
      tpu.wait_dma2 semaphore(%run_scoped3A : memref<!tpu.dma_semaphore, #tpu.memory_space<semaphore_mem>>) src(%dma_wait3A_145 : memref<120x128xf32, #tpu.memory_space<vmem>>) dst(%dma_wait3A_142 : memref<120x128xf32, #tpu.memory_space<hbm>>)
      tpu.yield
    }) : () -> ()
    return
  }
}

#map = affine_map<(d0, d1) -> (0, 0)>
#map1 = affine_map<(d0, d1) -> (0, 0, 0)>
module attributes {stable_mosaic.version = 14 : i64} {
  func.func @body(%arg0: i32, %arg1: i32, %arg2: memref<10000x128xf32, #tpu.memory_space<hbm>>, %arg3: memref<32x80x128xi32, #tpu.memory_space<hbm>>, %arg4: memref<32x80x128xi32, #tpu.memory_space<hbm>>, %arg5: memref<128x128xf32, #tpu.memory_space<hbm>>, %arg6: memref<2x10112x128xf32, #tpu.memory_space<hbm>>, %arg7: memref<128xi32, #tpu.memory_space<vmem>>, %arg8: memref<128xi32, #tpu.memory_space<vmem>>, %arg9: memref<128xi32, #tpu.memory_space<vmem>>, %arg10: memref<128xi32, #tpu.memory_space<vmem>>, %arg11: memref<128xi32, #tpu.memory_space<vmem>>, %arg12: memref<128xi32, #tpu.memory_space<vmem>>, %arg13: memref<128xi32, #tpu.memory_space<vmem>>, %arg14: memref<128xi32, #tpu.memory_space<vmem>>, %arg15: memref<128x128xf32, #tpu.memory_space<vmem>>, %arg16: memref<128x128xf32, #tpu.memory_space<vmem>>, %arg17: memref<10112x128xf32, #tpu.memory_space<vmem_shared>>, %arg18: memref<!tpu.dma_semaphore, #tpu.memory_space<semaphore_mem>>, %arg19: memref<!tpu.dma_semaphore, #tpu.memory_space<semaphore_mem>>, %arg20: memref<!tpu.dma_semaphore, #tpu.memory_space<semaphore_mem>>, %arg21: memref<!tpu.dma_semaphore, #tpu.memory_space<semaphore_mem>>, %arg22: memref<!tpu.dma_semaphore, #tpu.memory_space<semaphore_mem>>, %arg23: memref<!tpu.dma_semaphore, #tpu.memory_space<semaphore_mem>>, %arg24: memref<!tpu.dma_semaphore, #tpu.memory_space<semaphore_mem>>, %arg25: memref<!tpu.dma_semaphore, #tpu.memory_space<semaphore_mem>>) attributes {dimension_semantics = [#tpu.dimension_semantics<core_parallel>, #tpu.dimension_semantics<subcore_parallel>], iteration_bounds = array<i64: 2, 16>, scalar_prefetch = 0 : i64, scratch_operands = 19 : i64, tpu.core_type = #tpu.core_type<sc_vector_subcore>, window_params = [{transform_indices = #map}, {transform_indices = #map1}, {transform_indices = #map1}, {transform_indices = #map}, {transform_indices = #map1}]} {
    %mul3A = arith.constant 10 : i32
    %mul3A_0 = arith.muli %arg1, %mul3A : i32
    %add3A = arith.addi %mul3A_0, %arg0 : i32
    %mul3A_1 = arith.constant 632 : i32
    %mul3A_2 = arith.muli %arg1, %mul3A_1 : i32
    "tpu.region"() ({
      %run_scoped3A = tpu.sem_alloc : memref<!tpu.dma_semaphore, #tpu.memory_space<semaphore_mem>>
      tpu.enqueue_dma source(%arg5 : memref<128x128xf32, #tpu.memory_space<hbm>>) target(%arg15 : memref<128x128xf32, #tpu.memory_space<vmem>>) target_semaphore(%run_scoped3A : memref<!tpu.dma_semaphore, #tpu.memory_space<semaphore_mem>>)
      tpu.wait_dma2 semaphore(%run_scoped3A : memref<!tpu.dma_semaphore, #tpu.memory_space<semaphore_mem>>) src(%arg5 : memref<128x128xf32, #tpu.memory_space<hbm>>) dst(%arg15 : memref<128x128xf32, #tpu.memory_space<vmem>>)
      tpu.yield
    }) : () -> ()
    %add3A_3 = arith.constant 0 : i32
    %add3A_4 = arith.addi %mul3A_2, %add3A_3 : i32
    "tpu.region"() ({
      %run_scoped3A = tpu.sem_alloc : memref<!tpu.dma_semaphore, #tpu.memory_space<semaphore_mem>>
      %dma_start3A_122 = arith.constant 0 : i32
      %dma_start3A_123 = arith.constant 0 : i32
      %dma_start3A_124 = tpu.memref_slice %arg15[%dma_start3A_122, %dma_start3A_123] : memref<128x128xf32, #tpu.memory_space<vmem>> -> memref<128x128xf32, #tpu.memory_space<vmem>>
      %dma_start3A_125 = arith.constant 0 : i32
      %dma_start3A_126 = tpu.memref_slice %arg17[%add3A_4, %dma_start3A_125] : memref<10112x128xf32, #tpu.memory_space<vmem_shared>> -> memref<128x128xf32, #tpu.memory_space<vmem_shared>>
      %dma_start3A_127 = arith.constant 0 : i32
      %dma_start3A_128 = tpu.memref_slice %arg17[%add3A_4, %dma_start3A_127] : memref<10112x128xf32, #tpu.memory_space<vmem_shared>> -> memref<128x128xf32, #tpu.memory_space<vmem_shared>>
      %dma_start3A_129 = arith.constant 0 : i32
      %dma_start3A_130 = arith.constant 0 : i32
      %dma_start3A_131 = tpu.memref_slice %arg15[%dma_start3A_129, %dma_start3A_130] : memref<128x128xf32, #tpu.memory_space<vmem>> -> memref<128x128xf32, #tpu.memory_space<vmem>>
      tpu.enqueue_dma source(%dma_start3A_131 : memref<128x128xf32, #tpu.memory_space<vmem>>) target(%dma_start3A_128 : memref<128x128xf32, #tpu.memory_space<vmem_shared>>) target_semaphore(%run_scoped3A : memref<!tpu.dma_semaphore, #tpu.memory_space<semaphore_mem>>)
      %dma_wait3A_132 = arith.constant 0 : i32
      %dma_wait3A_133 = arith.constant 0 : i32
      %dma_wait3A_134 = tpu.memref_slice %arg15[%dma_wait3A_132, %dma_wait3A_133] : memref<128x128xf32, #tpu.memory_space<vmem>> -> memref<128x128xf32, #tpu.memory_space<vmem>>
      %dma_wait3A_135 = arith.constant 0 : i32
      %dma_wait3A_136 = tpu.memref_slice %arg17[%add3A_4, %dma_wait3A_135] : memref<10112x128xf32, #tpu.memory_space<vmem_shared>> -> memref<128x128xf32, #tpu.memory_space<vmem_shared>>
      %dma_wait3A_137 = arith.constant 0 : i32
      %dma_wait3A_138 = tpu.memref_slice %arg17[%add3A_4, %dma_wait3A_137] : memref<10112x128xf32, #tpu.memory_space<vmem_shared>> -> memref<128x128xf32, #tpu.memory_space<vmem_shared>>
      %dma_wait3A_139 = arith.constant 0 : i32
      %dma_wait3A_140 = arith.constant 0 : i32
      %dma_wait3A_141 = tpu.memref_slice %arg15[%dma_wait3A_139, %dma_wait3A_140] : memref<128x128xf32, #tpu.memory_space<vmem>> -> memref<128x128xf32, #tpu.memory_space<vmem>>
      tpu.wait_dma2 semaphore(%run_scoped3A : memref<!tpu.dma_semaphore, #tpu.memory_space<semaphore_mem>>) src(%dma_wait3A_141 : memref<128x128xf32, #tpu.memory_space<vmem>>) dst(%dma_wait3A_138 : memref<128x128xf32, #tpu.memory_space<vmem_shared>>)
      tpu.yield
    }) : () -> ()
    %add3A_5 = arith.constant 128 : i32
    %add3A_6 = arith.addi %mul3A_2, %add3A_5 : i32
    "tpu.region"() ({
      %run_scoped3A = tpu.sem_alloc : memref<!tpu.dma_semaphore, #tpu.memory_space<semaphore_mem>>
      %dma_start3A_122 = arith.constant 0 : i32
      %dma_start3A_123 = arith.constant 0 : i32
      %dma_start3A_124 = tpu.memref_slice %arg15[%dma_start3A_122, %dma_start3A_123] : memref<128x128xf32, #tpu.memory_space<vmem>> -> memref<128x128xf32, #tpu.memory_space<vmem>>
      %dma_start3A_125 = arith.constant 0 : i32
      %dma_start3A_126 = tpu.memref_slice %arg17[%add3A_6, %dma_start3A_125] : memref<10112x128xf32, #tpu.memory_space<vmem_shared>> -> memref<128x128xf32, #tpu.memory_space<vmem_shared>>
      %dma_start3A_127 = arith.constant 0 : i32
      %dma_start3A_128 = tpu.memref_slice %arg17[%add3A_6, %dma_start3A_127] : memref<10112x128xf32, #tpu.memory_space<vmem_shared>> -> memref<128x128xf32, #tpu.memory_space<vmem_shared>>
      %dma_start3A_129 = arith.constant 0 : i32
      %dma_start3A_130 = arith.constant 0 : i32
      %dma_start3A_131 = tpu.memref_slice %arg15[%dma_start3A_129, %dma_start3A_130] : memref<128x128xf32, #tpu.memory_space<vmem>> -> memref<128x128xf32, #tpu.memory_space<vmem>>
      tpu.enqueue_dma source(%dma_start3A_131 : memref<128x128xf32, #tpu.memory_space<vmem>>) target(%dma_start3A_128 : memref<128x128xf32, #tpu.memory_space<vmem_shared>>) target_semaphore(%run_scoped3A : memref<!tpu.dma_semaphore, #tpu.memory_space<semaphore_mem>>)
      %dma_wait3A_132 = arith.constant 0 : i32
      %dma_wait3A_133 = arith.constant 0 : i32
      %dma_wait3A_134 = tpu.memref_slice %arg15[%dma_wait3A_132, %dma_wait3A_133] : memref<128x128xf32, #tpu.memory_space<vmem>> -> memref<128x128xf32, #tpu.memory_space<vmem>>
      %dma_wait3A_135 = arith.constant 0 : i32
      %dma_wait3A_136 = tpu.memref_slice %arg17[%add3A_6, %dma_wait3A_135] : memref<10112x128xf32, #tpu.memory_space<vmem_shared>> -> memref<128x128xf32, #tpu.memory_space<vmem_shared>>
      %dma_wait3A_137 = arith.constant 0 : i32
      %dma_wait3A_138 = tpu.memref_slice %arg17[%add3A_6, %dma_wait3A_137] : memref<10112x128xf32, #tpu.memory_space<vmem_shared>> -> memref<128x128xf32, #tpu.memory_space<vmem_shared>>
      %dma_wait3A_139 = arith.constant 0 : i32
      %dma_wait3A_140 = arith.constant 0 : i32
      %dma_wait3A_141 = tpu.memref_slice %arg15[%dma_wait3A_139, %dma_wait3A_140] : memref<128x128xf32, #tpu.memory_space<vmem>> -> memref<128x128xf32, #tpu.memory_space<vmem>>
      tpu.wait_dma2 semaphore(%run_scoped3A : memref<!tpu.dma_semaphore, #tpu.memory_space<semaphore_mem>>) src(%dma_wait3A_141 : memref<128x128xf32, #tpu.memory_space<vmem>>) dst(%dma_wait3A_138 : memref<128x128xf32, #tpu.memory_space<vmem_shared>>)
      tpu.yield
    }) : () -> ()
    %add3A_7 = arith.constant 256 : i32
    %add3A_8 = arith.addi %mul3A_2, %add3A_7 : i32
    "tpu.region"() ({
      %run_scoped3A = tpu.sem_alloc : memref<!tpu.dma_semaphore, #tpu.memory_space<semaphore_mem>>
      %dma_start3A_122 = arith.constant 0 : i32
      %dma_start3A_123 = arith.constant 0 : i32
      %dma_start3A_124 = tpu.memref_slice %arg15[%dma_start3A_122, %dma_start3A_123] : memref<128x128xf32, #tpu.memory_space<vmem>> -> memref<128x128xf32, #tpu.memory_space<vmem>>
      %dma_start3A_125 = arith.constant 0 : i32
      %dma_start3A_126 = tpu.memref_slice %arg17[%add3A_8, %dma_start3A_125] : memref<10112x128xf32, #tpu.memory_space<vmem_shared>> -> memref<128x128xf32, #tpu.memory_space<vmem_shared>>
      %dma_start3A_127 = arith.constant 0 : i32
      %dma_start3A_128 = tpu.memref_slice %arg17[%add3A_8, %dma_start3A_127] : memref<10112x128xf32, #tpu.memory_space<vmem_shared>> -> memref<128x128xf32, #tpu.memory_space<vmem_shared>>
      %dma_start3A_129 = arith.constant 0 : i32
      %dma_start3A_130 = arith.constant 0 : i32
      %dma_start3A_131 = tpu.memref_slice %arg15[%dma_start3A_129, %dma_start3A_130] : memref<128x128xf32, #tpu.memory_space<vmem>> -> memref<128x128xf32, #tpu.memory_space<vmem>>
      tpu.enqueue_dma source(%dma_start3A_131 : memref<128x128xf32, #tpu.memory_space<vmem>>) target(%dma_start3A_128 : memref<128x128xf32, #tpu.memory_space<vmem_shared>>) target_semaphore(%run_scoped3A : memref<!tpu.dma_semaphore, #tpu.memory_space<semaphore_mem>>)
      %dma_wait3A_132 = arith.constant 0 : i32
      %dma_wait3A_133 = arith.constant 0 : i32
      %dma_wait3A_134 = tpu.memref_slice %arg15[%dma_wait3A_132, %dma_wait3A_133] : memref<128x128xf32, #tpu.memory_space<vmem>> -> memref<128x128xf32, #tpu.memory_space<vmem>>
      %dma_wait3A_135 = arith.constant 0 : i32
      %dma_wait3A_136 = tpu.memref_slice %arg17[%add3A_8, %dma_wait3A_135] : memref<10112x128xf32, #tpu.memory_space<vmem_shared>> -> memref<128x128xf32, #tpu.memory_space<vmem_shared>>
      %dma_wait3A_137 = arith.constant 0 : i32
      %dma_wait3A_138 = tpu.memref_slice %arg17[%add3A_8, %dma_wait3A_137] : memref<10112x128xf32, #tpu.memory_space<vmem_shared>> -> memref<128x128xf32, #tpu.memory_space<vmem_shared>>
      %dma_wait3A_139 = arith.constant 0 : i32
      %dma_wait3A_140 = arith.constant 0 : i32
      %dma_wait3A_141 = tpu.memref_slice %arg15[%dma_wait3A_139, %dma_wait3A_140] : memref<128x128xf32, #tpu.memory_space<vmem>> -> memref<128x128xf32, #tpu.memory_space<vmem>>
      tpu.wait_dma2 semaphore(%run_scoped3A : memref<!tpu.dma_semaphore, #tpu.memory_space<semaphore_mem>>) src(%dma_wait3A_141 : memref<128x128xf32, #tpu.memory_space<vmem>>) dst(%dma_wait3A_138 : memref<128x128xf32, #tpu.memory_space<vmem_shared>>)
      tpu.yield
    }) : () -> ()
    %add3A_9 = arith.constant 384 : i32
    %add3A_10 = arith.addi %mul3A_2, %add3A_9 : i32
    "tpu.region"() ({
      %run_scoped3A = tpu.sem_alloc : memref<!tpu.dma_semaphore, #tpu.memory_space<semaphore_mem>>
      %dma_start3A_122 = arith.constant 0 : i32
      %dma_start3A_123 = arith.constant 0 : i32
      %dma_start3A_124 = tpu.memref_slice %arg15[%dma_start3A_122, %dma_start3A_123] : memref<128x128xf32, #tpu.memory_space<vmem>> -> memref<128x128xf32, #tpu.memory_space<vmem>>
      %dma_start3A_125 = arith.constant 0 : i32
      %dma_start3A_126 = tpu.memref_slice %arg17[%add3A_10, %dma_start3A_125] : memref<10112x128xf32, #tpu.memory_space<vmem_shared>> -> memref<128x128xf32, #tpu.memory_space<vmem_shared>>
      %dma_start3A_127 = arith.constant 0 : i32
      %dma_start3A_128 = tpu.memref_slice %arg17[%add3A_10, %dma_start3A_127] : memref<10112x128xf32, #tpu.memory_space<vmem_shared>> -> memref<128x128xf32, #tpu.memory_space<vmem_shared>>
      %dma_start3A_129 = arith.constant 0 : i32
      %dma_start3A_130 = arith.constant 0 : i32
      %dma_start3A_131 = tpu.memref_slice %arg15[%dma_start3A_129, %dma_start3A_130] : memref<128x128xf32, #tpu.memory_space<vmem>> -> memref<128x128xf32, #tpu.memory_space<vmem>>
      tpu.enqueue_dma source(%dma_start3A_131 : memref<128x128xf32, #tpu.memory_space<vmem>>) target(%dma_start3A_128 : memref<128x128xf32, #tpu.memory_space<vmem_shared>>) target_semaphore(%run_scoped3A : memref<!tpu.dma_semaphore, #tpu.memory_space<semaphore_mem>>)
      %dma_wait3A_132 = arith.constant 0 : i32
      %dma_wait3A_133 = arith.constant 0 : i32
      %dma_wait3A_134 = tpu.memref_slice %arg15[%dma_wait3A_132, %dma_wait3A_133] : memref<128x128xf32, #tpu.memory_space<vmem>> -> memref<128x128xf32, #tpu.memory_space<vmem>>
      %dma_wait3A_135 = arith.constant 0 : i32
      %dma_wait3A_136 = tpu.memref_slice %arg17[%add3A_10, %dma_wait3A_135] : memref<10112x128xf32, #tpu.memory_space<vmem_shared>> -> memref<128x128xf32, #tpu.memory_space<vmem_shared>>
      %dma_wait3A_137 = arith.constant 0 : i32
      %dma_wait3A_138 = tpu.memref_slice %arg17[%add3A_10, %dma_wait3A_137] : memref<10112x128xf32, #tpu.memory_space<vmem_shared>> -> memref<128x128xf32, #tpu.memory_space<vmem_shared>>
      %dma_wait3A_139 = arith.constant 0 : i32
      %dma_wait3A_140 = arith.constant 0 : i32
      %dma_wait3A_141 = tpu.memref_slice %arg15[%dma_wait3A_139, %dma_wait3A_140] : memref<128x128xf32, #tpu.memory_space<vmem>> -> memref<128x128xf32, #tpu.memory_space<vmem>>
      tpu.wait_dma2 semaphore(%run_scoped3A : memref<!tpu.dma_semaphore, #tpu.memory_space<semaphore_mem>>) src(%dma_wait3A_141 : memref<128x128xf32, #tpu.memory_space<vmem>>) dst(%dma_wait3A_138 : memref<128x128xf32, #tpu.memory_space<vmem_shared>>)
      tpu.yield
    }) : () -> ()
    %add3A_11 = arith.constant 512 : i32
    %add3A_12 = arith.addi %mul3A_2, %add3A_11 : i32
    "tpu.region"() ({
      %run_scoped3A = tpu.sem_alloc : memref<!tpu.dma_semaphore, #tpu.memory_space<semaphore_mem>>
      %dma_start3A_122 = arith.constant 0 : i32
      %dma_start3A_123 = arith.constant 0 : i32
      %dma_start3A_124 = tpu.memref_slice %arg15[%dma_start3A_122, %dma_start3A_123] : memref<128x128xf32, #tpu.memory_space<vmem>> -> memref<120x128xf32, #tpu.memory_space<vmem>>
      %dma_start3A_125 = arith.constant 0 : i32
      %dma_start3A_126 = tpu.memref_slice %arg17[%add3A_12, %dma_start3A_125] : memref<10112x128xf32, #tpu.memory_space<vmem_shared>> -> memref<120x128xf32, #tpu.memory_space<vmem_shared>>
      %dma_start3A_127 = arith.constant 0 : i32
      %dma_start3A_128 = tpu.memref_slice %arg17[%add3A_12, %dma_start3A_127] : memref<10112x128xf32, #tpu.memory_space<vmem_shared>> -> memref<120x128xf32, #tpu.memory_space<vmem_shared>>
      %dma_start3A_129 = arith.constant 0 : i32
      %dma_start3A_130 = arith.constant 0 : i32
      %dma_start3A_131 = tpu.memref_slice %arg15[%dma_start3A_129, %dma_start3A_130] : memref<128x128xf32, #tpu.memory_space<vmem>> -> memref<120x128xf32, #tpu.memory_space<vmem>>
      tpu.enqueue_dma source(%dma_start3A_131 : memref<120x128xf32, #tpu.memory_space<vmem>>) target(%dma_start3A_128 : memref<120x128xf32, #tpu.memory_space<vmem_shared>>) target_semaphore(%run_scoped3A : memref<!tpu.dma_semaphore, #tpu.memory_space<semaphore_mem>>)
      %dma_wait3A_132 = arith.constant 0 : i32
      %dma_wait3A_133 = arith.constant 0 : i32
      %dma_wait3A_134 = tpu.memref_slice %arg15[%dma_wait3A_132, %dma_wait3A_133] : memref<128x128xf32, #tpu.memory_space<vmem>> -> memref<120x128xf32, #tpu.memory_space<vmem>>
      %dma_wait3A_135 = arith.constant 0 : i32
      %dma_wait3A_136 = tpu.memref_slice %arg17[%add3A_12, %dma_wait3A_135] : memref<10112x128xf32, #tpu.memory_space<vmem_shared>> -> memref<120x128xf32, #tpu.memory_space<vmem_shared>>
      %dma_wait3A_137 = arith.constant 0 : i32
      %dma_wait3A_138 = tpu.memref_slice %arg17[%add3A_12, %dma_wait3A_137] : memref<10112x128xf32, #tpu.memory_space<vmem_shared>> -> memref<120x128xf32, #tpu.memory_space<vmem_shared>>
      %dma_wait3A_139 = arith.constant 0 : i32
      %dma_wait3A_140 = arith.constant 0 : i32
      %dma_wait3A_141 = tpu.memref_slice %arg15[%dma_wait3A_139, %dma_wait3A_140] : memref<128x128xf32, #tpu.memory_space<vmem>> -> memref<120x128xf32, #tpu.memory_space<vmem>>
      tpu.wait_dma2 semaphore(%run_scoped3A : memref<!tpu.dma_semaphore, #tpu.memory_space<semaphore_mem>>) src(%dma_wait3A_141 : memref<120x128xf32, #tpu.memory_space<vmem>>) dst(%dma_wait3A_138 : memref<120x128xf32, #tpu.memory_space<vmem_shared>>)
      tpu.yield
    }) : () -> ()
    %barrier3A = arith.constant 0 : index
    tpu.barrier barrier_id(%barrier3A)
    %dma_start3A = arith.constant 0 : i32
    %dma_start3A_13 = arith.constant 0 : i32
    %dma_start3A_14 = tpu.memref_slice %arg3[%add3A, %dma_start3A, %dma_start3A_13] : memref<32x80x128xi32, #tpu.memory_space<hbm>> -> memref<1x1x128xi32, #tpu.memory_space<hbm>>
    %dma_start3A_15 = tpu.memref_squeeze %dma_start3A_14 : memref<1x1x128xi32, #tpu.memory_space<hbm>> -> memref<128xi32, #tpu.memory_space<hbm>>
    %dma_start3A_16 = arith.constant 0 : i32
    %dma_start3A_17 = tpu.memref_slice %arg3[%add3A, %dma_start3A, %dma_start3A_16] : memref<32x80x128xi32, #tpu.memory_space<hbm>> -> memref<1x1x128xi32, #tpu.memory_space<hbm>>
    %dma_start3A_18 = tpu.memref_squeeze %dma_start3A_17 : memref<1x1x128xi32, #tpu.memory_space<hbm>> -> memref<128xi32, #tpu.memory_space<hbm>>
    tpu.enqueue_dma source(%dma_start3A_18 : memref<128xi32, #tpu.memory_space<hbm>>) target(%arg7 : memref<128xi32, #tpu.memory_space<vmem>>) target_semaphore(%arg18 : memref<!tpu.dma_semaphore, #tpu.memory_space<semaphore_mem>>)
    %dma_start3A_19 = arith.constant 0 : i32
    %dma_start3A_20 = arith.constant 0 : i32
    %dma_start3A_21 = tpu.memref_slice %arg4[%add3A, %dma_start3A_19, %dma_start3A_20] : memref<32x80x128xi32, #tpu.memory_space<hbm>> -> memref<1x1x128xi32, #tpu.memory_space<hbm>>
    %dma_start3A_22 = tpu.memref_squeeze %dma_start3A_21 : memref<1x1x128xi32, #tpu.memory_space<hbm>> -> memref<128xi32, #tpu.memory_space<hbm>>
    %dma_start3A_23 = arith.constant 0 : i32
    %dma_start3A_24 = tpu.memref_slice %arg4[%add3A, %dma_start3A_19, %dma_start3A_23] : memref<32x80x128xi32, #tpu.memory_space<hbm>> -> memref<1x1x128xi32, #tpu.memory_space<hbm>>
    %dma_start3A_25 = tpu.memref_squeeze %dma_start3A_24 : memref<1x1x128xi32, #tpu.memory_space<hbm>> -> memref<128xi32, #tpu.memory_space<hbm>>
    tpu.enqueue_dma source(%dma_start3A_25 : memref<128xi32, #tpu.memory_space<hbm>>) target(%arg11 : memref<128xi32, #tpu.memory_space<vmem>>) target_semaphore(%arg18 : memref<!tpu.dma_semaphore, #tpu.memory_space<semaphore_mem>>)
    %dma_start3A_26 = arith.constant 1 : i32
    %dma_start3A_27 = arith.constant 0 : i32
    %dma_start3A_28 = tpu.memref_slice %arg3[%add3A, %dma_start3A_26, %dma_start3A_27] : memref<32x80x128xi32, #tpu.memory_space<hbm>> -> memref<1x1x128xi32, #tpu.memory_space<hbm>>
    %dma_start3A_29 = tpu.memref_squeeze %dma_start3A_28 : memref<1x1x128xi32, #tpu.memory_space<hbm>> -> memref<128xi32, #tpu.memory_space<hbm>>
    %dma_start3A_30 = arith.constant 0 : i32
    %dma_start3A_31 = tpu.memref_slice %arg3[%add3A, %dma_start3A_26, %dma_start3A_30] : memref<32x80x128xi32, #tpu.memory_space<hbm>> -> memref<1x1x128xi32, #tpu.memory_space<hbm>>
    %dma_start3A_32 = tpu.memref_squeeze %dma_start3A_31 : memref<1x1x128xi32, #tpu.memory_space<hbm>> -> memref<128xi32, #tpu.memory_space<hbm>>
    tpu.enqueue_dma source(%dma_start3A_32 : memref<128xi32, #tpu.memory_space<hbm>>) target(%arg8 : memref<128xi32, #tpu.memory_space<vmem>>) target_semaphore(%arg19 : memref<!tpu.dma_semaphore, #tpu.memory_space<semaphore_mem>>)
    %dma_start3A_33 = arith.constant 1 : i32
    %dma_start3A_34 = arith.constant 0 : i32
    %dma_start3A_35 = tpu.memref_slice %arg4[%add3A, %dma_start3A_33, %dma_start3A_34] : memref<32x80x128xi32, #tpu.memory_space<hbm>> -> memref<1x1x128xi32, #tpu.memory_space<hbm>>
    %dma_start3A_36 = tpu.memref_squeeze %dma_start3A_35 : memref<1x1x128xi32, #tpu.memory_space<hbm>> -> memref<128xi32, #tpu.memory_space<hbm>>
    %dma_start3A_37 = arith.constant 0 : i32
    %dma_start3A_38 = tpu.memref_slice %arg4[%add3A, %dma_start3A_33, %dma_start3A_37] : memref<32x80x128xi32, #tpu.memory_space<hbm>> -> memref<1x1x128xi32, #tpu.memory_space<hbm>>
    %dma_start3A_39 = tpu.memref_squeeze %dma_start3A_38 : memref<1x1x128xi32, #tpu.memory_space<hbm>> -> memref<128xi32, #tpu.memory_space<hbm>>
    tpu.enqueue_dma source(%dma_start3A_39 : memref<128xi32, #tpu.memory_space<hbm>>) target(%arg12 : memref<128xi32, #tpu.memory_space<vmem>>) target_semaphore(%arg19 : memref<!tpu.dma_semaphore, #tpu.memory_space<semaphore_mem>>)
    %dma_start3A_40 = arith.constant 2 : i32
    %dma_start3A_41 = arith.constant 0 : i32
    %dma_start3A_42 = tpu.memref_slice %arg3[%add3A, %dma_start3A_40, %dma_start3A_41] : memref<32x80x128xi32, #tpu.memory_space<hbm>> -> memref<1x1x128xi32, #tpu.memory_space<hbm>>
    %dma_start3A_43 = tpu.memref_squeeze %dma_start3A_42 : memref<1x1x128xi32, #tpu.memory_space<hbm>> -> memref<128xi32, #tpu.memory_space<hbm>>
    %dma_start3A_44 = arith.constant 0 : i32
    %dma_start3A_45 = tpu.memref_slice %arg3[%add3A, %dma_start3A_40, %dma_start3A_44] : memref<32x80x128xi32, #tpu.memory_space<hbm>> -> memref<1x1x128xi32, #tpu.memory_space<hbm>>
    %dma_start3A_46 = tpu.memref_squeeze %dma_start3A_45 : memref<1x1x128xi32, #tpu.memory_space<hbm>> -> memref<128xi32, #tpu.memory_space<hbm>>
    tpu.enqueue_dma source(%dma_start3A_46 : memref<128xi32, #tpu.memory_space<hbm>>) target(%arg9 : memref<128xi32, #tpu.memory_space<vmem>>) target_semaphore(%arg20 : memref<!tpu.dma_semaphore, #tpu.memory_space<semaphore_mem>>)
    %dma_start3A_47 = arith.constant 2 : i32
    %dma_start3A_48 = arith.constant 0 : i32
    %dma_start3A_49 = tpu.memref_slice %arg4[%add3A, %dma_start3A_47, %dma_start3A_48] : memref<32x80x128xi32, #tpu.memory_space<hbm>> -> memref<1x1x128xi32, #tpu.memory_space<hbm>>
    %dma_start3A_50 = tpu.memref_squeeze %dma_start3A_49 : memref<1x1x128xi32, #tpu.memory_space<hbm>> -> memref<128xi32, #tpu.memory_space<hbm>>
    %dma_start3A_51 = arith.constant 0 : i32
    %dma_start3A_52 = tpu.memref_slice %arg4[%add3A, %dma_start3A_47, %dma_start3A_51] : memref<32x80x128xi32, #tpu.memory_space<hbm>> -> memref<1x1x128xi32, #tpu.memory_space<hbm>>
    %dma_start3A_53 = tpu.memref_squeeze %dma_start3A_52 : memref<1x1x128xi32, #tpu.memory_space<hbm>> -> memref<128xi32, #tpu.memory_space<hbm>>
    tpu.enqueue_dma source(%dma_start3A_53 : memref<128xi32, #tpu.memory_space<hbm>>) target(%arg13 : memref<128xi32, #tpu.memory_space<vmem>>) target_semaphore(%arg20 : memref<!tpu.dma_semaphore, #tpu.memory_space<semaphore_mem>>)
    %dma_wait3A = arith.constant 0 : i32
    %dma_wait3A_54 = arith.constant 0 : i32
    %dma_wait3A_55 = tpu.memref_slice %arg3[%add3A, %dma_wait3A, %dma_wait3A_54] : memref<32x80x128xi32, #tpu.memory_space<hbm>> -> memref<1x1x128xi32, #tpu.memory_space<hbm>>
    %dma_wait3A_56 = tpu.memref_squeeze %dma_wait3A_55 : memref<1x1x128xi32, #tpu.memory_space<hbm>> -> memref<128xi32, #tpu.memory_space<hbm>>
    %dma_wait3A_57 = arith.constant 0 : i32
    %dma_wait3A_58 = tpu.memref_slice %arg3[%add3A, %dma_wait3A, %dma_wait3A_57] : memref<32x80x128xi32, #tpu.memory_space<hbm>> -> memref<1x1x128xi32, #tpu.memory_space<hbm>>
    %dma_wait3A_59 = tpu.memref_squeeze %dma_wait3A_58 : memref<1x1x128xi32, #tpu.memory_space<hbm>> -> memref<128xi32, #tpu.memory_space<hbm>>
    tpu.wait_dma2 semaphore(%arg18 : memref<!tpu.dma_semaphore, #tpu.memory_space<semaphore_mem>>) src(%dma_wait3A_59 : memref<128xi32, #tpu.memory_space<hbm>>) dst(%arg7 : memref<128xi32, #tpu.memory_space<vmem>>)
    %dma_wait3A_60 = arith.constant 0 : i32
    %dma_wait3A_61 = arith.constant 0 : i32
    %dma_wait3A_62 = tpu.memref_slice %arg4[%add3A, %dma_wait3A_60, %dma_wait3A_61] : memref<32x80x128xi32, #tpu.memory_space<hbm>> -> memref<1x1x128xi32, #tpu.memory_space<hbm>>
    %dma_wait3A_63 = tpu.memref_squeeze %dma_wait3A_62 : memref<1x1x128xi32, #tpu.memory_space<hbm>> -> memref<128xi32, #tpu.memory_space<hbm>>
    %dma_wait3A_64 = arith.constant 0 : i32
    %dma_wait3A_65 = tpu.memref_slice %arg4[%add3A, %dma_wait3A_60, %dma_wait3A_64] : memref<32x80x128xi32, #tpu.memory_space<hbm>> -> memref<1x1x128xi32, #tpu.memory_space<hbm>>
    %dma_wait3A_66 = tpu.memref_squeeze %dma_wait3A_65 : memref<1x1x128xi32, #tpu.memory_space<hbm>> -> memref<128xi32, #tpu.memory_space<hbm>>
    tpu.wait_dma2 semaphore(%arg18 : memref<!tpu.dma_semaphore, #tpu.memory_space<semaphore_mem>>) src(%dma_wait3A_66 : memref<128xi32, #tpu.memory_space<hbm>>) dst(%arg11 : memref<128xi32, #tpu.memory_space<vmem>>)
    %dma_start3A_67 = arith.constant 0 : i32
    %dma_start3A_68 = arith.constant 0 : i32
    %dma_start3A_69 = tpu.memref_slice %arg2[%dma_start3A_67, %dma_start3A_68] : memref<10000x128xf32, #tpu.memory_space<hbm>> -> memref<10000x128xf32, #tpu.memory_space<hbm>>
    tpu.enqueue_indirect_dma source(%dma_start3A_69 : memref<10000x128xf32, #tpu.memory_space<hbm>>) target(%arg15 : memref<128x128xf32, #tpu.memory_space<vmem>>) offsets(%arg7 : memref<128xi32, #tpu.memory_space<vmem>>) semaphore(%arg22 : memref<!tpu.dma_semaphore, #tpu.memory_space<semaphore_mem>>)
    %scan3A = arith.constant 0 : i32
    %scan3A_70 = arith.constant 0 : i32
    %scan3A_71 = arith.constant 20 : i32
    %scan3A_72 = arith.addi %scan3A_70, %scan3A_71 : i32
    %scan3A_73 = arith.constant 1 : i32
    scf.for %scan3A_122 = %scan3A_70 to %scan3A_72 step %scan3A_73  : i32 {
      %mul3A_123 = arith.constant 4 : i32
      %mul3A_124 = arith.muli %scan3A_122, %mul3A_123 : i32
      %add3A_125 = arith.constant 0 : i32
      %add3A_126 = arith.addi %mul3A_124, %add3A_125 : i32
      %add3A_127 = arith.constant 1 : i32
      %add3A_128 = arith.addi %add3A_126, %add3A_127 : i32
      %lt3A = arith.constant 80 : i32
      %lt3A_129 = arith.cmpi slt, %add3A_128, %lt3A : i32
      %convert_element_type3A = arith.extui %lt3A_129 : i1 to i32
      %cond3A = arith.constant 0 : i32
      %cond3A_130 = arith.cmpi ne, %convert_element_type3A, %cond3A : i32
      scf.if %cond3A_130 {
        %add3A_188 = arith.constant 1 : i32
        %add3A_189 = arith.addi %add3A_126, %add3A_188 : i32
        %dma_wait3A_190 = arith.constant 0 : i32
        %dma_wait3A_191 = tpu.memref_slice %arg3[%add3A, %add3A_189, %dma_wait3A_190] : memref<32x80x128xi32, #tpu.memory_space<hbm>> -> memref<1x1x128xi32, #tpu.memory_space<hbm>>
        %dma_wait3A_192 = tpu.memref_squeeze %dma_wait3A_191 : memref<1x1x128xi32, #tpu.memory_space<hbm>> -> memref<128xi32, #tpu.memory_space<hbm>>
        %dma_wait3A_193 = arith.constant 0 : i32
        %dma_wait3A_194 = tpu.memref_slice %arg3[%add3A, %add3A_189, %dma_wait3A_193] : memref<32x80x128xi32, #tpu.memory_space<hbm>> -> memref<1x1x128xi32, #tpu.memory_space<hbm>>
        %dma_wait3A_195 = tpu.memref_squeeze %dma_wait3A_194 : memref<1x1x128xi32, #tpu.memory_space<hbm>> -> memref<128xi32, #tpu.memory_space<hbm>>
        tpu.wait_dma2 semaphore(%arg19 : memref<!tpu.dma_semaphore, #tpu.memory_space<semaphore_mem>>) src(%dma_wait3A_195 : memref<128xi32, #tpu.memory_space<hbm>>) dst(%arg8 : memref<128xi32, #tpu.memory_space<vmem>>)
        %dma_wait3A_196 = arith.constant 0 : i32
        %dma_wait3A_197 = tpu.memref_slice %arg4[%add3A, %add3A_189, %dma_wait3A_196] : memref<32x80x128xi32, #tpu.memory_space<hbm>> -> memref<1x1x128xi32, #tpu.memory_space<hbm>>
        %dma_wait3A_198 = tpu.memref_squeeze %dma_wait3A_197 : memref<1x1x128xi32, #tpu.memory_space<hbm>> -> memref<128xi32, #tpu.memory_space<hbm>>
        %dma_wait3A_199 = arith.constant 0 : i32
        %dma_wait3A_200 = tpu.memref_slice %arg4[%add3A, %add3A_189, %dma_wait3A_199] : memref<32x80x128xi32, #tpu.memory_space<hbm>> -> memref<1x1x128xi32, #tpu.memory_space<hbm>>
        %dma_wait3A_201 = tpu.memref_squeeze %dma_wait3A_200 : memref<1x1x128xi32, #tpu.memory_space<hbm>> -> memref<128xi32, #tpu.memory_space<hbm>>
        tpu.wait_dma2 semaphore(%arg19 : memref<!tpu.dma_semaphore, #tpu.memory_space<semaphore_mem>>) src(%dma_wait3A_201 : memref<128xi32, #tpu.memory_space<hbm>>) dst(%arg12 : memref<128xi32, #tpu.memory_space<vmem>>)
        %ge3A = arith.constant 1 : i32
        %ge3A_202 = arith.cmpi sge, %add3A_126, %ge3A : i32
        %convert_element_type3A_203 = arith.extui %ge3A_202 : i1 to i32
        %cond3A_204 = arith.constant 0 : i32
        %cond3A_205 = arith.cmpi ne, %convert_element_type3A_203, %cond3A_204 : i32
        scf.if %cond3A_205 {
          %dma_wait3A_216 = arith.constant 0 : i32
          %dma_wait3A_217 = arith.constant 0 : i32
          %dma_wait3A_218 = tpu.memref_slice %arg17[%dma_wait3A_216, %dma_wait3A_217] : memref<10112x128xf32, #tpu.memory_space<vmem_shared>> -> memref<10112x128xf32, #tpu.memory_space<vmem_shared>>
          tpu.wait_indirect_dma semaphore(%arg25 : memref<!tpu.dma_semaphore, #tpu.memory_space<semaphore_mem>>) src(%arg16 : memref<128x128xf32, #tpu.memory_space<vmem>>) dst(%dma_wait3A_218 : memref<10112x128xf32, #tpu.memory_space<vmem_shared>>)
        } else {
        }
        %dma_start3A_206 = arith.constant 0 : i32
        %dma_start3A_207 = arith.constant 0 : i32
        %dma_start3A_208 = tpu.memref_slice %arg2[%dma_start3A_206, %dma_start3A_207] : memref<10000x128xf32, #tpu.memory_space<hbm>> -> memref<10000x128xf32, #tpu.memory_space<hbm>>
        tpu.enqueue_indirect_dma source(%dma_start3A_208 : memref<10000x128xf32, #tpu.memory_space<hbm>>) target(%arg16 : memref<128x128xf32, #tpu.memory_space<vmem>>) offsets(%arg8 : memref<128xi32, #tpu.memory_space<vmem>>) semaphore(%arg23 : memref<!tpu.dma_semaphore, #tpu.memory_space<semaphore_mem>>)
        %add3A_209 = arith.constant 3 : i32
        %add3A_210 = arith.addi %add3A_126, %add3A_209 : i32
        %lt3A_211 = arith.constant 80 : i32
        %lt3A_212 = arith.cmpi slt, %add3A_210, %lt3A_211 : i32
        %convert_element_type3A_213 = arith.extui %lt3A_212 : i1 to i32
        %cond3A_214 = arith.constant 0 : i32
        %cond3A_215 = arith.cmpi ne, %convert_element_type3A_213, %cond3A_214 : i32
        scf.if %cond3A_215 {
          %add3A_216 = arith.constant 3 : i32
          %add3A_217 = arith.addi %add3A_126, %add3A_216 : i32
          %dma_start3A_218 = arith.constant 0 : i32
          %dma_start3A_219 = tpu.memref_slice %arg3[%add3A, %add3A_217, %dma_start3A_218] : memref<32x80x128xi32, #tpu.memory_space<hbm>> -> memref<1x1x128xi32, #tpu.memory_space<hbm>>
          %dma_start3A_220 = tpu.memref_squeeze %dma_start3A_219 : memref<1x1x128xi32, #tpu.memory_space<hbm>> -> memref<128xi32, #tpu.memory_space<hbm>>
          %dma_start3A_221 = arith.constant 0 : i32
          %dma_start3A_222 = tpu.memref_slice %arg3[%add3A, %add3A_217, %dma_start3A_221] : memref<32x80x128xi32, #tpu.memory_space<hbm>> -> memref<1x1x128xi32, #tpu.memory_space<hbm>>
          %dma_start3A_223 = tpu.memref_squeeze %dma_start3A_222 : memref<1x1x128xi32, #tpu.memory_space<hbm>> -> memref<128xi32, #tpu.memory_space<hbm>>
          tpu.enqueue_dma source(%dma_start3A_223 : memref<128xi32, #tpu.memory_space<hbm>>) target(%arg10 : memref<128xi32, #tpu.memory_space<vmem>>) target_semaphore(%arg21 : memref<!tpu.dma_semaphore, #tpu.memory_space<semaphore_mem>>)
          %dma_start3A_224 = arith.constant 0 : i32
          %dma_start3A_225 = tpu.memref_slice %arg4[%add3A, %add3A_217, %dma_start3A_224] : memref<32x80x128xi32, #tpu.memory_space<hbm>> -> memref<1x1x128xi32, #tpu.memory_space<hbm>>
          %dma_start3A_226 = tpu.memref_squeeze %dma_start3A_225 : memref<1x1x128xi32, #tpu.memory_space<hbm>> -> memref<128xi32, #tpu.memory_space<hbm>>
          %dma_start3A_227 = arith.constant 0 : i32
          %dma_start3A_228 = tpu.memref_slice %arg4[%add3A, %add3A_217, %dma_start3A_227] : memref<32x80x128xi32, #tpu.memory_space<hbm>> -> memref<1x1x128xi32, #tpu.memory_space<hbm>>
          %dma_start3A_229 = tpu.memref_squeeze %dma_start3A_228 : memref<1x1x128xi32, #tpu.memory_space<hbm>> -> memref<128xi32, #tpu.memory_space<hbm>>
          tpu.enqueue_dma source(%dma_start3A_229 : memref<128xi32, #tpu.memory_space<hbm>>) target(%arg14 : memref<128xi32, #tpu.memory_space<vmem>>) target_semaphore(%arg21 : memref<!tpu.dma_semaphore, #tpu.memory_space<semaphore_mem>>)
        } else {
        }
      } else {
      }
      %dma_wait3A_131 = arith.constant 0 : i32
      %dma_wait3A_132 = arith.constant 0 : i32
      %dma_wait3A_133 = tpu.memref_slice %arg2[%dma_wait3A_131, %dma_wait3A_132] : memref<10000x128xf32, #tpu.memory_space<hbm>> -> memref<10000x128xf32, #tpu.memory_space<hbm>>
      tpu.wait_indirect_dma semaphore(%arg22 : memref<!tpu.dma_semaphore, #tpu.memory_space<semaphore_mem>>) src(%dma_wait3A_133 : memref<10000x128xf32, #tpu.memory_space<hbm>>) dst(%arg15 : memref<128x128xf32, #tpu.memory_space<vmem>>)
      %dma_start3A_134 = arith.constant 0 : i32
      %dma_start3A_135 = arith.constant 0 : i32
      %dma_start3A_136 = tpu.memref_slice %arg17[%dma_start3A_134, %dma_start3A_135] : memref<10112x128xf32, #tpu.memory_space<vmem_shared>> -> memref<10112x128xf32, #tpu.memory_space<vmem_shared>>
      tpu.enqueue_indirect_dma source(%arg15 : memref<128x128xf32, #tpu.memory_space<vmem>>) target(%dma_start3A_136 : memref<10112x128xf32, #tpu.memory_space<vmem_shared>>) offsets(%arg11 : memref<128xi32, #tpu.memory_space<vmem>>) semaphore(%arg24 : memref<!tpu.dma_semaphore, #tpu.memory_space<semaphore_mem>>) {add = true}
      %mul3A_137 = arith.constant 4 : i32
      %mul3A_138 = arith.muli %scan3A_122, %mul3A_137 : i32
      %add3A_139 = arith.constant 1 : i32
      %add3A_140 = arith.addi %mul3A_138, %add3A_139 : i32
      %add3A_141 = arith.constant 1 : i32
      %add3A_142 = arith.addi %add3A_140, %add3A_141 : i32
      %lt3A_143 = arith.constant 80 : i32
      %lt3A_144 = arith.cmpi slt, %add3A_142, %lt3A_143 : i32
      %convert_element_type3A_145 = arith.extui %lt3A_144 : i1 to i32
      %cond3A_146 = arith.constant 0 : i32
      %cond3A_147 = arith.cmpi ne, %convert_element_type3A_145, %cond3A_146 : i32
      scf.if %cond3A_147 {
        %add3A_188 = arith.constant 1 : i32
        %add3A_189 = arith.addi %add3A_140, %add3A_188 : i32
        %dma_wait3A_190 = arith.constant 0 : i32
        %dma_wait3A_191 = tpu.memref_slice %arg3[%add3A, %add3A_189, %dma_wait3A_190] : memref<32x80x128xi32, #tpu.memory_space<hbm>> -> memref<1x1x128xi32, #tpu.memory_space<hbm>>
        %dma_wait3A_192 = tpu.memref_squeeze %dma_wait3A_191 : memref<1x1x128xi32, #tpu.memory_space<hbm>> -> memref<128xi32, #tpu.memory_space<hbm>>
        %dma_wait3A_193 = arith.constant 0 : i32
        %dma_wait3A_194 = tpu.memref_slice %arg3[%add3A, %add3A_189, %dma_wait3A_193] : memref<32x80x128xi32, #tpu.memory_space<hbm>> -> memref<1x1x128xi32, #tpu.memory_space<hbm>>
        %dma_wait3A_195 = tpu.memref_squeeze %dma_wait3A_194 : memref<1x1x128xi32, #tpu.memory_space<hbm>> -> memref<128xi32, #tpu.memory_space<hbm>>
        tpu.wait_dma2 semaphore(%arg20 : memref<!tpu.dma_semaphore, #tpu.memory_space<semaphore_mem>>) src(%dma_wait3A_195 : memref<128xi32, #tpu.memory_space<hbm>>) dst(%arg9 : memref<128xi32, #tpu.memory_space<vmem>>)
        %dma_wait3A_196 = arith.constant 0 : i32
        %dma_wait3A_197 = tpu.memref_slice %arg4[%add3A, %add3A_189, %dma_wait3A_196] : memref<32x80x128xi32, #tpu.memory_space<hbm>> -> memref<1x1x128xi32, #tpu.memory_space<hbm>>
        %dma_wait3A_198 = tpu.memref_squeeze %dma_wait3A_197 : memref<1x1x128xi32, #tpu.memory_space<hbm>> -> memref<128xi32, #tpu.memory_space<hbm>>
        %dma_wait3A_199 = arith.constant 0 : i32
        %dma_wait3A_200 = tpu.memref_slice %arg4[%add3A, %add3A_189, %dma_wait3A_199] : memref<32x80x128xi32, #tpu.memory_space<hbm>> -> memref<1x1x128xi32, #tpu.memory_space<hbm>>
        %dma_wait3A_201 = tpu.memref_squeeze %dma_wait3A_200 : memref<1x1x128xi32, #tpu.memory_space<hbm>> -> memref<128xi32, #tpu.memory_space<hbm>>
        tpu.wait_dma2 semaphore(%arg20 : memref<!tpu.dma_semaphore, #tpu.memory_space<semaphore_mem>>) src(%dma_wait3A_201 : memref<128xi32, #tpu.memory_space<hbm>>) dst(%arg13 : memref<128xi32, #tpu.memory_space<vmem>>)
        %ge3A = arith.constant 1 : i32
        %ge3A_202 = arith.cmpi sge, %add3A_140, %ge3A : i32
        %convert_element_type3A_203 = arith.extui %ge3A_202 : i1 to i32
        %cond3A_204 = arith.constant 0 : i32
        %cond3A_205 = arith.cmpi ne, %convert_element_type3A_203, %cond3A_204 : i32
        scf.if %cond3A_205 {
          %dma_wait3A_216 = arith.constant 0 : i32
          %dma_wait3A_217 = arith.constant 0 : i32
          %dma_wait3A_218 = tpu.memref_slice %arg17[%dma_wait3A_216, %dma_wait3A_217] : memref<10112x128xf32, #tpu.memory_space<vmem_shared>> -> memref<10112x128xf32, #tpu.memory_space<vmem_shared>>
          tpu.wait_indirect_dma semaphore(%arg24 : memref<!tpu.dma_semaphore, #tpu.memory_space<semaphore_mem>>) src(%arg15 : memref<128x128xf32, #tpu.memory_space<vmem>>) dst(%dma_wait3A_218 : memref<10112x128xf32, #tpu.memory_space<vmem_shared>>)
        } else {
        }
        %dma_start3A_206 = arith.constant 0 : i32
        %dma_start3A_207 = arith.constant 0 : i32
        %dma_start3A_208 = tpu.memref_slice %arg2[%dma_start3A_206, %dma_start3A_207] : memref<10000x128xf32, #tpu.memory_space<hbm>> -> memref<10000x128xf32, #tpu.memory_space<hbm>>
        tpu.enqueue_indirect_dma source(%dma_start3A_208 : memref<10000x128xf32, #tpu.memory_space<hbm>>) target(%arg15 : memref<128x128xf32, #tpu.memory_space<vmem>>) offsets(%arg9 : memref<128xi32, #tpu.memory_space<vmem>>) semaphore(%arg22 : memref<!tpu.dma_semaphore, #tpu.memory_space<semaphore_mem>>)
        %add3A_209 = arith.constant 3 : i32
        %add3A_210 = arith.addi %add3A_140, %add3A_209 : i32
        %lt3A_211 = arith.constant 80 : i32
        %lt3A_212 = arith.cmpi slt, %add3A_210, %lt3A_211 : i32
        %convert_element_type3A_213 = arith.extui %lt3A_212 : i1 to i32
        %cond3A_214 = arith.constant 0 : i32
        %cond3A_215 = arith.cmpi ne, %convert_element_type3A_213, %cond3A_214 : i32
        scf.if %cond3A_215 {
          %add3A_216 = arith.constant 3 : i32
          %add3A_217 = arith.addi %add3A_140, %add3A_216 : i32
          %dma_start3A_218 = arith.constant 0 : i32
          %dma_start3A_219 = tpu.memref_slice %arg3[%add3A, %add3A_217, %dma_start3A_218] : memref<32x80x128xi32, #tpu.memory_space<hbm>> -> memref<1x1x128xi32, #tpu.memory_space<hbm>>
          %dma_start3A_220 = tpu.memref_squeeze %dma_start3A_219 : memref<1x1x128xi32, #tpu.memory_space<hbm>> -> memref<128xi32, #tpu.memory_space<hbm>>
          %dma_start3A_221 = arith.constant 0 : i32
          %dma_start3A_222 = tpu.memref_slice %arg3[%add3A, %add3A_217, %dma_start3A_221] : memref<32x80x128xi32, #tpu.memory_space<hbm>> -> memref<1x1x128xi32, #tpu.memory_space<hbm>>
          %dma_start3A_223 = tpu.memref_squeeze %dma_start3A_222 : memref<1x1x128xi32, #tpu.memory_space<hbm>> -> memref<128xi32, #tpu.memory_space<hbm>>
          tpu.enqueue_dma source(%dma_start3A_223 : memref<128xi32, #tpu.memory_space<hbm>>) target(%arg7 : memref<128xi32, #tpu.memory_space<vmem>>) target_semaphore(%arg18 : memref<!tpu.dma_semaphore, #tpu.memory_space<semaphore_mem>>)
          %dma_start3A_224 = arith.constant 0 : i32
          %dma_start3A_225 = tpu.memref_slice %arg4[%add3A, %add3A_217, %dma_start3A_224] : memref<32x80x128xi32, #tpu.memory_space<hbm>> -> memref<1x1x128xi32, #tpu.memory_space<hbm>>
          %dma_start3A_226 = tpu.memref_squeeze %dma_start3A_225 : memref<1x1x128xi32, #tpu.memory_space<hbm>> -> memref<128xi32, #tpu.memory_space<hbm>>
          %dma_start3A_227 = arith.constant 0 : i32
          %dma_start3A_228 = tpu.memref_slice %arg4[%add3A, %add3A_217, %dma_start3A_227] : memref<32x80x128xi32, #tpu.memory_space<hbm>> -> memref<1x1x128xi32, #tpu.memory_space<hbm>>
          %dma_start3A_229 = tpu.memref_squeeze %dma_start3A_228 : memref<1x1x128xi32, #tpu.memory_space<hbm>> -> memref<128xi32, #tpu.memory_space<hbm>>
          tpu.enqueue_dma source(%dma_start3A_229 : memref<128xi32, #tpu.memory_space<hbm>>) target(%arg11 : memref<128xi32, #tpu.memory_space<vmem>>) target_semaphore(%arg18 : memref<!tpu.dma_semaphore, #tpu.memory_space<semaphore_mem>>)
        } else {
        }
      } else {
      }
      %dma_wait3A_148 = arith.constant 0 : i32
      %dma_wait3A_149 = arith.constant 0 : i32
      %dma_wait3A_150 = tpu.memref_slice %arg2[%dma_wait3A_148, %dma_wait3A_149] : memref<10000x128xf32, #tpu.memory_space<hbm>> -> memref<10000x128xf32, #tpu.memory_space<hbm>>
      tpu.wait_indirect_dma semaphore(%arg23 : memref<!tpu.dma_semaphore, #tpu.memory_space<semaphore_mem>>) src(%dma_wait3A_150 : memref<10000x128xf32, #tpu.memory_space<hbm>>) dst(%arg16 : memref<128x128xf32, #tpu.memory_space<vmem>>)
      %dma_start3A_151 = arith.constant 0 : i32
      %dma_start3A_152 = arith.constant 0 : i32
      %dma_start3A_153 = tpu.memref_slice %arg17[%dma_start3A_151, %dma_start3A_152] : memref<10112x128xf32, #tpu.memory_space<vmem_shared>> -> memref<10112x128xf32, #tpu.memory_space<vmem_shared>>
      tpu.enqueue_indirect_dma source(%arg16 : memref<128x128xf32, #tpu.memory_space<vmem>>) target(%dma_start3A_153 : memref<10112x128xf32, #tpu.memory_space<vmem_shared>>) offsets(%arg12 : memref<128xi32, #tpu.memory_space<vmem>>) semaphore(%arg25 : memref<!tpu.dma_semaphore, #tpu.memory_space<semaphore_mem>>) {add = true}
      %mul3A_154 = arith.constant 4 : i32
      %mul3A_155 = arith.muli %scan3A_122, %mul3A_154 : i32
      %add3A_156 = arith.constant 2 : i32
      %add3A_157 = arith.addi %mul3A_155, %add3A_156 : i32
      %add3A_158 = arith.constant 1 : i32
      %add3A_159 = arith.addi %add3A_157, %add3A_158 : i32
      %lt3A_160 = arith.constant 80 : i32
      %lt3A_161 = arith.cmpi slt, %add3A_159, %lt3A_160 : i32
      %convert_element_type3A_162 = arith.extui %lt3A_161 : i1 to i32
      %cond3A_163 = arith.constant 0 : i32
      %cond3A_164 = arith.cmpi ne, %convert_element_type3A_162, %cond3A_163 : i32
      scf.if %cond3A_164 {
        %add3A_188 = arith.constant 1 : i32
        %add3A_189 = arith.addi %add3A_157, %add3A_188 : i32
        %dma_wait3A_190 = arith.constant 0 : i32
        %dma_wait3A_191 = tpu.memref_slice %arg3[%add3A, %add3A_189, %dma_wait3A_190] : memref<32x80x128xi32, #tpu.memory_space<hbm>> -> memref<1x1x128xi32, #tpu.memory_space<hbm>>
        %dma_wait3A_192 = tpu.memref_squeeze %dma_wait3A_191 : memref<1x1x128xi32, #tpu.memory_space<hbm>> -> memref<128xi32, #tpu.memory_space<hbm>>
        %dma_wait3A_193 = arith.constant 0 : i32
        %dma_wait3A_194 = tpu.memref_slice %arg3[%add3A, %add3A_189, %dma_wait3A_193] : memref<32x80x128xi32, #tpu.memory_space<hbm>> -> memref<1x1x128xi32, #tpu.memory_space<hbm>>
        %dma_wait3A_195 = tpu.memref_squeeze %dma_wait3A_194 : memref<1x1x128xi32, #tpu.memory_space<hbm>> -> memref<128xi32, #tpu.memory_space<hbm>>
        tpu.wait_dma2 semaphore(%arg21 : memref<!tpu.dma_semaphore, #tpu.memory_space<semaphore_mem>>) src(%dma_wait3A_195 : memref<128xi32, #tpu.memory_space<hbm>>) dst(%arg10 : memref<128xi32, #tpu.memory_space<vmem>>)
        %dma_wait3A_196 = arith.constant 0 : i32
        %dma_wait3A_197 = tpu.memref_slice %arg4[%add3A, %add3A_189, %dma_wait3A_196] : memref<32x80x128xi32, #tpu.memory_space<hbm>> -> memref<1x1x128xi32, #tpu.memory_space<hbm>>
        %dma_wait3A_198 = tpu.memref_squeeze %dma_wait3A_197 : memref<1x1x128xi32, #tpu.memory_space<hbm>> -> memref<128xi32, #tpu.memory_space<hbm>>
        %dma_wait3A_199 = arith.constant 0 : i32
        %dma_wait3A_200 = tpu.memref_slice %arg4[%add3A, %add3A_189, %dma_wait3A_199] : memref<32x80x128xi32, #tpu.memory_space<hbm>> -> memref<1x1x128xi32, #tpu.memory_space<hbm>>
        %dma_wait3A_201 = tpu.memref_squeeze %dma_wait3A_200 : memref<1x1x128xi32, #tpu.memory_space<hbm>> -> memref<128xi32, #tpu.memory_space<hbm>>
        tpu.wait_dma2 semaphore(%arg21 : memref<!tpu.dma_semaphore, #tpu.memory_space<semaphore_mem>>) src(%dma_wait3A_201 : memref<128xi32, #tpu.memory_space<hbm>>) dst(%arg14 : memref<128xi32, #tpu.memory_space<vmem>>)
        %ge3A = arith.constant 1 : i32
        %ge3A_202 = arith.cmpi sge, %add3A_157, %ge3A : i32
        %convert_element_type3A_203 = arith.extui %ge3A_202 : i1 to i32
        %cond3A_204 = arith.constant 0 : i32
        %cond3A_205 = arith.cmpi ne, %convert_element_type3A_203, %cond3A_204 : i32
        scf.if %cond3A_205 {
          %dma_wait3A_216 = arith.constant 0 : i32
          %dma_wait3A_217 = arith.constant 0 : i32
          %dma_wait3A_218 = tpu.memref_slice %arg17[%dma_wait3A_216, %dma_wait3A_217] : memref<10112x128xf32, #tpu.memory_space<vmem_shared>> -> memref<10112x128xf32, #tpu.memory_space<vmem_shared>>
          tpu.wait_indirect_dma semaphore(%arg25 : memref<!tpu.dma_semaphore, #tpu.memory_space<semaphore_mem>>) src(%arg16 : memref<128x128xf32, #tpu.memory_space<vmem>>) dst(%dma_wait3A_218 : memref<10112x128xf32, #tpu.memory_space<vmem_shared>>)
        } else {
        }
        %dma_start3A_206 = arith.constant 0 : i32
        %dma_start3A_207 = arith.constant 0 : i32
        %dma_start3A_208 = tpu.memref_slice %arg2[%dma_start3A_206, %dma_start3A_207] : memref<10000x128xf32, #tpu.memory_space<hbm>> -> memref<10000x128xf32, #tpu.memory_space<hbm>>
        tpu.enqueue_indirect_dma source(%dma_start3A_208 : memref<10000x128xf32, #tpu.memory_space<hbm>>) target(%arg16 : memref<128x128xf32, #tpu.memory_space<vmem>>) offsets(%arg10 : memref<128xi32, #tpu.memory_space<vmem>>) semaphore(%arg23 : memref<!tpu.dma_semaphore, #tpu.memory_space<semaphore_mem>>)
        %add3A_209 = arith.constant 3 : i32
        %add3A_210 = arith.addi %add3A_157, %add3A_209 : i32
        %lt3A_211 = arith.constant 80 : i32
        %lt3A_212 = arith.cmpi slt, %add3A_210, %lt3A_211 : i32
        %convert_element_type3A_213 = arith.extui %lt3A_212 : i1 to i32
        %cond3A_214 = arith.constant 0 : i32
        %cond3A_215 = arith.cmpi ne, %convert_element_type3A_213, %cond3A_214 : i32
        scf.if %cond3A_215 {
          %add3A_216 = arith.constant 3 : i32
          %add3A_217 = arith.addi %add3A_157, %add3A_216 : i32
          %dma_start3A_218 = arith.constant 0 : i32
          %dma_start3A_219 = tpu.memref_slice %arg3[%add3A, %add3A_217, %dma_start3A_218] : memref<32x80x128xi32, #tpu.memory_space<hbm>> -> memref<1x1x128xi32, #tpu.memory_space<hbm>>
          %dma_start3A_220 = tpu.memref_squeeze %dma_start3A_219 : memref<1x1x128xi32, #tpu.memory_space<hbm>> -> memref<128xi32, #tpu.memory_space<hbm>>
          %dma_start3A_221 = arith.constant 0 : i32
          %dma_start3A_222 = tpu.memref_slice %arg3[%add3A, %add3A_217, %dma_start3A_221] : memref<32x80x128xi32, #tpu.memory_space<hbm>> -> memref<1x1x128xi32, #tpu.memory_space<hbm>>
          %dma_start3A_223 = tpu.memref_squeeze %dma_start3A_222 : memref<1x1x128xi32, #tpu.memory_space<hbm>> -> memref<128xi32, #tpu.memory_space<hbm>>
          tpu.enqueue_dma source(%dma_start3A_223 : memref<128xi32, #tpu.memory_space<hbm>>) target(%arg8 : memref<128xi32, #tpu.memory_space<vmem>>) target_semaphore(%arg19 : memref<!tpu.dma_semaphore, #tpu.memory_space<semaphore_mem>>)
          %dma_start3A_224 = arith.constant 0 : i32
          %dma_start3A_225 = tpu.memref_slice %arg4[%add3A, %add3A_217, %dma_start3A_224] : memref<32x80x128xi32, #tpu.memory_space<hbm>> -> memref<1x1x128xi32, #tpu.memory_space<hbm>>
          %dma_start3A_226 = tpu.memref_squeeze %dma_start3A_225 : memref<1x1x128xi32, #tpu.memory_space<hbm>> -> memref<128xi32, #tpu.memory_space<hbm>>
          %dma_start3A_227 = arith.constant 0 : i32
          %dma_start3A_228 = tpu.memref_slice %arg4[%add3A, %add3A_217, %dma_start3A_227] : memref<32x80x128xi32, #tpu.memory_space<hbm>> -> memref<1x1x128xi32, #tpu.memory_space<hbm>>
          %dma_start3A_229 = tpu.memref_squeeze %dma_start3A_228 : memref<1x1x128xi32, #tpu.memory_space<hbm>> -> memref<128xi32, #tpu.memory_space<hbm>>
          tpu.enqueue_dma source(%dma_start3A_229 : memref<128xi32, #tpu.memory_space<hbm>>) target(%arg12 : memref<128xi32, #tpu.memory_space<vmem>>) target_semaphore(%arg19 : memref<!tpu.dma_semaphore, #tpu.memory_space<semaphore_mem>>)
        } else {
        }
      } else {
      }
      %dma_wait3A_165 = arith.constant 0 : i32
      %dma_wait3A_166 = arith.constant 0 : i32
      %dma_wait3A_167 = tpu.memref_slice %arg2[%dma_wait3A_165, %dma_wait3A_166] : memref<10000x128xf32, #tpu.memory_space<hbm>> -> memref<10000x128xf32, #tpu.memory_space<hbm>>
      tpu.wait_indirect_dma semaphore(%arg22 : memref<!tpu.dma_semaphore, #tpu.memory_space<semaphore_mem>>) src(%dma_wait3A_167 : memref<10000x128xf32, #tpu.memory_space<hbm>>) dst(%arg15 : memref<128x128xf32, #tpu.memory_space<vmem>>)
      %dma_start3A_168 = arith.constant 0 : i32
      %dma_start3A_169 = arith.constant 0 : i32
      %dma_start3A_170 = tpu.memref_slice %arg17[%dma_start3A_168, %dma_start3A_169] : memref<10112x128xf32, #tpu.memory_space<vmem_shared>> -> memref<10112x128xf32, #tpu.memory_space<vmem_shared>>
      tpu.enqueue_indirect_dma source(%arg15 : memref<128x128xf32, #tpu.memory_space<vmem>>) target(%dma_start3A_170 : memref<10112x128xf32, #tpu.memory_space<vmem_shared>>) offsets(%arg13 : memref<128xi32, #tpu.memory_space<vmem>>) semaphore(%arg24 : memref<!tpu.dma_semaphore, #tpu.memory_space<semaphore_mem>>) {add = true}
      %mul3A_171 = arith.constant 4 : i32
      %mul3A_172 = arith.muli %scan3A_122, %mul3A_171 : i32
      %add3A_173 = arith.constant 3 : i32
      %add3A_174 = arith.addi %mul3A_172, %add3A_173 : i32
      %add3A_175 = arith.constant 1 : i32
      %add3A_176 = arith.addi %add3A_174, %add3A_175 : i32
      %lt3A_177 = arith.constant 80 : i32
      %lt3A_178 = arith.cmpi slt, %add3A_176, %lt3A_177 : i32
      %convert_element_type3A_179 = arith.extui %lt3A_178 : i1 to i32
      %cond3A_180 = arith.constant 0 : i32
      %cond3A_181 = arith.cmpi ne, %convert_element_type3A_179, %cond3A_180 : i32
      scf.if %cond3A_181 {
        %add3A_188 = arith.constant 1 : i32
        %add3A_189 = arith.addi %add3A_174, %add3A_188 : i32
        %dma_wait3A_190 = arith.constant 0 : i32
        %dma_wait3A_191 = tpu.memref_slice %arg3[%add3A, %add3A_189, %dma_wait3A_190] : memref<32x80x128xi32, #tpu.memory_space<hbm>> -> memref<1x1x128xi32, #tpu.memory_space<hbm>>
        %dma_wait3A_192 = tpu.memref_squeeze %dma_wait3A_191 : memref<1x1x128xi32, #tpu.memory_space<hbm>> -> memref<128xi32, #tpu.memory_space<hbm>>
        %dma_wait3A_193 = arith.constant 0 : i32
        %dma_wait3A_194 = tpu.memref_slice %arg3[%add3A, %add3A_189, %dma_wait3A_193] : memref<32x80x128xi32, #tpu.memory_space<hbm>> -> memref<1x1x128xi32, #tpu.memory_space<hbm>>
        %dma_wait3A_195 = tpu.memref_squeeze %dma_wait3A_194 : memref<1x1x128xi32, #tpu.memory_space<hbm>> -> memref<128xi32, #tpu.memory_space<hbm>>
        tpu.wait_dma2 semaphore(%arg18 : memref<!tpu.dma_semaphore, #tpu.memory_space<semaphore_mem>>) src(%dma_wait3A_195 : memref<128xi32, #tpu.memory_space<hbm>>) dst(%arg7 : memref<128xi32, #tpu.memory_space<vmem>>)
        %dma_wait3A_196 = arith.constant 0 : i32
        %dma_wait3A_197 = tpu.memref_slice %arg4[%add3A, %add3A_189, %dma_wait3A_196] : memref<32x80x128xi32, #tpu.memory_space<hbm>> -> memref<1x1x128xi32, #tpu.memory_space<hbm>>
        %dma_wait3A_198 = tpu.memref_squeeze %dma_wait3A_197 : memref<1x1x128xi32, #tpu.memory_space<hbm>> -> memref<128xi32, #tpu.memory_space<hbm>>
        %dma_wait3A_199 = arith.constant 0 : i32
        %dma_wait3A_200 = tpu.memref_slice %arg4[%add3A, %add3A_189, %dma_wait3A_199] : memref<32x80x128xi32, #tpu.memory_space<hbm>> -> memref<1x1x128xi32, #tpu.memory_space<hbm>>
        %dma_wait3A_201 = tpu.memref_squeeze %dma_wait3A_200 : memref<1x1x128xi32, #tpu.memory_space<hbm>> -> memref<128xi32, #tpu.memory_space<hbm>>
        tpu.wait_dma2 semaphore(%arg18 : memref<!tpu.dma_semaphore, #tpu.memory_space<semaphore_mem>>) src(%dma_wait3A_201 : memref<128xi32, #tpu.memory_space<hbm>>) dst(%arg11 : memref<128xi32, #tpu.memory_space<vmem>>)
        %ge3A = arith.constant 1 : i32
        %ge3A_202 = arith.cmpi sge, %add3A_174, %ge3A : i32
        %convert_element_type3A_203 = arith.extui %ge3A_202 : i1 to i32
        %cond3A_204 = arith.constant 0 : i32
        %cond3A_205 = arith.cmpi ne, %convert_element_type3A_203, %cond3A_204 : i32
        scf.if %cond3A_205 {
          %dma_wait3A_216 = arith.constant 0 : i32
          %dma_wait3A_217 = arith.constant 0 : i32
          %dma_wait3A_218 = tpu.memref_slice %arg17[%dma_wait3A_216, %dma_wait3A_217] : memref<10112x128xf32, #tpu.memory_space<vmem_shared>> -> memref<10112x128xf32, #tpu.memory_space<vmem_shared>>
          tpu.wait_indirect_dma semaphore(%arg24 : memref<!tpu.dma_semaphore, #tpu.memory_space<semaphore_mem>>) src(%arg15 : memref<128x128xf32, #tpu.memory_space<vmem>>) dst(%dma_wait3A_218 : memref<10112x128xf32, #tpu.memory_space<vmem_shared>>)
        } else {
        }
        %dma_start3A_206 = arith.constant 0 : i32
        %dma_start3A_207 = arith.constant 0 : i32
        %dma_start3A_208 = tpu.memref_slice %arg2[%dma_start3A_206, %dma_start3A_207] : memref<10000x128xf32, #tpu.memory_space<hbm>> -> memref<10000x128xf32, #tpu.memory_space<hbm>>
        tpu.enqueue_indirect_dma source(%dma_start3A_208 : memref<10000x128xf32, #tpu.memory_space<hbm>>) target(%arg15 : memref<128x128xf32, #tpu.memory_space<vmem>>) offsets(%arg7 : memref<128xi32, #tpu.memory_space<vmem>>) semaphore(%arg22 : memref<!tpu.dma_semaphore, #tpu.memory_space<semaphore_mem>>)
        %add3A_209 = arith.constant 3 : i32
        %add3A_210 = arith.addi %add3A_174, %add3A_209 : i32
        %lt3A_211 = arith.constant 80 : i32
        %lt3A_212 = arith.cmpi slt, %add3A_210, %lt3A_211 : i32
        %convert_element_type3A_213 = arith.extui %lt3A_212 : i1 to i32
        %cond3A_214 = arith.constant 0 : i32
        %cond3A_215 = arith.cmpi ne, %convert_element_type3A_213, %cond3A_214 : i32
        scf.if %cond3A_215 {
          %add3A_216 = arith.constant 3 : i32
          %add3A_217 = arith.addi %add3A_174, %add3A_216 : i32
          %dma_start3A_218 = arith.constant 0 : i32
          %dma_start3A_219 = tpu.memref_slice %arg3[%add3A, %add3A_217, %dma_start3A_218] : memref<32x80x128xi32, #tpu.memory_space<hbm>> -> memref<1x1x128xi32, #tpu.memory_space<hbm>>
          %dma_start3A_220 = tpu.memref_squeeze %dma_start3A_219 : memref<1x1x128xi32, #tpu.memory_space<hbm>> -> memref<128xi32, #tpu.memory_space<hbm>>
          %dma_start3A_221 = arith.constant 0 : i32
          %dma_start3A_222 = tpu.memref_slice %arg3[%add3A, %add3A_217, %dma_start3A_221] : memref<32x80x128xi32, #tpu.memory_space<hbm>> -> memref<1x1x128xi32, #tpu.memory_space<hbm>>
          %dma_start3A_223 = tpu.memref_squeeze %dma_start3A_222 : memref<1x1x128xi32, #tpu.memory_space<hbm>> -> memref<128xi32, #tpu.memory_space<hbm>>
          tpu.enqueue_dma source(%dma_start3A_223 : memref<128xi32, #tpu.memory_space<hbm>>) target(%arg9 : memref<128xi32, #tpu.memory_space<vmem>>) target_semaphore(%arg20 : memref<!tpu.dma_semaphore, #tpu.memory_space<semaphore_mem>>)
          %dma_start3A_224 = arith.constant 0 : i32
          %dma_start3A_225 = tpu.memref_slice %arg4[%add3A, %add3A_217, %dma_start3A_224] : memref<32x80x128xi32, #tpu.memory_space<hbm>> -> memref<1x1x128xi32, #tpu.memory_space<hbm>>
          %dma_start3A_226 = tpu.memref_squeeze %dma_start3A_225 : memref<1x1x128xi32, #tpu.memory_space<hbm>> -> memref<128xi32, #tpu.memory_space<hbm>>
          %dma_start3A_227 = arith.constant 0 : i32
          %dma_start3A_228 = tpu.memref_slice %arg4[%add3A, %add3A_217, %dma_start3A_227] : memref<32x80x128xi32, #tpu.memory_space<hbm>> -> memref<1x1x128xi32, #tpu.memory_space<hbm>>
          %dma_start3A_229 = tpu.memref_squeeze %dma_start3A_228 : memref<1x1x128xi32, #tpu.memory_space<hbm>> -> memref<128xi32, #tpu.memory_space<hbm>>
          tpu.enqueue_dma source(%dma_start3A_229 : memref<128xi32, #tpu.memory_space<hbm>>) target(%arg13 : memref<128xi32, #tpu.memory_space<vmem>>) target_semaphore(%arg20 : memref<!tpu.dma_semaphore, #tpu.memory_space<semaphore_mem>>)
        } else {
        }
      } else {
      }
      %dma_wait3A_182 = arith.constant 0 : i32
      %dma_wait3A_183 = arith.constant 0 : i32
      %dma_wait3A_184 = tpu.memref_slice %arg2[%dma_wait3A_182, %dma_wait3A_183] : memref<10000x128xf32, #tpu.memory_space<hbm>> -> memref<10000x128xf32, #tpu.memory_space<hbm>>
      tpu.wait_indirect_dma semaphore(%arg23 : memref<!tpu.dma_semaphore, #tpu.memory_space<semaphore_mem>>) src(%dma_wait3A_184 : memref<10000x128xf32, #tpu.memory_space<hbm>>) dst(%arg16 : memref<128x128xf32, #tpu.memory_space<vmem>>)
      %dma_start3A_185 = arith.constant 0 : i32
      %dma_start3A_186 = arith.constant 0 : i32
      %dma_start3A_187 = tpu.memref_slice %arg17[%dma_start3A_185, %dma_start3A_186] : memref<10112x128xf32, #tpu.memory_space<vmem_shared>> -> memref<10112x128xf32, #tpu.memory_space<vmem_shared>>
      tpu.enqueue_indirect_dma source(%arg16 : memref<128x128xf32, #tpu.memory_space<vmem>>) target(%dma_start3A_187 : memref<10112x128xf32, #tpu.memory_space<vmem_shared>>) offsets(%arg14 : memref<128xi32, #tpu.memory_space<vmem>>) semaphore(%arg25 : memref<!tpu.dma_semaphore, #tpu.memory_space<semaphore_mem>>) {add = true}
    }
    %scan3A_74 = arith.constant 20 : i32
    %dma_wait3A_75 = arith.constant 0 : i32
    %dma_wait3A_76 = arith.constant 0 : i32
    %dma_wait3A_77 = tpu.memref_slice %arg17[%dma_wait3A_75, %dma_wait3A_76] : memref<10112x128xf32, #tpu.memory_space<vmem_shared>> -> memref<10112x128xf32, #tpu.memory_space<vmem_shared>>
    tpu.wait_indirect_dma semaphore(%arg24 : memref<!tpu.dma_semaphore, #tpu.memory_space<semaphore_mem>>) src(%arg15 : memref<128x128xf32, #tpu.memory_space<vmem>>) dst(%dma_wait3A_77 : memref<10112x128xf32, #tpu.memory_space<vmem_shared>>)
    %dma_wait3A_78 = arith.constant 0 : i32
    %dma_wait3A_79 = arith.constant 0 : i32
    %dma_wait3A_80 = tpu.memref_slice %arg17[%dma_wait3A_78, %dma_wait3A_79] : memref<10112x128xf32, #tpu.memory_space<vmem_shared>> -> memref<10112x128xf32, #tpu.memory_space<vmem_shared>>
    tpu.wait_indirect_dma semaphore(%arg25 : memref<!tpu.dma_semaphore, #tpu.memory_space<semaphore_mem>>) src(%arg16 : memref<128x128xf32, #tpu.memory_space<vmem>>) dst(%dma_wait3A_80 : memref<10112x128xf32, #tpu.memory_space<vmem_shared>>)
    %barrier3A_81 = arith.constant 0 : index
    tpu.barrier barrier_id(%barrier3A_81)
    %mul3A_82 = arith.constant 632 : i32
    %mul3A_83 = arith.muli %arg1, %mul3A_82 : i32
    %add3A_84 = arith.constant 0 : i32
    %add3A_85 = arith.addi %mul3A_83, %add3A_84 : i32
    "tpu.region"() ({
      %run_scoped3A = tpu.sem_alloc : memref<!tpu.dma_semaphore, #tpu.memory_space<semaphore_mem>>
      %dma_start3A_122 = arith.constant 0 : i32
      %dma_start3A_123 = arith.constant 0 : i32
      %dma_start3A_124 = tpu.memref_slice %arg15[%dma_start3A_122, %dma_start3A_123] : memref<128x128xf32, #tpu.memory_space<vmem>> -> memref<128x128xf32, #tpu.memory_space<vmem>>
      %dma_start3A_125 = arith.constant 0 : i32
      %dma_start3A_126 = tpu.memref_slice %arg17[%add3A_85, %dma_start3A_125] : memref<10112x128xf32, #tpu.memory_space<vmem_shared>> -> memref<128x128xf32, #tpu.memory_space<vmem_shared>>
      %dma_start3A_127 = arith.constant 0 : i32
      %dma_start3A_128 = arith.constant 0 : i32
      %dma_start3A_129 = tpu.memref_slice %arg15[%dma_start3A_127, %dma_start3A_128] : memref<128x128xf32, #tpu.memory_space<vmem>> -> memref<128x128xf32, #tpu.memory_space<vmem>>
      %dma_start3A_130 = arith.constant 0 : i32
      %dma_start3A_131 = tpu.memref_slice %arg17[%add3A_85, %dma_start3A_130] : memref<10112x128xf32, #tpu.memory_space<vmem_shared>> -> memref<128x128xf32, #tpu.memory_space<vmem_shared>>
      tpu.enqueue_dma source(%dma_start3A_131 : memref<128x128xf32, #tpu.memory_space<vmem_shared>>) target(%dma_start3A_129 : memref<128x128xf32, #tpu.memory_space<vmem>>) target_semaphore(%run_scoped3A : memref<!tpu.dma_semaphore, #tpu.memory_space<semaphore_mem>>)
      %dma_wait3A_132 = arith.constant 0 : i32
      %dma_wait3A_133 = arith.constant 0 : i32
      %dma_wait3A_134 = tpu.memref_slice %arg15[%dma_wait3A_132, %dma_wait3A_133] : memref<128x128xf32, #tpu.memory_space<vmem>> -> memref<128x128xf32, #tpu.memory_space<vmem>>
      %dma_wait3A_135 = arith.constant 0 : i32
      %dma_wait3A_136 = tpu.memref_slice %arg17[%add3A_85, %dma_wait3A_135] : memref<10112x128xf32, #tpu.memory_space<vmem_shared>> -> memref<128x128xf32, #tpu.memory_space<vmem_shared>>
      %dma_wait3A_137 = arith.constant 0 : i32
      %dma_wait3A_138 = arith.constant 0 : i32
      %dma_wait3A_139 = tpu.memref_slice %arg15[%dma_wait3A_137, %dma_wait3A_138] : memref<128x128xf32, #tpu.memory_space<vmem>> -> memref<128x128xf32, #tpu.memory_space<vmem>>
      %dma_wait3A_140 = arith.constant 0 : i32
      %dma_wait3A_141 = tpu.memref_slice %arg17[%add3A_85, %dma_wait3A_140] : memref<10112x128xf32, #tpu.memory_space<vmem_shared>> -> memref<128x128xf32, #tpu.memory_space<vmem_shared>>
      tpu.wait_dma2 semaphore(%run_scoped3A : memref<!tpu.dma_semaphore, #tpu.memory_space<semaphore_mem>>) src(%dma_wait3A_141 : memref<128x128xf32, #tpu.memory_space<vmem_shared>>) dst(%dma_wait3A_139 : memref<128x128xf32, #tpu.memory_space<vmem>>)
      tpu.yield
    }) : () -> ()
    %mul3A_86 = arith.constant 632 : i32
    %mul3A_87 = arith.muli %arg1, %mul3A_86 : i32
    %add3A_88 = arith.constant 0 : i32
    %add3A_89 = arith.addi %mul3A_87, %add3A_88 : i32
    "tpu.region"() ({
      %run_scoped3A = tpu.sem_alloc : memref<!tpu.dma_semaphore, #tpu.memory_space<semaphore_mem>>
      %dma_start3A_122 = arith.constant 0 : i32
      %dma_start3A_123 = arith.constant 0 : i32
      %dma_start3A_124 = tpu.memref_slice %arg15[%dma_start3A_122, %dma_start3A_123] : memref<128x128xf32, #tpu.memory_space<vmem>> -> memref<128x128xf32, #tpu.memory_space<vmem>>
      %dma_start3A_125 = arith.constant 0 : i32
      %dma_start3A_126 = tpu.memref_slice %arg6[%arg0, %add3A_89, %dma_start3A_125] : memref<2x10112x128xf32, #tpu.memory_space<hbm>> -> memref<1x128x128xf32, #tpu.memory_space<hbm>>
      %dma_start3A_127 = tpu.memref_squeeze %dma_start3A_126 : memref<1x128x128xf32, #tpu.memory_space<hbm>> -> memref<128x128xf32, #tpu.memory_space<hbm>>
      %dma_start3A_128 = arith.constant 0 : i32
      %dma_start3A_129 = tpu.memref_slice %arg6[%arg0, %add3A_89, %dma_start3A_128] : memref<2x10112x128xf32, #tpu.memory_space<hbm>> -> memref<1x128x128xf32, #tpu.memory_space<hbm>>
      %dma_start3A_130 = tpu.memref_squeeze %dma_start3A_129 : memref<1x128x128xf32, #tpu.memory_space<hbm>> -> memref<128x128xf32, #tpu.memory_space<hbm>>
      %dma_start3A_131 = arith.constant 0 : i32
      %dma_start3A_132 = arith.constant 0 : i32
      %dma_start3A_133 = tpu.memref_slice %arg15[%dma_start3A_131, %dma_start3A_132] : memref<128x128xf32, #tpu.memory_space<vmem>> -> memref<128x128xf32, #tpu.memory_space<vmem>>
      tpu.enqueue_dma source(%dma_start3A_133 : memref<128x128xf32, #tpu.memory_space<vmem>>) target(%dma_start3A_130 : memref<128x128xf32, #tpu.memory_space<hbm>>) target_semaphore(%run_scoped3A : memref<!tpu.dma_semaphore, #tpu.memory_space<semaphore_mem>>)
      %dma_wait3A_134 = arith.constant 0 : i32
      %dma_wait3A_135 = arith.constant 0 : i32
      %dma_wait3A_136 = tpu.memref_slice %arg15[%dma_wait3A_134, %dma_wait3A_135] : memref<128x128xf32, #tpu.memory_space<vmem>> -> memref<128x128xf32, #tpu.memory_space<vmem>>
      %dma_wait3A_137 = arith.constant 0 : i32
      %dma_wait3A_138 = tpu.memref_slice %arg6[%arg0, %add3A_89, %dma_wait3A_137] : memref<2x10112x128xf32, #tpu.memory_space<hbm>> -> memref<1x128x128xf32, #tpu.memory_space<hbm>>
      %dma_wait3A_139 = tpu.memref_squeeze %dma_wait3A_138 : memref<1x128x128xf32, #tpu.memory_space<hbm>> -> memref<128x128xf32, #tpu.memory_space<hbm>>
      %dma_wait3A_140 = arith.constant 0 : i32
      %dma_wait3A_141 = tpu.memref_slice %arg6[%arg0, %add3A_89, %dma_wait3A_140] : memref<2x10112x128xf32, #tpu.memory_space<hbm>> -> memref<1x128x128xf32, #tpu.memory_space<hbm>>
      %dma_wait3A_142 = tpu.memref_squeeze %dma_wait3A_141 : memref<1x128x128xf32, #tpu.memory_space<hbm>> -> memref<128x128xf32, #tpu.memory_space<hbm>>
      %dma_wait3A_143 = arith.constant 0 : i32
      %dma_wait3A_144 = arith.constant 0 : i32
      %dma_wait3A_145 = tpu.memref_slice %arg15[%dma_wait3A_143, %dma_wait3A_144] : memref<128x128xf32, #tpu.memory_space<vmem>> -> memref<128x128xf32, #tpu.memory_space<vmem>>
      tpu.wait_dma2 semaphore(%run_scoped3A : memref<!tpu.dma_semaphore, #tpu.memory_space<semaphore_mem>>) src(%dma_wait3A_145 : memref<128x128xf32, #tpu.memory_space<vmem>>) dst(%dma_wait3A_142 : memref<128x128xf32, #tpu.memory_space<hbm>>)
      tpu.yield
    }) : () -> ()
    %mul3A_90 = arith.constant 632 : i32
    %mul3A_91 = arith.muli %arg1, %mul3A_90 : i32
    %add3A_92 = arith.constant 128 : i32
    %add3A_93 = arith.addi %mul3A_91, %add3A_92 : i32
    "tpu.region"() ({
      %run_scoped3A = tpu.sem_alloc : memref<!tpu.dma_semaphore, #tpu.memory_space<semaphore_mem>>
      %dma_start3A_122 = arith.constant 0 : i32
      %dma_start3A_123 = arith.constant 0 : i32
      %dma_start3A_124 = tpu.memref_slice %arg16[%dma_start3A_122, %dma_start3A_123] : memref<128x128xf32, #tpu.memory_space<vmem>> -> memref<128x128xf32, #tpu.memory_space<vmem>>
      %dma_start3A_125 = arith.constant 0 : i32
      %dma_start3A_126 = tpu.memref_slice %arg17[%add3A_93, %dma_start3A_125] : memref<10112x128xf32, #tpu.memory_space<vmem_shared>> -> memref<128x128xf32, #tpu.memory_space<vmem_shared>>
      %dma_start3A_127 = arith.constant 0 : i32
      %dma_start3A_128 = arith.constant 0 : i32
      %dma_start3A_129 = tpu.memref_slice %arg16[%dma_start3A_127, %dma_start3A_128] : memref<128x128xf32, #tpu.memory_space<vmem>> -> memref<128x128xf32, #tpu.memory_space<vmem>>
      %dma_start3A_130 = arith.constant 0 : i32
      %dma_start3A_131 = tpu.memref_slice %arg17[%add3A_93, %dma_start3A_130] : memref<10112x128xf32, #tpu.memory_space<vmem_shared>> -> memref<128x128xf32, #tpu.memory_space<vmem_shared>>
      tpu.enqueue_dma source(%dma_start3A_131 : memref<128x128xf32, #tpu.memory_space<vmem_shared>>) target(%dma_start3A_129 : memref<128x128xf32, #tpu.memory_space<vmem>>) target_semaphore(%run_scoped3A : memref<!tpu.dma_semaphore, #tpu.memory_space<semaphore_mem>>)
      %dma_wait3A_132 = arith.constant 0 : i32
      %dma_wait3A_133 = arith.constant 0 : i32
      %dma_wait3A_134 = tpu.memref_slice %arg16[%dma_wait3A_132, %dma_wait3A_133] : memref<128x128xf32, #tpu.memory_space<vmem>> -> memref<128x128xf32, #tpu.memory_space<vmem>>
      %dma_wait3A_135 = arith.constant 0 : i32
      %dma_wait3A_136 = tpu.memref_slice %arg17[%add3A_93, %dma_wait3A_135] : memref<10112x128xf32, #tpu.memory_space<vmem_shared>> -> memref<128x128xf32, #tpu.memory_space<vmem_shared>>
      %dma_wait3A_137 = arith.constant 0 : i32
      %dma_wait3A_138 = arith.constant 0 : i32
      %dma_wait3A_139 = tpu.memref_slice %arg16[%dma_wait3A_137, %dma_wait3A_138] : memref<128x128xf32, #tpu.memory_space<vmem>> -> memref<128x128xf32, #tpu.memory_space<vmem>>
      %dma_wait3A_140 = arith.constant 0 : i32
      %dma_wait3A_141 = tpu.memref_slice %arg17[%add3A_93, %dma_wait3A_140] : memref<10112x128xf32, #tpu.memory_space<vmem_shared>> -> memref<128x128xf32, #tpu.memory_space<vmem_shared>>
      tpu.wait_dma2 semaphore(%run_scoped3A : memref<!tpu.dma_semaphore, #tpu.memory_space<semaphore_mem>>) src(%dma_wait3A_141 : memref<128x128xf32, #tpu.memory_space<vmem_shared>>) dst(%dma_wait3A_139 : memref<128x128xf32, #tpu.memory_space<vmem>>)
      tpu.yield
    }) : () -> ()
    %mul3A_94 = arith.constant 632 : i32
    %mul3A_95 = arith.muli %arg1, %mul3A_94 : i32
    %add3A_96 = arith.constant 128 : i32
    %add3A_97 = arith.addi %mul3A_95, %add3A_96 : i32
    "tpu.region"() ({
      %run_scoped3A = tpu.sem_alloc : memref<!tpu.dma_semaphore, #tpu.memory_space<semaphore_mem>>
      %dma_start3A_122 = arith.constant 0 : i32
      %dma_start3A_123 = arith.constant 0 : i32
      %dma_start3A_124 = tpu.memref_slice %arg16[%dma_start3A_122, %dma_start3A_123] : memref<128x128xf32, #tpu.memory_space<vmem>> -> memref<128x128xf32, #tpu.memory_space<vmem>>
      %dma_start3A_125 = arith.constant 0 : i32
      %dma_start3A_126 = tpu.memref_slice %arg6[%arg0, %add3A_97, %dma_start3A_125] : memref<2x10112x128xf32, #tpu.memory_space<hbm>> -> memref<1x128x128xf32, #tpu.memory_space<hbm>>
      %dma_start3A_127 = tpu.memref_squeeze %dma_start3A_126 : memref<1x128x128xf32, #tpu.memory_space<hbm>> -> memref<128x128xf32, #tpu.memory_space<hbm>>
      %dma_start3A_128 = arith.constant 0 : i32
      %dma_start3A_129 = tpu.memref_slice %arg6[%arg0, %add3A_97, %dma_start3A_128] : memref<2x10112x128xf32, #tpu.memory_space<hbm>> -> memref<1x128x128xf32, #tpu.memory_space<hbm>>
      %dma_start3A_130 = tpu.memref_squeeze %dma_start3A_129 : memref<1x128x128xf32, #tpu.memory_space<hbm>> -> memref<128x128xf32, #tpu.memory_space<hbm>>
      %dma_start3A_131 = arith.constant 0 : i32
      %dma_start3A_132 = arith.constant 0 : i32
      %dma_start3A_133 = tpu.memref_slice %arg16[%dma_start3A_131, %dma_start3A_132] : memref<128x128xf32, #tpu.memory_space<vmem>> -> memref<128x128xf32, #tpu.memory_space<vmem>>
      tpu.enqueue_dma source(%dma_start3A_133 : memref<128x128xf32, #tpu.memory_space<vmem>>) target(%dma_start3A_130 : memref<128x128xf32, #tpu.memory_space<hbm>>) target_semaphore(%run_scoped3A : memref<!tpu.dma_semaphore, #tpu.memory_space<semaphore_mem>>)
      %dma_wait3A_134 = arith.constant 0 : i32
      %dma_wait3A_135 = arith.constant 0 : i32
      %dma_wait3A_136 = tpu.memref_slice %arg16[%dma_wait3A_134, %dma_wait3A_135] : memref<128x128xf32, #tpu.memory_space<vmem>> -> memref<128x128xf32, #tpu.memory_space<vmem>>
      %dma_wait3A_137 = arith.constant 0 : i32
      %dma_wait3A_138 = tpu.memref_slice %arg6[%arg0, %add3A_97, %dma_wait3A_137] : memref<2x10112x128xf32, #tpu.memory_space<hbm>> -> memref<1x128x128xf32, #tpu.memory_space<hbm>>
      %dma_wait3A_139 = tpu.memref_squeeze %dma_wait3A_138 : memref<1x128x128xf32, #tpu.memory_space<hbm>> -> memref<128x128xf32, #tpu.memory_space<hbm>>
      %dma_wait3A_140 = arith.constant 0 : i32
      %dma_wait3A_141 = tpu.memref_slice %arg6[%arg0, %add3A_97, %dma_wait3A_140] : memref<2x10112x128xf32, #tpu.memory_space<hbm>> -> memref<1x128x128xf32, #tpu.memory_space<hbm>>
      %dma_wait3A_142 = tpu.memref_squeeze %dma_wait3A_141 : memref<1x128x128xf32, #tpu.memory_space<hbm>> -> memref<128x128xf32, #tpu.memory_space<hbm>>
      %dma_wait3A_143 = arith.constant 0 : i32
      %dma_wait3A_144 = arith.constant 0 : i32
      %dma_wait3A_145 = tpu.memref_slice %arg16[%dma_wait3A_143, %dma_wait3A_144] : memref<128x128xf32, #tpu.memory_space<vmem>> -> memref<128x128xf32, #tpu.memory_space<vmem>>
      tpu.wait_dma2 semaphore(%run_scoped3A : memref<!tpu.dma_semaphore, #tpu.memory_space<semaphore_mem>>) src(%dma_wait3A_145 : memref<128x128xf32, #tpu.memory_space<vmem>>) dst(%dma_wait3A_142 : memref<128x128xf32, #tpu.memory_space<hbm>>)
      tpu.yield
    }) : () -> ()
    %mul3A_98 = arith.constant 632 : i32
    %mul3A_99 = arith.muli %arg1, %mul3A_98 : i32
    %add3A_100 = arith.constant 256 : i32
    %add3A_101 = arith.addi %mul3A_99, %add3A_100 : i32
    "tpu.region"() ({
      %run_scoped3A = tpu.sem_alloc : memref<!tpu.dma_semaphore, #tpu.memory_space<semaphore_mem>>
      %dma_start3A_122 = arith.constant 0 : i32
      %dma_start3A_123 = arith.constant 0 : i32
      %dma_start3A_124 = tpu.memref_slice %arg15[%dma_start3A_122, %dma_start3A_123] : memref<128x128xf32, #tpu.memory_space<vmem>> -> memref<128x128xf32, #tpu.memory_space<vmem>>
      %dma_start3A_125 = arith.constant 0 : i32
      %dma_start3A_126 = tpu.memref_slice %arg17[%add3A_101, %dma_start3A_125] : memref<10112x128xf32, #tpu.memory_space<vmem_shared>> -> memref<128x128xf32, #tpu.memory_space<vmem_shared>>
      %dma_start3A_127 = arith.constant 0 : i32
      %dma_start3A_128 = arith.constant 0 : i32
      %dma_start3A_129 = tpu.memref_slice %arg15[%dma_start3A_127, %dma_start3A_128] : memref<128x128xf32, #tpu.memory_space<vmem>> -> memref<128x128xf32, #tpu.memory_space<vmem>>
      %dma_start3A_130 = arith.constant 0 : i32
      %dma_start3A_131 = tpu.memref_slice %arg17[%add3A_101, %dma_start3A_130] : memref<10112x128xf32, #tpu.memory_space<vmem_shared>> -> memref<128x128xf32, #tpu.memory_space<vmem_shared>>
      tpu.enqueue_dma source(%dma_start3A_131 : memref<128x128xf32, #tpu.memory_space<vmem_shared>>) target(%dma_start3A_129 : memref<128x128xf32, #tpu.memory_space<vmem>>) target_semaphore(%run_scoped3A : memref<!tpu.dma_semaphore, #tpu.memory_space<semaphore_mem>>)
      %dma_wait3A_132 = arith.constant 0 : i32
      %dma_wait3A_133 = arith.constant 0 : i32
      %dma_wait3A_134 = tpu.memref_slice %arg15[%dma_wait3A_132, %dma_wait3A_133] : memref<128x128xf32, #tpu.memory_space<vmem>> -> memref<128x128xf32, #tpu.memory_space<vmem>>
      %dma_wait3A_135 = arith.constant 0 : i32
      %dma_wait3A_136 = tpu.memref_slice %arg17[%add3A_101, %dma_wait3A_135] : memref<10112x128xf32, #tpu.memory_space<vmem_shared>> -> memref<128x128xf32, #tpu.memory_space<vmem_shared>>
      %dma_wait3A_137 = arith.constant 0 : i32
      %dma_wait3A_138 = arith.constant 0 : i32
      %dma_wait3A_139 = tpu.memref_slice %arg15[%dma_wait3A_137, %dma_wait3A_138] : memref<128x128xf32, #tpu.memory_space<vmem>> -> memref<128x128xf32, #tpu.memory_space<vmem>>
      %dma_wait3A_140 = arith.constant 0 : i32
      %dma_wait3A_141 = tpu.memref_slice %arg17[%add3A_101, %dma_wait3A_140] : memref<10112x128xf32, #tpu.memory_space<vmem_shared>> -> memref<128x128xf32, #tpu.memory_space<vmem_shared>>
      tpu.wait_dma2 semaphore(%run_scoped3A : memref<!tpu.dma_semaphore, #tpu.memory_space<semaphore_mem>>) src(%dma_wait3A_141 : memref<128x128xf32, #tpu.memory_space<vmem_shared>>) dst(%dma_wait3A_139 : memref<128x128xf32, #tpu.memory_space<vmem>>)
      tpu.yield
    }) : () -> ()
    %mul3A_102 = arith.constant 632 : i32
    %mul3A_103 = arith.muli %arg1, %mul3A_102 : i32
    %add3A_104 = arith.constant 256 : i32
    %add3A_105 = arith.addi %mul3A_103, %add3A_104 : i32
    "tpu.region"() ({
      %run_scoped3A = tpu.sem_alloc : memref<!tpu.dma_semaphore, #tpu.memory_space<semaphore_mem>>
      %dma_start3A_122 = arith.constant 0 : i32
      %dma_start3A_123 = arith.constant 0 : i32
      %dma_start3A_124 = tpu.memref_slice %arg15[%dma_start3A_122, %dma_start3A_123] : memref<128x128xf32, #tpu.memory_space<vmem>> -> memref<128x128xf32, #tpu.memory_space<vmem>>
      %dma_start3A_125 = arith.constant 0 : i32
      %dma_start3A_126 = tpu.memref_slice %arg6[%arg0, %add3A_105, %dma_start3A_125] : memref<2x10112x128xf32, #tpu.memory_space<hbm>> -> memref<1x128x128xf32, #tpu.memory_space<hbm>>
      %dma_start3A_127 = tpu.memref_squeeze %dma_start3A_126 : memref<1x128x128xf32, #tpu.memory_space<hbm>> -> memref<128x128xf32, #tpu.memory_space<hbm>>
      %dma_start3A_128 = arith.constant 0 : i32
      %dma_start3A_129 = tpu.memref_slice %arg6[%arg0, %add3A_105, %dma_start3A_128] : memref<2x10112x128xf32, #tpu.memory_space<hbm>> -> memref<1x128x128xf32, #tpu.memory_space<hbm>>
      %dma_start3A_130 = tpu.memref_squeeze %dma_start3A_129 : memref<1x128x128xf32, #tpu.memory_space<hbm>> -> memref<128x128xf32, #tpu.memory_space<hbm>>
      %dma_start3A_131 = arith.constant 0 : i32
      %dma_start3A_132 = arith.constant 0 : i32
      %dma_start3A_133 = tpu.memref_slice %arg15[%dma_start3A_131, %dma_start3A_132] : memref<128x128xf32, #tpu.memory_space<vmem>> -> memref<128x128xf32, #tpu.memory_space<vmem>>
      tpu.enqueue_dma source(%dma_start3A_133 : memref<128x128xf32, #tpu.memory_space<vmem>>) target(%dma_start3A_130 : memref<128x128xf32, #tpu.memory_space<hbm>>) target_semaphore(%run_scoped3A : memref<!tpu.dma_semaphore, #tpu.memory_space<semaphore_mem>>)
      %dma_wait3A_134 = arith.constant 0 : i32
      %dma_wait3A_135 = arith.constant 0 : i32
      %dma_wait3A_136 = tpu.memref_slice %arg15[%dma_wait3A_134, %dma_wait3A_135] : memref<128x128xf32, #tpu.memory_space<vmem>> -> memref<128x128xf32, #tpu.memory_space<vmem>>
      %dma_wait3A_137 = arith.constant 0 : i32
      %dma_wait3A_138 = tpu.memref_slice %arg6[%arg0, %add3A_105, %dma_wait3A_137] : memref<2x10112x128xf32, #tpu.memory_space<hbm>> -> memref<1x128x128xf32, #tpu.memory_space<hbm>>
      %dma_wait3A_139 = tpu.memref_squeeze %dma_wait3A_138 : memref<1x128x128xf32, #tpu.memory_space<hbm>> -> memref<128x128xf32, #tpu.memory_space<hbm>>
      %dma_wait3A_140 = arith.constant 0 : i32
      %dma_wait3A_141 = tpu.memref_slice %arg6[%arg0, %add3A_105, %dma_wait3A_140] : memref<2x10112x128xf32, #tpu.memory_space<hbm>> -> memref<1x128x128xf32, #tpu.memory_space<hbm>>
      %dma_wait3A_142 = tpu.memref_squeeze %dma_wait3A_141 : memref<1x128x128xf32, #tpu.memory_space<hbm>> -> memref<128x128xf32, #tpu.memory_space<hbm>>
      %dma_wait3A_143 = arith.constant 0 : i32
      %dma_wait3A_144 = arith.constant 0 : i32
      %dma_wait3A_145 = tpu.memref_slice %arg15[%dma_wait3A_143, %dma_wait3A_144] : memref<128x128xf32, #tpu.memory_space<vmem>> -> memref<128x128xf32, #tpu.memory_space<vmem>>
      tpu.wait_dma2 semaphore(%run_scoped3A : memref<!tpu.dma_semaphore, #tpu.memory_space<semaphore_mem>>) src(%dma_wait3A_145 : memref<128x128xf32, #tpu.memory_space<vmem>>) dst(%dma_wait3A_142 : memref<128x128xf32, #tpu.memory_space<hbm>>)
      tpu.yield
    }) : () -> ()
    %mul3A_106 = arith.constant 632 : i32
    %mul3A_107 = arith.muli %arg1, %mul3A_106 : i32
    %add3A_108 = arith.constant 384 : i32
    %add3A_109 = arith.addi %mul3A_107, %add3A_108 : i32
    "tpu.region"() ({
      %run_scoped3A = tpu.sem_alloc : memref<!tpu.dma_semaphore, #tpu.memory_space<semaphore_mem>>
      %dma_start3A_122 = arith.constant 0 : i32
      %dma_start3A_123 = arith.constant 0 : i32
      %dma_start3A_124 = tpu.memref_slice %arg16[%dma_start3A_122, %dma_start3A_123] : memref<128x128xf32, #tpu.memory_space<vmem>> -> memref<128x128xf32, #tpu.memory_space<vmem>>
      %dma_start3A_125 = arith.constant 0 : i32
      %dma_start3A_126 = tpu.memref_slice %arg17[%add3A_109, %dma_start3A_125] : memref<10112x128xf32, #tpu.memory_space<vmem_shared>> -> memref<128x128xf32, #tpu.memory_space<vmem_shared>>
      %dma_start3A_127 = arith.constant 0 : i32
      %dma_start3A_128 = arith.constant 0 : i32
      %dma_start3A_129 = tpu.memref_slice %arg16[%dma_start3A_127, %dma_start3A_128] : memref<128x128xf32, #tpu.memory_space<vmem>> -> memref<128x128xf32, #tpu.memory_space<vmem>>
      %dma_start3A_130 = arith.constant 0 : i32
      %dma_start3A_131 = tpu.memref_slice %arg17[%add3A_109, %dma_start3A_130] : memref<10112x128xf32, #tpu.memory_space<vmem_shared>> -> memref<128x128xf32, #tpu.memory_space<vmem_shared>>
      tpu.enqueue_dma source(%dma_start3A_131 : memref<128x128xf32, #tpu.memory_space<vmem_shared>>) target(%dma_start3A_129 : memref<128x128xf32, #tpu.memory_space<vmem>>) target_semaphore(%run_scoped3A : memref<!tpu.dma_semaphore, #tpu.memory_space<semaphore_mem>>)
      %dma_wait3A_132 = arith.constant 0 : i32
      %dma_wait3A_133 = arith.constant 0 : i32
      %dma_wait3A_134 = tpu.memref_slice %arg16[%dma_wait3A_132, %dma_wait3A_133] : memref<128x128xf32, #tpu.memory_space<vmem>> -> memref<128x128xf32, #tpu.memory_space<vmem>>
      %dma_wait3A_135 = arith.constant 0 : i32
      %dma_wait3A_136 = tpu.memref_slice %arg17[%add3A_109, %dma_wait3A_135] : memref<10112x128xf32, #tpu.memory_space<vmem_shared>> -> memref<128x128xf32, #tpu.memory_space<vmem_shared>>
      %dma_wait3A_137 = arith.constant 0 : i32
      %dma_wait3A_138 = arith.constant 0 : i32
      %dma_wait3A_139 = tpu.memref_slice %arg16[%dma_wait3A_137, %dma_wait3A_138] : memref<128x128xf32, #tpu.memory_space<vmem>> -> memref<128x128xf32, #tpu.memory_space<vmem>>
      %dma_wait3A_140 = arith.constant 0 : i32
      %dma_wait3A_141 = tpu.memref_slice %arg17[%add3A_109, %dma_wait3A_140] : memref<10112x128xf32, #tpu.memory_space<vmem_shared>> -> memref<128x128xf32, #tpu.memory_space<vmem_shared>>
      tpu.wait_dma2 semaphore(%run_scoped3A : memref<!tpu.dma_semaphore, #tpu.memory_space<semaphore_mem>>) src(%dma_wait3A_141 : memref<128x128xf32, #tpu.memory_space<vmem_shared>>) dst(%dma_wait3A_139 : memref<128x128xf32, #tpu.memory_space<vmem>>)
      tpu.yield
    }) : () -> ()
    %mul3A_110 = arith.constant 632 : i32
    %mul3A_111 = arith.muli %arg1, %mul3A_110 : i32
    %add3A_112 = arith.constant 384 : i32
    %add3A_113 = arith.addi %mul3A_111, %add3A_112 : i32
    "tpu.region"() ({
      %run_scoped3A = tpu.sem_alloc : memref<!tpu.dma_semaphore, #tpu.memory_space<semaphore_mem>>
      %dma_start3A_122 = arith.constant 0 : i32
      %dma_start3A_123 = arith.constant 0 : i32
      %dma_start3A_124 = tpu.memref_slice %arg16[%dma_start3A_122, %dma_start3A_123] : memref<128x128xf32, #tpu.memory_space<vmem>> -> memref<128x128xf32, #tpu.memory_space<vmem>>
      %dma_start3A_125 = arith.constant 0 : i32
      %dma_start3A_126 = tpu.memref_slice %arg6[%arg0, %add3A_113, %dma_start3A_125] : memref<2x10112x128xf32, #tpu.memory_space<hbm>> -> memref<1x128x128xf32, #tpu.memory_space<hbm>>
      %dma_start3A_127 = tpu.memref_squeeze %dma_start3A_126 : memref<1x128x128xf32, #tpu.memory_space<hbm>> -> memref<128x128xf32, #tpu.memory_space<hbm>>
      %dma_start3A_128 = arith.constant 0 : i32
      %dma_start3A_129 = tpu.memref_slice %arg6[%arg0, %add3A_113, %dma_start3A_128] : memref<2x10112x128xf32, #tpu.memory_space<hbm>> -> memref<1x128x128xf32, #tpu.memory_space<hbm>>
      %dma_start3A_130 = tpu.memref_squeeze %dma_start3A_129 : memref<1x128x128xf32, #tpu.memory_space<hbm>> -> memref<128x128xf32, #tpu.memory_space<hbm>>
      %dma_start3A_131 = arith.constant 0 : i32
      %dma_start3A_132 = arith.constant 0 : i32
      %dma_start3A_133 = tpu.memref_slice %arg16[%dma_start3A_131, %dma_start3A_132] : memref<128x128xf32, #tpu.memory_space<vmem>> -> memref<128x128xf32, #tpu.memory_space<vmem>>
      tpu.enqueue_dma source(%dma_start3A_133 : memref<128x128xf32, #tpu.memory_space<vmem>>) target(%dma_start3A_130 : memref<128x128xf32, #tpu.memory_space<hbm>>) target_semaphore(%run_scoped3A : memref<!tpu.dma_semaphore, #tpu.memory_space<semaphore_mem>>)
      %dma_wait3A_134 = arith.constant 0 : i32
      %dma_wait3A_135 = arith.constant 0 : i32
      %dma_wait3A_136 = tpu.memref_slice %arg16[%dma_wait3A_134, %dma_wait3A_135] : memref<128x128xf32, #tpu.memory_space<vmem>> -> memref<128x128xf32, #tpu.memory_space<vmem>>
      %dma_wait3A_137 = arith.constant 0 : i32
      %dma_wait3A_138 = tpu.memref_slice %arg6[%arg0, %add3A_113, %dma_wait3A_137] : memref<2x10112x128xf32, #tpu.memory_space<hbm>> -> memref<1x128x128xf32, #tpu.memory_space<hbm>>
      %dma_wait3A_139 = tpu.memref_squeeze %dma_wait3A_138 : memref<1x128x128xf32, #tpu.memory_space<hbm>> -> memref<128x128xf32, #tpu.memory_space<hbm>>
      %dma_wait3A_140 = arith.constant 0 : i32
      %dma_wait3A_141 = tpu.memref_slice %arg6[%arg0, %add3A_113, %dma_wait3A_140] : memref<2x10112x128xf32, #tpu.memory_space<hbm>> -> memref<1x128x128xf32, #tpu.memory_space<hbm>>
      %dma_wait3A_142 = tpu.memref_squeeze %dma_wait3A_141 : memref<1x128x128xf32, #tpu.memory_space<hbm>> -> memref<128x128xf32, #tpu.memory_space<hbm>>
      %dma_wait3A_143 = arith.constant 0 : i32
      %dma_wait3A_144 = arith.constant 0 : i32
      %dma_wait3A_145 = tpu.memref_slice %arg16[%dma_wait3A_143, %dma_wait3A_144] : memref<128x128xf32, #tpu.memory_space<vmem>> -> memref<128x128xf32, #tpu.memory_space<vmem>>
      tpu.wait_dma2 semaphore(%run_scoped3A : memref<!tpu.dma_semaphore, #tpu.memory_space<semaphore_mem>>) src(%dma_wait3A_145 : memref<128x128xf32, #tpu.memory_space<vmem>>) dst(%dma_wait3A_142 : memref<128x128xf32, #tpu.memory_space<hbm>>)
      tpu.yield
    }) : () -> ()
    %mul3A_114 = arith.constant 632 : i32
    %mul3A_115 = arith.muli %arg1, %mul3A_114 : i32
    %add3A_116 = arith.constant 512 : i32
    %add3A_117 = arith.addi %mul3A_115, %add3A_116 : i32
    "tpu.region"() ({
      %run_scoped3A = tpu.sem_alloc : memref<!tpu.dma_semaphore, #tpu.memory_space<semaphore_mem>>
      %dma_start3A_122 = arith.constant 0 : i32
      %dma_start3A_123 = arith.constant 0 : i32
      %dma_start3A_124 = tpu.memref_slice %arg15[%dma_start3A_122, %dma_start3A_123] : memref<128x128xf32, #tpu.memory_space<vmem>> -> memref<120x128xf32, #tpu.memory_space<vmem>>
      %dma_start3A_125 = arith.constant 0 : i32
      %dma_start3A_126 = tpu.memref_slice %arg17[%add3A_117, %dma_start3A_125] : memref<10112x128xf32, #tpu.memory_space<vmem_shared>> -> memref<120x128xf32, #tpu.memory_space<vmem_shared>>
      %dma_start3A_127 = arith.constant 0 : i32
      %dma_start3A_128 = arith.constant 0 : i32
      %dma_start3A_129 = tpu.memref_slice %arg15[%dma_start3A_127, %dma_start3A_128] : memref<128x128xf32, #tpu.memory_space<vmem>> -> memref<120x128xf32, #tpu.memory_space<vmem>>
      %dma_start3A_130 = arith.constant 0 : i32
      %dma_start3A_131 = tpu.memref_slice %arg17[%add3A_117, %dma_start3A_130] : memref<10112x128xf32, #tpu.memory_space<vmem_shared>> -> memref<120x128xf32, #tpu.memory_space<vmem_shared>>
      tpu.enqueue_dma source(%dma_start3A_131 : memref<120x128xf32, #tpu.memory_space<vmem_shared>>) target(%dma_start3A_129 : memref<120x128xf32, #tpu.memory_space<vmem>>) target_semaphore(%run_scoped3A : memref<!tpu.dma_semaphore, #tpu.memory_space<semaphore_mem>>)
      %dma_wait3A_132 = arith.constant 0 : i32
      %dma_wait3A_133 = arith.constant 0 : i32
      %dma_wait3A_134 = tpu.memref_slice %arg15[%dma_wait3A_132, %dma_wait3A_133] : memref<128x128xf32, #tpu.memory_space<vmem>> -> memref<120x128xf32, #tpu.memory_space<vmem>>
      %dma_wait3A_135 = arith.constant 0 : i32
      %dma_wait3A_136 = tpu.memref_slice %arg17[%add3A_117, %dma_wait3A_135] : memref<10112x128xf32, #tpu.memory_space<vmem_shared>> -> memref<120x128xf32, #tpu.memory_space<vmem_shared>>
      %dma_wait3A_137 = arith.constant 0 : i32
      %dma_wait3A_138 = arith.constant 0 : i32
      %dma_wait3A_139 = tpu.memref_slice %arg15[%dma_wait3A_137, %dma_wait3A_138] : memref<128x128xf32, #tpu.memory_space<vmem>> -> memref<120x128xf32, #tpu.memory_space<vmem>>
      %dma_wait3A_140 = arith.constant 0 : i32
      %dma_wait3A_141 = tpu.memref_slice %arg17[%add3A_117, %dma_wait3A_140] : memref<10112x128xf32, #tpu.memory_space<vmem_shared>> -> memref<120x128xf32, #tpu.memory_space<vmem_shared>>
      tpu.wait_dma2 semaphore(%run_scoped3A : memref<!tpu.dma_semaphore, #tpu.memory_space<semaphore_mem>>) src(%dma_wait3A_141 : memref<120x128xf32, #tpu.memory_space<vmem_shared>>) dst(%dma_wait3A_139 : memref<120x128xf32, #tpu.memory_space<vmem>>)
      tpu.yield
    }) : () -> ()
    %mul3A_118 = arith.constant 632 : i32
    %mul3A_119 = arith.muli %arg1, %mul3A_118 : i32
    %add3A_120 = arith.constant 512 : i32
    %add3A_121 = arith.addi %mul3A_119, %add3A_120 : i32
    "tpu.region"() ({
      %run_scoped3A = tpu.sem_alloc : memref<!tpu.dma_semaphore, #tpu.memory_space<semaphore_mem>>
      %dma_start3A_122 = arith.constant 0 : i32
      %dma_start3A_123 = arith.constant 0 : i32
      %dma_start3A_124 = tpu.memref_slice %arg15[%dma_start3A_122, %dma_start3A_123] : memref<128x128xf32, #tpu.memory_space<vmem>> -> memref<120x128xf32, #tpu.memory_space<vmem>>
      %dma_start3A_125 = arith.constant 0 : i32
      %dma_start3A_126 = tpu.memref_slice %arg6[%arg0, %add3A_121, %dma_start3A_125] : memref<2x10112x128xf32, #tpu.memory_space<hbm>> -> memref<1x120x128xf32, #tpu.memory_space<hbm>>
      %dma_start3A_127 = tpu.memref_squeeze %dma_start3A_126 : memref<1x120x128xf32, #tpu.memory_space<hbm>> -> memref<120x128xf32, #tpu.memory_space<hbm>>
      %dma_start3A_128 = arith.constant 0 : i32
      %dma_start3A_129 = tpu.memref_slice %arg6[%arg0, %add3A_121, %dma_start3A_128] : memref<2x10112x128xf32, #tpu.memory_space<hbm>> -> memref<1x120x128xf32, #tpu.memory_space<hbm>>
      %dma_start3A_130 = tpu.memref_squeeze %dma_start3A_129 : memref<1x120x128xf32, #tpu.memory_space<hbm>> -> memref<120x128xf32, #tpu.memory_space<hbm>>
      %dma_start3A_131 = arith.constant 0 : i32
      %dma_start3A_132 = arith.constant 0 : i32
      %dma_start3A_133 = tpu.memref_slice %arg15[%dma_start3A_131, %dma_start3A_132] : memref<128x128xf32, #tpu.memory_space<vmem>> -> memref<120x128xf32, #tpu.memory_space<vmem>>
      tpu.enqueue_dma source(%dma_start3A_133 : memref<120x128xf32, #tpu.memory_space<vmem>>) target(%dma_start3A_130 : memref<120x128xf32, #tpu.memory_space<hbm>>) target_semaphore(%run_scoped3A : memref<!tpu.dma_semaphore, #tpu.memory_space<semaphore_mem>>)
      %dma_wait3A_134 = arith.constant 0 : i32
      %dma_wait3A_135 = arith.constant 0 : i32
      %dma_wait3A_136 = tpu.memref_slice %arg15[%dma_wait3A_134, %dma_wait3A_135] : memref<128x128xf32, #tpu.memory_space<vmem>> -> memref<120x128xf32, #tpu.memory_space<vmem>>
      %dma_wait3A_137 = arith.constant 0 : i32
      %dma_wait3A_138 = tpu.memref_slice %arg6[%arg0, %add3A_121, %dma_wait3A_137] : memref<2x10112x128xf32, #tpu.memory_space<hbm>> -> memref<1x120x128xf32, #tpu.memory_space<hbm>>
      %dma_wait3A_139 = tpu.memref_squeeze %dma_wait3A_138 : memref<1x120x128xf32, #tpu.memory_space<hbm>> -> memref<120x128xf32, #tpu.memory_space<hbm>>
      %dma_wait3A_140 = arith.constant 0 : i32
      %dma_wait3A_141 = tpu.memref_slice %arg6[%arg0, %add3A_121, %dma_wait3A_140] : memref<2x10112x128xf32, #tpu.memory_space<hbm>> -> memref<1x120x128xf32, #tpu.memory_space<hbm>>
      %dma_wait3A_142 = tpu.memref_squeeze %dma_wait3A_141 : memref<1x120x128xf32, #tpu.memory_space<hbm>> -> memref<120x128xf32, #tpu.memory_space<hbm>>
      %dma_wait3A_143 = arith.constant 0 : i32
      %dma_wait3A_144 = arith.constant 0 : i32
      %dma_wait3A_145 = tpu.memref_slice %arg15[%dma_wait3A_143, %dma_wait3A_144] : memref<128x128xf32, #tpu.memory_space<vmem>> -> memref<120x128xf32, #tpu.memory_space<vmem>>
      tpu.wait_dma2 semaphore(%run_scoped3A : memref<!tpu.dma_semaphore, #tpu.memory_space<semaphore_mem>>) src(%dma_wait3A_145 : memref<120x128xf32, #tpu.memory_space<vmem>>) dst(%dma_wait3A_142 : memref<120x128xf32, #tpu.memory_space<hbm>>)
      tpu.yield
    }) : () -> ()
    return
  }
}

module attributes {stable_mosaic.version = 14 : i64} {
  func.func @_tc_mid_body(%arg0: i32, %arg1: memref<1x2000x128xf32, #tpu.memory_space<vmem>>, %arg2: memref<1x2000x128xf32, #tpu.memory_space<vmem>>, %arg3: memref<2000x128xf32, #tpu.memory_space<vmem>>, %arg4: memref<2000x128xf32, #tpu.memory_space<vmem>>, %arg5: memref<2000x1xf32, #tpu.memory_space<vmem>>, %arg6: memref<128x128xf32, #tpu.memory_space<vmem>>, %arg7: memref<1x128xf32, #tpu.memory_space<vmem>>, %arg8: memref<2000x128xf32, #tpu.memory_space<vmem>>, %arg9: memref<2000x128xf32, #tpu.memory_space<vmem>>) attributes {dimension_semantics = [#tpu.dimension_semantics<arbitrary>], iteration_bounds = array<i64: 5>, scalar_prefetch = 0 : i64, scratch_operands = 0 : i64, tpu.core_type = #tpu.core_type<tc>, window_params = [{transform_indices = @transform_0, window_bounds = array<i64: 1, 2000, 128>}, {transform_indices = @transform_1, window_bounds = array<i64: 1, 2000, 128>}, {transform_indices = @transform_2, window_bounds = array<i64: 2000, 128>}, {transform_indices = @transform_3, window_bounds = array<i64: 2000, 128>}, {transform_indices = @transform_4, window_bounds = array<i64: 2000, 1>}, {pipeline_mode = #tpu.pipeline_mode<synchronous>, transform_indices = @transform_5, window_bounds = array<i64: 128, 128>}, {pipeline_mode = #tpu.pipeline_mode<synchronous>, transform_indices = @transform_6, window_bounds = array<i64: 1, 128>}, {transform_indices = @transform_7, window_bounds = array<i64: 2000, 128>}, {transform_indices = @transform_8, window_bounds = array<i64: 2000, 128>}]} {
    %get3A = arith.constant 0 : index
    %get3A_0 = arith.constant 0 : index
    %get3A_1 = vector.load %arg5[%get3A, %get3A_0] : memref<2000x1xf32, #tpu.memory_space<vmem>>, vector<2000x1xf32>
    %get3A_2 = arith.constant 0 : index
    %get3A_3 = arith.constant 0 : index
    %get3A_4 = arith.constant 0 : index
    %get3A_5 = vector.load %arg1[%get3A_2, %get3A_3, %get3A_4] : memref<1x2000x128xf32, #tpu.memory_space<vmem>>, vector<1x2000x128xf32>
    %get3A_6 = vector.shape_cast %get3A_5 : vector<1x2000x128xf32> to vector<2000x128xf32>
    %get3A_7 = arith.constant 0 : index
    %get3A_8 = arith.constant 0 : index
    %get3A_9 = arith.constant 0 : index
    %get3A_10 = vector.load %arg2[%get3A_7, %get3A_8, %get3A_9] : memref<1x2000x128xf32, #tpu.memory_space<vmem>>, vector<1x2000x128xf32>
    %get3A_11 = vector.shape_cast %get3A_10 : vector<1x2000x128xf32> to vector<2000x128xf32>
    %add3A = arith.addf %get3A_6, %get3A_11 : vector<2000x128xf32>
    %get3A_12 = arith.constant 0 : index
    %get3A_13 = arith.constant 0 : index
    %get3A_14 = vector.load %arg3[%get3A_12, %get3A_13] : memref<2000x128xf32, #tpu.memory_space<vmem>>, vector<2000x128xf32>
    %add3A_15 = arith.addf %add3A, %get3A_14 : vector<2000x128xf32>
    %mul3A = vector.broadcast %get3A_1 : vector<2000x1xf32> to vector<2000x128xf32>
    %mul3A_16 = arith.mulf %mul3A, %add3A_15 : vector<2000x128xf32>
    %get3A_17 = arith.constant 0 : index
    %get3A_18 = arith.constant 0 : index
    %get3A_19 = vector.load %arg7[%get3A_17, %get3A_18] : memref<1x128xf32, #tpu.memory_space<vmem>>, vector<1x128xf32>
    %add3A_20 = vector.broadcast %get3A_19 : vector<1x128xf32> to vector<2000x128xf32>
    %add3A_21 = arith.addf %mul3A_16, %add3A_20 : vector<2000x128xf32>
    %get3A_22 = arith.constant 0 : index
    %get3A_23 = arith.constant 0 : index
    %get3A_24 = vector.load %arg4[%get3A_22, %get3A_23] : memref<2000x128xf32, #tpu.memory_space<vmem>>, vector<2000x128xf32>
    %mul3A_25 = arith.constant 0.999994993 : f32
    %mul3A_26 = vector.broadcast %mul3A_25 : f32 to vector<2000x128xf32>
    %mul3A_27 = arith.mulf %mul3A_26, %add3A_21 : vector<2000x128xf32>
    %add3A_28 = arith.addf %get3A_24, %mul3A_27 : vector<2000x128xf32>
    %max3A = arith.constant 0.000000e+00 : f32
    %max3A_29 = vector.broadcast %max3A : f32 to vector<2000x128xf32>
    %max3A_30 = arith.maximumf %add3A_28, %max3A_29 : vector<2000x128xf32>
    %swap3A = arith.constant 0 : index
    %swap3A_31 = arith.constant 0 : index
    %swap3A_32 = vector.load %arg8[%swap3A, %swap3A_31] : memref<2000x128xf32, #tpu.memory_space<vmem>>, vector<2000x128xf32>
    tpu.vector_store %arg8[%swap3A, %swap3A_31], %max3A_30 {strides = array<i32>} : memref<2000x128xf32, #tpu.memory_space<vmem>>, vector<2000x128xf32>,
    %get3A_33 = arith.constant 0 : index
    %get3A_34 = arith.constant 0 : index
    %get3A_35 = vector.load %arg6[%get3A_33, %get3A_34] : memref<128x128xf32, #tpu.memory_space<vmem>>, vector<128x128xf32>
    %dot_general3A = arith.constant dense<0.000000e+00> : vector<2000x128xf32>
    %dot_general3A_36 = tpu.matmul %max3A_30, %get3A_35, %dot_general3A {dimension_numbers = #tpu.dot_dimension_numbers<[1], [0], [0], [1], [0, 0, 1, 1], [], []>, transpose_lhs_hint = false} : vector<2000x128xf32>, vector<128x128xf32>, vector<2000x128xf32> -> vector<2000x128xf32>
    %mul3A_37 = vector.broadcast %get3A_1 : vector<2000x1xf32> to vector<2000x128xf32>
    %mul3A_38 = arith.mulf %mul3A_37, %dot_general3A_36 : vector<2000x128xf32>
    %swap3A_39 = arith.constant 0 : index
    %swap3A_40 = arith.constant 0 : index
    %swap3A_41 = vector.load %arg9[%swap3A_39, %swap3A_40] : memref<2000x128xf32, #tpu.memory_space<vmem>>, vector<2000x128xf32>
    tpu.vector_store %arg9[%swap3A_39, %swap3A_40], %mul3A_38 {strides = array<i32>} : memref<2000x128xf32, #tpu.memory_space<vmem>>, vector<2000x128xf32>,
    return
  }
  func.func @transform_0(%arg0: i32) -> (i32, i32, i32) {
    %c0_i32 = arith.constant 0 : i32
    %c0_i32_0 = arith.constant 0 : i32
    %c0_i32_1 = arith.constant 0 : i32
    return %c0_i32, %arg0, %c0_i32_0 : i32, i32, i32
  }
  func.func @transform_1(%arg0: i32) -> (i32, i32, i32) {
    %c1_i32 = arith.constant 1 : i32
    %c0_i32 = arith.constant 0 : i32
    %c0_i32_0 = arith.constant 0 : i32
    return %c1_i32, %arg0, %c0_i32 : i32, i32, i32
  }
  func.func @transform_2(%arg0: i32) -> (i32, i32) {
    %c0_i32 = arith.constant 0 : i32
    %c0_i32_0 = arith.constant 0 : i32
    return %arg0, %c0_i32 : i32, i32
  }
  func.func @transform_3(%arg0: i32) -> (i32, i32) {
    %c0_i32 = arith.constant 0 : i32
    %c0_i32_0 = arith.constant 0 : i32
    return %arg0, %c0_i32 : i32, i32
  }
  func.func @transform_4(%arg0: i32) -> (i32, i32) {
    %c0_i32 = arith.constant 0 : i32
    %c0_i32_0 = arith.constant 0 : i32
    return %arg0, %c0_i32 : i32, i32
  }
  func.func @transform_5(%arg0: i32) -> (i32, i32) {
    %c0_i32 = arith.constant 0 : i32
    %c0_i32_0 = arith.constant 0 : i32
    %c0_i32_1 = arith.constant 0 : i32
    return %c0_i32, %c0_i32_0 : i32, i32
  }
  func.func @transform_6(%arg0: i32) -> (i32, i32) {
    %c0_i32 = arith.constant 0 : i32
    %c0_i32_0 = arith.constant 0 : i32
    %c0_i32_1 = arith.constant 0 : i32
    return %c0_i32, %c0_i32_0 : i32, i32
  }
  func.func @transform_7(%arg0: i32) -> (i32, i32) {
    %c0_i32 = arith.constant 0 : i32
    %c0_i32_0 = arith.constant 0 : i32
    return %arg0, %c0_i32 : i32, i32
  }
  func.func @transform_8(%arg0: i32) -> (i32, i32) {
    %c0_i32 = arith.constant 0 : i32
    %c0_i32_0 = arith.constant 0 : i32
    return %arg0, %c0_i32 : i32, i32
  }
}

module attributes {stable_mosaic.version = 14 : i64} {
  func.func @_tc1_body(%arg0: i32, %arg1: memref<2000x128xf32, #tpu.memory_space<vmem>>, %arg2: memref<2000x1xf32, #tpu.memory_space<vmem>>, %arg3: memref<128x128xf32, #tpu.memory_space<vmem>>, %arg4: memref<2000x1xf32, #tpu.memory_space<vmem>>, %arg5: memref<2000x128xf32, #tpu.memory_space<vmem>>) attributes {dimension_semantics = [#tpu.dimension_semantics<arbitrary>], iteration_bounds = array<i64: 5>, scalar_prefetch = 0 : i64, scratch_operands = 0 : i64, tpu.core_type = #tpu.core_type<tc>, window_params = [{transform_indices = @transform_0, window_bounds = array<i64: 2000, 128>}, {transform_indices = @transform_1, window_bounds = array<i64: 2000, 1>}, {pipeline_mode = #tpu.pipeline_mode<synchronous>, transform_indices = @transform_2, window_bounds = array<i64: 128, 128>}, {transform_indices = @transform_3, window_bounds = array<i64: 2000, 1>}, {transform_indices = @transform_4, window_bounds = array<i64: 2000, 128>}]} {
    %get3A = arith.constant 0 : index
    %get3A_0 = arith.constant 0 : index
    %get3A_1 = vector.load %arg2[%get3A, %get3A_0] : memref<2000x1xf32, #tpu.memory_space<vmem>>, vector<2000x1xf32>
    %add3A = arith.constant 1.000000e+00 : f32
    %add3A_2 = vector.broadcast %add3A : f32 to vector<2000x1xf32>
    %add3A_3 = arith.addf %get3A_1, %add3A_2 : vector<2000x1xf32>
    %max3A = arith.constant 9.99999996E-13 : f32
    %max3A_4 = vector.broadcast %max3A : f32 to vector<2000x1xf32>
    %max3A_5 = arith.maximumf %add3A_3, %max3A_4 : vector<2000x1xf32>
    %rsqrt3A = math.rsqrt %max3A_5 : vector<2000x1xf32>
    %swap3A = arith.constant 0 : index
    %swap3A_6 = arith.constant 0 : index
    %swap3A_7 = vector.load %arg4[%swap3A, %swap3A_6] : memref<2000x1xf32, #tpu.memory_space<vmem>>, vector<2000x1xf32>
    tpu.vector_store %arg4[%swap3A, %swap3A_6], %rsqrt3A {strides = array<i32>} : memref<2000x1xf32, #tpu.memory_space<vmem>>, vector<2000x1xf32>,
    %get3A_8 = arith.constant 0 : index
    %get3A_9 = arith.constant 0 : index
    %get3A_10 = vector.load %arg1[%get3A_8, %get3A_9] : memref<2000x128xf32, #tpu.memory_space<vmem>>, vector<2000x128xf32>
    %get3A_11 = arith.constant 0 : index
    %get3A_12 = arith.constant 0 : index
    %get3A_13 = vector.load %arg3[%get3A_11, %get3A_12] : memref<128x128xf32, #tpu.memory_space<vmem>>, vector<128x128xf32>
    %dot_general3A = arith.constant dense<0.000000e+00> : vector<2000x128xf32>
    %dot_general3A_14 = tpu.matmul %get3A_10, %get3A_13, %dot_general3A {dimension_numbers = #tpu.dot_dimension_numbers<[1], [0], [0], [1], [0, 0, 1, 1], [], []>, transpose_lhs_hint = false} : vector<2000x128xf32>, vector<128x128xf32>, vector<2000x128xf32> -> vector<2000x128xf32>
    %mul3A = vector.broadcast %rsqrt3A : vector<2000x1xf32> to vector<2000x128xf32>
    %mul3A_15 = arith.mulf %mul3A, %dot_general3A_14 : vector<2000x128xf32>
    %swap3A_16 = arith.constant 0 : index
    %swap3A_17 = arith.constant 0 : index
    %swap3A_18 = vector.load %arg5[%swap3A_16, %swap3A_17] : memref<2000x128xf32, #tpu.memory_space<vmem>>, vector<2000x128xf32>
    tpu.vector_store %arg5[%swap3A_16, %swap3A_17], %mul3A_15 {strides = array<i32>} : memref<2000x128xf32, #tpu.memory_space<vmem>>, vector<2000x128xf32>,
    return
  }
  func.func @transform_0(%arg0: i32) -> (i32, i32) {
    %c0_i32 = arith.constant 0 : i32
    %c0_i32_0 = arith.constant 0 : i32
    return %arg0, %c0_i32 : i32, i32
  }
  func.func @transform_1(%arg0: i32) -> (i32, i32) {
    %c0_i32 = arith.constant 0 : i32
    %c0_i32_0 = arith.constant 0 : i32
    return %arg0, %c0_i32 : i32, i32
  }
  func.func @transform_2(%arg0: i32) -> (i32, i32) {
    %c0_i32 = arith.constant 0 : i32
    %c0_i32_0 = arith.constant 0 : i32
    %c0_i32_1 = arith.constant 0 : i32
    return %c0_i32, %c0_i32_0 : i32, i32
  }
  func.func @transform_3(%arg0: i32) -> (i32, i32) {
    %c0_i32 = arith.constant 0 : i32
    %c0_i32_0 = arith.constant 0 : i32
    return %arg0, %c0_i32 : i32, i32
  }
  func.func @transform_4(%arg0: i32) -> (i32, i32) {
    %c0_i32 = arith.constant 0 : i32
    %c0_i32_0 = arith.constant 0 : i32
    return %arg0, %c0_i32 : i32, i32
  }
}

module attributes {stable_mosaic.version = 14 : i64} {
  func.func @_tc_mid_body(%arg0: i32, %arg1: memref<1x2000x128xf32, #tpu.memory_space<vmem>>, %arg2: memref<1x2000x128xf32, #tpu.memory_space<vmem>>, %arg3: memref<2000x128xf32, #tpu.memory_space<vmem>>, %arg4: memref<2000x128xf32, #tpu.memory_space<vmem>>, %arg5: memref<2000x1xf32, #tpu.memory_space<vmem>>, %arg6: memref<128x128xf32, #tpu.memory_space<vmem>>, %arg7: memref<1x128xf32, #tpu.memory_space<vmem>>, %arg8: memref<2000x128xf32, #tpu.memory_space<vmem>>, %arg9: memref<2000x128xf32, #tpu.memory_space<vmem>>) attributes {dimension_semantics = [#tpu.dimension_semantics<arbitrary>], iteration_bounds = array<i64: 5>, scalar_prefetch = 0 : i64, scratch_operands = 0 : i64, tpu.core_type = #tpu.core_type<tc>, window_params = [{transform_indices = @transform_0, window_bounds = array<i64: 1, 2000, 128>}, {transform_indices = @transform_1, window_bounds = array<i64: 1, 2000, 128>}, {transform_indices = @transform_2, window_bounds = array<i64: 2000, 128>}, {transform_indices = @transform_3, window_bounds = array<i64: 2000, 128>}, {transform_indices = @transform_4, window_bounds = array<i64: 2000, 1>}, {pipeline_mode = #tpu.pipeline_mode<synchronous>, transform_indices = @transform_5, window_bounds = array<i64: 128, 128>}, {pipeline_mode = #tpu.pipeline_mode<synchronous>, transform_indices = @transform_6, window_bounds = array<i64: 1, 128>}, {transform_indices = @transform_7, window_bounds = array<i64: 2000, 128>}, {transform_indices = @transform_8, window_bounds = array<i64: 2000, 128>}]} {
    %get3A = arith.constant 0 : index
    %get3A_0 = arith.constant 0 : index
    %get3A_1 = vector.load %arg5[%get3A, %get3A_0] : memref<2000x1xf32, #tpu.memory_space<vmem>>, vector<2000x1xf32>
    %get3A_2 = arith.constant 0 : index
    %get3A_3 = arith.constant 0 : index
    %get3A_4 = arith.constant 0 : index
    %get3A_5 = vector.load %arg1[%get3A_2, %get3A_3, %get3A_4] : memref<1x2000x128xf32, #tpu.memory_space<vmem>>, vector<1x2000x128xf32>
    %get3A_6 = vector.shape_cast %get3A_5 : vector<1x2000x128xf32> to vector<2000x128xf32>
    %get3A_7 = arith.constant 0 : index
    %get3A_8 = arith.constant 0 : index
    %get3A_9 = arith.constant 0 : index
    %get3A_10 = vector.load %arg2[%get3A_7, %get3A_8, %get3A_9] : memref<1x2000x128xf32, #tpu.memory_space<vmem>>, vector<1x2000x128xf32>
    %get3A_11 = vector.shape_cast %get3A_10 : vector<1x2000x128xf32> to vector<2000x128xf32>
    %add3A = arith.addf %get3A_6, %get3A_11 : vector<2000x128xf32>
    %get3A_12 = arith.constant 0 : index
    %get3A_13 = arith.constant 0 : index
    %get3A_14 = vector.load %arg3[%get3A_12, %get3A_13] : memref<2000x128xf32, #tpu.memory_space<vmem>>, vector<2000x128xf32>
    %add3A_15 = arith.addf %add3A, %get3A_14 : vector<2000x128xf32>
    %mul3A = vector.broadcast %get3A_1 : vector<2000x1xf32> to vector<2000x128xf32>
    %mul3A_16 = arith.mulf %mul3A, %add3A_15 : vector<2000x128xf32>
    %get3A_17 = arith.constant 0 : index
    %get3A_18 = arith.constant 0 : index
    %get3A_19 = vector.load %arg7[%get3A_17, %get3A_18] : memref<1x128xf32, #tpu.memory_space<vmem>>, vector<1x128xf32>
    %add3A_20 = vector.broadcast %get3A_19 : vector<1x128xf32> to vector<2000x128xf32>
    %add3A_21 = arith.addf %mul3A_16, %add3A_20 : vector<2000x128xf32>
    %get3A_22 = arith.constant 0 : index
    %get3A_23 = arith.constant 0 : index
    %get3A_24 = vector.load %arg4[%get3A_22, %get3A_23] : memref<2000x128xf32, #tpu.memory_space<vmem>>, vector<2000x128xf32>
    %mul3A_25 = arith.constant 0.999994993 : f32
    %mul3A_26 = vector.broadcast %mul3A_25 : f32 to vector<2000x128xf32>
    %mul3A_27 = arith.mulf %mul3A_26, %add3A_21 : vector<2000x128xf32>
    %add3A_28 = arith.addf %get3A_24, %mul3A_27 : vector<2000x128xf32>
    %max3A = arith.constant 0.000000e+00 : f32
    %max3A_29 = vector.broadcast %max3A : f32 to vector<2000x128xf32>
    %max3A_30 = arith.maximumf %add3A_28, %max3A_29 : vector<2000x128xf32>
    %swap3A = arith.constant 0 : index
    %swap3A_31 = arith.constant 0 : index
    %swap3A_32 = vector.load %arg8[%swap3A, %swap3A_31] : memref<2000x128xf32, #tpu.memory_space<vmem>>, vector<2000x128xf32>
    tpu.vector_store %arg8[%swap3A, %swap3A_31], %max3A_30 {strides = array<i32>} : memref<2000x128xf32, #tpu.memory_space<vmem>>, vector<2000x128xf32>,
    %get3A_33 = arith.constant 0 : index
    %get3A_34 = arith.constant 0 : index
    %get3A_35 = vector.load %arg6[%get3A_33, %get3A_34] : memref<128x128xf32, #tpu.memory_space<vmem>>, vector<128x128xf32>
    %dot_general3A = arith.constant dense<0.000000e+00> : vector<2000x128xf32>
    %dot_general3A_36 = tpu.matmul %max3A_30, %get3A_35, %dot_general3A {dimension_numbers = #tpu.dot_dimension_numbers<[1], [0], [0], [1], [0, 0, 1, 1], [], []>, transpose_lhs_hint = false} : vector<2000x128xf32>, vector<128x128xf32>, vector<2000x128xf32> -> vector<2000x128xf32>
    %mul3A_37 = vector.broadcast %get3A_1 : vector<2000x1xf32> to vector<2000x128xf32>
    %mul3A_38 = arith.mulf %mul3A_37, %dot_general3A_36 : vector<2000x128xf32>
    %swap3A_39 = arith.constant 0 : index
    %swap3A_40 = arith.constant 0 : index
    %swap3A_41 = vector.load %arg9[%swap3A_39, %swap3A_40] : memref<2000x128xf32, #tpu.memory_space<vmem>>, vector<2000x128xf32>
    tpu.vector_store %arg9[%swap3A_39, %swap3A_40], %mul3A_38 {strides = array<i32>} : memref<2000x128xf32, #tpu.memory_space<vmem>>, vector<2000x128xf32>,
    return
  }
  func.func @transform_0(%arg0: i32) -> (i32, i32, i32) {
    %c0_i32 = arith.constant 0 : i32
    %c0_i32_0 = arith.constant 0 : i32
    %c0_i32_1 = arith.constant 0 : i32
    return %c0_i32, %arg0, %c0_i32_0 : i32, i32, i32
  }
  func.func @transform_1(%arg0: i32) -> (i32, i32, i32) {
    %c1_i32 = arith.constant 1 : i32
    %c0_i32 = arith.constant 0 : i32
    %c0_i32_0 = arith.constant 0 : i32
    return %c1_i32, %arg0, %c0_i32 : i32, i32, i32
  }
  func.func @transform_2(%arg0: i32) -> (i32, i32) {
    %c0_i32 = arith.constant 0 : i32
    %c0_i32_0 = arith.constant 0 : i32
    return %arg0, %c0_i32 : i32, i32
  }
  func.func @transform_3(%arg0: i32) -> (i32, i32) {
    %c0_i32 = arith.constant 0 : i32
    %c0_i32_0 = arith.constant 0 : i32
    return %arg0, %c0_i32 : i32, i32
  }
  func.func @transform_4(%arg0: i32) -> (i32, i32) {
    %c0_i32 = arith.constant 0 : i32
    %c0_i32_0 = arith.constant 0 : i32
    return %arg0, %c0_i32 : i32, i32
  }
  func.func @transform_5(%arg0: i32) -> (i32, i32) {
    %c0_i32 = arith.constant 0 : i32
    %c0_i32_0 = arith.constant 0 : i32
    %c0_i32_1 = arith.constant 0 : i32
    return %c0_i32, %c0_i32_0 : i32, i32
  }
  func.func @transform_6(%arg0: i32) -> (i32, i32) {
    %c0_i32 = arith.constant 0 : i32
    %c0_i32_0 = arith.constant 0 : i32
    %c0_i32_1 = arith.constant 0 : i32
    return %c0_i32, %c0_i32_0 : i32, i32
  }
  func.func @transform_7(%arg0: i32) -> (i32, i32) {
    %c0_i32 = arith.constant 0 : i32
    %c0_i32_0 = arith.constant 0 : i32
    return %arg0, %c0_i32 : i32, i32
  }
  func.func @transform_8(%arg0: i32) -> (i32, i32) {
    %c0_i32 = arith.constant 0 : i32
    %c0_i32_0 = arith.constant 0 : i32
    return %arg0, %c0_i32 : i32, i32
  }
}

module attributes {stable_mosaic.version = 14 : i64} {
  func.func @_tc_head_body(%arg0: i32, %arg1: memref<1x2000x128xf32, #tpu.memory_space<vmem>>, %arg2: memref<1x2000x128xf32, #tpu.memory_space<vmem>>, %arg3: memref<2000x128xf32, #tpu.memory_space<vmem>>, %arg4: memref<2000x1xf32, #tpu.memory_space<vmem>>, %arg5: memref<1x64xf32, #tpu.memory_space<vmem>>, %arg6: memref<64x32xf32, #tpu.memory_space<vmem>>, %arg7: memref<1x32xf32, #tpu.memory_space<vmem>>, %arg8: memref<32x16xf32, #tpu.memory_space<vmem>>, %arg9: memref<1x16xf32, #tpu.memory_space<vmem>>, %arg10: memref<16x10xf32, #tpu.memory_space<vmem>>, %arg11: memref<1x10xf32, #tpu.memory_space<vmem>>, %arg12: memref<64x32xf32, #tpu.memory_space<vmem>>, %arg13: memref<1x32xf32, #tpu.memory_space<vmem>>, %arg14: memref<32x16xf32, #tpu.memory_space<vmem>>, %arg15: memref<1x16xf32, #tpu.memory_space<vmem>>, %arg16: memref<16x1xf32, #tpu.memory_space<vmem>>, %arg17: memref<1x1xf32, #tpu.memory_space<vmem>>, %arg18: memref<1x10xf32, #tpu.memory_space<vmem>>, %arg19: memref<1x1xf32, #tpu.memory_space<vmem>>, %arg20: memref<1x64xf32, #tpu.memory_space<vmem>>, %arg21: memref<1x64xf32, #tpu.memory_space<vmem>>) attributes {dimension_semantics = [#tpu.dimension_semantics<arbitrary>], iteration_bounds = array<i64: 5>, scalar_prefetch = 0 : i64, scratch_operands = 2 : i64, tpu.core_type = #tpu.core_type<tc>, window_params = [{transform_indices = @transform_0, window_bounds = array<i64: 1, 2000, 128>}, {transform_indices = @transform_1, window_bounds = array<i64: 1, 2000, 128>}, {transform_indices = @transform_2, window_bounds = array<i64: 2000, 128>}, {transform_indices = @transform_3, window_bounds = array<i64: 2000, 1>}, {pipeline_mode = #tpu.pipeline_mode<synchronous>, transform_indices = @transform_4, window_bounds = array<i64: 1, 64>}, {pipeline_mode = #tpu.pipeline_mode<synchronous>, transform_indices = @transform_5, window_bounds = array<i64: 64, 32>}, {pipeline_mode = #tpu.pipeline_mode<synchronous>, transform_indices = @transform_6, window_bounds = array<i64: 1, 32>}, {pipeline_mode = #tpu.pipeline_mode<synchronous>, transform_indices = @transform_7, window_bounds = array<i64: 32, 16>}, {pipeline_mode = #tpu.pipeline_mode<synchronous>, transform_indices = @transform_8, window_bounds = array<i64: 1, 16>}, {pipeline_mode = #tpu.pipeline_mode<synchronous>, transform_indices = @transform_9, window_bounds = array<i64: 16, 10>}, {pipeline_mode = #tpu.pipeline_mode<synchronous>, transform_indices = @transform_10, window_bounds = array<i64: 1, 10>}, {pipeline_mode = #tpu.pipeline_mode<synchronous>, transform_indices = @transform_11, window_bounds = array<i64: 64, 32>}, {pipeline_mode = #tpu.pipeline_mode<synchronous>, transform_indices = @transform_12, window_bounds = array<i64: 1, 32>}, {pipeline_mode = #tpu.pipeline_mode<synchronous>, transform_indices = @transform_13, window_bounds = array<i64: 32, 16>}, {pipeline_mode = #tpu.pipeline_mode<synchronous>, transform_indices = @transform_14, window_bounds = array<i64: 1, 16>}, {pipeline_mode = #tpu.pipeline_mode<synchronous>, transform_indices = @transform_15, window_bounds = array<i64: 16, 1>}, {pipeline_mode = #tpu.pipeline_mode<synchronous>, transform_indices = @transform_16, window_bounds = array<i64: 1, 1>}, {pipeline_mode = #tpu.pipeline_mode<synchronous>, transform_indices = @transform_17, window_bounds = array<i64: 1, 10>}, {pipeline_mode = #tpu.pipeline_mode<synchronous>, transform_indices = @transform_18, window_bounds = array<i64: 1, 1>}]} {
    %eq3A = arith.constant 0 : i32
    %eq3A_0 = arith.cmpi eq, %arg0, %eq3A : i32
    %convert_element_type3A = arith.extui %eq3A_0 : i1 to i32
    %cond3A = arith.constant 0 : i32
    %cond3A_1 = arith.cmpi ne, %convert_element_type3A, %cond3A : i32
    scf.if %cond3A_1 {
      %broadcast_in_dim3A_47 = arith.constant 0.000000e+00 : f32
      %broadcast_in_dim3A_48 = vector.broadcast %broadcast_in_dim3A_47 : f32 to vector<1x64xf32>
      %swap3A_49 = arith.constant 0 : index
      %swap3A_50 = arith.constant 0 : index
      %swap3A_51 = vector.load %arg20[%swap3A_49, %swap3A_50] : memref<1x64xf32, #tpu.memory_space<vmem>>, vector<1x64xf32>
      tpu.vector_store %arg20[%swap3A_49, %swap3A_50], %broadcast_in_dim3A_48 {strides = array<i32>} : memref<1x64xf32, #tpu.memory_space<vmem>>, vector<1x64xf32>,
      %broadcast_in_dim3A_52 = arith.constant 0xFF800000 : f32
      %broadcast_in_dim3A_53 = vector.broadcast %broadcast_in_dim3A_52 : f32 to vector<1x64xf32>
      %swap3A_54 = arith.constant 0 : index
      %swap3A_55 = arith.constant 0 : index
      %swap3A_56 = vector.load %arg21[%swap3A_54, %swap3A_55] : memref<1x64xf32, #tpu.memory_space<vmem>>, vector<1x64xf32>
      tpu.vector_store %arg21[%swap3A_54, %swap3A_55], %broadcast_in_dim3A_53 {strides = array<i32>} : memref<1x64xf32, #tpu.memory_space<vmem>>, vector<1x64xf32>,
    } else {
    }
    %get3A = arith.constant 0 : index
    %get3A_2 = arith.constant 0 : index
    %get3A_3 = vector.load %arg4[%get3A, %get3A_2] : memref<2000x1xf32, #tpu.memory_space<vmem>>, vector<2000x1xf32>
    %get3A_4 = arith.constant 0 : index
    %get3A_5 = arith.constant 0 : index
    %get3A_6 = arith.constant 0 : index
    %get3A_7 = vector.load %arg1[%get3A_4, %get3A_5, %get3A_6] : memref<1x2000x128xf32, #tpu.memory_space<vmem>>, vector<1x2000x128xf32>
    %get3A_8 = vector.shape_cast %get3A_7 : vector<1x2000x128xf32> to vector<2000x128xf32>
    %get3A_9 = arith.constant 0 : index
    %get3A_10 = arith.constant 0 : index
    %get3A_11 = arith.constant 0 : index
    %get3A_12 = vector.load %arg2[%get3A_9, %get3A_10, %get3A_11] : memref<1x2000x128xf32, #tpu.memory_space<vmem>>, vector<1x2000x128xf32>
    %get3A_13 = vector.shape_cast %get3A_12 : vector<1x2000x128xf32> to vector<2000x128xf32>
    %add3A = arith.addf %get3A_8, %get3A_13 : vector<2000x128xf32>
    %get3A_14 = arith.constant 0 : index
    %get3A_15 = arith.constant 0 : index
    %get3A_16 = vector.load %arg3[%get3A_14, %get3A_15] : memref<2000x128xf32, #tpu.memory_space<vmem>>, vector<2000x128xf32>
    %add3A_17 = arith.addf %add3A, %get3A_16 : vector<2000x128xf32>
    %slice3A = vector.extract_strided_slice %add3A_17 {offsets = [0, 0], sizes = [2000, 64], strides = [1, 1]} : vector<2000x128xf32> to vector<2000x64xf32>
    %mul3A = vector.broadcast %get3A_3 : vector<2000x1xf32> to vector<2000x64xf32>
    %mul3A_18 = arith.mulf %mul3A, %slice3A : vector<2000x64xf32>
    %get3A_19 = arith.constant 0 : index
    %get3A_20 = arith.constant 0 : index
    %get3A_21 = vector.load %arg5[%get3A_19, %get3A_20] : memref<1x64xf32, #tpu.memory_space<vmem>>, vector<1x64xf32>
    %add3A_22 = vector.broadcast %get3A_21 : vector<1x64xf32> to vector<2000x64xf32>
    %add3A_23 = arith.addf %mul3A_18, %add3A_22 : vector<2000x64xf32>
    %mul3A_24 = arith.constant 0.999994993 : f32
    %mul3A_25 = vector.broadcast %mul3A_24 : f32 to vector<2000x64xf32>
    %mul3A_26 = arith.mulf %mul3A_25, %add3A_23 : vector<2000x64xf32>
    %get3A_27 = arith.constant 0 : index
    %get3A_28 = arith.constant 0 : index
    %get3A_29 = vector.load %arg20[%get3A_27, %get3A_28] : memref<1x64xf32, #tpu.memory_space<vmem>>, vector<1x64xf32>
    %reduce_sum3A = arith.constant dense<0.000000e+00> : vector<64xf32>
    %reduce_sum3A_30 = vector.multi_reduction <add>, %mul3A_26, %reduce_sum3A [0] : vector<2000x64xf32> to vector<64xf32>
    %broadcast_in_dim3A = vector.shape_cast %reduce_sum3A_30 : vector<64xf32> to vector<1x64xf32>
    %add3A_31 = arith.addf %get3A_29, %broadcast_in_dim3A : vector<1x64xf32>
    %swap3A = arith.constant 0 : index
    %swap3A_32 = arith.constant 0 : index
    %swap3A_33 = vector.load %arg20[%swap3A, %swap3A_32] : memref<1x64xf32, #tpu.memory_space<vmem>>, vector<1x64xf32>
    tpu.vector_store %arg20[%swap3A, %swap3A_32], %add3A_31 {strides = array<i32>} : memref<1x64xf32, #tpu.memory_space<vmem>>, vector<1x64xf32>,
    %get3A_34 = arith.constant 0 : index
    %get3A_35 = arith.constant 0 : index
    %get3A_36 = vector.load %arg21[%get3A_34, %get3A_35] : memref<1x64xf32, #tpu.memory_space<vmem>>, vector<1x64xf32>
    %reduce_max3A = arith.constant dense<0xFF800000> : vector<64xf32>
    %reduce_max3A_37 = vector.multi_reduction <maximumf>, %mul3A_26, %reduce_max3A [0] : vector<2000x64xf32> to vector<64xf32>
    %broadcast_in_dim3A_38 = vector.shape_cast %reduce_max3A_37 : vector<64xf32> to vector<1x64xf32>
    %max3A = arith.maximumf %get3A_36, %broadcast_in_dim3A_38 : vector<1x64xf32>
    %swap3A_39 = arith.constant 0 : index
    %swap3A_40 = arith.constant 0 : index
    %swap3A_41 = vector.load %arg21[%swap3A_39, %swap3A_40] : memref<1x64xf32, #tpu.memory_space<vmem>>, vector<1x64xf32>
    tpu.vector_store %arg21[%swap3A_39, %swap3A_40], %max3A {strides = array<i32>} : memref<1x64xf32, #tpu.memory_space<vmem>>, vector<1x64xf32>,
    %eq3A_42 = arith.constant 4 : i32
    %eq3A_43 = arith.cmpi eq, %arg0, %eq3A_42 : i32
    %convert_element_type3A_44 = arith.extui %eq3A_43 : i1 to i32
    %cond3A_45 = arith.constant 0 : i32
    %cond3A_46 = arith.cmpi ne, %convert_element_type3A_44, %cond3A_45 : i32
    scf.if %cond3A_46 {
      %get3A_47 = arith.constant 0 : index
      %get3A_48 = arith.constant 0 : index
      %get3A_49 = vector.load %arg20[%get3A_47, %get3A_48] : memref<1x64xf32, #tpu.memory_space<vmem>>, vector<1x64xf32>
      %div3A = arith.constant 1.000000e+04 : f32
      %div3A_50 = vector.broadcast %div3A : f32 to vector<1x64xf32>
      %div3A_51 = arith.divf %get3A_49, %div3A_50 : vector<1x64xf32>
      %get3A_52 = arith.constant 0 : index
      %get3A_53 = arith.constant 0 : index
      %get3A_54 = vector.load %arg21[%get3A_52, %get3A_53] : memref<1x64xf32, #tpu.memory_space<vmem>>, vector<1x64xf32>
      %add3A_55 = arith.addf %div3A_51, %get3A_54 : vector<1x64xf32>
      %div3A_56 = arith.constant 2.000000e+00 : f32
      %div3A_57 = vector.broadcast %div3A_56 : f32 to vector<1x64xf32>
      %div3A_58 = arith.divf %add3A_55, %div3A_57 : vector<1x64xf32>
      %broadcast_in_dim3A_59 = vector.shape_cast %div3A_58 : vector<1x64xf32> to vector<1x64xf32>
      %broadcast_in_dim3A_60 = vector.broadcast %broadcast_in_dim3A_59 : vector<1x64xf32> to vector<8x64xf32>
      %get3A_61 = arith.constant 0 : index
      %get3A_62 = arith.constant 0 : index
      %get3A_63 = vector.load %arg6[%get3A_61, %get3A_62] : memref<64x32xf32, #tpu.memory_space<vmem>>, vector<64x32xf32>
      %dot_general3A = arith.constant dense<0.000000e+00> : vector<8x32xf32>
      %dot_general3A_64 = tpu.matmul %broadcast_in_dim3A_60, %get3A_63, %dot_general3A {dimension_numbers = #tpu.dot_dimension_numbers<[1], [0], [0], [1], [0, 0, 1, 1], [], []>, transpose_lhs_hint = false} : vector<8x64xf32>, vector<64x32xf32>, vector<8x32xf32> -> vector<8x32xf32>
      %get3A_65 = arith.constant 0 : index
      %get3A_66 = arith.constant 0 : index
      %get3A_67 = vector.load %arg7[%get3A_65, %get3A_66] : memref<1x32xf32, #tpu.memory_space<vmem>>, vector<1x32xf32>
      %add3A_68 = vector.broadcast %get3A_67 : vector<1x32xf32> to vector<8x32xf32>
      %add3A_69 = arith.addf %dot_general3A_64, %add3A_68 : vector<8x32xf32>
      %mul3A_70 = arith.constant 0.999994993 : f32
      %mul3A_71 = vector.broadcast %mul3A_70 : f32 to vector<8x32xf32>
      %mul3A_72 = arith.mulf %mul3A_71, %add3A_69 : vector<8x32xf32>
      %max3A_73 = arith.constant 0.000000e+00 : f32
      %max3A_74 = vector.broadcast %max3A_73 : f32 to vector<8x32xf32>
      %max3A_75 = arith.maximumf %mul3A_72, %max3A_74 : vector<8x32xf32>
      %get3A_76 = arith.constant 0 : index
      %get3A_77 = arith.constant 0 : index
      %get3A_78 = vector.load %arg8[%get3A_76, %get3A_77] : memref<32x16xf32, #tpu.memory_space<vmem>>, vector<32x16xf32>
      %dot_general3A_79 = arith.constant dense<0.000000e+00> : vector<8x16xf32>
      %dot_general3A_80 = tpu.matmul %max3A_75, %get3A_78, %dot_general3A_79 {dimension_numbers = #tpu.dot_dimension_numbers<[1], [0], [0], [1], [0, 0, 1, 1], [], []>, transpose_lhs_hint = false} : vector<8x32xf32>, vector<32x16xf32>, vector<8x16xf32> -> vector<8x16xf32>
      %get3A_81 = arith.constant 0 : index
      %get3A_82 = arith.constant 0 : index
      %get3A_83 = vector.load %arg9[%get3A_81, %get3A_82] : memref<1x16xf32, #tpu.memory_space<vmem>>, vector<1x16xf32>
      %add3A_84 = vector.broadcast %get3A_83 : vector<1x16xf32> to vector<8x16xf32>
      %add3A_85 = arith.addf %dot_general3A_80, %add3A_84 : vector<8x16xf32>
      %mul3A_86 = arith.constant 0.999994993 : f32
      %mul3A_87 = vector.broadcast %mul3A_86 : f32 to vector<8x16xf32>
      %mul3A_88 = arith.mulf %mul3A_87, %add3A_85 : vector<8x16xf32>
      %max3A_89 = arith.constant 0.000000e+00 : f32
      %max3A_90 = vector.broadcast %max3A_89 : f32 to vector<8x16xf32>
      %max3A_91 = arith.maximumf %mul3A_88, %max3A_90 : vector<8x16xf32>
      %get3A_92 = arith.constant 0 : index
      %get3A_93 = arith.constant 0 : index
      %get3A_94 = vector.load %arg10[%get3A_92, %get3A_93] : memref<16x10xf32, #tpu.memory_space<vmem>>, vector<16x10xf32>
      %dot_general3A_95 = arith.constant dense<0.000000e+00> : vector<8x10xf32>
      %dot_general3A_96 = tpu.matmul %max3A_91, %get3A_94, %dot_general3A_95 {dimension_numbers = #tpu.dot_dimension_numbers<[1], [0], [0], [1], [0, 0, 1, 1], [], []>, transpose_lhs_hint = false} : vector<8x16xf32>, vector<16x10xf32>, vector<8x10xf32> -> vector<8x10xf32>
      %get3A_97 = arith.constant 0 : index
      %get3A_98 = arith.constant 0 : index
      %get3A_99 = vector.load %arg11[%get3A_97, %get3A_98] : memref<1x10xf32, #tpu.memory_space<vmem>>, vector<1x10xf32>
      %add3A_100 = vector.broadcast %get3A_99 : vector<1x10xf32> to vector<8x10xf32>
      %add3A_101 = arith.addf %dot_general3A_96, %add3A_100 : vector<8x10xf32>
      %slice3A_102 = vector.extract_strided_slice %add3A_101 {offsets = [0, 0], sizes = [1, 10], strides = [1, 1]} : vector<8x10xf32> to vector<1x10xf32>
      %swap3A_103 = arith.constant 0 : index
      %swap3A_104 = arith.constant 0 : index
      %swap3A_105 = vector.load %arg18[%swap3A_103, %swap3A_104] : memref<1x10xf32, #tpu.memory_space<vmem>>, vector<1x10xf32>
      tpu.vector_store %arg18[%swap3A_103, %swap3A_104], %slice3A_102 {strides = array<i32>} : memref<1x10xf32, #tpu.memory_space<vmem>>, vector<1x10xf32>,
      %get3A_106 = arith.constant 0 : index
      %get3A_107 = arith.constant 0 : index
      %get3A_108 = vector.load %arg12[%get3A_106, %get3A_107] : memref<64x32xf32, #tpu.memory_space<vmem>>, vector<64x32xf32>
      %dot_general3A_109 = arith.constant dense<0.000000e+00> : vector<8x32xf32>
      %dot_general3A_110 = tpu.matmul %broadcast_in_dim3A_60, %get3A_108, %dot_general3A_109 {dimension_numbers = #tpu.dot_dimension_numbers<[1], [0], [0], [1], [0, 0, 1, 1], [], []>, transpose_lhs_hint = false} : vector<8x64xf32>, vector<64x32xf32>, vector<8x32xf32> -> vector<8x32xf32>
      %get3A_111 = arith.constant 0 : index
      %get3A_112 = arith.constant 0 : index
      %get3A_113 = vector.load %arg13[%get3A_111, %get3A_112] : memref<1x32xf32, #tpu.memory_space<vmem>>, vector<1x32xf32>
      %add3A_114 = vector.broadcast %get3A_113 : vector<1x32xf32> to vector<8x32xf32>
      %add3A_115 = arith.addf %dot_general3A_110, %add3A_114 : vector<8x32xf32>
      %mul3A_116 = arith.constant 0.999994993 : f32
      %mul3A_117 = vector.broadcast %mul3A_116 : f32 to vector<8x32xf32>
      %mul3A_118 = arith.mulf %mul3A_117, %add3A_115 : vector<8x32xf32>
      %max3A_119 = arith.constant 0.000000e+00 : f32
      %max3A_120 = vector.broadcast %max3A_119 : f32 to vector<8x32xf32>
      %max3A_121 = arith.maximumf %mul3A_118, %max3A_120 : vector<8x32xf32>
      %get3A_122 = arith.constant 0 : index
      %get3A_123 = arith.constant 0 : index
      %get3A_124 = vector.load %arg14[%get3A_122, %get3A_123] : memref<32x16xf32, #tpu.memory_space<vmem>>, vector<32x16xf32>
      %dot_general3A_125 = arith.constant dense<0.000000e+00> : vector<8x16xf32>
      %dot_general3A_126 = tpu.matmul %max3A_121, %get3A_124, %dot_general3A_125 {dimension_numbers = #tpu.dot_dimension_numbers<[1], [0], [0], [1], [0, 0, 1, 1], [], []>, transpose_lhs_hint = false} : vector<8x32xf32>, vector<32x16xf32>, vector<8x16xf32> -> vector<8x16xf32>
      %get3A_127 = arith.constant 0 : index
      %get3A_128 = arith.constant 0 : index
      %get3A_129 = vector.load %arg15[%get3A_127, %get3A_128] : memref<1x16xf32, #tpu.memory_space<vmem>>, vector<1x16xf32>
      %add3A_130 = vector.broadcast %get3A_129 : vector<1x16xf32> to vector<8x16xf32>
      %add3A_131 = arith.addf %dot_general3A_126, %add3A_130 : vector<8x16xf32>
      %mul3A_132 = arith.constant 0.999994993 : f32
      %mul3A_133 = vector.broadcast %mul3A_132 : f32 to vector<8x16xf32>
      %mul3A_134 = arith.mulf %mul3A_133, %add3A_131 : vector<8x16xf32>
      %max3A_135 = arith.constant 0.000000e+00 : f32
      %max3A_136 = vector.broadcast %max3A_135 : f32 to vector<8x16xf32>
      %max3A_137 = arith.maximumf %mul3A_134, %max3A_136 : vector<8x16xf32>
      %get3A_138 = arith.constant 0 : index
      %get3A_139 = arith.constant 0 : index
      %get3A_140 = vector.load %arg16[%get3A_138, %get3A_139] : memref<16x1xf32, #tpu.memory_space<vmem>>, vector<16x1xf32>
      %dot_general3A_141 = arith.constant dense<0.000000e+00> : vector<8x1xf32>
      %dot_general3A_142 = tpu.matmul %max3A_137, %get3A_140, %dot_general3A_141 {dimension_numbers = #tpu.dot_dimension_numbers<[1], [0], [0], [1], [0, 0, 1, 1], [], []>, transpose_lhs_hint = false} : vector<8x16xf32>, vector<16x1xf32>, vector<8x1xf32> -> vector<8x1xf32>
      %get3A_143 = arith.constant 0 : index
      %get3A_144 = arith.constant 0 : index
      %get3A_145 = vector.load %arg17[%get3A_143, %get3A_144] : memref<1x1xf32, #tpu.memory_space<vmem>>, vector<1x1xf32>
      %add3A_146 = vector.broadcast %get3A_145 : vector<1x1xf32> to vector<8x1xf32>
      %add3A_147 = arith.addf %dot_general3A_142, %add3A_146 : vector<8x1xf32>
      %slice3A_148 = vector.extract_strided_slice %add3A_147 {offsets = [0, 0], sizes = [1, 1], strides = [1, 1]} : vector<8x1xf32> to vector<1x1xf32>
      %logistic3A = arith.negf %slice3A_148 : vector<1x1xf32>
      %logistic3A_149 = math.exp %logistic3A : vector<1x1xf32>
      %logistic3A_150 = arith.constant 1.000000e+00 : f32
      %logistic3A_151 = vector.broadcast %logistic3A_150 : f32 to vector<1x1xf32>
      %logistic3A_152 = arith.addf %logistic3A_151, %logistic3A_149 : vector<1x1xf32>
      %logistic3A_153 = arith.divf %logistic3A_151, %logistic3A_152 : vector<1x1xf32>
      %swap3A_154 = arith.constant 0 : index
      %swap3A_155 = arith.constant 0 : index
      %swap3A_156 = vector.load %arg19[%swap3A_154, %swap3A_155] : memref<1x1xf32, #tpu.memory_space<vmem>>, vector<1x1xf32>
      tpu.vector_store %arg19[%swap3A_154, %swap3A_155], %logistic3A_153 {strides = array<i32>} : memref<1x1xf32, #tpu.memory_space<vmem>>, vector<1x1xf32>,
    } else {
    }
    return
  }
  func.func @transform_0(%arg0: i32) -> (i32, i32, i32) {
    %c0_i32 = arith.constant 0 : i32
    %c0_i32_0 = arith.constant 0 : i32
    %c0_i32_1 = arith.constant 0 : i32
    return %c0_i32, %arg0, %c0_i32_0 : i32, i32, i32
  }
  func.func @transform_1(%arg0: i32) -> (i32, i32, i32) {
    %c1_i32 = arith.constant 1 : i32
    %c0_i32 = arith.constant 0 : i32
    %c0_i32_0 = arith.constant 0 : i32
    return %c1_i32, %arg0, %c0_i32 : i32, i32, i32
  }
  func.func @transform_2(%arg0: i32) -> (i32, i32) {
    %c0_i32 = arith.constant 0 : i32
    %c0_i32_0 = arith.constant 0 : i32
    return %arg0, %c0_i32 : i32, i32
  }
  func.func @transform_3(%arg0: i32) -> (i32, i32) {
    %c0_i32 = arith.constant 0 : i32
    %c0_i32_0 = arith.constant 0 : i32
    return %arg0, %c0_i32 : i32, i32
  }
  func.func @transform_4(%arg0: i32) -> (i32, i32) {
    %c0_i32 = arith.constant 0 : i32
    %c0_i32_0 = arith.constant 0 : i32
    %c0_i32_1 = arith.constant 0 : i32
    return %c0_i32, %c0_i32_0 : i32, i32
  }
  func.func @transform_5(%arg0: i32) -> (i32, i32) {
    %c0_i32 = arith.constant 0 : i32
    %c0_i32_0 = arith.constant 0 : i32
    %c0_i32_1 = arith.constant 0 : i32
    return %c0_i32, %c0_i32_0 : i32, i32
  }
  func.func @transform_6(%arg0: i32) -> (i32, i32) {
    %c0_i32 = arith.constant 0 : i32
    %c0_i32_0 = arith.constant 0 : i32
    %c0_i32_1 = arith.constant 0 : i32
    return %c0_i32, %c0_i32_0 : i32, i32
  }
  func.func @transform_7(%arg0: i32) -> (i32, i32) {
    %c0_i32 = arith.constant 0 : i32
    %c0_i32_0 = arith.constant 0 : i32
    %c0_i32_1 = arith.constant 0 : i32
    return %c0_i32, %c0_i32_0 : i32, i32
  }
  func.func @transform_8(%arg0: i32) -> (i32, i32) {
    %c0_i32 = arith.constant 0 : i32
    %c0_i32_0 = arith.constant 0 : i32
    %c0_i32_1 = arith.constant 0 : i32
    return %c0_i32, %c0_i32_0 : i32, i32
  }
  func.func @transform_9(%arg0: i32) -> (i32, i32) {
    %c0_i32 = arith.constant 0 : i32
    %c0_i32_0 = arith.constant 0 : i32
    %c0_i32_1 = arith.constant 0 : i32
    return %c0_i32, %c0_i32_0 : i32, i32
  }
  func.func @transform_10(%arg0: i32) -> (i32, i32) {
    %c0_i32 = arith.constant 0 : i32
    %c0_i32_0 = arith.constant 0 : i32
    %c0_i32_1 = arith.constant 0 : i32
    return %c0_i32, %c0_i32_0 : i32, i32
  }
  func.func @transform_11(%arg0: i32) -> (i32, i32) {
    %c0_i32 = arith.constant 0 : i32
    %c0_i32_0 = arith.constant 0 : i32
    %c0_i32_1 = arith.constant 0 : i32
    return %c0_i32, %c0_i32_0 : i32, i32
  }
  func.func @transform_12(%arg0: i32) -> (i32, i32) {
    %c0_i32 = arith.constant 0 : i32
    %c0_i32_0 = arith.constant 0 : i32
    %c0_i32_1 = arith.constant 0 : i32
    return %c0_i32, %c0_i32_0 : i32, i32
  }
  func.func @transform_13(%arg0: i32) -> (i32, i32) {
    %c0_i32 = arith.constant 0 : i32
    %c0_i32_0 = arith.constant 0 : i32
    %c0_i32_1 = arith.constant 0 : i32
    return %c0_i32, %c0_i32_0 : i32, i32
  }
  func.func @transform_14(%arg0: i32) -> (i32, i32) {
    %c0_i32 = arith.constant 0 : i32
    %c0_i32_0 = arith.constant 0 : i32
    %c0_i32_1 = arith.constant 0 : i32
    return %c0_i32, %c0_i32_0 : i32, i32
  }
  func.func @transform_15(%arg0: i32) -> (i32, i32) {
    %c0_i32 = arith.constant 0 : i32
    %c0_i32_0 = arith.constant 0 : i32
    %c0_i32_1 = arith.constant 0 : i32
    return %c0_i32, %c0_i32_0 : i32, i32
  }
  func.func @transform_16(%arg0: i32) -> (i32, i32) {
    %c0_i32 = arith.constant 0 : i32
    %c0_i32_0 = arith.constant 0 : i32
    %c0_i32_1 = arith.constant 0 : i32
    return %c0_i32, %c0_i32_0 : i32, i32
  }
  func.func @transform_17(%arg0: i32) -> (i32, i32) {
    %c0_i32 = arith.constant 0 : i32
    %c0_i32_0 = arith.constant 0 : i32
    %c0_i32_1 = arith.constant 0 : i32
    return %c0_i32, %c0_i32_0 : i32, i32
  }
  func.func @transform_18(%arg0: i32) -> (i32, i32) {
    %c0_i32 = arith.constant 0 : i32
    %c0_i32_0 = arith.constant 0 : i32
    %c0_i32_1 = arith.constant 0 : i32
    return %c0_i32, %c0_i32_0 : i32, i32
  }
}

</mosaic_0001>

<sc_bundles>
// kernel: kernel.10.cloned.1.call-start
scs
__scs_entry_jumppad:
0x0: {  	(pc) =	sbr.rel $0x88, $3  }
0x1: {  	(tag) =	ssettag $0x0;
	lr =	simm.s32 $0x1  }
0x2: {  	[smem:$0x3F8D] =	sst lr;
	_ =	strace $0xD0000000  }
0x3: {  	_ = 	snop  }
0x4: {  	_ = 	snop  }
0x5: {  	_ = 	snop  }
0x6: {  	_ = 	snop  }
0x7: {  	_ = 	snop  }
__scs_overlays_trampoline_lowered:
0x8: {  	[smem:$0x3F9C] =	sst s0  }
0x9: {  	[smem:$0x3F9D] =	sst s1  }
0xa: {  	[smem:$0x3F9E] =	sst s2  }
0xb: {  	[smem:$0x3F9F] =	sst s3  }
0xc: {  	[smem:$0x3FA0] =	sst s4  }
0xd: {  	[smem:$0x3FA1] =	sst s5  }
0xe: {  	[smem:$0x3FA2] =	sst s6  }
0xf: {  	[smem:$0x3FA3] =	sst s7  }
0x10: {  	[smem:$0x3FA4] =	sst s8  }
0x11: {  	[smem:$0x3FA5] =	sst s9;
	s0 =	simm.s32 @!p0 $0x0  }
0x12: {  	s1 =	sld [smem:$0x3F8B];
	s0 =	simm.s32 @p0 $0x1  }
0x13: {  	[smem:$0x3FA6] =	sst s0;
	s0 =	simm.s32 @!p1 $0x0  }
0x14: {  	s2 =	sld [smem:$0x3F8A];
	s0 =	simm.s32 @p1 $0x1  }
0x15: {  	[smem:$0x3FA7] =	sst s0;
	s0 =	simm.s32 @!p2 $0x0  }
0x16: {  	s3 =	sld [smem:$0x3FDB];
	s0 =	simm.s32 @p2 $0x1  }
0x17: {  	s4 =	simm.s32 $0x1BF5;
	[smem:$0x3FA9] =	sst s0  }
0x18: {  	s0 =	sld [smem:$0x3F8C];
	_ =	swait.ge [sflag:s4], $0x0  }
0x19: {  	s7 =	sld [smem:$0x3F8D]  }
0x1a: {  	s8 =	sadd.s32 $0xFFFFE003, lr  }
0x1b: {  	s9 =	sadd.s32 $0xFFFFFEF7, lr;
	s5 =	simm.s32 $0xFFFFFFFF;
	p2 =	slt.u32 s8, $0xFFFFF086  }
0x1c: {  	p1 =	slt.u32 s9, $0xF7A;
	s5 =	simm.s32 @!p2 $0x0  }
0x1d: {  	s5 =	simm.s32 @p1 $0x1;
	p0 =	seq.s32 s7, s2  }
0x1e: {  	s7 =	smul.u32 @!p0 $0xF7A, s2;
	p2 =	seq.s32 @!p0 s5, $0x0  }
0x1f: {  	s9 =	smul.u32 $0xF7A, s1;
	s8 =	simm.s32 @!p0 $0x1BF5;
	p2 =	por !p2, p0  }
0x20: {  	[sflag:s8] =	ssyncset.s32 @!p0 $0xFFFFF086;
	s6 =	sadd.s32 @!p0 s3, s7;
	s7 =	simm.s32 @!p0 $0x108  }
0x21: {  	s3 =	sadd.s32 s3, s9;
	s6 =	sadd.s32 @!p0 $0x88, s6;
	s7 =	simm.s32 @p2 $0x1082  }
0x22: {  	[simem:s7], [sflag:s8] =	dma.local @!p0 [hbm:s6], $0xF7A  }
0x23: {  	s9 =	sor.u32 $0xD0000000, s2;
	s6 =	simm.s32 $0x108;
	_ =	swait.ge @!p0 [sflag:s8], $0x0  }
0x24: {  	s3 =	sadd.s32 $0x88, s3;
	s6 =	simm.s32 @!p1 $0x1082;
	[sflag:s4] =	ssyncset.s32 $0xFFFFF086  }
0x25: {  	[simem:s6], [sflag:s4] =	dma.local [hbm:s3], $0xF7A  }
0x26: {  	[smem:$0x3F8D] =	sst s1;
	(tag) =	ssettag s2;
	_ =	strace s9  }
0x27: {  	s1 =	sld [smem:$0x3F9D]  }
0x28: {  	s2 =	sld [smem:$0x3F9E]  }
0x29: {  	s4 =	sld [smem:$0x3FA0]  }
0x2a: {  	p0 =	seq.s32 s5, $0x0;
	s5 =	sld [smem:$0x3FA1]  }
0x2b: {  	s6 =	sld [smem:$0x3FA2]  }
0x2c: {  	s7 =	sld [smem:$0x3FA3]  }
0x2d: {  	s3 =	simm.s32 $0x108;
	s8 =	sld [smem:$0x3FA4]  }
0x2e: {  	s3 =	simm.s32 @!p0 $0x1082;
	s9 =	sld [smem:$0x3FA5]  }
0x2f: {  	lr =	sadd.s32 s0, s3;
	s0 =	sld [smem:$0x3F9C]  }
0x30: {  	s3 =	sld [smem:$0x3F9F]  }
0x31: {  	[smem:$0x3FA8] =	sst s10  }
0x32: {  	s10 =	sld [smem:$0x3FA6];
	_ =	sdelay $0x3  }
0x33: {  	p0 =	seq.s32 s10, $0x1;
	s10 =	sld [smem:$0x3FA8];
	_ =	sdelay $0x3  }
0x34: {  	[smem:$0x3FA8] =	sst s10  }
0x35: {  	s10 =	sld [smem:$0x3FA7];
	_ =	sdelay $0x3  }
0x36: {  	p1 =	seq.s32 s10, $0x1;
	s10 =	sld [smem:$0x3FA8];
	_ =	sdelay $0x3  }
0x37: {  	[smem:$0x3FA8] =	sst s10  }
0x38: {  	s10 =	sld [smem:$0x3FA9]  }
0x39: {  	_ = 	snop;
	(pc) =	sbr.ind lr, $3  }
0x3a: {  	_ = 	snop  }
0x3b: {  	_ = 	snop  }
0x3c: {  	p2 =	seq.s32 s10, $0x1;
	s10 =	sld [smem:$0x3FA8]  }
0x3d: {  	_ =	shalt  }
0x3e: {  	_ =	shalt  }
0x3f: {  	_ =	shalt  }
0x40: {  	_ =	shalt  }
0x41: {  	_ =	shalt  }
0x42: {  	_ =	shalt  }
0x43: {  	_ =	shalt  }
0x44: {  	_ =	shalt  }
0x45: {  	_ =	shalt  }
0x46: {  	_ =	shalt  }
0x47: {  	_ =	shalt  }
0x48: {  	_ =	shalt  }
0x49: {  	_ =	shalt  }
0x4a: {  	_ =	shalt  }
0x4b: {  	_ =	shalt  }
0x4c: {  	_ =	shalt  }
0x4d: {  	_ =	shalt  }
0x4e: {  	_ =	shalt  }
0x4f: {  	_ =	shalt  }
0x50: {  	_ =	shalt  }
0x51: {  	_ =	shalt  }
0x52: {  	_ =	shalt  }
0x53: {  	_ =	shalt  }
0x54: {  	_ =	shalt  }
0x55: {  	_ =	shalt  }
0x56: {  	_ =	shalt  }
0x57: {  	_ =	shalt  }
0x58: {  	_ =	shalt  }
0x59: {  	_ =	shalt  }
0x5a: {  	_ =	shalt  }
0x5b: {  	_ =	shalt  }
0x5c: {  	_ =	shalt  }
0x5d: {  	_ =	shalt  }
0x5e: {  	_ =	shalt  }
0x5f: {  	_ =	shalt  }
0x60: {  	_ =	shalt  }
0x61: {  	_ =	shalt  }
0x62: {  	_ =	shalt  }
0x63: {  	_ =	shalt  }
0x64: {  	_ =	shalt  }
0x65: {  	_ =	shalt  }
0x66: {  	_ =	shalt  }
0x67: {  	_ =	shalt  }
0x68: {  	_ =	shalt  }
0x69: {  	_ =	shalt  }
0x6a: {  	_ =	shalt  }
0x6b: {  	_ =	shalt  }
0x6c: {  	_ =	shalt  }
0x6d: {  	_ =	shalt  }
0x6e: {  	_ =	shalt  }
0x6f: {  	_ =	shalt  }
0x70: {  	_ =	shalt  }
0x71: {  	_ =	shalt  }
0x72: {  	_ =	shalt  }
0x73: {  	_ =	shalt  }
0x74: {  	_ =	shalt  }
0x75: {  	_ =	shalt  }
0x76: {  	_ =	shalt  }
0x77: {  	_ =	shalt  }
0x78: {  	_ =	shalt  }
0x79: {  	_ =	shalt  }
0x7a: {  	_ =	shalt  }
0x7b: {  	_ =	shalt  }
0x7c: {  	_ =	shalt  }
0x7d: {  	_ =	shalt  }
0x7e: {  	_ =	shalt  }
0x7f: {  	_ =	shalt  }
0x80: {  	_ =	shalt  }
0x81: {  	_ =	shalt  }
0x82: {  	_ =	shalt  }
0x83: {  	_ =	shalt  }
0x84: {  	_ =	shalt  }
0x85: {  	_ =	shalt  }
0x86: {  	_ =	shalt  }
0x87: {  	_ =	shalt  }
.Lfunc_end0:
.L_simem_size_0:
called_computation_lowered:
.L_overlay_start_0:
0x88: {  	s2 =	sld [smem:$0x3FD9]  }
0x89: {  	s3 =	sld [smem:$0x3FFE];
	_ =	sdelay $0x1  }
0x8a: {  	s1 =	srdreg.scid  }
0x8b: {  	s0 =	sand.u32 $0x1, s1  }
0x8c: {  	s16 =	sshll.u32 s0, $0xA;
	s2 =	sadd.s32 s3, s2  }
0x8d: {  	s2 =	sadd.s32 s2, s16  }
0x8e: {  	[smem:$0x3FB4] =	sst s2  }
0x8f: {  	_ = 	snop  }
0x90: {  	(tm) =	ssettm $0x1  }
0x91: {  	s17 =	sld [smem:$0x3FFB];
	_ =	sdelay $0x3  }
0x92: {  	_ =	strace s17  }
0x93: {  	s2 =	sld [smem:$0x3FFC];
	_ =	sdelay $0x3  }
0x94: {  	_ =	strace s2  }
0x95: {  	s2 =	sld [smem:$0x3FFD];
	_ =	sdelay $0x3  }
0x96: {  	_ =	strace s2  }
0x97: {  	_ =	strace $0x8FFFFFFF  }
0x98: {  	s18 =	sld [smem:$0x3FDB];
	_ =	sdelay $0x1  }
0x99: {  	s19 =	simm.s32 $_scs_section_size  }
0x9a: {  	s4 =	simm.s32 $_size__tile_overlayer_lowered;
	s5 =	simm.s32 $_tile_overlayer_lowered  }
0x9b: {  	s22 =	simm.s32 $0x1BFF;
	s21 =	sshll.u32 s5, $0x1;
	s2 =	sadd.s32 s19, s18  }
0x9c: {  	s6 =	simm.s32 $0x0;
	s20 =	sshll.u32 s4, $0x1;
	s4 =	sadd.s32 s21, s2  }
0x9d: {  	[timem:s6], [sflag:s22] =	dma.local [hbm:s4], s20  }
0x9e: {  	_ =	swait.ge [sflag:s22], s20  }
0x9f: {  	s3 =	ssub.s32 $0x0, s20;
	[sflag:s22] =	ssyncset.done $0x0  }
0xa0: {  	[sflag:s22] =	ssyncadd.s32 s3;
	_ =	sdelay $0x1  }
0xa1: {  	s23 =	simm.s32 $0x1B8B  }
0xa2: {  	_ =	swait.ge [sflag:s23], $0x1  }
0xa3: {  	[sflag:s23] =	ssyncset.done $0x0  }
0xa4: {  	s25 =	simm.s32 $0x1B8E;
	s24 =	sld [smem:$0x3FFE];
	[sflag:s23] =	ssyncadd.s32 $0xFFFFFFFF  }
0xa5: {  	s26 =	simm.s32 $execute0_lowered;
	[smem:$0x3FD2] =	sst s25  }
0xa6: {  	s4 =	sshll.u32 s26, $0x1;
	_ =	strace $0x80000046;
	[dreg:$0x1] =	wrdreg $0xFFFFFFFF  }
0xa7: {  	s28 =	simm.s32 $_size_execute0_lowered;
	s2 =	sadd.s32 s2, s4;
	[dreg:$0x0] =	wrdreg $0x0  }
0xa8: {  	s4 =	sshll.u32 s28, $0x1;
	[dreg:$0x2] =	wrdreg s2  }
0xa9: {  	[dreg:$0x3] =	wrdreg s4  }
0xaa: {  	[dreg:$0x4] =	wrdreg $0xC0  }
0xab: {  	_ =	task [dreg:s6], $0x5FFFF  }
0xac: {  	[dreg:$0x1] =	wrdreg $0xFFFFFFFF  }
0xad: {  	[dreg:$0x0] =	wrdreg $0x60  }
0xae: {  	[dreg:$0x2] =	wrdreg s24  }
0xaf: {  	[dreg:$0x3] =	wrdreg $0x2B000  }
0xb0: {  	[dreg:$0x4] =	wrdreg $0x9  }
0xb1: {  	_ =	task.clear_ibuf [dreg:s6], $0x5FFFF;
	_ =	strace $0x90000046  }
0xb2: {  	s29 =	simm.s32 $0x9;
	_ =	strace $0x80000048  }
0xb3: {  	_ =	swait.ge [sflag:s29], $0x1  }
0xb4: {  	[sflag:s29] =	ssyncadd.s32 $0xFFFFFFFF  }
0xb5: {  	_ =	strace $0x90000048  }
0xb6: {  	_ =	sfence  }
0xb7: {  	s30 =	sld [smem:$0x0];
	_ =	sdelay $0x2  }
0xb8: {  	s31 =	sshll.u32 s1, $0xD;
	s1 =	sshrl.u32 s1, $0x2  }
0xb9: {  	s3 =	sand.u32 $0x4000, s31;
	s1 =	sadd.s32 s1, s30  }
0xba: {  	s0 =	sor.u32 s3, s0;
	s1 =	sshll.u32 s1, $0x11  }
0xbb: {  	s0 =	sor.u32 s1, s0  }
0xbc: {  	s0 =	sadd.s32 $0x8F2B, s0  }
0xbd: {  	[sflag:s0] =	ssyncadd.remote.s32 $0x1  }
0xbe: {  	_ =	sfence.sel $0xFFFF  }
0xbf: {  	[dreg:$0x0] =	wrdreg $0xFFFFFFFF;
	(pc) =	sbr.abs _section_cstart, $3  }
0xc0: {  	[dreg:$0x1] =	wrdreg $0xFFFFFFFF  }
0xc1: {  	_ =	task.clear_ibuf [dreg:s6], $0x2FFFF;
	_ =	strace $0x9FFFFFFF  }
0xc2: {  	(tm) =	ssettm $0x7FFFFFFF  }
0xc3: {  	_ =	shalt  }
tec
execute0_lowered:
.L_overlay_start_1:
0x0: {  	(tag) =	ssettag $0x1  }
0x1: {  	s5 =	rddreg [dreg:$0x0]  }
0x2: {  	s2 =	rddreg [dreg:$0x1]  }
0x3: {  	s0 =	stileid.u32;
	s3 =	srdreg.scid  }
0x4: {  	s1 =	rddreg [dreg:$0x2];
	s11 =	simm.s32 $0x80;
	s4 =	smul.u32 $0xA, s0  }
0x5: {  	s12 =	simm.s32 $0x2800;
	s6 =	sand.u32 $0x1, s3;
	s7 =	smul.u32 $0x278, s0  }
0x6: {  	s13 =	simm.s32 $0x0;
	s3 =	simm.s32 $0x0;
	s8 =	smul.u32 $0x2780, s6  }
0x7: {  	[smem:$0x7FF] =	sst s3;
	s4 =	sor.u32 s6, s4;
	s6 =	ssub.s32 $0x2, s6  }
0x8: {  	s4 =	smul.u32 $0x500, s4;
	s8 =	sadd.s32 s7, s8;
	s10 =	sshrl.u32 s6, $0x1  }
0x9: {  	_ =	strace $0x80000047;
	s8 =	sshrl.u32 s8, $0x3;
	s10 =	ssub.s32 s6, s10  }
0xa: {  	s6 =	sadd.s32 s7, s2;
	s9 =	sadd.s32 s4, s5;
	s8 =	sadd.s32 s8, s5  }
0xb: {  	s4 =	sadd.s32 $0x1A400, s5;
	s5 =	sadd.s32 $0x6400, s9;
	s7 =	sadd.s32 $0x1A600, s8  }
0xc: {  	v0 =	vimm.f32 $1.000000000e+00;
	s8 =	smax.u32 s10, $0x1;
	s9 =	simm.s32 $0x1;
	s10 =	simm.s32 $0x2880  }
.LBB2_1:
0xd: {  	[tilespmem:s3], [sflag:$0x1] =	stream.linear.gather [hbm4b:s5+s3], $0x2800, $0x38;
	[tilespmem:$0x2D78] =	vst v63  }
0xe: {  	_ =	swait.ge [sflag:s9], $0x2800  }
0xf: {  	[sflag:s9] =	ssyncset.done $0x0  }
0x10: {  	[sflag:s9] =	ssyncadd.s32 $0xFFFFD800  }
0x11: {  	[tilespmem:$0x2800] =	vst v0  }
0x12: {  	[tilespmem:$0x2810] =	vst v0  }
0x13: {  	[tilespmem:$0x2820] =	vst v0  }
0x14: {  	[tilespmem:$0x2830] =	vst v0  }
0x15: {  	[tilespmem:$0x2840] =	vst v0  }
0x16: {  	[tilespmem:$0x2850] =	vst v0  }
0x17: {  	[tilespmem:$0x2860] =	vst v0  }
0x18: {  	[tilespmem:$0x2870] =	vst v0  }
0x19: {  	[tilespmem:s10], [sflag:$0x1] =	stream.linear.gather [hbm4b:s4+s3], $0x280, $0x38;
	[tilespmem:$0x2D78] =	vst v63  }
0x1a: {  	_ =	swait.ge [sflag:s9], $0x280  }
0x1b: {  	[sflag:s9] =	ssyncset.done $0x0  }
0x1c: {  	[sflag:s9] =	ssyncadd.s32 $0xFFFFFD80  }
0x1d: {  	[spmem:s6] =	stream.linear.scatter [tilespmem:s10], [sflag:$0x1], $0x278, $0x38;
	[tilespmem:$0x2D78] =	vst v63  }
0x1e: {  	_ =	swait.ge [sflag:s9], $0x278  }
0x1f: {  	[sflag:s9] =	ssyncset.done $0x0  }
0x20: {  	[sflag:s9] =	ssyncadd.s32 $0xFFFFFD88  }
0x21: {  	s14 =	simm.s32 $0x0;
	[bflag:$0x0] =	sbarrier.arrive $0xFFFF  }
0x22: {  	[spmem:s2] =	stream.indirect.scatter.add.f32 [tilespmem:s12], [sflag:$0x1], $0x1, s14, s11, $0xb8;
	[tilespmem:$0x2D78] =	vst v63  }
0x23: {  	_ =	swait.ge [sflag:s9], $0x80  }
0x24: {  	s14 =	simm.s32 $0x200;
	[sflag:s9] =	ssyncset.done $0x0  }
.LBB2_2:
0x25: {  	s15 =	sshra.s32 s14, $0x2;
	[sflag:s9] =	ssyncadd.s32 $0xFFFFFF80;
	p0 =	sne.s32 s14, $0x9E00  }
0x26: {  	[spmem:s2] =	stream.indirect.scatter.add.f32 [tilespmem:s12], [sflag:$0x1], $0x1, s15, s11, $0xb8;
	[tilespmem:$0x2D78] =	vst v63  }
.Ltmp0:
0x27: {  	_ = 	snop;
	(pc) =	sbr.rel @p0 .LBB2_2-.Ltmp0, $4  }
0x28: {  	_ = 	snop  }
0x29: {  	s14 =	sadd.s32 $0x200, s14  }
0x2a: {  	_ =	swait.ge [sflag:s9], $0x80  }
0x2b: {  	[sflag:s9] =	ssyncset.done $0x0  }
0x2c: {  	[sflag:s9] =	ssyncadd.s32 $0xFFFFFF80  }
0x2d: {  	[bflag:$0x0] =	sbarrier.arrive $0xFFFF  }
0x2e: {  	[tilespmem:s10], [sflag:$0x1] =	stream.linear.gather [spmem:s6], $0x278, $0x38;
	[tilespmem:$0x2D78] =	vst v63  }
0x2f: {  	s13 =	sadd.s32 $0x1, s13;
	_ =	swait.ge [sflag:s9], $0x278  }
0x30: {  	p0 =	sne.s32 s13, s8;
	[sflag:s9] =	ssyncset.done $0x0  }
.Ltmp1:
0x31: {  	[sflag:s9] =	ssyncadd.s32 $0xFFFFFD88;
	(pc) =	sbr.rel @p0 .LBB2_1-.Ltmp1, $4  }
0x32: {  	[hbm4b:s7+s3] =	stream.linear.scatter [tilespmem:s10], [sflag:$0x1], $0x278, $0x38;
	[tilespmem:$0x2D78] =	vst v63  }
0x33: {  	_ =	swait.ge [sflag:s9], $0x278  }
0x34: {  	[sflag:s9] =	ssyncset.done $0x0  }
0x35: {  	[sflag:s9] =	ssyncadd.s32 $0xFFFFFD88  }
0x36: {  	_ =	sfence.sel $0x180000  }
0x37: {  	[bflag:$0x0] =	sbarrier.arrive $0xFFFF  }
0x38: {  	p0 =	sne.s32 s0, $0x0;
	_ =	strace $0x90000047  }
0x39: {  	s0 =	sadd.s32 @!p0 $0x100000, s1;
	[bflag:$0x2] =	sbarrier.arrive $0xFFFF  }
0x3a: {  	[sflag:s0] =	ssyncadd.tile.s32 @!p0 $0x1;
	_ =	shalt  }
.Lfunc_end2:
_tile_overlayer_lowered:
.L_overlay_start_2:
0x3b: {  	(tag) =	ssettag $0x2  }
0x3c: {  	s0 =	rddreg [dreg:$0x0];
	s2 =	stileid.u32  }
0x3d: {  	s1 =	rddreg [dreg:$0x1];
	p0 =	sne.s32 s2, $0x0  }
0x3e: {  	s3 =	rddreg [dreg:$0x2];
	[bflag:$0x3] =	sbarrier.arrive $0xFFFF;
	s2 =	simm.s32 @!p0 $0x1C01  }
0x3f: {  	[timem:s3], [sflag:s2] =	dma.local @!p0 [hbm:s0], s1  }
0x40: {  	s0 =	simm.s32 @!p0 $0x1  }
0x41: {  	_ =	swait.ge @!p0 [sflag:s0], s1  }
0x42: {  	s1 =	ssub.s32 @!p0 $0x0, s1;
	[sflag:s0] =	ssyncset.done @!p0 $0x0  }
0x43: {  	[sflag:s0] =	ssyncadd.s32 @!p0 s1  }
0x44: {  	[bflag:$0x3] =	sbarrier.arrive $0xFFFF  }
0x45: {  	_ =	shalt  }

// kernel: kernel.13.cloned.1.call-start
scs
__scs_entry_jumppad:
0x0: {  	(pc) =	sbr.rel $0x88, $3  }
0x1: {  	(tag) =	ssettag $0x0;
	lr =	simm.s32 $0x1  }
0x2: {  	[smem:$0x3F8D] =	sst lr;
	_ =	strace $0xD0000000  }
0x3: {  	_ = 	snop  }
0x4: {  	_ = 	snop  }
0x5: {  	_ = 	snop  }
0x6: {  	_ = 	snop  }
0x7: {  	_ = 	snop  }
__scs_overlays_trampoline_lowered:
0x8: {  	[smem:$0x3F9C] =	sst s0  }
0x9: {  	[smem:$0x3F9D] =	sst s1  }
0xa: {  	[smem:$0x3F9E] =	sst s2  }
0xb: {  	[smem:$0x3F9F] =	sst s3  }
0xc: {  	[smem:$0x3FA0] =	sst s4  }
0xd: {  	[smem:$0x3FA1] =	sst s5  }
0xe: {  	[smem:$0x3FA2] =	sst s6  }
0xf: {  	[smem:$0x3FA3] =	sst s7  }
0x10: {  	[smem:$0x3FA4] =	sst s8  }
0x11: {  	[smem:$0x3FA5] =	sst s9;
	s0 =	simm.s32 @!p0 $0x0  }
0x12: {  	s1 =	sld [smem:$0x3F8B];
	s0 =	simm.s32 @p0 $0x1  }
0x13: {  	[smem:$0x3FA6] =	sst s0;
	s0 =	simm.s32 @!p1 $0x0  }
0x14: {  	s2 =	sld [smem:$0x3F8A];
	s0 =	simm.s32 @p1 $0x1  }
0x15: {  	[smem:$0x3FA7] =	sst s0;
	s0 =	simm.s32 @!p2 $0x0  }
0x16: {  	s3 =	sld [smem:$0x3FDB];
	s0 =	simm.s32 @p2 $0x1  }
0x17: {  	s4 =	simm.s32 $0x1BF5;
	[smem:$0x3FA9] =	sst s0  }
0x18: {  	s0 =	sld [smem:$0x3F8C];
	_ =	swait.ge [sflag:s4], $0x0  }
0x19: {  	s7 =	sld [smem:$0x3F8D]  }
0x1a: {  	s8 =	sadd.s32 $0xFFFFE003, lr  }
0x1b: {  	s9 =	sadd.s32 $0xFFFFFEF7, lr;
	s5 =	simm.s32 $0xFFFFFFFF;
	p2 =	slt.u32 s8, $0xFFFFF086  }
0x1c: {  	p1 =	slt.u32 s9, $0xF7A;
	s5 =	simm.s32 @!p2 $0x0  }
0x1d: {  	s5 =	simm.s32 @p1 $0x1;
	p0 =	seq.s32 s7, s2  }
0x1e: {  	s7 =	smul.u32 @!p0 $0xF7A, s2;
	p2 =	seq.s32 @!p0 s5, $0x0  }
0x1f: {  	s9 =	smul.u32 $0xF7A, s1;
	s8 =	simm.s32 @!p0 $0x1BF5;
	p2 =	por !p2, p0  }
0x20: {  	[sflag:s8] =	ssyncset.s32 @!p0 $0xFFFFF086;
	s6 =	sadd.s32 @!p0 s3, s7;
	s7 =	simm.s32 @!p0 $0x108  }
0x21: {  	s3 =	sadd.s32 s3, s9;
	s6 =	sadd.s32 @!p0 $0x88, s6;
	s7 =	simm.s32 @p2 $0x1082  }
0x22: {  	[simem:s7], [sflag:s8] =	dma.local @!p0 [hbm:s6], $0xF7A  }
0x23: {  	s9 =	sor.u32 $0xD0000000, s2;
	s6 =	simm.s32 $0x108;
	_ =	swait.ge @!p0 [sflag:s8], $0x0  }
0x24: {  	s3 =	sadd.s32 $0x88, s3;
	s6 =	simm.s32 @!p1 $0x1082;
	[sflag:s4] =	ssyncset.s32 $0xFFFFF086  }
0x25: {  	[simem:s6], [sflag:s4] =	dma.local [hbm:s3], $0xF7A  }
0x26: {  	[smem:$0x3F8D] =	sst s1;
	(tag) =	ssettag s2;
	_ =	strace s9  }
0x27: {  	s1 =	sld [smem:$0x3F9D]  }
0x28: {  	s2 =	sld [smem:$0x3F9E]  }
0x29: {  	s4 =	sld [smem:$0x3FA0]  }
0x2a: {  	p0 =	seq.s32 s5, $0x0;
	s5 =	sld [smem:$0x3FA1]  }
0x2b: {  	s6 =	sld [smem:$0x3FA2]  }
0x2c: {  	s7 =	sld [smem:$0x3FA3]  }
0x2d: {  	s3 =	simm.s32 $0x108;
	s8 =	sld [smem:$0x3FA4]  }
0x2e: {  	s3 =	simm.s32 @!p0 $0x1082;
	s9 =	sld [smem:$0x3FA5]  }
0x2f: {  	lr =	sadd.s32 s0, s3;
	s0 =	sld [smem:$0x3F9C]  }
0x30: {  	s3 =	sld [smem:$0x3F9F]  }
0x31: {  	[smem:$0x3FA8] =	sst s10  }
0x32: {  	s10 =	sld [smem:$0x3FA6];
	_ =	sdelay $0x3  }
0x33: {  	p0 =	seq.s32 s10, $0x1;
	s10 =	sld [smem:$0x3FA8];
	_ =	sdelay $0x3  }
0x34: {  	[smem:$0x3FA8] =	sst s10  }
0x35: {  	s10 =	sld [smem:$0x3FA7];
	_ =	sdelay $0x3  }
0x36: {  	p1 =	seq.s32 s10, $0x1;
	s10 =	sld [smem:$0x3FA8];
	_ =	sdelay $0x3  }
0x37: {  	[smem:$0x3FA8] =	sst s10  }
0x38: {  	s10 =	sld [smem:$0x3FA9]  }
0x39: {  	_ = 	snop;
	(pc) =	sbr.ind lr, $3  }
0x3a: {  	_ = 	snop  }
0x3b: {  	_ = 	snop  }
0x3c: {  	p2 =	seq.s32 s10, $0x1;
	s10 =	sld [smem:$0x3FA8]  }
0x3d: {  	_ =	shalt  }
0x3e: {  	_ =	shalt  }
0x3f: {  	_ =	shalt  }
0x40: {  	_ =	shalt  }
0x41: {  	_ =	shalt  }
0x42: {  	_ =	shalt  }
0x43: {  	_ =	shalt  }
0x44: {  	_ =	shalt  }
0x45: {  	_ =	shalt  }
0x46: {  	_ =	shalt  }
0x47: {  	_ =	shalt  }
0x48: {  	_ =	shalt  }
0x49: {  	_ =	shalt  }
0x4a: {  	_ =	shalt  }
0x4b: {  	_ =	shalt  }
0x4c: {  	_ =	shalt  }
0x4d: {  	_ =	shalt  }
0x4e: {  	_ =	shalt  }
0x4f: {  	_ =	shalt  }
0x50: {  	_ =	shalt  }
0x51: {  	_ =	shalt  }
0x52: {  	_ =	shalt  }
0x53: {  	_ =	shalt  }
0x54: {  	_ =	shalt  }
0x55: {  	_ =	shalt  }
0x56: {  	_ =	shalt  }
0x57: {  	_ =	shalt  }
0x58: {  	_ =	shalt  }
0x59: {  	_ =	shalt  }
0x5a: {  	_ =	shalt  }
0x5b: {  	_ =	shalt  }
0x5c: {  	_ =	shalt  }
0x5d: {  	_ =	shalt  }
0x5e: {  	_ =	shalt  }
0x5f: {  	_ =	shalt  }
0x60: {  	_ =	shalt  }
0x61: {  	_ =	shalt  }
0x62: {  	_ =	shalt  }
0x63: {  	_ =	shalt  }
0x64: {  	_ =	shalt  }
0x65: {  	_ =	shalt  }
0x66: {  	_ =	shalt  }
0x67: {  	_ =	shalt  }
0x68: {  	_ =	shalt  }
0x69: {  	_ =	shalt  }
0x6a: {  	_ =	shalt  }
0x6b: {  	_ =	shalt  }
0x6c: {  	_ =	shalt  }
0x6d: {  	_ =	shalt  }
0x6e: {  	_ =	shalt  }
0x6f: {  	_ =	shalt  }
0x70: {  	_ =	shalt  }
0x71: {  	_ =	shalt  }
0x72: {  	_ =	shalt  }
0x73: {  	_ =	shalt  }
0x74: {  	_ =	shalt  }
0x75: {  	_ =	shalt  }
0x76: {  	_ =	shalt  }
0x77: {  	_ =	shalt  }
0x78: {  	_ =	shalt  }
0x79: {  	_ =	shalt  }
0x7a: {  	_ =	shalt  }
0x7b: {  	_ =	shalt  }
0x7c: {  	_ =	shalt  }
0x7d: {  	_ =	shalt  }
0x7e: {  	_ =	shalt  }
0x7f: {  	_ =	shalt  }
0x80: {  	_ =	shalt  }
0x81: {  	_ =	shalt  }
0x82: {  	_ =	shalt  }
0x83: {  	_ =	shalt  }
0x84: {  	_ =	shalt  }
0x85: {  	_ =	shalt  }
0x86: {  	_ =	shalt  }
0x87: {  	_ =	shalt  }
.Lfunc_end0:
.L_simem_size_0:
called_computation.1_lowered:
.L_overlay_start_0:
0x88: {  	s2 =	sld [smem:$0x3FD9]  }
0x89: {  	s3 =	sld [smem:$0x3FFE];
	_ =	sdelay $0x1  }
0x8a: {  	s1 =	srdreg.scid  }
0x8b: {  	s0 =	sand.u32 $0x1, s1  }
0x8c: {  	s16 =	sshll.u32 s0, $0xA;
	s2 =	sadd.s32 s3, s2  }
0x8d: {  	s2 =	sadd.s32 s2, s16  }
0x8e: {  	[smem:$0x3FB4] =	sst s2  }
0x8f: {  	_ = 	snop  }
0x90: {  	(tm) =	ssettm $0x1  }
0x91: {  	s17 =	sld [smem:$0x3FFB];
	_ =	sdelay $0x3  }
0x92: {  	_ =	strace s17  }
0x93: {  	s2 =	sld [smem:$0x3FFC];
	_ =	sdelay $0x3  }
0x94: {  	_ =	strace s2  }
0x95: {  	s2 =	sld [smem:$0x3FFD];
	_ =	sdelay $0x3  }
0x96: {  	_ =	strace s2  }
0x97: {  	_ =	strace $0x8FFFFFFF  }
0x98: {  	s18 =	sld [smem:$0x3FDB];
	_ =	sdelay $0x1  }
0x99: {  	s19 =	simm.s32 $_scs_section_size  }
0x9a: {  	s4 =	simm.s32 $_size__tile_overlayer_lowered;
	s5 =	simm.s32 $_tile_overlayer_lowered  }
0x9b: {  	s22 =	simm.s32 $0x1BFF;
	s21 =	sshll.u32 s5, $0x1;
	s2 =	sadd.s32 s19, s18  }
0x9c: {  	s6 =	simm.s32 $0x0;
	s20 =	sshll.u32 s4, $0x1;
	s4 =	sadd.s32 s21, s2  }
0x9d: {  	[timem:s6], [sflag:s22] =	dma.local [hbm:s4], s20  }
0x9e: {  	_ =	swait.ge [sflag:s22], s20  }
0x9f: {  	s3 =	ssub.s32 $0x0, s20;
	[sflag:s22] =	ssyncset.done $0x0  }
0xa0: {  	[sflag:s22] =	ssyncadd.s32 s3;
	_ =	sdelay $0x1  }
0xa1: {  	s23 =	simm.s32 $0x1B8B  }
0xa2: {  	_ =	swait.ge [sflag:s23], $0x1  }
0xa3: {  	[sflag:s23] =	ssyncset.done $0x0  }
0xa4: {  	s25 =	simm.s32 $0x1B8E;
	s24 =	sld [smem:$0x3FFE];
	[sflag:s23] =	ssyncadd.s32 $0xFFFFFFFF  }
0xa5: {  	s26 =	simm.s32 $execute0_lowered;
	[smem:$0x3FD2] =	sst s25  }
0xa6: {  	s4 =	sshll.u32 s26, $0x1;
	_ =	strace $0x80000049;
	[dreg:$0x1] =	wrdreg $0xFFFFFFFF  }
0xa7: {  	s28 =	simm.s32 $_size_execute0_lowered;
	s2 =	sadd.s32 s2, s4;
	[dreg:$0x0] =	wrdreg $0x0  }
0xa8: {  	s4 =	sshll.u32 s28, $0x1;
	[dreg:$0x2] =	wrdreg s2  }
0xa9: {  	[dreg:$0x3] =	wrdreg s4  }
0xaa: {  	[dreg:$0x4] =	wrdreg $0xC0  }
0xab: {  	_ =	task [dreg:s6], $0x5FFFF  }
0xac: {  	[dreg:$0x1] =	wrdreg $0xFFFFFFFF  }
0xad: {  	[dreg:$0x0] =	wrdreg $0x60  }
0xae: {  	[dreg:$0x2] =	wrdreg s24  }
0xaf: {  	[dreg:$0x3] =	wrdreg $0x84000  }
0xb0: {  	[dreg:$0x4] =	wrdreg $0x9  }
0xb1: {  	_ =	task.clear_ibuf [dreg:s6], $0x5FFFF;
	_ =	strace $0x90000049  }
0xb2: {  	s29 =	simm.s32 $0x9;
	_ =	strace $0x8000004B  }
0xb3: {  	_ =	swait.ge [sflag:s29], $0x1  }
0xb4: {  	[sflag:s29] =	ssyncadd.s32 $0xFFFFFFFF  }
0xb5: {  	_ =	strace $0x9000004B  }
0xb6: {  	_ =	sfence  }
0xb7: {  	s30 =	sld [smem:$0x0];
	_ =	sdelay $0x2  }
0xb8: {  	s31 =	sshll.u32 s1, $0xD;
	s1 =	sshrl.u32 s1, $0x2  }
0xb9: {  	s3 =	sand.u32 $0x4000, s31;
	s1 =	sadd.s32 s1, s30  }
0xba: {  	s0 =	sor.u32 s3, s0;
	s1 =	sshll.u32 s1, $0x11  }
0xbb: {  	s0 =	sor.u32 s1, s0  }
0xbc: {  	s0 =	sadd.s32 $0x8F2B, s0  }
0xbd: {  	[sflag:s0] =	ssyncadd.remote.s32 $0x1  }
0xbe: {  	_ =	sfence.sel $0xFFFF  }
0xbf: {  	[dreg:$0x0] =	wrdreg $0xFFFFFFFF;
	(pc) =	sbr.abs _section_cstart, $3  }
0xc0: {  	[dreg:$0x1] =	wrdreg $0xFFFFFFFF  }
0xc1: {  	_ =	task.clear_ibuf [dreg:s6], $0x2FFFF;
	_ =	strace $0x9FFFFFFF  }
0xc2: {  	(tm) =	ssettm $0x7FFFFFFF  }
0xc3: {  	_ =	shalt  }
tec
execute0_lowered:
.L_overlay_start_1:
0x0: {  	(tag) =	ssettag $0x1  }
0x1: {  	s0 =	rddreg [dreg:$0x0]  }
0x2: {  	s1 =	rddreg [dreg:$0x1]  }
0x3: {  	s2 =	simm.s32 $0x0;
	s3 =	srdreg.scid;
	s11 =	stileid.u32  }
0x4: {  	s29 =	simm.s32 $0x200;
	s30 =	simm.s32 $0x80;
	s31 =	simm.s32 $0x280  }
0x5: {  	[smem:$0x7FF] =	sst s2;
	s4 =	sadd.s32 $0x1A400, s0;
	s5 =	sadd.s32 $0x10400, s0  }
0x6: {  	s6 =	sadd.s32 $0x6400, s0;
	s7 =	sadd.s32 $0x68800, s0;
	s20 =	smul.u32 $0x4F000, s11  }
0x7: {  	s3 =	sand.u32 $0x1, s3;
	s0 =	sadd.s32 $0x69000, s0;
	s9 =	smul.u32 $0xA, s11  }
0x8: {  	s14 =	smul.u32 $0x13C00, s11;
	_ =	strace $0x8000004A;
	s8 =	ssub.s32 $0x2, s3  }
0x9: {  	[dreg:$0x3] =	wrdreg s7;
	s10 =	sshrl.u32 s8, $0x1;
	s7 =	sshrl.u32 s20, $0x2  }
0xa: {  	s9 =	sor.u32 s3, s9;
	s21 =	sadd.s32 $0x4000, s14;
	s22 =	sadd.s32 $0x8000, s14  }
0xb: {  	s15 =	sadd.s32 $0xC000, s14;
	s16 =	sadd.s32 $0x10000, s14;
	s3 =	smul.u32 $0x13C000, s3  }
0xc: {  	s8 =	ssub.s32 s8, s10;
	s11 =	sadd.s32 s7, s1;
	s9 =	smul.u32 $0x2800, s9  }
0xd: {  	s12 =	sadd.s32 s21, s1;
	s13 =	sadd.s32 s22, s1;
	[dreg:$0x4] =	wrdreg s11  }
0xe: {  	s23 =	sadd.s32 s15, s1;
	s24 =	sadd.s32 s16, s1;
	[dreg:$0x5] =	wrdreg s12  }
0xf: {  	s14 =	sadd.s32 s14, s3;
	s7 =	sadd.s32 s3, s21;
	[dreg:$0x6] =	wrdreg s13  }
0x10: {  	s10 =	sadd.s32 s3, s22;
	s15 =	sadd.s32 s3, s15;
	[dreg:$0x7] =	wrdreg s23  }
0x11: {  	s3 =	sadd.s32 s3, s16;
	s16 =	simm.s32 $0x380;
	[dreg:$0x8] =	wrdreg s24  }
0x12: {  	s17 =	sshrl.u32 s9, $0x3;
	s14 =	sshrl.u32 s14, $0x3;
	s7 =	sshrl.u32 s7, $0x3  }
0x13: {  	s21 =	sshrl.u32 s10, $0x3;
	s22 =	sshrl.u32 s15, $0x3;
	s3 =	sshrl.u32 s3, $0x3  }
0x14: {  	s15 =	simm.s32 $0x180;
	s10 =	simm.s32 $0x0;
	s18 =	sadd.s32 s5, s17  }
0x15: {  	s25 =	sadd.s32 s6, s17;
	s26 =	sor.u32 $0x10, s17;
	[dreg:$0x9] =	wrdreg s18  }
0x16: {  	s20 =	sor.u32 $0x20, s17;
	s14 =	sadd.s32 s0, s14;
	[dreg:$0xa] =	wrdreg s25  }
0x17: {  	s7 =	sadd.s32 s0, s7;
	s17 =	simm.s32 $0x5;
	[dreg:$0xd] =	wrdreg s14  }
0x18: {  	s28 =	sadd.s32 s5, s26;
	s19 =	sadd.s32 s6, s26;
	[dreg:$0xe] =	wrdreg s7  }
0x19: {  	s7 =	sadd.s32 s0, s21;
	s25 =	sadd.s32 s5, s20;
	[dreg:$0xb] =	wrdreg s28  }
0x1a: {  	s26 =	sadd.s32 s6, s20;
	s14 =	simm.s32 $0x4400;
	[dreg:$0xc] =	wrdreg s19  }
0x1b: {  	s18 =	simm.s32 $0x3;
	s20 =	simm.s32 $0x6;
	[dreg:$0xf] =	wrdreg s7  }
0x1c: {  	s21 =	simm.s32 $0x4;
	s7 =	sadd.s32 s0, s22;
	[dreg:$0x12] =	wrdreg s25  }
0x1d: {  	s0 =	sadd.s32 s0, s3;
	[dreg:$0x13] =	wrdreg s26;
	s28 =	smax.u32 s8, $0x1  }
0x1e: {  	s26 =	simm.s32 $0x400;
	s8 =	simm.s32 $0x9;
	[dreg:$0x10] =	wrdreg s7  }
0x1f: {  	s19 =	simm.s32 $0x7;
	s22 =	simm.s32 $0x8;
	[dreg:$0x11] =	wrdreg s0  }
0x20: {  	[dreg:$0x14] =	wrdreg s28;
	s0 =	simm.s32 $0x100;
	s7 =	simm.s32 $0x2  }
.LBB2_1:
0x21: {  	[dreg:$0x15] =	wrdreg s10  }
0x22: {  	s3 =	rddreg [dreg:$0x3]  }
0x23: {  	[tilespmem:s26], [sflag:$0x9] =	stream.linear.gather [hbm4b:s3+s2], $0x4000, $0x38;
	[tilespmem:$0x1C000] =	vst v63  }
0x24: {  	_ =	swait.ge [sflag:s8], $0x4000  }
0x25: {  	[sflag:s8] =	ssyncset.done $0x0  }
0x26: {  	[sflag:s8] =	ssyncadd.s32 $0xFFFFC000  }
0x27: {  	[spmem:s11] =	stream.linear.scatter [tilespmem:s26], [sflag:$0x9], $0x4000, $0x38;
	[tilespmem:$0x1C000] =	vst v63  }
0x28: {  	_ =	swait.ge [sflag:s8], $0x4000  }
0x29: {  	[sflag:s8] =	ssyncset.done $0x0  }
0x2a: {  	[sflag:s8] =	ssyncadd.s32 $0xFFFFC000  }
0x2b: {  	[spmem:s12] =	stream.linear.scatter [tilespmem:s26], [sflag:$0x9], $0x4000, $0x38;
	[tilespmem:$0x1C000] =	vst v63  }
0x2c: {  	_ =	swait.ge [sflag:s8], $0x4000  }
0x2d: {  	[sflag:s8] =	ssyncset.done $0x0  }
0x2e: {  	[sflag:s8] =	ssyncadd.s32 $0xFFFFC000  }
0x2f: {  	[spmem:s13] =	stream.linear.scatter [tilespmem:s26], [sflag:$0x9], $0x4000, $0x38;
	[tilespmem:$0x1C000] =	vst v63  }
0x30: {  	_ =	swait.ge [sflag:s8], $0x4000  }
0x31: {  	[sflag:s8] =	ssyncset.done $0x0  }
0x32: {  	[sflag:s8] =	ssyncadd.s32 $0xFFFFC000  }
0x33: {  	[spmem:s23] =	stream.linear.scatter [tilespmem:s26], [sflag:$0x9], $0x4000, $0x38;
	[tilespmem:$0x1C000] =	vst v63  }
0x34: {  	_ =	swait.ge [sflag:s8], $0x4000  }
0x35: {  	[sflag:s8] =	ssyncset.done $0x0  }
0x36: {  	[sflag:s8] =	ssyncadd.s32 $0xFFFFC000  }
0x37: {  	[spmem:s24] =	stream.linear.scatter [tilespmem:s26], [sflag:$0x9], $0x3C00, $0x38;
	[tilespmem:$0x1C000] =	vst v63  }
0x38: {  	_ =	swait.ge [sflag:s8], $0x3C00  }
0x39: {  	[sflag:s8] =	ssyncset.done $0x0  }
0x3a: {  	[sflag:s8] =	ssyncadd.s32 $0xFFFFC400  }
0x3b: {  	[bflag:$0x0] =	sbarrier.arrive $0xFFFF  }
0x3c: {  	s23 =	rddreg [dreg:$0x9]  }
0x3d: {  	[tilespmem:s2], [sflag:$0x1] =	stream.linear.gather [hbm4b:s23+s2], $0x80, $0x38;
	[tilespmem:$0x1C000] =	vst v63  }
0x3e: {  	s24 =	rddreg [dreg:$0xa]  }
0x3f: {  	[tilespmem:s29], [sflag:$0x1] =	stream.linear.gather [hbm4b:s24+s2], $0x80, $0x38;
	[tilespmem:$0x1C000] =	vst v63  }
0x40: {  	s25 =	rddreg [dreg:$0xb]  }
0x41: {  	[tilespmem:s30], [sflag:$0x2] =	stream.linear.gather [hbm4b:s25+s2], $0x80, $0x38;
	[tilespmem:$0x1C000] =	vst v63  }
0x42: {  	s28 =	rddreg [dreg:$0xc]  }
0x43: {  	[tilespmem:s31], [sflag:$0x2] =	stream.linear.gather [hbm4b:s28+s2], $0x80, $0x38;
	[tilespmem:$0x1C000] =	vst v63  }
0x44: {  	s8 =	rddreg [dreg:$0x12]  }
0x45: {  	[tilespmem:s0], [sflag:$0x3] =	stream.linear.gather [hbm4b:s8+s2], $0x80, $0x38;
	[tilespmem:$0x1C000] =	vst v63  }
0x46: {  	s11 =	simm.s32 $0x300;
	s12 =	simm.s32 $0x1;
	s10 =	rddreg [dreg:$0x13]  }
0x47: {  	[tilespmem:s11], [sflag:$0x3] =	stream.linear.gather [hbm4b:s10+s2], $0x80, $0x38;
	[tilespmem:$0x1C000] =	vst v63  }
0x48: {  	_ =	swait.ge [sflag:s12], $0x80  }
0x49: {  	[sflag:s12] =	ssyncset.done $0x0  }
0x4a: {  	[sflag:s12] =	ssyncadd.s32 $0xFFFFFF80  }
0x4b: {  	_ =	swait.ge [sflag:s12], $0x80  }
0x4c: {  	[sflag:s12] =	ssyncset.done $0x0  }
0x4d: {  	[sflag:s12] =	ssyncadd.s32 $0xFFFFFF80  }
0x4e: {  	[tilespmem:s26], [sflag:$0x5] =	stream.indirect.gather [hbm4b:s4+s30], $0x80, s2, s30, $0xb8;
	[tilespmem:$0x1C000] =	vst v63  }
0x4f: {  	_ =	swait.ge [sflag:s7], $0x80  }
0x50: {  	[sflag:s7] =	ssyncset.done $0x0  }
0x51: {  	[sflag:s7] =	ssyncadd.s32 $0xFFFFFF80  }
0x52: {  	p0 =	por $0x1, $0x1;
	_ =	swait.ge [sflag:s7], $0x80  }
0x53: {  	s13 =	sand.u32 $0x3C00, s2;
	s23 =	sand.u32 $0x200, s2;
	[sflag:s7] =	ssyncset.done $0x0  }
0x54: {  	s8 =	simm.s32 @!p0 $0x8;
	s10 =	sadd.s32 s9, s13;
	[sflag:s7] =	ssyncadd.s32 $0xFFFFFF80  }
0x55: {  	s10 =	sor.u32 s10, s23;
	_ =	swait.ge @!p0 [sflag:s8], $0x4000  }
0x56: {  	s10 =	sor.u32 $0x180, s10;
	[sflag:s8] =	ssyncset.done @!p0 $0x0  }
0x57: {  	s10 =	sshrl.u32 s10, $0x3;
	[sflag:s8] =	ssyncadd.s32 @!p0 $0xFFFFC000  }
0x58: {  	[tilespmem:s14], [sflag:$0x6] =	stream.indirect.gather [hbm4b:s4+s30], $0x80, s30, s30, $0xb8;
	[tilespmem:$0x1C000] =	vst v63  }
0x59: {  	s25 =	sadd.s32 s5, s10  }
0x5a: {  	[tilespmem:s15], [sflag:$0x4] =	stream.linear.gather [hbm4b:s25+s2], $0x80, $0x38;
	[tilespmem:$0x1C000] =	vst v63  }
0x5b: {  	s28 =	sadd.s32 s6, s10  }
0x5c: {  	[tilespmem:s16], [sflag:$0x4] =	stream.linear.gather [hbm4b:s28+s2], $0x80, $0x38;
	[tilespmem:$0x1C000] =	vst v63  }
0x5d: {  	_ =	swait.ge [sflag:s17], $0x4000  }
0x5e: {  	[sflag:s17] =	ssyncset.done $0x0  }
0x5f: {  	[sflag:s17] =	ssyncadd.s32 $0xFFFFC000  }
0x60: {  	[spmem:s1] =	stream.indirect.scatter.add.f32 [tilespmem:s26], [sflag:$0x7], $0x80, s29, s30, $0xb8;
	[tilespmem:$0x1C000] =	vst v63  }
0x61: {  	_ =	swait.ge [sflag:s18], $0x80  }
0x62: {  	[sflag:s18] =	ssyncset.done $0x0  }
0x63: {  	[sflag:s18] =	ssyncadd.s32 $0xFFFFFF80  }
0x64: {  	p0 =	por $0x0, $0x0;
	_ =	swait.ge [sflag:s18], $0x80  }
0x65: {  	s8 =	simm.s32 @!p0 $0x200;
	[sflag:s18] =	ssyncset.done $0x0  }
0x66: {  	s10 =	sand.u32 @!p0 $0x7C00, s8;
	[sflag:s18] =	ssyncadd.s32 $0xFFFFFF80  }
0x67: {  	s8 =	sand.u32 @!p0 $0x200, s8;
	s10 =	sadd.s32 @!p0 s9, s10;
	_ =	swait.ge [sflag:s19], $0x4000  }
0x68: {  	s8 =	sor.u32 @!p0 s8, s10;
	[sflag:s19] =	ssyncset.done $0x0  }
0x69: {  	s10 =	sshrl.u32 @!p0 s8, $0x3;
	[sflag:s19] =	ssyncadd.s32 $0xFFFFC000  }
0x6a: {  	[tilespmem:s26], [sflag:$0x5] =	stream.indirect.gather [hbm4b:s4+s30], $0x80, s0, s30, $0xb8;
	[tilespmem:$0x1C000] =	vst v63  }
0x6b: {  	s8 =	simm.s32 @!p0 $0x0;
	s24 =	sadd.s32 @!p0 s5, s10  }
0x6c: {  	[tilespmem:s8], [sflag:$0x1] =	stream.linear.gather @!p0 [hbm4b:s24+s8], $0x80, $0x38;
	[tilespmem:$0x1C000] =	vst v63  }
0x6d: {  	s10 =	sadd.s32 @!p0 s6, s10;
	s24 =	simm.s32 @!p0 $0x200  }
0x6e: {  	[tilespmem:s24], [sflag:$0x1] =	stream.linear.gather @!p0 [hbm4b:s10+s8], $0x80, $0x38;
	[tilespmem:$0x1C000] =	vst v63  }
0x6f: {  	_ =	swait.ge [sflag:s20], $0x4000  }
0x70: {  	[sflag:s20] =	ssyncset.done $0x0  }
0x71: {  	[sflag:s20] =	ssyncadd.s32 $0xFFFFC000  }
0x72: {  	[spmem:s1] =	stream.indirect.scatter.add.f32 [tilespmem:s14], [sflag:$0x8], $0x80, s31, s30, $0xb8;
	[tilespmem:$0x1C000] =	vst v63  }
0x73: {  	_ =	swait.ge [sflag:s21], $0x80  }
0x74: {  	[sflag:s21] =	ssyncset.done $0x0  }
0x75: {  	[sflag:s21] =	ssyncadd.s32 $0xFFFFFF80  }
0x76: {  	_ =	swait.ge [sflag:s21], $0x80  }
0x77: {  	[sflag:s21] =	ssyncset.done $0x0  }
0x78: {  	[sflag:s21] =	ssyncadd.s32 $0xFFFFFF80  }
0x79: {  	_ =	swait.ge [sflag:s22], $0x4000  }
0x7a: {  	s11 =	simm.s32 @p0 $0x80;
	s10 =	simm.s32 @!p0 $0x280;
	[sflag:s22] =	ssyncset.done $0x0  }
0x7b: {  	s25 =	simm.s32 @p0 $0x5;
	s24 =	sand.u32 @!p0 $0x7C00, s10;
	[sflag:s22] =	ssyncadd.s32 $0xFFFFC000  }
0x7c: {  	[tilespmem:s14], [sflag:$0x6] =	stream.indirect.gather [hbm4b:s4+s30], $0x80, s15, s30, $0xb8;
	[tilespmem:$0x1C000] =	vst v63  }
0x7d: {  	s10 =	sand.u32 @!p0 $0x280, s10;
	s24 =	sadd.s32 @!p0 s9, s24;
	_ =	swait.ge @p0 [sflag:s25], $0x4000  }
0x7e: {  	s12 =	simm.s32 @p0 $0x300;
	s10 =	sor.u32 @!p0 s10, s24;
	[sflag:s25] =	ssyncset.done @p0 $0x0  }
0x7f: {  	s24 =	simm.s32 @p0 $0x400;
	s10 =	sshrl.u32 @!p0 s10, $0x3;
	[sflag:s25] =	ssyncadd.s32 @p0 $0xFFFFC000  }
0x80: {  	[spmem:s1] =	stream.indirect.scatter.add.f32 @p0 [tilespmem:s24], [sflag:$0x7], $0x80, s12, s11, $0xb8;
	[tilespmem:$0x1C000] =	vst v63  }
0x81: {  	s11 =	sadd.s32 @!p0 s5, s10;
	s12 =	simm.s32 @!p0 $0x80  }
0x82: {  	[tilespmem:s12], [sflag:$0x2] =	stream.linear.gather @!p0 [hbm4b:s11+s8], $0x80, $0x38;
	[tilespmem:$0x1C000] =	vst v63  }
0x83: {  	s10 =	sadd.s32 @!p0 s6, s10;
	s24 =	simm.s32 @!p0 $0x5;
	s11 =	simm.s32 @!p0 $0x280  }
0x84: {  	[tilespmem:s11], [sflag:$0x2] =	stream.linear.gather @!p0 [hbm4b:s10+s8], $0x80, $0x38;
	[tilespmem:$0x1C000] =	vst v63  }
0x85: {  	_ =	swait.ge @!p0 [sflag:s24], $0x4000  }
0x86: {  	s25 =	simm.s32 @!p0 $0x1;
	[sflag:s24] =	ssyncset.done @!p0 $0x0  }
0x87: {  	s10 =	simm.s32 @!p0 $0x300;
	s11 =	simm.s32 @!p0 $0x400;
	[sflag:s24] =	ssyncadd.s32 @!p0 $0xFFFFC000  }
0x88: {  	[spmem:s1] =	stream.indirect.scatter.add.f32 @!p0 [tilespmem:s11], [sflag:$0x7], $0x80, s10, s12, $0xb8;
	[tilespmem:$0x1C000] =	vst v63  }
0x89: {  	_ =	swait.ge @!p0 [sflag:s25], $0x80  }
0x8a: {  	[sflag:s25] =	ssyncset.done @!p0 $0x0  }
0x8b: {  	[sflag:s25] =	ssyncadd.s32 @!p0 $0xFFFFFF80  }
0x8c: {  	_ =	swait.ge @!p0 [sflag:s25], $0x80  }
0x8d: {  	s24 =	simm.s32 @!p0 $0x300;
	[sflag:s25] =	ssyncset.done @!p0 $0x0  }
0x8e: {  	s13 =	sand.u32 @!p0 $0x7C00, s24;
	[sflag:s25] =	ssyncadd.s32 @!p0 $0xFFFFFF80;
	s25 =	simm.s32 @!p0 $0x7  }
0x8f: {  	s24 =	sand.u32 @!p0 $0x300, s24;
	s13 =	sadd.s32 @!p0 s9, s13;
	_ =	swait.ge @!p0 [sflag:s25], $0x4000  }
0x90: {  	s13 =	sor.u32 @!p0 s24, s13;
	[sflag:s25] =	ssyncset.done @!p0 $0x0  }
0x91: {  	s13 =	sshrl.u32 @!p0 s13, $0x3;
	[sflag:s25] =	ssyncadd.s32 @!p0 $0xFFFFC000  }
0x92: {  	[tilespmem:s11], [sflag:$0x5] =	stream.indirect.gather @!p0 [hbm4b:s4+s12], $0x80, s8, s12, $0xb8;
	[tilespmem:$0x1C000] =	vst v63  }
0x93: {  	s11 =	sadd.s32 @!p0 s5, s13;
	s12 =	simm.s32 @!p0 $0x100  }
0x94: {  	[tilespmem:s12], [sflag:$0x3] =	stream.linear.gather @!p0 [hbm4b:s11+s8], $0x80, $0x38;
	[tilespmem:$0x1C000] =	vst v63  }
0x95: {  	s24 =	simm.s32 $0x200;
	s11 =	sadd.s32 @!p0 s6, s13  }
0x96: {  	[tilespmem:s10], [sflag:$0x3] =	stream.linear.gather @!p0 [hbm4b:s11+s8], $0x80, $0x38;
	[tilespmem:$0x1C000] =	vst v63  }
.LBB2_2:
0x97: {  	_ =	swait.ge [sflag:s20], $0x4000;
	s8 =	smov.u32 s24;
	s24 =	sadd.s32 $0x200, s24  }
0x98: {  	p0 =	sne.s32 s24, $0x2800;
	[sflag:s20] =	ssyncset.done $0x0  }
0x99: {  	[sflag:s20] =	ssyncadd.s32 $0xFFFFC000  }
0x9a: {  	[spmem:s1] =	stream.indirect.scatter.add.f32 [tilespmem:s14], [sflag:$0x8], $0x80, s16, s30, $0xb8;
	[tilespmem:$0x1C000] =	vst v63  }
0x9b: {  	_ =	swait.ge [sflag:s7], $0x80  }
0x9c: {  	[sflag:s7] =	ssyncset.done $0x0  }
0x9d: {  	p1 =	seq.s32 s8, $0x0;
	[sflag:s7] =	ssyncadd.s32 $0xFFFFFF80  }
0x9e: {  	s11 =	sand.u32 $0x3C00, s8;
	s10 =	simm.s32 @!p1 $0x8;
	_ =	swait.ge [sflag:s7], $0x80  }
0x9f: {  	s12 =	sand.u32 $0x200, s8;
	s11 =	sadd.s32 s9, s11;
	[sflag:s7] =	ssyncset.done $0x0  }
0xa0: {  	s11 =	sor.u32 s11, s12;
	[sflag:s7] =	ssyncadd.s32 $0xFFFFFF80  }
0xa1: {  	s11 =	sor.u32 $0x180, s11;
	_ =	swait.ge @!p1 [sflag:s10], $0x4000  }
0xa2: {  	s11 =	sshrl.u32 s11, $0x3;
	[sflag:s10] =	ssyncset.done @!p1 $0x0  }
0xa3: {  	[sflag:s10] =	ssyncadd.s32 @!p1 $0xFFFFC000  }
0xa4: {  	s10 =	sadd.s32 s5, s11;
	s11 =	sadd.s32 s6, s11  }
0xa5: {  	[tilespmem:s14], [sflag:$0x6] =	stream.indirect.gather [hbm4b:s4+s30], $0x80, s30, s30, $0xb8;
	[tilespmem:$0x1C000] =	vst v63  }
0xa6: {  	_ = 	snop  }
0xa7: {  	[tilespmem:s15], [sflag:$0x4] =	stream.linear.gather [hbm4b:s10+s2], $0x80, $0x38;
	[tilespmem:$0x1C000] =	vst v63  }
0xa8: {  	_ = 	snop  }
0xa9: {  	[tilespmem:s16], [sflag:$0x4] =	stream.linear.gather [hbm4b:s11+s2], $0x80, $0x38;
	[tilespmem:$0x1C000] =	vst v63  }
0xaa: {  	_ =	swait.ge [sflag:s17], $0x4000  }
0xab: {  	[sflag:s17] =	ssyncset.done $0x0  }
0xac: {  	[sflag:s17] =	ssyncadd.s32 $0xFFFFC000  }
0xad: {  	[spmem:s1] =	stream.indirect.scatter.add.f32 [tilespmem:s26], [sflag:$0x7], $0x80, s29, s30, $0xb8;
	[tilespmem:$0x1C000] =	vst v63  }
0xae: {  	_ =	swait.ge [sflag:s18], $0x80  }
0xaf: {  	p1 =	seq.s32 s8, $0x2600;
	[sflag:s18] =	ssyncset.done $0x0  }
0xb0: {  	s10 =	sadd.s32 @!p1 $0x200, s8;
	s11 =	sadd.s32 @!p1 $0x280, s8;
	[sflag:s18] =	ssyncadd.s32 $0xFFFFFF80  }
0xb1: {  	s12 =	sand.u32 @!p1 $0x7C00, s10;
	s13 =	sand.u32 @!p1 $0x7C00, s11;
	_ =	swait.ge [sflag:s18], $0x80  }
0xb2: {  	s12 =	sadd.s32 @!p1 s9, s12;
	s13 =	sadd.s32 @!p1 s9, s13;
	[sflag:s18] =	ssyncset.done $0x0  }
0xb3: {  	s10 =	sand.u32 @!p1 $0x200, s10;
	s11 =	sand.u32 @!p1 $0x280, s11;
	[sflag:s18] =	ssyncadd.s32 $0xFFFFFF80  }
0xb4: {  	s25 =	simm.s32 @!p1 $0x0;
	s10 =	sor.u32 @!p1 s10, s12;
	_ =	swait.ge [sflag:s19], $0x4000  }
0xb5: {  	s8 =	sadd.s32 @!p1 $0x300, s8;
	s10 =	sshrl.u32 @!p1 s10, $0x3;
	[sflag:s19] =	ssyncset.done $0x0  }
0xb6: {  	s12 =	sadd.s32 @!p1 s5, s10;
	s10 =	sadd.s32 @!p1 s6, s10;
	[sflag:s19] =	ssyncadd.s32 $0xFFFFC000  }
0xb7: {  	[tilespmem:s26], [sflag:$0x5] =	stream.indirect.gather [hbm4b:s4+s30], $0x80, s0, s30, $0xb8;
	[tilespmem:$0x1C000] =	vst v63  }
0xb8: {  	s3 =	simm.s32 @!p1 $0x200;
	s11 =	sor.u32 @!p1 s11, s13;
	s13 =	sand.u32 @!p1 $0x7C00, s8  }
0xb9: {  	[tilespmem:s25], [sflag:$0x1] =	stream.linear.gather @!p1 [hbm4b:s12+s25], $0x80, $0x38;
	[tilespmem:$0x1C000] =	vst v63  }
0xba: {  	s8 =	sand.u32 @!p1 $0x300, s8;
	s11 =	sshrl.u32 @!p1 s11, $0x3;
	s12 =	sadd.s32 @!p1 s9, s13  }
0xbb: {  	[tilespmem:s3], [sflag:$0x1] =	stream.linear.gather @!p1 [hbm4b:s10+s25], $0x80, $0x38;
	[tilespmem:$0x1C000] =	vst v63  }
0xbc: {  	s3 =	sadd.s32 @!p1 s5, s11;
	s11 =	sadd.s32 @!p1 s6, s11;
	_ =	swait.ge [sflag:s20], $0x4000  }
0xbd: {  	s8 =	sor.u32 @!p1 s8, s12;
	[sflag:s20] =	ssyncset.done $0x0  }
0xbe: {  	s8 =	sshrl.u32 @!p1 s8, $0x3;
	[sflag:s20] =	ssyncadd.s32 $0xFFFFC000  }
0xbf: {  	[spmem:s1] =	stream.indirect.scatter.add.f32 [tilespmem:s14], [sflag:$0x8], $0x80, s31, s30, $0xb8;
	[tilespmem:$0x1C000] =	vst v63  }
0xc0: {  	s10 =	sadd.s32 @!p1 s5, s8;
	s8 =	sadd.s32 @!p1 s6, s8;
	_ =	swait.ge [sflag:s21], $0x80  }
0xc1: {  	[sflag:s21] =	ssyncset.done $0x0  }
0xc2: {  	[sflag:s21] =	ssyncadd.s32 $0xFFFFFF80  }
0xc3: {  	_ =	swait.ge [sflag:s21], $0x80  }
0xc4: {  	[sflag:s21] =	ssyncset.done $0x0  }
0xc5: {  	[sflag:s21] =	ssyncadd.s32 $0xFFFFFF80  }
0xc6: {  	s12 =	simm.s32 @p1 $0x5;
	_ =	swait.ge [sflag:s22], $0x4000  }
0xc7: {  	[sflag:s22] =	ssyncset.done $0x0  }
0xc8: {  	s13 =	simm.s32 @p1 $0x400;
	[sflag:s22] =	ssyncadd.s32 $0xFFFFC000  }
0xc9: {  	[tilespmem:s14], [sflag:$0x6] =	stream.indirect.gather [hbm4b:s4+s30], $0x80, s15, s30, $0xb8;
	[tilespmem:$0x1C000] =	vst v63  }
0xca: {  	s23 =	simm.s32 @p1 $0x80;
	s28 =	simm.s32 @p1 $0x300;
	_ =	swait.ge @p1 [sflag:s12], $0x4000  }
0xcb: {  	[sflag:s12] =	ssyncset.done @p1 $0x0  }
0xcc: {  	[sflag:s12] =	ssyncadd.s32 @p1 $0xFFFFC000;
	s12 =	simm.s32 @!p1 $0x80  }
0xcd: {  	[spmem:s1] =	stream.indirect.scatter.add.f32 @p1 [tilespmem:s13], [sflag:$0x7], $0x80, s28, s23, $0xb8;
	[tilespmem:$0x1C000] =	vst v63  }
0xce: {  	s13 =	simm.s32 @!p1 $0x280;
	s23 =	simm.s32 @!p1 $0x5  }
0xcf: {  	[tilespmem:s12], [sflag:$0x2] =	stream.linear.gather @!p1 [hbm4b:s3+s25], $0x80, $0x38;
	[tilespmem:$0x1C000] =	vst v63  }
0xd0: {  	_ = 	snop  }
0xd1: {  	[tilespmem:s13], [sflag:$0x2] =	stream.linear.gather @!p1 [hbm4b:s11+s25], $0x80, $0x38;
	[tilespmem:$0x1C000] =	vst v63  }
0xd2: {  	s3 =	simm.s32 @!p1 $0x300;
	s11 =	simm.s32 @!p1 $0x400;
	_ =	swait.ge @!p1 [sflag:s23], $0x4000  }
0xd3: {  	s13 =	simm.s32 @!p1 $0x1;
	[sflag:s23] =	ssyncset.done @!p1 $0x0  }
0xd4: {  	[sflag:s23] =	ssyncadd.s32 @!p1 $0xFFFFC000  }
0xd5: {  	[spmem:s1] =	stream.indirect.scatter.add.f32 @!p1 [tilespmem:s11], [sflag:$0x7], $0x80, s3, s12, $0xb8;
	[tilespmem:$0x1C000] =	vst v63  }
0xd6: {  	_ =	swait.ge @!p1 [sflag:s13], $0x80  }
0xd7: {  	[sflag:s13] =	ssyncset.done @!p1 $0x0  }
0xd8: {  	[sflag:s13] =	ssyncadd.s32 @!p1 $0xFFFFFF80  }
0xd9: {  	s23 =	simm.s32 @!p1 $0x7;
	_ =	swait.ge @!p1 [sflag:s13], $0x80  }
0xda: {  	[sflag:s13] =	ssyncset.done @!p1 $0x0  }
0xdb: {  	[sflag:s13] =	ssyncadd.s32 @!p1 $0xFFFFFF80  }
0xdc: {  	_ =	swait.ge @!p1 [sflag:s23], $0x4000  }
0xdd: {  	[sflag:s23] =	ssyncset.done @!p1 $0x0  }
0xde: {  	s13 =	simm.s32 @!p1 $0x100;
	[sflag:s23] =	ssyncadd.s32 @!p1 $0xFFFFC000  }
0xdf: {  	[tilespmem:s11], [sflag:$0x5] =	stream.indirect.gather @!p1 [hbm4b:s4+s12], $0x80, s25, s12, $0xb8;
	[tilespmem:$0x1C000] =	vst v63  }
.Ltmp0:
0xe0: {  	_ = 	snop;
	(pc) =	sbr.rel @p0 .LBB2_2-.Ltmp0, $4  }
0xe1: {  	_ = 	snop  }
0xe2: {  	[tilespmem:s13], [sflag:$0x3] =	stream.linear.gather @!p1 [hbm4b:s10+s25], $0x80, $0x38;
	[tilespmem:$0x1C000] =	vst v63  }
0xe3: {  	_ = 	snop  }
0xe4: {  	[tilespmem:s3], [sflag:$0x3] =	stream.linear.gather @!p1 [hbm4b:s8+s25], $0x80, $0x38;
	[tilespmem:$0x1C000] =	vst v63  }
0xe5: {  	_ =	swait.ge [sflag:s20], $0x4000  }
0xe6: {  	[sflag:s20] =	ssyncset.done $0x0  }
0xe7: {  	[sflag:s20] =	ssyncadd.s32 $0xFFFFC000  }
0xe8: {  	[spmem:s1] =	stream.indirect.scatter.add.f32 [tilespmem:s14], [sflag:$0x8], $0x80, s16, s30, $0xb8;
	[tilespmem:$0x1C000] =	vst v63  }
0xe9: {  	_ =	swait.ge [sflag:s19], $0x4000  }
0xea: {  	[sflag:s19] =	ssyncset.done $0x0  }
0xeb: {  	[sflag:s19] =	ssyncadd.s32 $0xFFFFC000  }
0xec: {  	_ =	swait.ge [sflag:s22], $0x4000  }
0xed: {  	[sflag:s22] =	ssyncset.done $0x0  }
0xee: {  	[sflag:s22] =	ssyncadd.s32 $0xFFFFC000  }
0xef: {  	[bflag:$0x0] =	sbarrier.arrive $0xFFFF  }
0xf0: {  	s8 =	simm.s32 $0x9;
	s11 =	rddreg [dreg:$0x4]  }
0xf1: {  	[tilespmem:s26], [sflag:$0x9] =	stream.linear.gather [spmem:s11], $0x4000, $0x38;
	[tilespmem:$0x1C000] =	vst v63  }
0xf2: {  	_ =	swait.ge [sflag:s8], $0x4000  }
0xf3: {  	[sflag:s8] =	ssyncset.done $0x0  }
0xf4: {  	s3 =	rddreg [dreg:$0xd];
	[sflag:s8] =	ssyncadd.s32 $0xFFFFC000  }
0xf5: {  	[hbm4b:s3+s2] =	stream.linear.scatter [tilespmem:s26], [sflag:$0x9], $0x4000, $0x38;
	[tilespmem:$0x1C000] =	vst v63  }
0xf6: {  	_ =	swait.ge [sflag:s8], $0x4000  }
0xf7: {  	[sflag:s8] =	ssyncset.done $0x0  }
0xf8: {  	s12 =	rddreg [dreg:$0x5];
	[sflag:s8] =	ssyncadd.s32 $0xFFFFC000  }
0xf9: {  	[tilespmem:s14], [sflag:$0x9] =	stream.linear.gather [spmem:s12], $0x4000, $0x38;
	[tilespmem:$0x1C000] =	vst v63  }
0xfa: {  	_ =	swait.ge [sflag:s8], $0x4000  }
0xfb: {  	[sflag:s8] =	ssyncset.done $0x0  }
0xfc: {  	s13 =	rddreg [dreg:$0xe];
	[sflag:s8] =	ssyncadd.s32 $0xFFFFC000  }
0xfd: {  	[hbm4b:s13+s2] =	stream.linear.scatter [tilespmem:s14], [sflag:$0x9], $0x4000, $0x38;
	[tilespmem:$0x1C000] =	vst v63  }
0xfe: {  	_ =	swait.ge [sflag:s8], $0x4000  }
0xff: {  	[sflag:s8] =	ssyncset.done $0x0  }
0x100: {  	s13 =	rddreg [dreg:$0x6];
	[sflag:s8] =	ssyncadd.s32 $0xFFFFC000  }
0x101: {  	[tilespmem:s26], [sflag:$0x9] =	stream.linear.gather [spmem:s13], $0x4000, $0x38;
	[tilespmem:$0x1C000] =	vst v63  }
0x102: {  	_ =	swait.ge [sflag:s8], $0x4000  }
0x103: {  	[sflag:s8] =	ssyncset.done $0x0  }
0x104: {  	s23 =	rddreg [dreg:$0xf];
	[sflag:s8] =	ssyncadd.s32 $0xFFFFC000  }
0x105: {  	[hbm4b:s23+s2] =	stream.linear.scatter [tilespmem:s26], [sflag:$0x9], $0x4000, $0x38;
	[tilespmem:$0x1C000] =	vst v63  }
0x106: {  	_ =	swait.ge [sflag:s8], $0x4000  }
0x107: {  	[sflag:s8] =	ssyncset.done $0x0  }
0x108: {  	s23 =	rddreg [dreg:$0x7];
	[sflag:s8] =	ssyncadd.s32 $0xFFFFC000  }
0x109: {  	[tilespmem:s14], [sflag:$0x9] =	stream.linear.gather [spmem:s23], $0x4000, $0x38;
	[tilespmem:$0x1C000] =	vst v63  }
0x10a: {  	_ =	swait.ge [sflag:s8], $0x4000  }
0x10b: {  	[sflag:s8] =	ssyncset.done $0x0  }
0x10c: {  	s24 =	rddreg [dreg:$0x10];
	[sflag:s8] =	ssyncadd.s32 $0xFFFFC000  }
0x10d: {  	[hbm4b:s24+s2] =	stream.linear.scatter [tilespmem:s14], [sflag:$0x9], $0x4000, $0x38;
	[tilespmem:$0x1C000] =	vst v63  }
0x10e: {  	_ =	swait.ge [sflag:s8], $0x4000  }
0x10f: {  	[sflag:s8] =	ssyncset.done $0x0  }
0x110: {  	s24 =	rddreg [dreg:$0x8];
	[sflag:s8] =	ssyncadd.s32 $0xFFFFC000  }
0x111: {  	[tilespmem:s26], [sflag:$0x9] =	stream.linear.gather [spmem:s24], $0x3C00, $0x38;
	[tilespmem:$0x1C000] =	vst v63  }
0x112: {  	_ =	swait.ge [sflag:s8], $0x3C00  }
0x113: {  	[sflag:s8] =	ssyncset.done $0x0  }
0x114: {  	s25 =	rddreg [dreg:$0x11];
	[sflag:s8] =	ssyncadd.s32 $0xFFFFC400  }
0x115: {  	[hbm4b:s25+s2] =	stream.linear.scatter [tilespmem:s26], [sflag:$0x9], $0x3C00, $0x38;
	[tilespmem:$0x1C000] =	vst v63  }
0x116: {  	_ =	swait.ge [sflag:s8], $0x3C00  }
0x117: {  	s10 =	rddreg [dreg:$0x15]  }
0x118: {  	s28 =	rddreg [dreg:$0x14];
	s10 =	sadd.s32 $0x1, s10  }
0x119: {  	p0 =	sne.s32 s10, s28  }
.Ltmp1:
0x11a: {  	_ = 	snop;
	(pc) =	sbr.rel @p0 .LBB2_1-.Ltmp1, $3  }
0x11b: {  	_ =	sdelay $0x1  }
0x11c: {  	[sflag:s8] =	ssyncset.done $0x0  }
0x11d: {  	[sflag:s8] =	ssyncadd.s32 $0xFFFFC400  }
0x11e: {  	_ =	sfence.sel $0x180000  }
0x11f: {  	[bflag:$0x0] =	sbarrier.arrive $0xFFFF  }
0x120: {  	_ =	strace $0x9000004A  }
0x121: {  	s0 =	stileid.u32;
	[bflag:$0x2] =	sbarrier.arrive $0xFFFF  }
0x122: {  	p0 =	sne.s32 s0, $0x0;
	s0 =	rddreg [dreg:$0x2]  }
0x123: {  	s0 =	sadd.s32 @!p0 $0x100000, s0  }
0x124: {  	[sflag:s0] =	ssyncadd.tile.s32 @!p0 $0x1;
	_ =	shalt  }
.Lfunc_end2:
_tile_overlayer_lowered:
.L_overlay_start_2:
0x125: {  	(tag) =	ssettag $0x2  }
0x126: {  	s0 =	rddreg [dreg:$0x0];
	s2 =	stileid.u32  }
0x127: {  	s1 =	rddreg [dreg:$0x1];
	p0 =	sne.s32 s2, $0x0  }
0x128: {  	s3 =	rddreg [dreg:$0x2];
	[bflag:$0x3] =	sbarrier.arrive $0xFFFF;
	s2 =	simm.s32 @!p0 $0x1C09  }
0x129: {  	[timem:s3], [sflag:s2] =	dma.local @!p0 [hbm:s0], s1  }
0x12a: {  	s0 =	simm.s32 @!p0 $0x9  }
0x12b: {  	_ =	swait.ge @!p0 [sflag:s0], s1  }
0x12c: {  	s1 =	ssub.s32 @!p0 $0x0, s1;
	[sflag:s0] =	ssyncset.done @!p0 $0x0  }
0x12d: {  	[sflag:s0] =	ssyncadd.s32 @!p0 s1  }
0x12e: {  	[bflag:$0x3] =	sbarrier.arrive $0xFFFF  }
0x12f: {  	_ =	shalt  }

// kernel: kernel.16.cloned.1.call-start
scs
__scs_entry_jumppad:
0x0: {  	(pc) =	sbr.rel $0x88, $3  }
0x1: {  	(tag) =	ssettag $0x0;
	lr =	simm.s32 $0x1  }
0x2: {  	[smem:$0x3F8D] =	sst lr;
	_ =	strace $0xD0000000  }
0x3: {  	_ = 	snop  }
0x4: {  	_ = 	snop  }
0x5: {  	_ = 	snop  }
0x6: {  	_ = 	snop  }
0x7: {  	_ = 	snop  }
__scs_overlays_trampoline_lowered:
0x8: {  	[smem:$0x3F9C] =	sst s0  }
0x9: {  	[smem:$0x3F9D] =	sst s1  }
0xa: {  	[smem:$0x3F9E] =	sst s2  }
0xb: {  	[smem:$0x3F9F] =	sst s3  }
0xc: {  	[smem:$0x3FA0] =	sst s4  }
0xd: {  	[smem:$0x3FA1] =	sst s5  }
0xe: {  	[smem:$0x3FA2] =	sst s6  }
0xf: {  	[smem:$0x3FA3] =	sst s7  }
0x10: {  	[smem:$0x3FA4] =	sst s8  }
0x11: {  	[smem:$0x3FA5] =	sst s9;
	s0 =	simm.s32 @!p0 $0x0  }
0x12: {  	s1 =	sld [smem:$0x3F8B];
	s0 =	simm.s32 @p0 $0x1  }
0x13: {  	[smem:$0x3FA6] =	sst s0;
	s0 =	simm.s32 @!p1 $0x0  }
0x14: {  	s2 =	sld [smem:$0x3F8A];
	s0 =	simm.s32 @p1 $0x1  }
0x15: {  	[smem:$0x3FA7] =	sst s0;
	s0 =	simm.s32 @!p2 $0x0  }
0x16: {  	s3 =	sld [smem:$0x3FDB];
	s0 =	simm.s32 @p2 $0x1  }
0x17: {  	s4 =	simm.s32 $0x1BF5;
	[smem:$0x3FA9] =	sst s0  }
0x18: {  	s0 =	sld [smem:$0x3F8C];
	_ =	swait.ge [sflag:s4], $0x0  }
0x19: {  	s7 =	sld [smem:$0x3F8D]  }
0x1a: {  	s8 =	sadd.s32 $0xFFFFE003, lr  }
0x1b: {  	s9 =	sadd.s32 $0xFFFFFEF7, lr;
	s5 =	simm.s32 $0xFFFFFFFF;
	p2 =	slt.u32 s8, $0xFFFFF086  }
0x1c: {  	p1 =	slt.u32 s9, $0xF7A;
	s5 =	simm.s32 @!p2 $0x0  }
0x1d: {  	s5 =	simm.s32 @p1 $0x1;
	p0 =	seq.s32 s7, s2  }
0x1e: {  	s7 =	smul.u32 @!p0 $0xF7A, s2;
	p2 =	seq.s32 @!p0 s5, $0x0  }
0x1f: {  	s9 =	smul.u32 $0xF7A, s1;
	s8 =	simm.s32 @!p0 $0x1BF5;
	p2 =	por !p2, p0  }
0x20: {  	[sflag:s8] =	ssyncset.s32 @!p0 $0xFFFFF086;
	s6 =	sadd.s32 @!p0 s3, s7;
	s7 =	simm.s32 @!p0 $0x108  }
0x21: {  	s3 =	sadd.s32 s3, s9;
	s6 =	sadd.s32 @!p0 $0x88, s6;
	s7 =	simm.s32 @p2 $0x1082  }
0x22: {  	[simem:s7], [sflag:s8] =	dma.local @!p0 [hbm:s6], $0xF7A  }
0x23: {  	s9 =	sor.u32 $0xD0000000, s2;
	s6 =	simm.s32 $0x108;
	_ =	swait.ge @!p0 [sflag:s8], $0x0  }
0x24: {  	s3 =	sadd.s32 $0x88, s3;
	s6 =	simm.s32 @!p1 $0x1082;
	[sflag:s4] =	ssyncset.s32 $0xFFFFF086  }
0x25: {  	[simem:s6], [sflag:s4] =	dma.local [hbm:s3], $0xF7A  }
0x26: {  	[smem:$0x3F8D] =	sst s1;
	(tag) =	ssettag s2;
	_ =	strace s9  }
0x27: {  	s1 =	sld [smem:$0x3F9D]  }
0x28: {  	s2 =	sld [smem:$0x3F9E]  }
0x29: {  	s4 =	sld [smem:$0x3FA0]  }
0x2a: {  	p0 =	seq.s32 s5, $0x0;
	s5 =	sld [smem:$0x3FA1]  }
0x2b: {  	s6 =	sld [smem:$0x3FA2]  }
0x2c: {  	s7 =	sld [smem:$0x3FA3]  }
0x2d: {  	s3 =	simm.s32 $0x108;
	s8 =	sld [smem:$0x3FA4]  }
0x2e: {  	s3 =	simm.s32 @!p0 $0x1082;
	s9 =	sld [smem:$0x3FA5]  }
0x2f: {  	lr =	sadd.s32 s0, s3;
	s0 =	sld [smem:$0x3F9C]  }
0x30: {  	s3 =	sld [smem:$0x3F9F]  }
0x31: {  	[smem:$0x3FA8] =	sst s10  }
0x32: {  	s10 =	sld [smem:$0x3FA6];
	_ =	sdelay $0x3  }
0x33: {  	p0 =	seq.s32 s10, $0x1;
	s10 =	sld [smem:$0x3FA8];
	_ =	sdelay $0x3  }
0x34: {  	[smem:$0x3FA8] =	sst s10  }
0x35: {  	s10 =	sld [smem:$0x3FA7];
	_ =	sdelay $0x3  }
0x36: {  	p1 =	seq.s32 s10, $0x1;
	s10 =	sld [smem:$0x3FA8];
	_ =	sdelay $0x3  }
0x37: {  	[smem:$0x3FA8] =	sst s10  }
0x38: {  	s10 =	sld [smem:$0x3FA9]  }
0x39: {  	_ = 	snop;
	(pc) =	sbr.ind lr, $3  }
0x3a: {  	_ = 	snop  }
0x3b: {  	_ = 	snop  }
0x3c: {  	p2 =	seq.s32 s10, $0x1;
	s10 =	sld [smem:$0x3FA8]  }
0x3d: {  	_ =	shalt  }
0x3e: {  	_ =	shalt  }
0x3f: {  	_ =	shalt  }
0x40: {  	_ =	shalt  }
0x41: {  	_ =	shalt  }
0x42: {  	_ =	shalt  }
0x43: {  	_ =	shalt  }
0x44: {  	_ =	shalt  }
0x45: {  	_ =	shalt  }
0x46: {  	_ =	shalt  }
0x47: {  	_ =	shalt  }
0x48: {  	_ =	shalt  }
0x49: {  	_ =	shalt  }
0x4a: {  	_ =	shalt  }
0x4b: {  	_ =	shalt  }
0x4c: {  	_ =	shalt  }
0x4d: {  	_ =	shalt  }
0x4e: {  	_ =	shalt  }
0x4f: {  	_ =	shalt  }
0x50: {  	_ =	shalt  }
0x51: {  	_ =	shalt  }
0x52: {  	_ =	shalt  }
0x53: {  	_ =	shalt  }
0x54: {  	_ =	shalt  }
0x55: {  	_ =	shalt  }
0x56: {  	_ =	shalt  }
0x57: {  	_ =	shalt  }
0x58: {  	_ =	shalt  }
0x59: {  	_ =	shalt  }
0x5a: {  	_ =	shalt  }
0x5b: {  	_ =	shalt  }
0x5c: {  	_ =	shalt  }
0x5d: {  	_ =	shalt  }
0x5e: {  	_ =	shalt  }
0x5f: {  	_ =	shalt  }
0x60: {  	_ =	shalt  }
0x61: {  	_ =	shalt  }
0x62: {  	_ =	shalt  }
0x63: {  	_ =	shalt  }
0x64: {  	_ =	shalt  }
0x65: {  	_ =	shalt  }
0x66: {  	_ =	shalt  }
0x67: {  	_ =	shalt  }
0x68: {  	_ =	shalt  }
0x69: {  	_ =	shalt  }
0x6a: {  	_ =	shalt  }
0x6b: {  	_ =	shalt  }
0x6c: {  	_ =	shalt  }
0x6d: {  	_ =	shalt  }
0x6e: {  	_ =	shalt  }
0x6f: {  	_ =	shalt  }
0x70: {  	_ =	shalt  }
0x71: {  	_ =	shalt  }
0x72: {  	_ =	shalt  }
0x73: {  	_ =	shalt  }
0x74: {  	_ =	shalt  }
0x75: {  	_ =	shalt  }
0x76: {  	_ =	shalt  }
0x77: {  	_ =	shalt  }
0x78: {  	_ =	shalt  }
0x79: {  	_ =	shalt  }
0x7a: {  	_ =	shalt  }
0x7b: {  	_ =	shalt  }
0x7c: {  	_ =	shalt  }
0x7d: {  	_ =	shalt  }
0x7e: {  	_ =	shalt  }
0x7f: {  	_ =	shalt  }
0x80: {  	_ =	shalt  }
0x81: {  	_ =	shalt  }
0x82: {  	_ =	shalt  }
0x83: {  	_ =	shalt  }
0x84: {  	_ =	shalt  }
0x85: {  	_ =	shalt  }
0x86: {  	_ =	shalt  }
0x87: {  	_ =	shalt  }
.Lfunc_end0:
.L_simem_size_0:
called_computation.2_lowered:
.L_overlay_start_0:
0x88: {  	s2 =	sld [smem:$0x3FD9]  }
0x89: {  	s3 =	sld [smem:$0x3FFE];
	_ =	sdelay $0x1  }
0x8a: {  	s1 =	srdreg.scid  }
0x8b: {  	s0 =	sand.u32 $0x1, s1  }
0x8c: {  	s16 =	sshll.u32 s0, $0xA;
	s2 =	sadd.s32 s3, s2  }
0x8d: {  	s2 =	sadd.s32 s2, s16  }
0x8e: {  	[smem:$0x3FB4] =	sst s2  }
0x8f: {  	_ = 	snop  }
0x90: {  	(tm) =	ssettm $0x1  }
0x91: {  	s17 =	sld [smem:$0x3FFB];
	_ =	sdelay $0x3  }
0x92: {  	_ =	strace s17  }
0x93: {  	s2 =	sld [smem:$0x3FFC];
	_ =	sdelay $0x3  }
0x94: {  	_ =	strace s2  }
0x95: {  	s2 =	sld [smem:$0x3FFD];
	_ =	sdelay $0x3  }
0x96: {  	_ =	strace s2  }
0x97: {  	_ =	strace $0x8FFFFFFF  }
0x98: {  	s18 =	sld [smem:$0x3FDB];
	_ =	sdelay $0x1  }
0x99: {  	s19 =	simm.s32 $_scs_section_size  }
0x9a: {  	s4 =	simm.s32 $_size__tile_overlayer_lowered;
	s5 =	simm.s32 $_tile_overlayer_lowered  }
0x9b: {  	s22 =	simm.s32 $0x1BFF;
	s21 =	sshll.u32 s5, $0x1;
	s2 =	sadd.s32 s19, s18  }
0x9c: {  	s6 =	simm.s32 $0x0;
	s20 =	sshll.u32 s4, $0x1;
	s4 =	sadd.s32 s21, s2  }
0x9d: {  	[timem:s6], [sflag:s22] =	dma.local [hbm:s4], s20  }
0x9e: {  	_ =	swait.ge [sflag:s22], s20  }
0x9f: {  	s3 =	ssub.s32 $0x0, s20;
	[sflag:s22] =	ssyncset.done $0x0  }
0xa0: {  	[sflag:s22] =	ssyncadd.s32 s3;
	_ =	sdelay $0x1  }
0xa1: {  	s23 =	simm.s32 $0x1B8B  }
0xa2: {  	_ =	swait.ge [sflag:s23], $0x1  }
0xa3: {  	[sflag:s23] =	ssyncset.done $0x0  }
0xa4: {  	s25 =	simm.s32 $0x1B8E;
	s24 =	sld [smem:$0x3FFE];
	[sflag:s23] =	ssyncadd.s32 $0xFFFFFFFF  }
0xa5: {  	s26 =	simm.s32 $execute0_lowered;
	[smem:$0x3FD2] =	sst s25  }
0xa6: {  	s4 =	sshll.u32 s26, $0x1;
	_ =	strace $0x8000004C;
	[dreg:$0x1] =	wrdreg $0xFFFFFFFF  }
0xa7: {  	s28 =	simm.s32 $_size_execute0_lowered;
	s2 =	sadd.s32 s2, s4;
	[dreg:$0x0] =	wrdreg $0x0  }
0xa8: {  	s4 =	sshll.u32 s28, $0x1;
	[dreg:$0x2] =	wrdreg s2  }
0xa9: {  	[dreg:$0x3] =	wrdreg s4  }
0xaa: {  	[dreg:$0x4] =	wrdreg $0xC0  }
0xab: {  	_ =	task [dreg:s6], $0x5FFFF  }
0xac: {  	[dreg:$0x1] =	wrdreg $0xFFFFFFFF  }
0xad: {  	[dreg:$0x0] =	wrdreg $0x60  }
0xae: {  	[dreg:$0x2] =	wrdreg s24  }
0xaf: {  	[dreg:$0x3] =	wrdreg $0x84000  }
0xb0: {  	[dreg:$0x4] =	wrdreg $0x9  }
0xb1: {  	_ =	task.clear_ibuf [dreg:s6], $0x5FFFF;
	_ =	strace $0x9000004C  }
0xb2: {  	s29 =	simm.s32 $0x9;
	_ =	strace $0x8000004E  }
0xb3: {  	_ =	swait.ge [sflag:s29], $0x1  }
0xb4: {  	[sflag:s29] =	ssyncadd.s32 $0xFFFFFFFF  }
0xb5: {  	_ =	strace $0x9000004E  }
0xb6: {  	_ =	sfence  }
0xb7: {  	s30 =	sld [smem:$0x0];
	_ =	sdelay $0x2  }
0xb8: {  	s31 =	sshll.u32 s1, $0xD;
	s1 =	sshrl.u32 s1, $0x2  }
0xb9: {  	s3 =	sand.u32 $0x4000, s31;
	s1 =	sadd.s32 s1, s30  }
0xba: {  	s0 =	sor.u32 s3, s0;
	s1 =	sshll.u32 s1, $0x11  }
0xbb: {  	s0 =	sor.u32 s1, s0  }
0xbc: {  	s0 =	sadd.s32 $0x8F2B, s0  }
0xbd: {  	[sflag:s0] =	ssyncadd.remote.s32 $0x1  }
0xbe: {  	_ =	sfence.sel $0xFFFF  }
0xbf: {  	[dreg:$0x0] =	wrdreg $0xFFFFFFFF;
	(pc) =	sbr.abs _section_cstart, $3  }
0xc0: {  	[dreg:$0x1] =	wrdreg $0xFFFFFFFF  }
0xc1: {  	_ =	task.clear_ibuf [dreg:s6], $0x2FFFF;
	_ =	strace $0x9FFFFFFF  }
0xc2: {  	(tm) =	ssettm $0x7FFFFFFF  }
0xc3: {  	_ =	shalt  }
tec
execute0_lowered:
.L_overlay_start_1:
0x0: {  	(tag) =	ssettag $0x1  }
0x1: {  	s0 =	rddreg [dreg:$0x0]  }
0x2: {  	s1 =	rddreg [dreg:$0x1]  }
0x3: {  	s2 =	simm.s32 $0x0;
	s3 =	srdreg.scid;
	s11 =	stileid.u32  }
0x4: {  	s29 =	simm.s32 $0x200;
	s30 =	simm.s32 $0x80;
	s31 =	simm.s32 $0x280  }
0x5: {  	[smem:$0x7FF] =	sst s2;
	s4 =	sadd.s32 $0x1A400, s0;
	s5 =	sadd.s32 $0x10400, s0  }
0x6: {  	s6 =	sadd.s32 $0x6400, s0;
	s7 =	sadd.s32 $0x68800, s0;
	s20 =	smul.u32 $0x4F000, s11  }
0x7: {  	s3 =	sand.u32 $0x1, s3;
	s0 =	sadd.s32 $0x69000, s0;
	s9 =	smul.u32 $0xA, s11  }
0x8: {  	s14 =	smul.u32 $0x13C00, s11;
	_ =	strace $0x8000004D;
	s8 =	ssub.s32 $0x2, s3  }
0x9: {  	[dreg:$0x3] =	wrdreg s7;
	s10 =	sshrl.u32 s8, $0x1;
	s7 =	sshrl.u32 s20, $0x2  }
0xa: {  	s9 =	sor.u32 s3, s9;
	s21 =	sadd.s32 $0x4000, s14;
	s22 =	sadd.s32 $0x8000, s14  }
0xb: {  	s15 =	sadd.s32 $0xC000, s14;
	s16 =	sadd.s32 $0x10000, s14;
	s3 =	smul.u32 $0x13C000, s3  }
0xc: {  	s8 =	ssub.s32 s8, s10;
	s11 =	sadd.s32 s7, s1;
	s9 =	smul.u32 $0x2800, s9  }
0xd: {  	s12 =	sadd.s32 s21, s1;
	s13 =	sadd.s32 s22, s1;
	[dreg:$0x4] =	wrdreg s11  }
0xe: {  	s23 =	sadd.s32 s15, s1;
	s24 =	sadd.s32 s16, s1;
	[dreg:$0x5] =	wrdreg s12  }
0xf: {  	s14 =	sadd.s32 s14, s3;
	s7 =	sadd.s32 s3, s21;
	[dreg:$0x6] =	wrdreg s13  }
0x10: {  	s10 =	sadd.s32 s3, s22;
	s15 =	sadd.s32 s3, s15;
	[dreg:$0x7] =	wrdreg s23  }
0x11: {  	s3 =	sadd.s32 s3, s16;
	s16 =	simm.s32 $0x380;
	[dreg:$0x8] =	wrdreg s24  }
0x12: {  	s17 =	sshrl.u32 s9, $0x3;
	s14 =	sshrl.u32 s14, $0x3;
	s7 =	sshrl.u32 s7, $0x3  }
0x13: {  	s21 =	sshrl.u32 s10, $0x3;
	s22 =	sshrl.u32 s15, $0x3;
	s3 =	sshrl.u32 s3, $0x3  }
0x14: {  	s15 =	simm.s32 $0x180;
	s10 =	simm.s32 $0x0;
	s18 =	sadd.s32 s5, s17  }
0x15: {  	s25 =	sadd.s32 s6, s17;
	s26 =	sor.u32 $0x10, s17;
	[dreg:$0x9] =	wrdreg s18  }
0x16: {  	s20 =	sor.u32 $0x20, s17;
	s14 =	sadd.s32 s0, s14;
	[dreg:$0xa] =	wrdreg s25  }
0x17: {  	s7 =	sadd.s32 s0, s7;
	s17 =	simm.s32 $0x5;
	[dreg:$0xd] =	wrdreg s14  }
0x18: {  	s28 =	sadd.s32 s5, s26;
	s19 =	sadd.s32 s6, s26;
	[dreg:$0xe] =	wrdreg s7  }
0x19: {  	s7 =	sadd.s32 s0, s21;
	s25 =	sadd.s32 s5, s20;
	[dreg:$0xb] =	wrdreg s28  }
0x1a: {  	s26 =	sadd.s32 s6, s20;
	s14 =	simm.s32 $0x4400;
	[dreg:$0xc] =	wrdreg s19  }
0x1b: {  	s18 =	simm.s32 $0x3;
	s20 =	simm.s32 $0x6;
	[dreg:$0xf] =	wrdreg s7  }
0x1c: {  	s21 =	simm.s32 $0x4;
	s7 =	sadd.s32 s0, s22;
	[dreg:$0x12] =	wrdreg s25  }
0x1d: {  	s0 =	sadd.s32 s0, s3;
	[dreg:$0x13] =	wrdreg s26;
	s28 =	smax.u32 s8, $0x1  }
0x1e: {  	s26 =	simm.s32 $0x400;
	s8 =	simm.s32 $0x9;
	[dreg:$0x10] =	wrdreg s7  }
0x1f: {  	s19 =	simm.s32 $0x7;
	s22 =	simm.s32 $0x8;
	[dreg:$0x11] =	wrdreg s0  }
0x20: {  	[dreg:$0x14] =	wrdreg s28;
	s0 =	simm.s32 $0x100;
	s7 =	simm.s32 $0x2  }
.LBB2_1:
0x21: {  	[dreg:$0x15] =	wrdreg s10  }
0x22: {  	s3 =	rddreg [dreg:$0x3]  }
0x23: {  	[tilespmem:s26], [sflag:$0x9] =	stream.linear.gather [hbm4b:s3+s2], $0x4000, $0x38;
	[tilespmem:$0x1C000] =	vst v63  }
0x24: {  	_ =	swait.ge [sflag:s8], $0x4000  }
0x25: {  	[sflag:s8] =	ssyncset.done $0x0  }
0x26: {  	[sflag:s8] =	ssyncadd.s32 $0xFFFFC000  }
0x27: {  	[spmem:s11] =	stream.linear.scatter [tilespmem:s26], [sflag:$0x9], $0x4000, $0x38;
	[tilespmem:$0x1C000] =	vst v63  }
0x28: {  	_ =	swait.ge [sflag:s8], $0x4000  }
0x29: {  	[sflag:s8] =	ssyncset.done $0x0  }
0x2a: {  	[sflag:s8] =	ssyncadd.s32 $0xFFFFC000  }
0x2b: {  	[spmem:s12] =	stream.linear.scatter [tilespmem:s26], [sflag:$0x9], $0x4000, $0x38;
	[tilespmem:$0x1C000] =	vst v63  }
0x2c: {  	_ =	swait.ge [sflag:s8], $0x4000  }
0x2d: {  	[sflag:s8] =	ssyncset.done $0x0  }
0x2e: {  	[sflag:s8] =	ssyncadd.s32 $0xFFFFC000  }
0x2f: {  	[spmem:s13] =	stream.linear.scatter [tilespmem:s26], [sflag:$0x9], $0x4000, $0x38;
	[tilespmem:$0x1C000] =	vst v63  }
0x30: {  	_ =	swait.ge [sflag:s8], $0x4000  }
0x31: {  	[sflag:s8] =	ssyncset.done $0x0  }
0x32: {  	[sflag:s8] =	ssyncadd.s32 $0xFFFFC000  }
0x33: {  	[spmem:s23] =	stream.linear.scatter [tilespmem:s26], [sflag:$0x9], $0x4000, $0x38;
	[tilespmem:$0x1C000] =	vst v63  }
0x34: {  	_ =	swait.ge [sflag:s8], $0x4000  }
0x35: {  	[sflag:s8] =	ssyncset.done $0x0  }
0x36: {  	[sflag:s8] =	ssyncadd.s32 $0xFFFFC000  }
0x37: {  	[spmem:s24] =	stream.linear.scatter [tilespmem:s26], [sflag:$0x9], $0x3C00, $0x38;
	[tilespmem:$0x1C000] =	vst v63  }
0x38: {  	_ =	swait.ge [sflag:s8], $0x3C00  }
0x39: {  	[sflag:s8] =	ssyncset.done $0x0  }
0x3a: {  	[sflag:s8] =	ssyncadd.s32 $0xFFFFC400  }
0x3b: {  	[bflag:$0x0] =	sbarrier.arrive $0xFFFF  }
0x3c: {  	s23 =	rddreg [dreg:$0x9]  }
0x3d: {  	[tilespmem:s2], [sflag:$0x1] =	stream.linear.gather [hbm4b:s23+s2], $0x80, $0x38;
	[tilespmem:$0x1C000] =	vst v63  }
0x3e: {  	s24 =	rddreg [dreg:$0xa]  }
0x3f: {  	[tilespmem:s29], [sflag:$0x1] =	stream.linear.gather [hbm4b:s24+s2], $0x80, $0x38;
	[tilespmem:$0x1C000] =	vst v63  }
0x40: {  	s25 =	rddreg [dreg:$0xb]  }
0x41: {  	[tilespmem:s30], [sflag:$0x2] =	stream.linear.gather [hbm4b:s25+s2], $0x80, $0x38;
	[tilespmem:$0x1C000] =	vst v63  }
0x42: {  	s28 =	rddreg [dreg:$0xc]  }
0x43: {  	[tilespmem:s31], [sflag:$0x2] =	stream.linear.gather [hbm4b:s28+s2], $0x80, $0x38;
	[tilespmem:$0x1C000] =	vst v63  }
0x44: {  	s8 =	rddreg [dreg:$0x12]  }
0x45: {  	[tilespmem:s0], [sflag:$0x3] =	stream.linear.gather [hbm4b:s8+s2], $0x80, $0x38;
	[tilespmem:$0x1C000] =	vst v63  }
0x46: {  	s11 =	simm.s32 $0x300;
	s12 =	simm.s32 $0x1;
	s10 =	rddreg [dreg:$0x13]  }
0x47: {  	[tilespmem:s11], [sflag:$0x3] =	stream.linear.gather [hbm4b:s10+s2], $0x80, $0x38;
	[tilespmem:$0x1C000] =	vst v63  }
0x48: {  	_ =	swait.ge [sflag:s12], $0x80  }
0x49: {  	[sflag:s12] =	ssyncset.done $0x0  }
0x4a: {  	[sflag:s12] =	ssyncadd.s32 $0xFFFFFF80  }
0x4b: {  	_ =	swait.ge [sflag:s12], $0x80  }
0x4c: {  	[sflag:s12] =	ssyncset.done $0x0  }
0x4d: {  	[sflag:s12] =	ssyncadd.s32 $0xFFFFFF80  }
0x4e: {  	[tilespmem:s26], [sflag:$0x5] =	stream.indirect.gather [hbm4b:s4+s30], $0x80, s2, s30, $0xb8;
	[tilespmem:$0x1C000] =	vst v63  }
0x4f: {  	_ =	swait.ge [sflag:s7], $0x80  }
0x50: {  	[sflag:s7] =	ssyncset.done $0x0  }
0x51: {  	[sflag:s7] =	ssyncadd.s32 $0xFFFFFF80  }
0x52: {  	p0 =	por $0x1, $0x1;
	_ =	swait.ge [sflag:s7], $0x80  }
0x53: {  	s13 =	sand.u32 $0x3C00, s2;
	s23 =	sand.u32 $0x200, s2;
	[sflag:s7] =	ssyncset.done $0x0  }
0x54: {  	s8 =	simm.s32 @!p0 $0x8;
	s10 =	sadd.s32 s9, s13;
	[sflag:s7] =	ssyncadd.s32 $0xFFFFFF80  }
0x55: {  	s10 =	sor.u32 s10, s23;
	_ =	swait.ge @!p0 [sflag:s8], $0x4000  }
0x56: {  	s10 =	sor.u32 $0x180, s10;
	[sflag:s8] =	ssyncset.done @!p0 $0x0  }
0x57: {  	s10 =	sshrl.u32 s10, $0x3;
	[sflag:s8] =	ssyncadd.s32 @!p0 $0xFFFFC000  }
0x58: {  	[tilespmem:s14], [sflag:$0x6] =	stream.indirect.gather [hbm4b:s4+s30], $0x80, s30, s30, $0xb8;
	[tilespmem:$0x1C000] =	vst v63  }
0x59: {  	s25 =	sadd.s32 s5, s10  }
0x5a: {  	[tilespmem:s15], [sflag:$0x4] =	stream.linear.gather [hbm4b:s25+s2], $0x80, $0x38;
	[tilespmem:$0x1C000] =	vst v63  }
0x5b: {  	s28 =	sadd.s32 s6, s10  }
0x5c: {  	[tilespmem:s16], [sflag:$0x4] =	stream.linear.gather [hbm4b:s28+s2], $0x80, $0x38;
	[tilespmem:$0x1C000] =	vst v63  }
0x5d: {  	_ =	swait.ge [sflag:s17], $0x4000  }
0x5e: {  	[sflag:s17] =	ssyncset.done $0x0  }
0x5f: {  	[sflag:s17] =	ssyncadd.s32 $0xFFFFC000  }
0x60: {  	[spmem:s1] =	stream.indirect.scatter.add.f32 [tilespmem:s26], [sflag:$0x7], $0x80, s29, s30, $0xb8;
	[tilespmem:$0x1C000] =	vst v63  }
0x61: {  	_ =	swait.ge [sflag:s18], $0x80  }
0x62: {  	[sflag:s18] =	ssyncset.done $0x0  }
0x63: {  	[sflag:s18] =	ssyncadd.s32 $0xFFFFFF80  }
0x64: {  	p0 =	por $0x0, $0x0;
	_ =	swait.ge [sflag:s18], $0x80  }
0x65: {  	s8 =	simm.s32 @!p0 $0x200;
	[sflag:s18] =	ssyncset.done $0x0  }
0x66: {  	s10 =	sand.u32 @!p0 $0x7C00, s8;
	[sflag:s18] =	ssyncadd.s32 $0xFFFFFF80  }
0x67: {  	s8 =	sand.u32 @!p0 $0x200, s8;
	s10 =	sadd.s32 @!p0 s9, s10;
	_ =	swait.ge [sflag:s19], $0x4000  }
0x68: {  	s8 =	sor.u32 @!p0 s8, s10;
	[sflag:s19] =	ssyncset.done $0x0  }
0x69: {  	s10 =	sshrl.u32 @!p0 s8, $0x3;
	[sflag:s19] =	ssyncadd.s32 $0xFFFFC000  }
0x6a: {  	[tilespmem:s26], [sflag:$0x5] =	stream.indirect.gather [hbm4b:s4+s30], $0x80, s0, s30, $0xb8;
	[tilespmem:$0x1C000] =	vst v63  }
0x6b: {  	s8 =	simm.s32 @!p0 $0x0;
	s24 =	sadd.s32 @!p0 s5, s10  }
0x6c: {  	[tilespmem:s8], [sflag:$0x1] =	stream.linear.gather @!p0 [hbm4b:s24+s8], $0x80, $0x38;
	[tilespmem:$0x1C000] =	vst v63  }
0x6d: {  	s10 =	sadd.s32 @!p0 s6, s10;
	s24 =	simm.s32 @!p0 $0x200  }
0x6e: {  	[tilespmem:s24], [sflag:$0x1] =	stream.linear.gather @!p0 [hbm4b:s10+s8], $0x80, $0x38;
	[tilespmem:$0x1C000] =	vst v63  }
0x6f: {  	_ =	swait.ge [sflag:s20], $0x4000  }
0x70: {  	[sflag:s20] =	ssyncset.done $0x0  }
0x71: {  	[sflag:s20] =	ssyncadd.s32 $0xFFFFC000  }
0x72: {  	[spmem:s1] =	stream.indirect.scatter.add.f32 [tilespmem:s14], [sflag:$0x8], $0x80, s31, s30, $0xb8;
	[tilespmem:$0x1C000] =	vst v63  }
0x73: {  	_ =	swait.ge [sflag:s21], $0x80  }
0x74: {  	[sflag:s21] =	ssyncset.done $0x0  }
0x75: {  	[sflag:s21] =	ssyncadd.s32 $0xFFFFFF80  }
0x76: {  	_ =	swait.ge [sflag:s21], $0x80  }
0x77: {  	[sflag:s21] =	ssyncset.done $0x0  }
0x78: {  	[sflag:s21] =	ssyncadd.s32 $0xFFFFFF80  }
0x79: {  	_ =	swait.ge [sflag:s22], $0x4000  }
0x7a: {  	s11 =	simm.s32 @p0 $0x80;
	s10 =	simm.s32 @!p0 $0x280;
	[sflag:s22] =	ssyncset.done $0x0  }
0x7b: {  	s25 =	simm.s32 @p0 $0x5;
	s24 =	sand.u32 @!p0 $0x7C00, s10;
	[sflag:s22] =	ssyncadd.s32 $0xFFFFC000  }
0x7c: {  	[tilespmem:s14], [sflag:$0x6] =	stream.indirect.gather [hbm4b:s4+s30], $0x80, s15, s30, $0xb8;
	[tilespmem:$0x1C000] =	vst v63  }
0x7d: {  	s10 =	sand.u32 @!p0 $0x280, s10;
	s24 =	sadd.s32 @!p0 s9, s24;
	_ =	swait.ge @p0 [sflag:s25], $0x4000  }
0x7e: {  	s12 =	simm.s32 @p0 $0x300;
	s10 =	sor.u32 @!p0 s10, s24;
	[sflag:s25] =	ssyncset.done @p0 $0x0  }
0x7f: {  	s24 =	simm.s32 @p0 $0x400;
	s10 =	sshrl.u32 @!p0 s10, $0x3;
	[sflag:s25] =	ssyncadd.s32 @p0 $0xFFFFC000  }
0x80: {  	[spmem:s1] =	stream.indirect.scatter.add.f32 @p0 [tilespmem:s24], [sflag:$0x7], $0x80, s12, s11, $0xb8;
	[tilespmem:$0x1C000] =	vst v63  }
0x81: {  	s11 =	sadd.s32 @!p0 s5, s10;
	s12 =	simm.s32 @!p0 $0x80  }
0x82: {  	[tilespmem:s12], [sflag:$0x2] =	stream.linear.gather @!p0 [hbm4b:s11+s8], $0x80, $0x38;
	[tilespmem:$0x1C000] =	vst v63  }
0x83: {  	s10 =	sadd.s32 @!p0 s6, s10;
	s24 =	simm.s32 @!p0 $0x5;
	s11 =	simm.s32 @!p0 $0x280  }
0x84: {  	[tilespmem:s11], [sflag:$0x2] =	stream.linear.gather @!p0 [hbm4b:s10+s8], $0x80, $0x38;
	[tilespmem:$0x1C000] =	vst v63  }
0x85: {  	_ =	swait.ge @!p0 [sflag:s24], $0x4000  }
0x86: {  	s25 =	simm.s32 @!p0 $0x1;
	[sflag:s24] =	ssyncset.done @!p0 $0x0  }
0x87: {  	s10 =	simm.s32 @!p0 $0x300;
	s11 =	simm.s32 @!p0 $0x400;
	[sflag:s24] =	ssyncadd.s32 @!p0 $0xFFFFC000  }
0x88: {  	[spmem:s1] =	stream.indirect.scatter.add.f32 @!p0 [tilespmem:s11], [sflag:$0x7], $0x80, s10, s12, $0xb8;
	[tilespmem:$0x1C000] =	vst v63  }
0x89: {  	_ =	swait.ge @!p0 [sflag:s25], $0x80  }
0x8a: {  	[sflag:s25] =	ssyncset.done @!p0 $0x0  }
0x8b: {  	[sflag:s25] =	ssyncadd.s32 @!p0 $0xFFFFFF80  }
0x8c: {  	_ =	swait.ge @!p0 [sflag:s25], $0x80  }
0x8d: {  	s24 =	simm.s32 @!p0 $0x300;
	[sflag:s25] =	ssyncset.done @!p0 $0x0  }
0x8e: {  	s13 =	sand.u32 @!p0 $0x7C00, s24;
	[sflag:s25] =	ssyncadd.s32 @!p0 $0xFFFFFF80;
	s25 =	simm.s32 @!p0 $0x7  }
0x8f: {  	s24 =	sand.u32 @!p0 $0x300, s24;
	s13 =	sadd.s32 @!p0 s9, s13;
	_ =	swait.ge @!p0 [sflag:s25], $0x4000  }
0x90: {  	s13 =	sor.u32 @!p0 s24, s13;
	[sflag:s25] =	ssyncset.done @!p0 $0x0  }
0x91: {  	s13 =	sshrl.u32 @!p0 s13, $0x3;
	[sflag:s25] =	ssyncadd.s32 @!p0 $0xFFFFC000  }
0x92: {  	[tilespmem:s11], [sflag:$0x5] =	stream.indirect.gather @!p0 [hbm4b:s4+s12], $0x80, s8, s12, $0xb8;
	[tilespmem:$0x1C000] =	vst v63  }
0x93: {  	s11 =	sadd.s32 @!p0 s5, s13;
	s12 =	simm.s32 @!p0 $0x100  }
0x94: {  	[tilespmem:s12], [sflag:$0x3] =	stream.linear.gather @!p0 [hbm4b:s11+s8], $0x80, $0x38;
	[tilespmem:$0x1C000] =	vst v63  }
0x95: {  	s24 =	simm.s32 $0x200;
	s11 =	sadd.s32 @!p0 s6, s13  }
0x96: {  	[tilespmem:s10], [sflag:$0x3] =	stream.linear.gather @!p0 [hbm4b:s11+s8], $0x80, $0x38;
	[tilespmem:$0x1C000] =	vst v63  }
.LBB2_2:
0x97: {  	_ =	swait.ge [sflag:s20], $0x4000;
	s8 =	smov.u32 s24;
	s24 =	sadd.s32 $0x200, s24  }
0x98: {  	p0 =	sne.s32 s24, $0x2800;
	[sflag:s20] =	ssyncset.done $0x0  }
0x99: {  	[sflag:s20] =	ssyncadd.s32 $0xFFFFC000  }
0x9a: {  	[spmem:s1] =	stream.indirect.scatter.add.f32 [tilespmem:s14], [sflag:$0x8], $0x80, s16, s30, $0xb8;
	[tilespmem:$0x1C000] =	vst v63  }
0x9b: {  	_ =	swait.ge [sflag:s7], $0x80  }
0x9c: {  	[sflag:s7] =	ssyncset.done $0x0  }
0x9d: {  	p1 =	seq.s32 s8, $0x0;
	[sflag:s7] =	ssyncadd.s32 $0xFFFFFF80  }
0x9e: {  	s11 =	sand.u32 $0x3C00, s8;
	s10 =	simm.s32 @!p1 $0x8;
	_ =	swait.ge [sflag:s7], $0x80  }
0x9f: {  	s12 =	sand.u32 $0x200, s8;
	s11 =	sadd.s32 s9, s11;
	[sflag:s7] =	ssyncset.done $0x0  }
0xa0: {  	s11 =	sor.u32 s11, s12;
	[sflag:s7] =	ssyncadd.s32 $0xFFFFFF80  }
0xa1: {  	s11 =	sor.u32 $0x180, s11;
	_ =	swait.ge @!p1 [sflag:s10], $0x4000  }
0xa2: {  	s11 =	sshrl.u32 s11, $0x3;
	[sflag:s10] =	ssyncset.done @!p1 $0x0  }
0xa3: {  	[sflag:s10] =	ssyncadd.s32 @!p1 $0xFFFFC000  }
0xa4: {  	s10 =	sadd.s32 s5, s11;
	s11 =	sadd.s32 s6, s11  }
0xa5: {  	[tilespmem:s14], [sflag:$0x6] =	stream.indirect.gather [hbm4b:s4+s30], $0x80, s30, s30, $0xb8;
	[tilespmem:$0x1C000] =	vst v63  }
0xa6: {  	_ = 	snop  }
0xa7: {  	[tilespmem:s15], [sflag:$0x4] =	stream.linear.gather [hbm4b:s10+s2], $0x80, $0x38;
	[tilespmem:$0x1C000] =	vst v63  }
0xa8: {  	_ = 	snop  }
0xa9: {  	[tilespmem:s16], [sflag:$0x4] =	stream.linear.gather [hbm4b:s11+s2], $0x80, $0x38;
	[tilespmem:$0x1C000] =	vst v63  }
0xaa: {  	_ =	swait.ge [sflag:s17], $0x4000  }
0xab: {  	[sflag:s17] =	ssyncset.done $0x0  }
0xac: {  	[sflag:s17] =	ssyncadd.s32 $0xFFFFC000  }
0xad: {  	[spmem:s1] =	stream.indirect.scatter.add.f32 [tilespmem:s26], [sflag:$0x7], $0x80, s29, s30, $0xb8;
	[tilespmem:$0x1C000] =	vst v63  }
0xae: {  	_ =	swait.ge [sflag:s18], $0x80  }
0xaf: {  	p1 =	seq.s32 s8, $0x2600;
	[sflag:s18] =	ssyncset.done $0x0  }
0xb0: {  	s10 =	sadd.s32 @!p1 $0x200, s8;
	s11 =	sadd.s32 @!p1 $0x280, s8;
	[sflag:s18] =	ssyncadd.s32 $0xFFFFFF80  }
0xb1: {  	s12 =	sand.u32 @!p1 $0x7C00, s10;
	s13 =	sand.u32 @!p1 $0x7C00, s11;
	_ =	swait.ge [sflag:s18], $0x80  }
0xb2: {  	s12 =	sadd.s32 @!p1 s9, s12;
	s13 =	sadd.s32 @!p1 s9, s13;
	[sflag:s18] =	ssyncset.done $0x0  }
0xb3: {  	s10 =	sand.u32 @!p1 $0x200, s10;
	s11 =	sand.u32 @!p1 $0x280, s11;
	[sflag:s18] =	ssyncadd.s32 $0xFFFFFF80  }
0xb4: {  	s25 =	simm.s32 @!p1 $0x0;
	s10 =	sor.u32 @!p1 s10, s12;
	_ =	swait.ge [sflag:s19], $0x4000  }
0xb5: {  	s8 =	sadd.s32 @!p1 $0x300, s8;
	s10 =	sshrl.u32 @!p1 s10, $0x3;
	[sflag:s19] =	ssyncset.done $0x0  }
0xb6: {  	s12 =	sadd.s32 @!p1 s5, s10;
	s10 =	sadd.s32 @!p1 s6, s10;
	[sflag:s19] =	ssyncadd.s32 $0xFFFFC000  }
0xb7: {  	[tilespmem:s26], [sflag:$0x5] =	stream.indirect.gather [hbm4b:s4+s30], $0x80, s0, s30, $0xb8;
	[tilespmem:$0x1C000] =	vst v63  }
0xb8: {  	s3 =	simm.s32 @!p1 $0x200;
	s11 =	sor.u32 @!p1 s11, s13;
	s13 =	sand.u32 @!p1 $0x7C00, s8  }
0xb9: {  	[tilespmem:s25], [sflag:$0x1] =	stream.linear.gather @!p1 [hbm4b:s12+s25], $0x80, $0x38;
	[tilespmem:$0x1C000] =	vst v63  }
0xba: {  	s8 =	sand.u32 @!p1 $0x300, s8;
	s11 =	sshrl.u32 @!p1 s11, $0x3;
	s12 =	sadd.s32 @!p1 s9, s13  }
0xbb: {  	[tilespmem:s3], [sflag:$0x1] =	stream.linear.gather @!p1 [hbm4b:s10+s25], $0x80, $0x38;
	[tilespmem:$0x1C000] =	vst v63  }
0xbc: {  	s3 =	sadd.s32 @!p1 s5, s11;
	s11 =	sadd.s32 @!p1 s6, s11;
	_ =	swait.ge [sflag:s20], $0x4000  }
0xbd: {  	s8 =	sor.u32 @!p1 s8, s12;
	[sflag:s20] =	ssyncset.done $0x0  }
0xbe: {  	s8 =	sshrl.u32 @!p1 s8, $0x3;
	[sflag:s20] =	ssyncadd.s32 $0xFFFFC000  }
0xbf: {  	[spmem:s1] =	stream.indirect.scatter.add.f32 [tilespmem:s14], [sflag:$0x8], $0x80, s31, s30, $0xb8;
	[tilespmem:$0x1C000] =	vst v63  }
0xc0: {  	s10 =	sadd.s32 @!p1 s5, s8;
	s8 =	sadd.s32 @!p1 s6, s8;
	_ =	swait.ge [sflag:s21], $0x80  }
0xc1: {  	[sflag:s21] =	ssyncset.done $0x0  }
0xc2: {  	[sflag:s21] =	ssyncadd.s32 $0xFFFFFF80  }
0xc3: {  	_ =	swait.ge [sflag:s21], $0x80  }
0xc4: {  	[sflag:s21] =	ssyncset.done $0x0  }
0xc5: {  	[sflag:s21] =	ssyncadd.s32 $0xFFFFFF80  }
0xc6: {  	s12 =	simm.s32 @p1 $0x5;
	_ =	swait.ge [sflag:s22], $0x4000  }
0xc7: {  	[sflag:s22] =	ssyncset.done $0x0  }
0xc8: {  	s13 =	simm.s32 @p1 $0x400;
	[sflag:s22] =	ssyncadd.s32 $0xFFFFC000  }
0xc9: {  	[tilespmem:s14], [sflag:$0x6] =	stream.indirect.gather [hbm4b:s4+s30], $0x80, s15, s30, $0xb8;
	[tilespmem:$0x1C000] =	vst v63  }
0xca: {  	s23 =	simm.s32 @p1 $0x80;
	s28 =	simm.s32 @p1 $0x300;
	_ =	swait.ge @p1 [sflag:s12], $0x4000  }
0xcb: {  	[sflag:s12] =	ssyncset.done @p1 $0x0  }
0xcc: {  	[sflag:s12] =	ssyncadd.s32 @p1 $0xFFFFC000;
	s12 =	simm.s32 @!p1 $0x80  }
0xcd: {  	[spmem:s1] =	stream.indirect.scatter.add.f32 @p1 [tilespmem:s13], [sflag:$0x7], $0x80, s28, s23, $0xb8;
	[tilespmem:$0x1C000] =	vst v63  }
0xce: {  	s13 =	simm.s32 @!p1 $0x280;
	s23 =	simm.s32 @!p1 $0x5  }
0xcf: {  	[tilespmem:s12], [sflag:$0x2] =	stream.linear.gather @!p1 [hbm4b:s3+s25], $0x80, $0x38;
	[tilespmem:$0x1C000] =	vst v63  }
0xd0: {  	_ = 	snop  }
0xd1: {  	[tilespmem:s13], [sflag:$0x2] =	stream.linear.gather @!p1 [hbm4b:s11+s25], $0x80, $0x38;
	[tilespmem:$0x1C000] =	vst v63  }
0xd2: {  	s3 =	simm.s32 @!p1 $0x300;
	s11 =	simm.s32 @!p1 $0x400;
	_ =	swait.ge @!p1 [sflag:s23], $0x4000  }
0xd3: {  	s13 =	simm.s32 @!p1 $0x1;
	[sflag:s23] =	ssyncset.done @!p1 $0x0  }
0xd4: {  	[sflag:s23] =	ssyncadd.s32 @!p1 $0xFFFFC000  }
0xd5: {  	[spmem:s1] =	stream.indirect.scatter.add.f32 @!p1 [tilespmem:s11], [sflag:$0x7], $0x80, s3, s12, $0xb8;
	[tilespmem:$0x1C000] =	vst v63  }
0xd6: {  	_ =	swait.ge @!p1 [sflag:s13], $0x80  }
0xd7: {  	[sflag:s13] =	ssyncset.done @!p1 $0x0  }
0xd8: {  	[sflag:s13] =	ssyncadd.s32 @!p1 $0xFFFFFF80  }
0xd9: {  	s23 =	simm.s32 @!p1 $0x7;
	_ =	swait.ge @!p1 [sflag:s13], $0x80  }
0xda: {  	[sflag:s13] =	ssyncset.done @!p1 $0x0  }
0xdb: {  	[sflag:s13] =	ssyncadd.s32 @!p1 $0xFFFFFF80  }
0xdc: {  	_ =	swait.ge @!p1 [sflag:s23], $0x4000  }
0xdd: {  	[sflag:s23] =	ssyncset.done @!p1 $0x0  }
0xde: {  	s13 =	simm.s32 @!p1 $0x100;
	[sflag:s23] =	ssyncadd.s32 @!p1 $0xFFFFC000  }
0xdf: {  	[tilespmem:s11], [sflag:$0x5] =	stream.indirect.gather @!p1 [hbm4b:s4+s12], $0x80, s25, s12, $0xb8;
	[tilespmem:$0x1C000] =	vst v63  }
.Ltmp0:
0xe0: {  	_ = 	snop;
	(pc) =	sbr.rel @p0 .LBB2_2-.Ltmp0, $4  }
0xe1: {  	_ = 	snop  }
0xe2: {  	[tilespmem:s13], [sflag:$0x3] =	stream.linear.gather @!p1 [hbm4b:s10+s25], $0x80, $0x38;
	[tilespmem:$0x1C000] =	vst v63  }
0xe3: {  	_ = 	snop  }
0xe4: {  	[tilespmem:s3], [sflag:$0x3] =	stream.linear.gather @!p1 [hbm4b:s8+s25], $0x80, $0x38;
	[tilespmem:$0x1C000] =	vst v63  }
0xe5: {  	_ =	swait.ge [sflag:s20], $0x4000  }
0xe6: {  	[sflag:s20] =	ssyncset.done $0x0  }
0xe7: {  	[sflag:s20] =	ssyncadd.s32 $0xFFFFC000  }
0xe8: {  	[spmem:s1] =	stream.indirect.scatter.add.f32 [tilespmem:s14], [sflag:$0x8], $0x80, s16, s30, $0xb8;
	[tilespmem:$0x1C000] =	vst v63  }
0xe9: {  	_ =	swait.ge [sflag:s19], $0x4000  }
0xea: {  	[sflag:s19] =	ssyncset.done $0x0  }
0xeb: {  	[sflag:s19] =	ssyncadd.s32 $0xFFFFC000  }
0xec: {  	_ =	swait.ge [sflag:s22], $0x4000  }
0xed: {  	[sflag:s22] =	ssyncset.done $0x0  }
0xee: {  	[sflag:s22] =	ssyncadd.s32 $0xFFFFC000  }
0xef: {  	[bflag:$0x0] =	sbarrier.arrive $0xFFFF  }
0xf0: {  	s8 =	simm.s32 $0x9;
	s11 =	rddreg [dreg:$0x4]  }
0xf1: {  	[tilespmem:s26], [sflag:$0x9] =	stream.linear.gather [spmem:s11], $0x4000, $0x38;
	[tilespmem:$0x1C000] =	vst v63  }
0xf2: {  	_ =	swait.ge [sflag:s8], $0x4000  }
0xf3: {  	[sflag:s8] =	ssyncset.done $0x0  }
0xf4: {  	s3 =	rddreg [dreg:$0xd];
	[sflag:s8] =	ssyncadd.s32 $0xFFFFC000  }
0xf5: {  	[hbm4b:s3+s2] =	stream.linear.scatter [tilespmem:s26], [sflag:$0x9], $0x4000, $0x38;
	[tilespmem:$0x1C000] =	vst v63  }
0xf6: {  	_ =	swait.ge [sflag:s8], $0x4000  }
0xf7: {  	[sflag:s8] =	ssyncset.done $0x0  }
0xf8: {  	s12 =	rddreg [dreg:$0x5];
	[sflag:s8] =	ssyncadd.s32 $0xFFFFC000  }
0xf9: {  	[tilespmem:s14], [sflag:$0x9] =	stream.linear.gather [spmem:s12], $0x4000, $0x38;
	[tilespmem:$0x1C000] =	vst v63  }
0xfa: {  	_ =	swait.ge [sflag:s8], $0x4000  }
0xfb: {  	[sflag:s8] =	ssyncset.done $0x0  }
0xfc: {  	s13 =	rddreg [dreg:$0xe];
	[sflag:s8] =	ssyncadd.s32 $0xFFFFC000  }
0xfd: {  	[hbm4b:s13+s2] =	stream.linear.scatter [tilespmem:s14], [sflag:$0x9], $0x4000, $0x38;
	[tilespmem:$0x1C000] =	vst v63  }
0xfe: {  	_ =	swait.ge [sflag:s8], $0x4000  }
0xff: {  	[sflag:s8] =	ssyncset.done $0x0  }
0x100: {  	s13 =	rddreg [dreg:$0x6];
	[sflag:s8] =	ssyncadd.s32 $0xFFFFC000  }
0x101: {  	[tilespmem:s26], [sflag:$0x9] =	stream.linear.gather [spmem:s13], $0x4000, $0x38;
	[tilespmem:$0x1C000] =	vst v63  }
0x102: {  	_ =	swait.ge [sflag:s8], $0x4000  }
0x103: {  	[sflag:s8] =	ssyncset.done $0x0  }
0x104: {  	s23 =	rddreg [dreg:$0xf];
	[sflag:s8] =	ssyncadd.s32 $0xFFFFC000  }
0x105: {  	[hbm4b:s23+s2] =	stream.linear.scatter [tilespmem:s26], [sflag:$0x9], $0x4000, $0x38;
	[tilespmem:$0x1C000] =	vst v63  }
0x106: {  	_ =	swait.ge [sflag:s8], $0x4000  }
0x107: {  	[sflag:s8] =	ssyncset.done $0x0  }
0x108: {  	s23 =	rddreg [dreg:$0x7];
	[sflag:s8] =	ssyncadd.s32 $0xFFFFC000  }
0x109: {  	[tilespmem:s14], [sflag:$0x9] =	stream.linear.gather [spmem:s23], $0x4000, $0x38;
	[tilespmem:$0x1C000] =	vst v63  }
0x10a: {  	_ =	swait.ge [sflag:s8], $0x4000  }
0x10b: {  	[sflag:s8] =	ssyncset.done $0x0  }
0x10c: {  	s24 =	rddreg [dreg:$0x10];
	[sflag:s8] =	ssyncadd.s32 $0xFFFFC000  }
0x10d: {  	[hbm4b:s24+s2] =	stream.linear.scatter [tilespmem:s14], [sflag:$0x9], $0x4000, $0x38;
	[tilespmem:$0x1C000] =	vst v63  }
0x10e: {  	_ =	swait.ge [sflag:s8], $0x4000  }
0x10f: {  	[sflag:s8] =	ssyncset.done $0x0  }
0x110: {  	s24 =	rddreg [dreg:$0x8];
	[sflag:s8] =	ssyncadd.s32 $0xFFFFC000  }
0x111: {  	[tilespmem:s26], [sflag:$0x9] =	stream.linear.gather [spmem:s24], $0x3C00, $0x38;
	[tilespmem:$0x1C000] =	vst v63  }
0x112: {  	_ =	swait.ge [sflag:s8], $0x3C00  }
0x113: {  	[sflag:s8] =	ssyncset.done $0x0  }
0x114: {  	s25 =	rddreg [dreg:$0x11];
	[sflag:s8] =	ssyncadd.s32 $0xFFFFC400  }
0x115: {  	[hbm4b:s25+s2] =	stream.linear.scatter [tilespmem:s26], [sflag:$0x9], $0x3C00, $0x38;
	[tilespmem:$0x1C000] =	vst v63  }
0x116: {  	_ =	swait.ge [sflag:s8], $0x3C00  }
0x117: {  	s10 =	rddreg [dreg:$0x15]  }
0x118: {  	s28 =	rddreg [dreg:$0x14];
	s10 =	sadd.s32 $0x1, s10  }
0x119: {  	p0 =	sne.s32 s10, s28  }
.Ltmp1:
0x11a: {  	_ = 	snop;
	(pc) =	sbr.rel @p0 .LBB2_1-.Ltmp1, $3  }
0x11b: {  	_ =	sdelay $0x1  }
0x11c: {  	[sflag:s8] =	ssyncset.done $0x0  }
0x11d: {  	[sflag:s8] =	ssyncadd.s32 $0xFFFFC400  }
0x11e: {  	_ =	sfence.sel $0x180000  }
0x11f: {  	[bflag:$0x0] =	sbarrier.arrive $0xFFFF  }
0x120: {  	_ =	strace $0x9000004D  }
0x121: {  	s0 =	stileid.u32;
	[bflag:$0x2] =	sbarrier.arrive $0xFFFF  }
0x122: {  	p0 =	sne.s32 s0, $0x0;
	s0 =	rddreg [dreg:$0x2]  }
0x123: {  	s0 =	sadd.s32 @!p0 $0x100000, s0  }
0x124: {  	[sflag:s0] =	ssyncadd.tile.s32 @!p0 $0x1;
	_ =	shalt  }
.Lfunc_end2:
_tile_overlayer_lowered:
.L_overlay_start_2:
0x125: {  	(tag) =	ssettag $0x2  }
0x126: {  	s0 =	rddreg [dreg:$0x0];
	s2 =	stileid.u32  }
0x127: {  	s1 =	rddreg [dreg:$0x1];
	p0 =	sne.s32 s2, $0x0  }
0x128: {  	s3 =	rddreg [dreg:$0x2];
	[bflag:$0x3] =	sbarrier.arrive $0xFFFF;
	s2 =	simm.s32 @!p0 $0x1C09  }
0x129: {  	[timem:s3], [sflag:s2] =	dma.local @!p0 [hbm:s0], s1  }
0x12a: {  	s0 =	simm.s32 @!p0 $0x9  }
0x12b: {  	_ =	swait.ge @!p0 [sflag:s0], s1  }
0x12c: {  	s1 =	ssub.s32 @!p0 $0x0, s1;
	[sflag:s0] =	ssyncset.done @!p0 $0x0  }
0x12d: {  	[sflag:s0] =	ssyncadd.s32 @!p0 s1  }
0x12e: {  	[bflag:$0x3] =	sbarrier.arrive $0xFFFF  }
0x12f: {  	_ =	shalt  }

// kernel: kernel.19.cloned.1.call-start
scs
__scs_entry_jumppad:
0x0: {  	(pc) =	sbr.rel $0x88, $3  }
0x1: {  	(tag) =	ssettag $0x0;
	lr =	simm.s32 $0x1  }
0x2: {  	[smem:$0x3F8D] =	sst lr;
	_ =	strace $0xD0000000  }
0x3: {  	_ = 	snop  }
0x4: {  	_ = 	snop  }
0x5: {  	_ = 	snop  }
0x6: {  	_ = 	snop  }
0x7: {  	_ = 	snop  }
__scs_overlays_trampoline_lowered:
0x8: {  	[smem:$0x3F9C] =	sst s0  }
0x9: {  	[smem:$0x3F9D] =	sst s1  }
0xa: {  	[smem:$0x3F9E] =	sst s2  }
0xb: {  	[smem:$0x3F9F] =	sst s3  }
0xc: {  	[smem:$0x3FA0] =	sst s4  }
0xd: {  	[smem:$0x3FA1] =	sst s5  }
0xe: {  	[smem:$0x3FA2] =	sst s6  }
0xf: {  	[smem:$0x3FA3] =	sst s7  }
0x10: {  	[smem:$0x3FA4] =	sst s8  }
0x11: {  	[smem:$0x3FA5] =	sst s9;
	s0 =	simm.s32 @!p0 $0x0  }
0x12: {  	s1 =	sld [smem:$0x3F8B];
	s0 =	simm.s32 @p0 $0x1  }
0x13: {  	[smem:$0x3FA6] =	sst s0;
	s0 =	simm.s32 @!p1 $0x0  }
0x14: {  	s2 =	sld [smem:$0x3F8A];
	s0 =	simm.s32 @p1 $0x1  }
0x15: {  	[smem:$0x3FA7] =	sst s0;
	s0 =	simm.s32 @!p2 $0x0  }
0x16: {  	s3 =	sld [smem:$0x3FDB];
	s0 =	simm.s32 @p2 $0x1  }
0x17: {  	s4 =	simm.s32 $0x1BF5;
	[smem:$0x3FA9] =	sst s0  }
0x18: {  	s0 =	sld [smem:$0x3F8C];
	_ =	swait.ge [sflag:s4], $0x0  }
0x19: {  	s7 =	sld [smem:$0x3F8D]  }
0x1a: {  	s8 =	sadd.s32 $0xFFFFE003, lr  }
0x1b: {  	s9 =	sadd.s32 $0xFFFFFEF7, lr;
	s5 =	simm.s32 $0xFFFFFFFF;
	p2 =	slt.u32 s8, $0xFFFFF086  }
0x1c: {  	p1 =	slt.u32 s9, $0xF7A;
	s5 =	simm.s32 @!p2 $0x0  }
0x1d: {  	s5 =	simm.s32 @p1 $0x1;
	p0 =	seq.s32 s7, s2  }
0x1e: {  	s7 =	smul.u32 @!p0 $0xF7A, s2;
	p2 =	seq.s32 @!p0 s5, $0x0  }
0x1f: {  	s9 =	smul.u32 $0xF7A, s1;
	s8 =	simm.s32 @!p0 $0x1BF5;
	p2 =	por !p2, p0  }
0x20: {  	[sflag:s8] =	ssyncset.s32 @!p0 $0xFFFFF086;
	s6 =	sadd.s32 @!p0 s3, s7;
	s7 =	simm.s32 @!p0 $0x108  }
0x21: {  	s3 =	sadd.s32 s3, s9;
	s6 =	sadd.s32 @!p0 $0x88, s6;
	s7 =	simm.s32 @p2 $0x1082  }
0x22: {  	[simem:s7], [sflag:s8] =	dma.local @!p0 [hbm:s6], $0xF7A  }
0x23: {  	s9 =	sor.u32 $0xD0000000, s2;
	s6 =	simm.s32 $0x108;
	_ =	swait.ge @!p0 [sflag:s8], $0x0  }
0x24: {  	s3 =	sadd.s32 $0x88, s3;
	s6 =	simm.s32 @!p1 $0x1082;
	[sflag:s4] =	ssyncset.s32 $0xFFFFF086  }
0x25: {  	[simem:s6], [sflag:s4] =	dma.local [hbm:s3], $0xF7A  }
0x26: {  	[smem:$0x3F8D] =	sst s1;
	(tag) =	ssettag s2;
	_ =	strace s9  }
0x27: {  	s1 =	sld [smem:$0x3F9D]  }
0x28: {  	s2 =	sld [smem:$0x3F9E]  }
0x29: {  	s4 =	sld [smem:$0x3FA0]  }
0x2a: {  	p0 =	seq.s32 s5, $0x0;
	s5 =	sld [smem:$0x3FA1]  }
0x2b: {  	s6 =	sld [smem:$0x3FA2]  }
0x2c: {  	s7 =	sld [smem:$0x3FA3]  }
0x2d: {  	s3 =	simm.s32 $0x108;
	s8 =	sld [smem:$0x3FA4]  }
0x2e: {  	s3 =	simm.s32 @!p0 $0x1082;
	s9 =	sld [smem:$0x3FA5]  }
0x2f: {  	lr =	sadd.s32 s0, s3;
	s0 =	sld [smem:$0x3F9C]  }
0x30: {  	s3 =	sld [smem:$0x3F9F]  }
0x31: {  	[smem:$0x3FA8] =	sst s10  }
0x32: {  	s10 =	sld [smem:$0x3FA6];
	_ =	sdelay $0x3  }
0x33: {  	p0 =	seq.s32 s10, $0x1;
	s10 =	sld [smem:$0x3FA8];
	_ =	sdelay $0x3  }
0x34: {  	[smem:$0x3FA8] =	sst s10  }
0x35: {  	s10 =	sld [smem:$0x3FA7];
	_ =	sdelay $0x3  }
0x36: {  	p1 =	seq.s32 s10, $0x1;
	s10 =	sld [smem:$0x3FA8];
	_ =	sdelay $0x3  }
0x37: {  	[smem:$0x3FA8] =	sst s10  }
0x38: {  	s10 =	sld [smem:$0x3FA9]  }
0x39: {  	_ = 	snop;
	(pc) =	sbr.ind lr, $3  }
0x3a: {  	_ = 	snop  }
0x3b: {  	_ = 	snop  }
0x3c: {  	p2 =	seq.s32 s10, $0x1;
	s10 =	sld [smem:$0x3FA8]  }
0x3d: {  	_ =	shalt  }
0x3e: {  	_ =	shalt  }
0x3f: {  	_ =	shalt  }
0x40: {  	_ =	shalt  }
0x41: {  	_ =	shalt  }
0x42: {  	_ =	shalt  }
0x43: {  	_ =	shalt  }
0x44: {  	_ =	shalt  }
0x45: {  	_ =	shalt  }
0x46: {  	_ =	shalt  }
0x47: {  	_ =	shalt  }
0x48: {  	_ =	shalt  }
0x49: {  	_ =	shalt  }
0x4a: {  	_ =	shalt  }
0x4b: {  	_ =	shalt  }
0x4c: {  	_ =	shalt  }
0x4d: {  	_ =	shalt  }
0x4e: {  	_ =	shalt  }
0x4f: {  	_ =	shalt  }
0x50: {  	_ =	shalt  }
0x51: {  	_ =	shalt  }
0x52: {  	_ =	shalt  }
0x53: {  	_ =	shalt  }
0x54: {  	_ =	shalt  }
0x55: {  	_ =	shalt  }
0x56: {  	_ =	shalt  }
0x57: {  	_ =	shalt  }
0x58: {  	_ =	shalt  }
0x59: {  	_ =	shalt  }
0x5a: {  	_ =	shalt  }
0x5b: {  	_ =	shalt  }
0x5c: {  	_ =	shalt  }
0x5d: {  	_ =	shalt  }
0x5e: {  	_ =	shalt  }
0x5f: {  	_ =	shalt  }
0x60: {  	_ =	shalt  }
0x61: {  	_ =	shalt  }
0x62: {  	_ =	shalt  }
0x63: {  	_ =	shalt  }
0x64: {  	_ =	shalt  }
0x65: {  	_ =	shalt  }
0x66: {  	_ =	shalt  }
0x67: {  	_ =	shalt  }
0x68: {  	_ =	shalt  }
0x69: {  	_ =	shalt  }
0x6a: {  	_ =	shalt  }
0x6b: {  	_ =	shalt  }
0x6c: {  	_ =	shalt  }
0x6d: {  	_ =	shalt  }
0x6e: {  	_ =	shalt  }
0x6f: {  	_ =	shalt  }
0x70: {  	_ =	shalt  }
0x71: {  	_ =	shalt  }
0x72: {  	_ =	shalt  }
0x73: {  	_ =	shalt  }
0x74: {  	_ =	shalt  }
0x75: {  	_ =	shalt  }
0x76: {  	_ =	shalt  }
0x77: {  	_ =	shalt  }
0x78: {  	_ =	shalt  }
0x79: {  	_ =	shalt  }
0x7a: {  	_ =	shalt  }
0x7b: {  	_ =	shalt  }
0x7c: {  	_ =	shalt  }
0x7d: {  	_ =	shalt  }
0x7e: {  	_ =	shalt  }
0x7f: {  	_ =	shalt  }
0x80: {  	_ =	shalt  }
0x81: {  	_ =	shalt  }
0x82: {  	_ =	shalt  }
0x83: {  	_ =	shalt  }
0x84: {  	_ =	shalt  }
0x85: {  	_ =	shalt  }
0x86: {  	_ =	shalt  }
0x87: {  	_ =	shalt  }
.Lfunc_end0:
.L_simem_size_0:
called_computation.3_lowered:
.L_overlay_start_0:
0x88: {  	s2 =	sld [smem:$0x3FD9]  }
0x89: {  	s3 =	sld [smem:$0x3FFE];
	_ =	sdelay $0x1  }
0x8a: {  	s1 =	srdreg.scid  }
0x8b: {  	s0 =	sand.u32 $0x1, s1  }
0x8c: {  	s16 =	sshll.u32 s0, $0xA;
	s2 =	sadd.s32 s3, s2  }
0x8d: {  	s2 =	sadd.s32 s2, s16  }
0x8e: {  	[smem:$0x3FB4] =	sst s2  }
0x8f: {  	_ = 	snop  }
0x90: {  	(tm) =	ssettm $0x1  }
0x91: {  	s17 =	sld [smem:$0x3FFB];
	_ =	sdelay $0x3  }
0x92: {  	_ =	strace s17  }
0x93: {  	s2 =	sld [smem:$0x3FFC];
	_ =	sdelay $0x3  }
0x94: {  	_ =	strace s2  }
0x95: {  	s2 =	sld [smem:$0x3FFD];
	_ =	sdelay $0x3  }
0x96: {  	_ =	strace s2  }
0x97: {  	_ =	strace $0x8FFFFFFF  }
0x98: {  	s18 =	sld [smem:$0x3FDB];
	_ =	sdelay $0x1  }
0x99: {  	s19 =	simm.s32 $_scs_section_size  }
0x9a: {  	s4 =	simm.s32 $_size__tile_overlayer_lowered;
	s5 =	simm.s32 $_tile_overlayer_lowered  }
0x9b: {  	s22 =	simm.s32 $0x1BFF;
	s21 =	sshll.u32 s5, $0x1;
	s2 =	sadd.s32 s19, s18  }
0x9c: {  	s6 =	simm.s32 $0x0;
	s20 =	sshll.u32 s4, $0x1;
	s4 =	sadd.s32 s21, s2  }
0x9d: {  	[timem:s6], [sflag:s22] =	dma.local [hbm:s4], s20  }
0x9e: {  	_ =	swait.ge [sflag:s22], s20  }
0x9f: {  	s3 =	ssub.s32 $0x0, s20;
	[sflag:s22] =	ssyncset.done $0x0  }
0xa0: {  	[sflag:s22] =	ssyncadd.s32 s3;
	_ =	sdelay $0x1  }
0xa1: {  	s23 =	simm.s32 $0x1B8B  }
0xa2: {  	_ =	swait.ge [sflag:s23], $0x1  }
0xa3: {  	[sflag:s23] =	ssyncset.done $0x0  }
0xa4: {  	s25 =	simm.s32 $0x1B8E;
	s24 =	sld [smem:$0x3FFE];
	[sflag:s23] =	ssyncadd.s32 $0xFFFFFFFF  }
0xa5: {  	s26 =	simm.s32 $execute0_lowered;
	[smem:$0x3FD2] =	sst s25  }
0xa6: {  	s4 =	sshll.u32 s26, $0x1;
	_ =	strace $0x8000004F;
	[dreg:$0x1] =	wrdreg $0xFFFFFFFF  }
0xa7: {  	s28 =	simm.s32 $_size_execute0_lowered;
	s2 =	sadd.s32 s2, s4;
	[dreg:$0x0] =	wrdreg $0x0  }
0xa8: {  	s4 =	sshll.u32 s28, $0x1;
	[dreg:$0x2] =	wrdreg s2  }
0xa9: {  	[dreg:$0x3] =	wrdreg s4  }
0xaa: {  	[dreg:$0x4] =	wrdreg $0xC0  }
0xab: {  	_ =	task [dreg:s6], $0x5FFFF  }
0xac: {  	[dreg:$0x1] =	wrdreg $0xFFFFFFFF  }
0xad: {  	[dreg:$0x0] =	wrdreg $0x60  }
0xae: {  	[dreg:$0x2] =	wrdreg s24  }
0xaf: {  	[dreg:$0x3] =	wrdreg $0x84000  }
0xb0: {  	[dreg:$0x4] =	wrdreg $0x9  }
0xb1: {  	_ =	task.clear_ibuf [dreg:s6], $0x5FFFF;
	_ =	strace $0x9000004F  }
0xb2: {  	s29 =	simm.s32 $0x9;
	_ =	strace $0x80000051  }
0xb3: {  	_ =	swait.ge [sflag:s29], $0x1  }
0xb4: {  	[sflag:s29] =	ssyncadd.s32 $0xFFFFFFFF  }
0xb5: {  	_ =	strace $0x90000051  }
0xb6: {  	_ =	sfence  }
0xb7: {  	s30 =	sld [smem:$0x0];
	_ =	sdelay $0x2  }
0xb8: {  	s31 =	sshll.u32 s1, $0xD;
	s1 =	sshrl.u32 s1, $0x2  }
0xb9: {  	s3 =	sand.u32 $0x4000, s31;
	s1 =	sadd.s32 s1, s30  }
0xba: {  	s0 =	sor.u32 s3, s0;
	s1 =	sshll.u32 s1, $0x11  }
0xbb: {  	s0 =	sor.u32 s1, s0  }
0xbc: {  	s0 =	sadd.s32 $0x8F2B, s0  }
0xbd: {  	[sflag:s0] =	ssyncadd.remote.s32 $0x1  }
0xbe: {  	_ =	sfence.sel $0xFFFF  }
0xbf: {  	[dreg:$0x0] =	wrdreg $0xFFFFFFFF;
	(pc) =	sbr.abs _section_cstart, $3  }
0xc0: {  	[dreg:$0x1] =	wrdreg $0xFFFFFFFF  }
0xc1: {  	_ =	task.clear_ibuf [dreg:s6], $0x2FFFF;
	_ =	strace $0x9FFFFFFF  }
0xc2: {  	(tm) =	ssettm $0x7FFFFFFF  }
0xc3: {  	_ =	shalt  }
tec
execute0_lowered:
.L_overlay_start_1:
0x0: {  	(tag) =	ssettag $0x1  }
0x1: {  	s0 =	rddreg [dreg:$0x0]  }
0x2: {  	s1 =	rddreg [dreg:$0x1]  }
0x3: {  	s2 =	simm.s32 $0x0;
	s3 =	srdreg.scid;
	s11 =	stileid.u32  }
0x4: {  	s29 =	simm.s32 $0x200;
	s30 =	simm.s32 $0x80;
	s31 =	simm.s32 $0x280  }
0x5: {  	[smem:$0x7FF] =	sst s2;
	s4 =	sadd.s32 $0x1A400, s0;
	s5 =	sadd.s32 $0x10400, s0  }
0x6: {  	s6 =	sadd.s32 $0x6400, s0;
	s7 =	sadd.s32 $0x68800, s0;
	s20 =	smul.u32 $0x4F000, s11  }
0x7: {  	s3 =	sand.u32 $0x1, s3;
	s0 =	sadd.s32 $0x69000, s0;
	s9 =	smul.u32 $0xA, s11  }
0x8: {  	s14 =	smul.u32 $0x13C00, s11;
	_ =	strace $0x80000050;
	s8 =	ssub.s32 $0x2, s3  }
0x9: {  	[dreg:$0x3] =	wrdreg s7;
	s10 =	sshrl.u32 s8, $0x1;
	s7 =	sshrl.u32 s20, $0x2  }
0xa: {  	s9 =	sor.u32 s3, s9;
	s21 =	sadd.s32 $0x4000, s14;
	s22 =	sadd.s32 $0x8000, s14  }
0xb: {  	s15 =	sadd.s32 $0xC000, s14;
	s16 =	sadd.s32 $0x10000, s14;
	s3 =	smul.u32 $0x13C000, s3  }
0xc: {  	s8 =	ssub.s32 s8, s10;
	s11 =	sadd.s32 s7, s1;
	s9 =	smul.u32 $0x2800, s9  }
0xd: {  	s12 =	sadd.s32 s21, s1;
	s13 =	sadd.s32 s22, s1;
	[dreg:$0x4] =	wrdreg s11  }
0xe: {  	s23 =	sadd.s32 s15, s1;
	s24 =	sadd.s32 s16, s1;
	[dreg:$0x5] =	wrdreg s12  }
0xf: {  	s14 =	sadd.s32 s14, s3;
	s7 =	sadd.s32 s3, s21;
	[dreg:$0x6] =	wrdreg s13  }
0x10: {  	s10 =	sadd.s32 s3, s22;
	s15 =	sadd.s32 s3, s15;
	[dreg:$0x7] =	wrdreg s23  }
0x11: {  	s3 =	sadd.s32 s3, s16;
	s16 =	simm.s32 $0x380;
	[dreg:$0x8] =	wrdreg s24  }
0x12: {  	s17 =	sshrl.u32 s9, $0x3;
	s14 =	sshrl.u32 s14, $0x3;
	s7 =	sshrl.u32 s7, $0x3  }
0x13: {  	s21 =	sshrl.u32 s10, $0x3;
	s22 =	sshrl.u32 s15, $0x3;
	s3 =	sshrl.u32 s3, $0x3  }
0x14: {  	s15 =	simm.s32 $0x180;
	s10 =	simm.s32 $0x0;
	s18 =	sadd.s32 s5, s17  }
0x15: {  	s25 =	sadd.s32 s6, s17;
	s26 =	sor.u32 $0x10, s17;
	[dreg:$0x9] =	wrdreg s18  }
0x16: {  	s20 =	sor.u32 $0x20, s17;
	s14 =	sadd.s32 s0, s14;
	[dreg:$0xa] =	wrdreg s25  }
0x17: {  	s7 =	sadd.s32 s0, s7;
	s17 =	simm.s32 $0x5;
	[dreg:$0xd] =	wrdreg s14  }
0x18: {  	s28 =	sadd.s32 s5, s26;
	s19 =	sadd.s32 s6, s26;
	[dreg:$0xe] =	wrdreg s7  }
0x19: {  	s7 =	sadd.s32 s0, s21;
	s25 =	sadd.s32 s5, s20;
	[dreg:$0xb] =	wrdreg s28  }
0x1a: {  	s26 =	sadd.s32 s6, s20;
	s14 =	simm.s32 $0x4400;
	[dreg:$0xc] =	wrdreg s19  }
0x1b: {  	s18 =	simm.s32 $0x3;
	s20 =	simm.s32 $0x6;
	[dreg:$0xf] =	wrdreg s7  }
0x1c: {  	s21 =	simm.s32 $0x4;
	s7 =	sadd.s32 s0, s22;
	[dreg:$0x12] =	wrdreg s25  }
0x1d: {  	s0 =	sadd.s32 s0, s3;
	[dreg:$0x13] =	wrdreg s26;
	s28 =	smax.u32 s8, $0x1  }
0x1e: {  	s26 =	simm.s32 $0x400;
	s8 =	simm.s32 $0x9;
	[dreg:$0x10] =	wrdreg s7  }
0x1f: {  	s19 =	simm.s32 $0x7;
	s22 =	simm.s32 $0x8;
	[dreg:$0x11] =	wrdreg s0  }
0x20: {  	[dreg:$0x14] =	wrdreg s28;
	s0 =	simm.s32 $0x100;
	s7 =	simm.s32 $0x2  }
.LBB2_1:
0x21: {  	[dreg:$0x15] =	wrdreg s10  }
0x22: {  	s3 =	rddreg [dreg:$0x3]  }
0x23: {  	[tilespmem:s26], [sflag:$0x9] =	stream.linear.gather [hbm4b:s3+s2], $0x4000, $0x38;
	[tilespmem:$0x1C000] =	vst v63  }
0x24: {  	_ =	swait.ge [sflag:s8], $0x4000  }
0x25: {  	[sflag:s8] =	ssyncset.done $0x0  }
0x26: {  	[sflag:s8] =	ssyncadd.s32 $0xFFFFC000  }
0x27: {  	[spmem:s11] =	stream.linear.scatter [tilespmem:s26], [sflag:$0x9], $0x4000, $0x38;
	[tilespmem:$0x1C000] =	vst v63  }
0x28: {  	_ =	swait.ge [sflag:s8], $0x4000  }
0x29: {  	[sflag:s8] =	ssyncset.done $0x0  }
0x2a: {  	[sflag:s8] =	ssyncadd.s32 $0xFFFFC000  }
0x2b: {  	[spmem:s12] =	stream.linear.scatter [tilespmem:s26], [sflag:$0x9], $0x4000, $0x38;
	[tilespmem:$0x1C000] =	vst v63  }
0x2c: {  	_ =	swait.ge [sflag:s8], $0x4000  }
0x2d: {  	[sflag:s8] =	ssyncset.done $0x0  }
0x2e: {  	[sflag:s8] =	ssyncadd.s32 $0xFFFFC000  }
0x2f: {  	[spmem:s13] =	stream.linear.scatter [tilespmem:s26], [sflag:$0x9], $0x4000, $0x38;
	[tilespmem:$0x1C000] =	vst v63  }
0x30: {  	_ =	swait.ge [sflag:s8], $0x4000  }
0x31: {  	[sflag:s8] =	ssyncset.done $0x0  }
0x32: {  	[sflag:s8] =	ssyncadd.s32 $0xFFFFC000  }
0x33: {  	[spmem:s23] =	stream.linear.scatter [tilespmem:s26], [sflag:$0x9], $0x4000, $0x38;
	[tilespmem:$0x1C000] =	vst v63  }
0x34: {  	_ =	swait.ge [sflag:s8], $0x4000  }
0x35: {  	[sflag:s8] =	ssyncset.done $0x0  }
0x36: {  	[sflag:s8] =	ssyncadd.s32 $0xFFFFC000  }
0x37: {  	[spmem:s24] =	stream.linear.scatter [tilespmem:s26], [sflag:$0x9], $0x3C00, $0x38;
	[tilespmem:$0x1C000] =	vst v63  }
0x38: {  	_ =	swait.ge [sflag:s8], $0x3C00  }
0x39: {  	[sflag:s8] =	ssyncset.done $0x0  }
0x3a: {  	[sflag:s8] =	ssyncadd.s32 $0xFFFFC400  }
0x3b: {  	[bflag:$0x0] =	sbarrier.arrive $0xFFFF  }
0x3c: {  	s23 =	rddreg [dreg:$0x9]  }
0x3d: {  	[tilespmem:s2], [sflag:$0x1] =	stream.linear.gather [hbm4b:s23+s2], $0x80, $0x38;
	[tilespmem:$0x1C000] =	vst v63  }
0x3e: {  	s24 =	rddreg [dreg:$0xa]  }
0x3f: {  	[tilespmem:s29], [sflag:$0x1] =	stream.linear.gather [hbm4b:s24+s2], $0x80, $0x38;
	[tilespmem:$0x1C000] =	vst v63  }
0x40: {  	s25 =	rddreg [dreg:$0xb]  }
0x41: {  	[tilespmem:s30], [sflag:$0x2] =	stream.linear.gather [hbm4b:s25+s2], $0x80, $0x38;
	[tilespmem:$0x1C000] =	vst v63  }
0x42: {  	s28 =	rddreg [dreg:$0xc]  }
0x43: {  	[tilespmem:s31], [sflag:$0x2] =	stream.linear.gather [hbm4b:s28+s2], $0x80, $0x38;
	[tilespmem:$0x1C000] =	vst v63  }
0x44: {  	s8 =	rddreg [dreg:$0x12]  }
0x45: {  	[tilespmem:s0], [sflag:$0x3] =	stream.linear.gather [hbm4b:s8+s2], $0x80, $0x38;
	[tilespmem:$0x1C000] =	vst v63  }
0x46: {  	s11 =	simm.s32 $0x300;
	s12 =	simm.s32 $0x1;
	s10 =	rddreg [dreg:$0x13]  }
0x47: {  	[tilespmem:s11], [sflag:$0x3] =	stream.linear.gather [hbm4b:s10+s2], $0x80, $0x38;
	[tilespmem:$0x1C000] =	vst v63  }
0x48: {  	_ =	swait.ge [sflag:s12], $0x80  }
0x49: {  	[sflag:s12] =	ssyncset.done $0x0  }
0x4a: {  	[sflag:s12] =	ssyncadd.s32 $0xFFFFFF80  }
0x4b: {  	_ =	swait.ge [sflag:s12], $0x80  }
0x4c: {  	[sflag:s12] =	ssyncset.done $0x0  }
0x4d: {  	[sflag:s12] =	ssyncadd.s32 $0xFFFFFF80  }
0x4e: {  	[tilespmem:s26], [sflag:$0x5] =	stream.indirect.gather [hbm4b:s4+s30], $0x80, s2, s30, $0xb8;
	[tilespmem:$0x1C000] =	vst v63  }
0x4f: {  	_ =	swait.ge [sflag:s7], $0x80  }
0x50: {  	[sflag:s7] =	ssyncset.done $0x0  }
0x51: {  	[sflag:s7] =	ssyncadd.s32 $0xFFFFFF80  }
0x52: {  	p0 =	por $0x1, $0x1;
	_ =	swait.ge [sflag:s7], $0x80  }
0x53: {  	s13 =	sand.u32 $0x3C00, s2;
	s23 =	sand.u32 $0x200, s2;
	[sflag:s7] =	ssyncset.done $0x0  }
0x54: {  	s8 =	simm.s32 @!p0 $0x8;
	s10 =	sadd.s32 s9, s13;
	[sflag:s7] =	ssyncadd.s32 $0xFFFFFF80  }
0x55: {  	s10 =	sor.u32 s10, s23;
	_ =	swait.ge @!p0 [sflag:s8], $0x4000  }
0x56: {  	s10 =	sor.u32 $0x180, s10;
	[sflag:s8] =	ssyncset.done @!p0 $0x0  }
0x57: {  	s10 =	sshrl.u32 s10, $0x3;
	[sflag:s8] =	ssyncadd.s32 @!p0 $0xFFFFC000  }
0x58: {  	[tilespmem:s14], [sflag:$0x6] =	stream.indirect.gather [hbm4b:s4+s30], $0x80, s30, s30, $0xb8;
	[tilespmem:$0x1C000] =	vst v63  }
0x59: {  	s25 =	sadd.s32 s5, s10  }
0x5a: {  	[tilespmem:s15], [sflag:$0x4] =	stream.linear.gather [hbm4b:s25+s2], $0x80, $0x38;
	[tilespmem:$0x1C000] =	vst v63  }
0x5b: {  	s28 =	sadd.s32 s6, s10  }
0x5c: {  	[tilespmem:s16], [sflag:$0x4] =	stream.linear.gather [hbm4b:s28+s2], $0x80, $0x38;
	[tilespmem:$0x1C000] =	vst v63  }
0x5d: {  	_ =	swait.ge [sflag:s17], $0x4000  }
0x5e: {  	[sflag:s17] =	ssyncset.done $0x0  }
0x5f: {  	[sflag:s17] =	ssyncadd.s32 $0xFFFFC000  }
0x60: {  	[spmem:s1] =	stream.indirect.scatter.add.f32 [tilespmem:s26], [sflag:$0x7], $0x80, s29, s30, $0xb8;
	[tilespmem:$0x1C000] =	vst v63  }
0x61: {  	_ =	swait.ge [sflag:s18], $0x80  }
0x62: {  	[sflag:s18] =	ssyncset.done $0x0  }
0x63: {  	[sflag:s18] =	ssyncadd.s32 $0xFFFFFF80  }
0x64: {  	p0 =	por $0x0, $0x0;
	_ =	swait.ge [sflag:s18], $0x80  }
0x65: {  	s8 =	simm.s32 @!p0 $0x200;
	[sflag:s18] =	ssyncset.done $0x0  }
0x66: {  	s10 =	sand.u32 @!p0 $0x7C00, s8;
	[sflag:s18] =	ssyncadd.s32 $0xFFFFFF80  }
0x67: {  	s8 =	sand.u32 @!p0 $0x200, s8;
	s10 =	sadd.s32 @!p0 s9, s10;
	_ =	swait.ge [sflag:s19], $0x4000  }
0x68: {  	s8 =	sor.u32 @!p0 s8, s10;
	[sflag:s19] =	ssyncset.done $0x0  }
0x69: {  	s10 =	sshrl.u32 @!p0 s8, $0x3;
	[sflag:s19] =	ssyncadd.s32 $0xFFFFC000  }
0x6a: {  	[tilespmem:s26], [sflag:$0x5] =	stream.indirect.gather [hbm4b:s4+s30], $0x80, s0, s30, $0xb8;
	[tilespmem:$0x1C000] =	vst v63  }
0x6b: {  	s8 =	simm.s32 @!p0 $0x0;
	s24 =	sadd.s32 @!p0 s5, s10  }
0x6c: {  	[tilespmem:s8], [sflag:$0x1] =	stream.linear.gather @!p0 [hbm4b:s24+s8], $0x80, $0x38;
	[tilespmem:$0x1C000] =	vst v63  }
0x6d: {  	s10 =	sadd.s32 @!p0 s6, s10;
	s24 =	simm.s32 @!p0 $0x200  }
0x6e: {  	[tilespmem:s24], [sflag:$0x1] =	stream.linear.gather @!p0 [hbm4b:s10+s8], $0x80, $0x38;
	[tilespmem:$0x1C000] =	vst v63  }
0x6f: {  	_ =	swait.ge [sflag:s20], $0x4000  }
0x70: {  	[sflag:s20] =	ssyncset.done $0x0  }
0x71: {  	[sflag:s20] =	ssyncadd.s32 $0xFFFFC000  }
0x72: {  	[spmem:s1] =	stream.indirect.scatter.add.f32 [tilespmem:s14], [sflag:$0x8], $0x80, s31, s30, $0xb8;
	[tilespmem:$0x1C000] =	vst v63  }
0x73: {  	_ =	swait.ge [sflag:s21], $0x80  }
0x74: {  	[sflag:s21] =	ssyncset.done $0x0  }
0x75: {  	[sflag:s21] =	ssyncadd.s32 $0xFFFFFF80  }
0x76: {  	_ =	swait.ge [sflag:s21], $0x80  }
0x77: {  	[sflag:s21] =	ssyncset.done $0x0  }
0x78: {  	[sflag:s21] =	ssyncadd.s32 $0xFFFFFF80  }
0x79: {  	_ =	swait.ge [sflag:s22], $0x4000  }
0x7a: {  	s11 =	simm.s32 @p0 $0x80;
	s10 =	simm.s32 @!p0 $0x280;
	[sflag:s22] =	ssyncset.done $0x0  }
0x7b: {  	s25 =	simm.s32 @p0 $0x5;
	s24 =	sand.u32 @!p0 $0x7C00, s10;
	[sflag:s22] =	ssyncadd.s32 $0xFFFFC000  }
0x7c: {  	[tilespmem:s14], [sflag:$0x6] =	stream.indirect.gather [hbm4b:s4+s30], $0x80, s15, s30, $0xb8;
	[tilespmem:$0x1C000] =	vst v63  }
0x7d: {  	s10 =	sand.u32 @!p0 $0x280, s10;
	s24 =	sadd.s32 @!p0 s9, s24;
	_ =	swait.ge @p0 [sflag:s25], $0x4000  }
0x7e: {  	s12 =	simm.s32 @p0 $0x300;
	s10 =	sor.u32 @!p0 s10, s24;
	[sflag:s25] =	ssyncset.done @p0 $0x0  }
0x7f: {  	s24 =	simm.s32 @p0 $0x400;
	s10 =	sshrl.u32 @!p0 s10, $0x3;
	[sflag:s25] =	ssyncadd.s32 @p0 $0xFFFFC000  }
0x80: {  	[spmem:s1] =	stream.indirect.scatter.add.f32 @p0 [tilespmem:s24], [sflag:$0x7], $0x80, s12, s11, $0xb8;
	[tilespmem:$0x1C000] =	vst v63  }
0x81: {  	s11 =	sadd.s32 @!p0 s5, s10;
	s12 =	simm.s32 @!p0 $0x80  }
0x82: {  	[tilespmem:s12], [sflag:$0x2] =	stream.linear.gather @!p0 [hbm4b:s11+s8], $0x80, $0x38;
	[tilespmem:$0x1C000] =	vst v63  }
0x83: {  	s10 =	sadd.s32 @!p0 s6, s10;
	s24 =	simm.s32 @!p0 $0x5;
	s11 =	simm.s32 @!p0 $0x280  }
0x84: {  	[tilespmem:s11], [sflag:$0x2] =	stream.linear.gather @!p0 [hbm4b:s10+s8], $0x80, $0x38;
	[tilespmem:$0x1C000] =	vst v63  }
0x85: {  	_ =	swait.ge @!p0 [sflag:s24], $0x4000  }
0x86: {  	s25 =	simm.s32 @!p0 $0x1;
	[sflag:s24] =	ssyncset.done @!p0 $0x0  }
0x87: {  	s10 =	simm.s32 @!p0 $0x300;
	s11 =	simm.s32 @!p0 $0x400;
	[sflag:s24] =	ssyncadd.s32 @!p0 $0xFFFFC000  }
0x88: {  	[spmem:s1] =	stream.indirect.scatter.add.f32 @!p0 [tilespmem:s11], [sflag:$0x7], $0x80, s10, s12, $0xb8;
	[tilespmem:$0x1C000] =	vst v63  }
0x89: {  	_ =	swait.ge @!p0 [sflag:s25], $0x80  }
0x8a: {  	[sflag:s25] =	ssyncset.done @!p0 $0x0  }
0x8b: {  	[sflag:s25] =	ssyncadd.s32 @!p0 $0xFFFFFF80  }
0x8c: {  	_ =	swait.ge @!p0 [sflag:s25], $0x80  }
0x8d: {  	s24 =	simm.s32 @!p0 $0x300;
	[sflag:s25] =	ssyncset.done @!p0 $0x0  }
0x8e: {  	s13 =	sand.u32 @!p0 $0x7C00, s24;
	[sflag:s25] =	ssyncadd.s32 @!p0 $0xFFFFFF80;
	s25 =	simm.s32 @!p0 $0x7  }
0x8f: {  	s24 =	sand.u32 @!p0 $0x300, s24;
	s13 =	sadd.s32 @!p0 s9, s13;
	_ =	swait.ge @!p0 [sflag:s25], $0x4000  }
0x90: {  	s13 =	sor.u32 @!p0 s24, s13;
	[sflag:s25] =	ssyncset.done @!p0 $0x0  }
0x91: {  	s13 =	sshrl.u32 @!p0 s13, $0x3;
	[sflag:s25] =	ssyncadd.s32 @!p0 $0xFFFFC000  }
0x92: {  	[tilespmem:s11], [sflag:$0x5] =	stream.indirect.gather @!p0 [hbm4b:s4+s12], $0x80, s8, s12, $0xb8;
	[tilespmem:$0x1C000] =	vst v63  }
0x93: {  	s11 =	sadd.s32 @!p0 s5, s13;
	s12 =	simm.s32 @!p0 $0x100  }
0x94: {  	[tilespmem:s12], [sflag:$0x3] =	stream.linear.gather @!p0 [hbm4b:s11+s8], $0x80, $0x38;
	[tilespmem:$0x1C000] =	vst v63  }
0x95: {  	s24 =	simm.s32 $0x200;
	s11 =	sadd.s32 @!p0 s6, s13  }
0x96: {  	[tilespmem:s10], [sflag:$0x3] =	stream.linear.gather @!p0 [hbm4b:s11+s8], $0x80, $0x38;
	[tilespmem:$0x1C000] =	vst v63  }
.LBB2_2:
0x97: {  	_ =	swait.ge [sflag:s20], $0x4000;
	s8 =	smov.u32 s24;
	s24 =	sadd.s32 $0x200, s24  }
0x98: {  	p0 =	sne.s32 s24, $0x2800;
	[sflag:s20] =	ssyncset.done $0x0  }
0x99: {  	[sflag:s20] =	ssyncadd.s32 $0xFFFFC000  }
0x9a: {  	[spmem:s1] =	stream.indirect.scatter.add.f32 [tilespmem:s14], [sflag:$0x8], $0x80, s16, s30, $0xb8;
	[tilespmem:$0x1C000] =	vst v63  }
0x9b: {  	_ =	swait.ge [sflag:s7], $0x80  }
0x9c: {  	[sflag:s7] =	ssyncset.done $0x0  }
0x9d: {  	p1 =	seq.s32 s8, $0x0;
	[sflag:s7] =	ssyncadd.s32 $0xFFFFFF80  }
0x9e: {  	s11 =	sand.u32 $0x3C00, s8;
	s10 =	simm.s32 @!p1 $0x8;
	_ =	swait.ge [sflag:s7], $0x80  }
0x9f: {  	s12 =	sand.u32 $0x200, s8;
	s11 =	sadd.s32 s9, s11;
	[sflag:s7] =	ssyncset.done $0x0  }
0xa0: {  	s11 =	sor.u32 s11, s12;
	[sflag:s7] =	ssyncadd.s32 $0xFFFFFF80  }
0xa1: {  	s11 =	sor.u32 $0x180, s11;
	_ =	swait.ge @!p1 [sflag:s10], $0x4000  }
0xa2: {  	s11 =	sshrl.u32 s11, $0x3;
	[sflag:s10] =	ssyncset.done @!p1 $0x0  }
0xa3: {  	[sflag:s10] =	ssyncadd.s32 @!p1 $0xFFFFC000  }
0xa4: {  	s10 =	sadd.s32 s5, s11;
	s11 =	sadd.s32 s6, s11  }
0xa5: {  	[tilespmem:s14], [sflag:$0x6] =	stream.indirect.gather [hbm4b:s4+s30], $0x80, s30, s30, $0xb8;
	[tilespmem:$0x1C000] =	vst v63  }
0xa6: {  	_ = 	snop  }
0xa7: {  	[tilespmem:s15], [sflag:$0x4] =	stream.linear.gather [hbm4b:s10+s2], $0x80, $0x38;
	[tilespmem:$0x1C000] =	vst v63  }
0xa8: {  	_ = 	snop  }
0xa9: {  	[tilespmem:s16], [sflag:$0x4] =	stream.linear.gather [hbm4b:s11+s2], $0x80, $0x38;
	[tilespmem:$0x1C000] =	vst v63  }
0xaa: {  	_ =	swait.ge [sflag:s17], $0x4000  }
0xab: {  	[sflag:s17] =	ssyncset.done $0x0  }
0xac: {  	[sflag:s17] =	ssyncadd.s32 $0xFFFFC000  }
0xad: {  	[spmem:s1] =	stream.indirect.scatter.add.f32 [tilespmem:s26], [sflag:$0x7], $0x80, s29, s30, $0xb8;
	[tilespmem:$0x1C000] =	vst v63  }
0xae: {  	_ =	swait.ge [sflag:s18], $0x80  }
0xaf: {  	p1 =	seq.s32 s8, $0x2600;
	[sflag:s18] =	ssyncset.done $0x0  }
0xb0: {  	s10 =	sadd.s32 @!p1 $0x200, s8;
	s11 =	sadd.s32 @!p1 $0x280, s8;
	[sflag:s18] =	ssyncadd.s32 $0xFFFFFF80  }
0xb1: {  	s12 =	sand.u32 @!p1 $0x7C00, s10;
	s13 =	sand.u32 @!p1 $0x7C00, s11;
	_ =	swait.ge [sflag:s18], $0x80  }
0xb2: {  	s12 =	sadd.s32 @!p1 s9, s12;
	s13 =	sadd.s32 @!p1 s9, s13;
	[sflag:s18] =	ssyncset.done $0x0  }
0xb3: {  	s10 =	sand.u32 @!p1 $0x200, s10;
	s11 =	sand.u32 @!p1 $0x280, s11;
	[sflag:s18] =	ssyncadd.s32 $0xFFFFFF80  }
0xb4: {  	s25 =	simm.s32 @!p1 $0x0;
	s10 =	sor.u32 @!p1 s10, s12;
	_ =	swait.ge [sflag:s19], $0x4000  }
0xb5: {  	s8 =	sadd.s32 @!p1 $0x300, s8;
	s10 =	sshrl.u32 @!p1 s10, $0x3;
	[sflag:s19] =	ssyncset.done $0x0  }
0xb6: {  	s12 =	sadd.s32 @!p1 s5, s10;
	s10 =	sadd.s32 @!p1 s6, s10;
	[sflag:s19] =	ssyncadd.s32 $0xFFFFC000  }
0xb7: {  	[tilespmem:s26], [sflag:$0x5] =	stream.indirect.gather [hbm4b:s4+s30], $0x80, s0, s30, $0xb8;
	[tilespmem:$0x1C000] =	vst v63  }
0xb8: {  	s3 =	simm.s32 @!p1 $0x200;
	s11 =	sor.u32 @!p1 s11, s13;
	s13 =	sand.u32 @!p1 $0x7C00, s8  }
0xb9: {  	[tilespmem:s25], [sflag:$0x1] =	stream.linear.gather @!p1 [hbm4b:s12+s25], $0x80, $0x38;
	[tilespmem:$0x1C000] =	vst v63  }
0xba: {  	s8 =	sand.u32 @!p1 $0x300, s8;
	s11 =	sshrl.u32 @!p1 s11, $0x3;
	s12 =	sadd.s32 @!p1 s9, s13  }
0xbb: {  	[tilespmem:s3], [sflag:$0x1] =	stream.linear.gather @!p1 [hbm4b:s10+s25], $0x80, $0x38;
	[tilespmem:$0x1C000] =	vst v63  }
0xbc: {  	s3 =	sadd.s32 @!p1 s5, s11;
	s11 =	sadd.s32 @!p1 s6, s11;
	_ =	swait.ge [sflag:s20], $0x4000  }
0xbd: {  	s8 =	sor.u32 @!p1 s8, s12;
	[sflag:s20] =	ssyncset.done $0x0  }
0xbe: {  	s8 =	sshrl.u32 @!p1 s8, $0x3;
	[sflag:s20] =	ssyncadd.s32 $0xFFFFC000  }
0xbf: {  	[spmem:s1] =	stream.indirect.scatter.add.f32 [tilespmem:s14], [sflag:$0x8], $0x80, s31, s30, $0xb8;
	[tilespmem:$0x1C000] =	vst v63  }
0xc0: {  	s10 =	sadd.s32 @!p1 s5, s8;
	s8 =	sadd.s32 @!p1 s6, s8;
	_ =	swait.ge [sflag:s21], $0x80  }
0xc1: {  	[sflag:s21] =	ssyncset.done $0x0  }
0xc2: {  	[sflag:s21] =	ssyncadd.s32 $0xFFFFFF80  }
0xc3: {  	_ =	swait.ge [sflag:s21], $0x80  }
0xc4: {  	[sflag:s21] =	ssyncset.done $0x0  }
0xc5: {  	[sflag:s21] =	ssyncadd.s32 $0xFFFFFF80  }
0xc6: {  	s12 =	simm.s32 @p1 $0x5;
	_ =	swait.ge [sflag:s22], $0x4000  }
0xc7: {  	[sflag:s22] =	ssyncset.done $0x0  }
0xc8: {  	s13 =	simm.s32 @p1 $0x400;
	[sflag:s22] =	ssyncadd.s32 $0xFFFFC000  }
0xc9: {  	[tilespmem:s14], [sflag:$0x6] =	stream.indirect.gather [hbm4b:s4+s30], $0x80, s15, s30, $0xb8;
	[tilespmem:$0x1C000] =	vst v63  }
0xca: {  	s23 =	simm.s32 @p1 $0x80;
	s28 =	simm.s32 @p1 $0x300;
	_ =	swait.ge @p1 [sflag:s12], $0x4000  }
0xcb: {  	[sflag:s12] =	ssyncset.done @p1 $0x0  }
0xcc: {  	[sflag:s12] =	ssyncadd.s32 @p1 $0xFFFFC000;
	s12 =	simm.s32 @!p1 $0x80  }
0xcd: {  	[spmem:s1] =	stream.indirect.scatter.add.f32 @p1 [tilespmem:s13], [sflag:$0x7], $0x80, s28, s23, $0xb8;
	[tilespmem:$0x1C000] =	vst v63  }
0xce: {  	s13 =	simm.s32 @!p1 $0x280;
	s23 =	simm.s32 @!p1 $0x5  }
0xcf: {  	[tilespmem:s12], [sflag:$0x2] =	stream.linear.gather @!p1 [hbm4b:s3+s25], $0x80, $0x38;
	[tilespmem:$0x1C000] =	vst v63  }
0xd0: {  	_ = 	snop  }
0xd1: {  	[tilespmem:s13], [sflag:$0x2] =	stream.linear.gather @!p1 [hbm4b:s11+s25], $0x80, $0x38;
	[tilespmem:$0x1C000] =	vst v63  }
0xd2: {  	s3 =	simm.s32 @!p1 $0x300;
	s11 =	simm.s32 @!p1 $0x400;
	_ =	swait.ge @!p1 [sflag:s23], $0x4000  }
0xd3: {  	s13 =	simm.s32 @!p1 $0x1;
	[sflag:s23] =	ssyncset.done @!p1 $0x0  }
0xd4: {  	[sflag:s23] =	ssyncadd.s32 @!p1 $0xFFFFC000  }
0xd5: {  	[spmem:s1] =	stream.indirect.scatter.add.f32 @!p1 [tilespmem:s11], [sflag:$0x7], $0x80, s3, s12, $0xb8;
	[tilespmem:$0x1C000] =	vst v63  }
0xd6: {  	_ =	swait.ge @!p1 [sflag:s13], $0x80  }
0xd7: {  	[sflag:s13] =	ssyncset.done @!p1 $0x0  }
0xd8: {  	[sflag:s13] =	ssyncadd.s32 @!p1 $0xFFFFFF80  }
0xd9: {  	s23 =	simm.s32 @!p1 $0x7;
	_ =	swait.ge @!p1 [sflag:s13], $0x80  }
0xda: {  	[sflag:s13] =	ssyncset.done @!p1 $0x0  }
0xdb: {  	[sflag:s13] =	ssyncadd.s32 @!p1 $0xFFFFFF80  }
0xdc: {  	_ =	swait.ge @!p1 [sflag:s23], $0x4000  }
0xdd: {  	[sflag:s23] =	ssyncset.done @!p1 $0x0  }
0xde: {  	s13 =	simm.s32 @!p1 $0x100;
	[sflag:s23] =	ssyncadd.s32 @!p1 $0xFFFFC000  }
0xdf: {  	[tilespmem:s11], [sflag:$0x5] =	stream.indirect.gather @!p1 [hbm4b:s4+s12], $0x80, s25, s12, $0xb8;
	[tilespmem:$0x1C000] =	vst v63  }
.Ltmp0:
0xe0: {  	_ = 	snop;
	(pc) =	sbr.rel @p0 .LBB2_2-.Ltmp0, $4  }
0xe1: {  	_ = 	snop  }
0xe2: {  	[tilespmem:s13], [sflag:$0x3] =	stream.linear.gather @!p1 [hbm4b:s10+s25], $0x80, $0x38;
	[tilespmem:$0x1C000] =	vst v63  }
0xe3: {  	_ = 	snop  }
0xe4: {  	[tilespmem:s3], [sflag:$0x3] =	stream.linear.gather @!p1 [hbm4b:s8+s25], $0x80, $0x38;
	[tilespmem:$0x1C000] =	vst v63  }
0xe5: {  	_ =	swait.ge [sflag:s20], $0x4000  }
0xe6: {  	[sflag:s20] =	ssyncset.done $0x0  }
0xe7: {  	[sflag:s20] =	ssyncadd.s32 $0xFFFFC000  }
0xe8: {  	[spmem:s1] =	stream.indirect.scatter.add.f32 [tilespmem:s14], [sflag:$0x8], $0x80, s16, s30, $0xb8;
	[tilespmem:$0x1C000] =	vst v63  }
0xe9: {  	_ =	swait.ge [sflag:s19], $0x4000  }
0xea: {  	[sflag:s19] =	ssyncset.done $0x0  }
0xeb: {  	[sflag:s19] =	ssyncadd.s32 $0xFFFFC000  }
0xec: {  	_ =	swait.ge [sflag:s22], $0x4000  }
0xed: {  	[sflag:s22] =	ssyncset.done $0x0  }
0xee: {  	[sflag:s22] =	ssyncadd.s32 $0xFFFFC000  }
0xef: {  	[bflag:$0x0] =	sbarrier.arrive $0xFFFF  }
0xf0: {  	s8 =	simm.s32 $0x9;
	s11 =	rddreg [dreg:$0x4]  }
0xf1: {  	[tilespmem:s26], [sflag:$0x9] =	stream.linear.gather [spmem:s11], $0x4000, $0x38;
	[tilespmem:$0x1C000] =	vst v63  }
0xf2: {  	_ =	swait.ge [sflag:s8], $0x4000  }
0xf3: {  	[sflag:s8] =	ssyncset.done $0x0  }
0xf4: {  	s3 =	rddreg [dreg:$0xd];
	[sflag:s8] =	ssyncadd.s32 $0xFFFFC000  }
0xf5: {  	[hbm4b:s3+s2] =	stream.linear.scatter [tilespmem:s26], [sflag:$0x9], $0x4000, $0x38;
	[tilespmem:$0x1C000] =	vst v63  }
0xf6: {  	_ =	swait.ge [sflag:s8], $0x4000  }
0xf7: {  	[sflag:s8] =	ssyncset.done $0x0  }
0xf8: {  	s12 =	rddreg [dreg:$0x5];
	[sflag:s8] =	ssyncadd.s32 $0xFFFFC000  }
0xf9: {  	[tilespmem:s14], [sflag:$0x9] =	stream.linear.gather [spmem:s12], $0x4000, $0x38;
	[tilespmem:$0x1C000] =	vst v63  }
0xfa: {  	_ =	swait.ge [sflag:s8], $0x4000  }
0xfb: {  	[sflag:s8] =	ssyncset.done $0x0  }
0xfc: {  	s13 =	rddreg [dreg:$0xe];
	[sflag:s8] =	ssyncadd.s32 $0xFFFFC000  }
0xfd: {  	[hbm4b:s13+s2] =	stream.linear.scatter [tilespmem:s14], [sflag:$0x9], $0x4000, $0x38;
	[tilespmem:$0x1C000] =	vst v63  }
0xfe: {  	_ =	swait.ge [sflag:s8], $0x4000  }
0xff: {  	[sflag:s8] =	ssyncset.done $0x0  }
0x100: {  	s13 =	rddreg [dreg:$0x6];
	[sflag:s8] =	ssyncadd.s32 $0xFFFFC000  }
0x101: {  	[tilespmem:s26], [sflag:$0x9] =	stream.linear.gather [spmem:s13], $0x4000, $0x38;
	[tilespmem:$0x1C000] =	vst v63  }
0x102: {  	_ =	swait.ge [sflag:s8], $0x4000  }
0x103: {  	[sflag:s8] =	ssyncset.done $0x0  }
0x104: {  	s23 =	rddreg [dreg:$0xf];
	[sflag:s8] =	ssyncadd.s32 $0xFFFFC000  }
0x105: {  	[hbm4b:s23+s2] =	stream.linear.scatter [tilespmem:s26], [sflag:$0x9], $0x4000, $0x38;
	[tilespmem:$0x1C000] =	vst v63  }
0x106: {  	_ =	swait.ge [sflag:s8], $0x4000  }
0x107: {  	[sflag:s8] =	ssyncset.done $0x0  }
0x108: {  	s23 =	rddreg [dreg:$0x7];
	[sflag:s8] =	ssyncadd.s32 $0xFFFFC000  }
0x109: {  	[tilespmem:s14], [sflag:$0x9] =	stream.linear.gather [spmem:s23], $0x4000, $0x38;
	[tilespmem:$0x1C000] =	vst v63  }
0x10a: {  	_ =	swait.ge [sflag:s8], $0x4000  }
0x10b: {  	[sflag:s8] =	ssyncset.done $0x0  }
0x10c: {  	s24 =	rddreg [dreg:$0x10];
	[sflag:s8] =	ssyncadd.s32 $0xFFFFC000  }
0x10d: {  	[hbm4b:s24+s2] =	stream.linear.scatter [tilespmem:s14], [sflag:$0x9], $0x4000, $0x38;
	[tilespmem:$0x1C000] =	vst v63  }
0x10e: {  	_ =	swait.ge [sflag:s8], $0x4000  }
0x10f: {  	[sflag:s8] =	ssyncset.done $0x0  }
0x110: {  	s24 =	rddreg [dreg:$0x8];
	[sflag:s8] =	ssyncadd.s32 $0xFFFFC000  }
0x111: {  	[tilespmem:s26], [sflag:$0x9] =	stream.linear.gather [spmem:s24], $0x3C00, $0x38;
	[tilespmem:$0x1C000] =	vst v63  }
0x112: {  	_ =	swait.ge [sflag:s8], $0x3C00  }
0x113: {  	[sflag:s8] =	ssyncset.done $0x0  }
0x114: {  	s25 =	rddreg [dreg:$0x11];
	[sflag:s8] =	ssyncadd.s32 $0xFFFFC400  }
0x115: {  	[hbm4b:s25+s2] =	stream.linear.scatter [tilespmem:s26], [sflag:$0x9], $0x3C00, $0x38;
	[tilespmem:$0x1C000] =	vst v63  }
0x116: {  	_ =	swait.ge [sflag:s8], $0x3C00  }
0x117: {  	s10 =	rddreg [dreg:$0x15]  }
0x118: {  	s28 =	rddreg [dreg:$0x14];
	s10 =	sadd.s32 $0x1, s10  }
0x119: {  	p0 =	sne.s32 s10, s28  }
.Ltmp1:
0x11a: {  	_ = 	snop;
	(pc) =	sbr.rel @p0 .LBB2_1-.Ltmp1, $3  }
0x11b: {  	_ =	sdelay $0x1  }
0x11c: {  	[sflag:s8] =	ssyncset.done $0x0  }
0x11d: {  	[sflag:s8] =	ssyncadd.s32 $0xFFFFC400  }
0x11e: {  	_ =	sfence.sel $0x180000  }
0x11f: {  	[bflag:$0x0] =	sbarrier.arrive $0xFFFF  }
0x120: {  	_ =	strace $0x90000050  }
0x121: {  	s0 =	stileid.u32;
	[bflag:$0x2] =	sbarrier.arrive $0xFFFF  }
0x122: {  	p0 =	sne.s32 s0, $0x0;
	s0 =	rddreg [dreg:$0x2]  }
0x123: {  	s0 =	sadd.s32 @!p0 $0x100000, s0  }
0x124: {  	[sflag:s0] =	ssyncadd.tile.s32 @!p0 $0x1;
	_ =	shalt  }
.Lfunc_end2:
_tile_overlayer_lowered:
.L_overlay_start_2:
0x125: {  	(tag) =	ssettag $0x2  }
0x126: {  	s0 =	rddreg [dreg:$0x0];
	s2 =	stileid.u32  }
0x127: {  	s1 =	rddreg [dreg:$0x1];
	p0 =	sne.s32 s2, $0x0  }
0x128: {  	s3 =	rddreg [dreg:$0x2];
	[bflag:$0x3] =	sbarrier.arrive $0xFFFF;
	s2 =	simm.s32 @!p0 $0x1C09  }
0x129: {  	[timem:s3], [sflag:s2] =	dma.local @!p0 [hbm:s0], s1  }
0x12a: {  	s0 =	simm.s32 @!p0 $0x9  }
0x12b: {  	_ =	swait.ge @!p0 [sflag:s0], s1  }
0x12c: {  	s1 =	ssub.s32 @!p0 $0x0, s1;
	[sflag:s0] =	ssyncset.done @!p0 $0x0  }
0x12d: {  	[sflag:s0] =	ssyncadd.s32 @!p0 s1  }
0x12e: {  	[bflag:$0x3] =	sbarrier.arrive $0xFFFF  }
0x12f: {  	_ =	shalt  }

</sc_bundles>
